<compile_context>
chip_gen: v7x
topology: tpu7x:2x2x1
jax: 0.10.2.dev20260603
libtpu: 0.0.44.dev20260713+nightly
codegen_flags: <defaults>
</compile_context>

<pallas_src>
import functools

import jax
import jax.numpy as jnp
from jax import lax
from jax.experimental import pallas as pl
from jax.experimental.pallas import tpu as pltpu
from jax.experimental.pallas import tpu_sc as plsc

T = 4096
D = 1024
E = 8
K = 2
H = 4096
RB = 512
NBLK = T // RB
BT = 512
NB = 24
NBP = 24
B = NB * BT
BH = 512
NH = H // BH
NEG = -1e30


def _router_body(x_ref, wg_ref, bg_ref, wn_ref, bn_ref, eps_ref,
                 i0_ref, i1_ref, r0_ref, r1_ref, g0_ref, g1_ref, cnt_ref):
    x = x_ref[...]
    logits = jnp.dot(x, wg_ref[...], preferred_element_type=jnp.float32)
    logits = logits + bg_ref[...][None, :]
    nlin = jnp.dot(x, wn_ref[...], preferred_element_type=jnp.float32)
    nlin = nlin + bn_ref[...][None, :]
    sp = jnp.logaddexp(nlin, 0.0)
    noisy = logits + eps_ref[...] * sp

    iota_e = lax.broadcasted_iota(jnp.int32, (RB, E), 1)
    v0 = jnp.max(noisy, axis=-1, keepdims=True)
    i0 = jnp.min(jnp.where(noisy == v0, iota_e, E), axis=-1)
    masked = jnp.where(iota_e == i0[:, None], NEG, noisy)
    v1 = jnp.max(masked, axis=-1, keepdims=True)
    i1 = jnp.min(jnp.where(masked == v1, iota_e, E), axis=-1)

    e2 = jnp.exp(v1[:, 0] - v0[:, 0])
    g0 = 1.0 / (1.0 + e2)
    g1 = e2 / (1.0 + e2)

    oh0 = (iota_e == i0[:, None]).astype(jnp.float32)
    oh1 = (iota_e == i1[:, None]).astype(jnp.float32)
    s = oh0 + oh1
    rt = lax.broadcasted_iota(jnp.int32, (RB, RB), 0)
    ct = lax.broadcasted_iota(jnp.int32, (RB, RB), 1)
    tri = (ct < rt).astype(jnp.float32)
    run = jnp.dot(tri, s, preferred_element_type=jnp.float32)
    r0 = jnp.sum(run * oh0, axis=-1)
    r1 = jnp.sum(run * oh1, axis=-1)

    i0_ref[...] = i0.astype(jnp.int32)
    i1_ref[...] = i1.astype(jnp.int32)
    r0_ref[...] = r0.astype(jnp.int32)
    r1_ref[...] = r1.astype(jnp.int32)
    g0_ref[...] = g0
    g1_ref[...] = g1
    cnt_ref[...] = jnp.sum(s, axis=0).reshape(1, 1, E)


def _router(x, Wg, bg, Wn, bn, eps):
    vec = lambda: pl.BlockSpec((RB,), lambda b: (b,))
    return pl.pallas_call(
        _router_body,
        grid=(NBLK,),
        in_specs=[
            pl.BlockSpec((RB, D), lambda b: (b, 0)),
            pl.BlockSpec((D, E), lambda b: (0, 0)),
            pl.BlockSpec((E,), lambda b: (0,)),
            pl.BlockSpec((D, E), lambda b: (0, 0)),
            pl.BlockSpec((E,), lambda b: (0,)),
            pl.BlockSpec((RB, E), lambda b: (b, 0)),
        ],
        out_specs=[
            vec(), vec(), vec(), vec(), vec(), vec(),
            pl.BlockSpec((1, 1, E), lambda b: (b, 0, 0)),
        ],
        out_shape=[
            jax.ShapeDtypeStruct((T,), jnp.int32),
            jax.ShapeDtypeStruct((T,), jnp.int32),
            jax.ShapeDtypeStruct((T,), jnp.int32),
            jax.ShapeDtypeStruct((T,), jnp.int32),
            jax.ShapeDtypeStruct((T,), jnp.float32),
            jax.ShapeDtypeStruct((T,), jnp.float32),
            jax.ShapeDtypeStruct((NBLK, 1, E), jnp.float32),
        ],
    )(x, Wg, bg, Wn, bn, eps)


def _meta_body(cnt_ref, prefix_ref, be_ref):
    cnt = cnt_ref[...].reshape(NBLK, E)
    ones_row = jnp.ones((1, NBLK), jnp.float32)
    totals = jnp.dot(ones_row, cnt, preferred_element_type=jnp.float32)
    nblocks = jnp.floor((totals + (BT - 1)) * (1.0 / BT))
    rt = lax.broadcasted_iota(jnp.int32, (E, E), 0)
    ct = lax.broadcasted_iota(jnp.int32, (E, E), 1)
    tri_inc = (rt <= ct).astype(jnp.float32)
    endblk = jnp.dot(nblocks, tri_inc, preferred_element_type=jnp.float32)
    startblk = endblk - nblocks
    start = startblk * float(BT)

    rtb = lax.broadcasted_iota(jnp.int32, (NBLK, NBLK), 0)
    ctb = lax.broadcasted_iota(jnp.int32, (NBLK, NBLK), 1)
    tri_s = (ctb < rtb).astype(jnp.float32)
    run = jnp.dot(tri_s, cnt, preferred_element_type=jnp.float32)
    prefix_ref[...] = (start + run).astype(jnp.int32)

    g = lax.broadcasted_iota(jnp.int32, (NBP, E), 0).astype(jnp.float32)
    be = jnp.sum((endblk <= g).astype(jnp.int32), axis=-1)
    be_ref[...] = be


def _dispatch_meta(cnt):
    return pl.pallas_call(
        _meta_body,
        grid=(1,),
        in_specs=[pl.BlockSpec((NBLK, 1, E), lambda i: (0, 0, 0))],
        out_specs=[
            pl.BlockSpec((NBLK, E), lambda i: (0, 0)),
            pl.BlockSpec((NBP,), lambda i: (0,)),
        ],
        out_shape=[
            jax.ShapeDtypeStruct((NBLK, E), jnp.int32),
            jax.ShapeDtypeStruct((NBP,), jnp.int32),
        ],
    )(cnt)


def _sc_scatter(i0, i1, r0, r1, g0, g1, prefix_flat):
    mesh = plsc.VectorSubcoreMesh(core_axis_name="c", subcore_axis_name="s")

    @functools.partial(
        pl.kernel, mesh=mesh,
        out_type=[
            jax.ShapeDtypeStruct((B,), jnp.int32),
            jax.ShapeDtypeStruct((B,), jnp.float32),
            jax.ShapeDtypeStruct((T,), jnp.int32),
            jax.ShapeDtypeStruct((T,), jnp.int32),
        ],
        scratch_types=[
            pltpu.VMEM((B,), jnp.int32),
            pltpu.VMEM((B,), jnp.float32),
            pltpu.VMEM((T,), jnp.int32),
            pltpu.VMEM((T,), jnp.int32),
            pltpu.VMEM((T,), jnp.int32),
            pltpu.VMEM((T,), jnp.int32),
            pltpu.VMEM((T,), jnp.int32),
            pltpu.VMEM((T,), jnp.int32),
            pltpu.VMEM((T,), jnp.float32),
            pltpu.VMEM((T,), jnp.float32),
            pltpu.VMEM((NBLK * E,), jnp.int32),
        ],
        compiler_params=pltpu.CompilerParams(needs_layout_passes=False),
    )
    def k(i0_h, i1_h, r0_h, r1_h, g0_h, g1_h, pf_h,
          st_h, sg_h, p0_h, p1_h,
          st_v, sg_v, p0_v, p1_v, i0_v, i1_v, r0_v, r1_v, g0_v, g1_v, pf_v):
        wid = lax.axis_index("s") * 2 + lax.axis_index("c")

        @pl.when(wid == 0)
        def _():
            pltpu.sync_copy(i0_h, i0_v)
            pltpu.sync_copy(i1_h, i1_v)
            pltpu.sync_copy(r0_h, r0_v)
            pltpu.sync_copy(r1_h, r1_v)
            pltpu.sync_copy(g0_h, g0_v)
            pltpu.sync_copy(g1_h, g1_v)
            pltpu.sync_copy(pf_h, pf_v)

            zi = jnp.zeros((16,), jnp.int32)
            zf = jnp.zeros((16,), jnp.float32)

            def zero_body(c, _):
                st_v[pl.ds(c * 16, 16)] = zi
                sg_v[pl.ds(c * 16, 16)] = zf
                return 0
            lax.fori_loop(0, B // 16, zero_body, 0)

            lanes = lax.iota(jnp.int32, 16)

            def body(c, _):
                base = c * 16
                blk = c // (RB // 16)
                tok = base + lanes
                e0 = i0_v[pl.ds(base, 16)]
                e1 = i1_v[pl.ds(base, 16)]
                p0 = plsc.load_gather(pf_v, [blk * E + e0]) + r0_v[pl.ds(base, 16)]
                p1 = plsc.load_gather(pf_v, [blk * E + e1]) + r1_v[pl.ds(base, 16)]
                p0_v[pl.ds(base, 16)] = p0
                p1_v[pl.ds(base, 16)] = p1
                plsc.store_scatter(st_v, [p0], tok)
                plsc.store_scatter(st_v, [p1], tok)
                plsc.store_scatter(sg_v, [p0], g0_v[pl.ds(base, 16)])
                plsc.store_scatter(sg_v, [p1], g1_v[pl.ds(base, 16)])
                return 0
            lax.fori_loop(0, T // 16, body, 0)

            pltpu.sync_copy(st_v, st_h)
            pltpu.sync_copy(sg_v, sg_h)
            pltpu.sync_copy(p0_v, p0_h)
            pltpu.sync_copy(p1_v, p1_h)

    return k(i0, i1, r0, r1, g0, g1, prefix_flat)


def _sc_gather_x(x, sorted_tok):
    mesh = plsc.VectorSubcoreMesh(core_axis_name="c", subcore_axis_name="s")
    b_per_w = B // 32
    chunk = 48
    nch = b_per_w // chunk

    @functools.partial(
        pl.kernel, mesh=mesh,
        out_type=jax.ShapeDtypeStruct((B, D), jnp.float32),
        scratch_types=[
            pltpu.VMEM((b_per_w,), jnp.int32),
            pltpu.VMEM((chunk, D), jnp.float32),
            pltpu.VMEM((chunk, D), jnp.float32),
            pltpu.SemaphoreType.DMA,
            pltpu.SemaphoreType.DMA,
        ],
        compiler_params=pltpu.CompilerParams(needs_layout_passes=False),
    )
    def k(x_h, tok_h, out_h, idx_v, r0_v, r1_v, sem0, sem1):
        wid = lax.axis_index("s") * 2 + lax.axis_index("c")
        base = wid * b_per_w
        pltpu.sync_copy(tok_h.at[pl.ds(base, b_per_w)], idx_v)
        bufs = (r0_v, r1_v)
        sems = (sem0, sem1)
        cps = [None, None]
        cps[0] = pltpu.async_copy(x_h.at[idx_v.at[pl.ds(0, chunk)]], r0_v, sem0)
        for c in range(nch):
            if c + 1 < nch:
                cps[(c + 1) % 2] = pltpu.async_copy(
                    x_h.at[idx_v.at[pl.ds((c + 1) * chunk, chunk)]],
                    bufs[(c + 1) % 2], sems[(c + 1) % 2])
            cps[c % 2].wait()
            pltpu.sync_copy(bufs[c % 2], out_h.at[pl.ds(base + c * chunk, chunk)])

    return k(x, sorted_tok)


def _grouped_body(be_ref, xs_ref, w1_ref, b1_ref, w2_ref, b2_ref, gate_ref,
                  out_ref):
    b = pl.program_id(0)
    h = pl.program_id(1)

    @pl.when(h == 0)
    def _():
        out_ref[...] = jnp.broadcast_to(b2_ref[0, 0], (BT, D))

    @pl.when(be_ref[b] < E)
    def _():
        ht = jnp.dot(xs_ref[...], w1_ref[0], preferred_element_type=jnp.float32)
        ht = jnp.maximum(ht + b1_ref[0, 0][None, :], 0.0)
        out_ref[...] += jnp.dot(ht, w2_ref[0], preferred_element_type=jnp.float32)

    @pl.when(h == NH - 1)
    def _():
        out_ref[...] *= gate_ref[0, 0][:, None]


def _grouped_ffn(block_expert, x_sorted, Wr1, br1, Wr2, br2, gate3):
    def emap(fn):
        return fn
    grid_spec = pltpu.PrefetchScalarGridSpec(
        num_scalar_prefetch=1,
        grid=(NB, NH),
        in_specs=[
            pl.BlockSpec((BT, D), lambda b, h, be: (b, 0)),
            pl.BlockSpec((1, D, BH), lambda b, h, be: (jnp.minimum(be[b], E - 1), 0, h)),
            pl.BlockSpec((1, 1, BH), lambda b, h, be: (jnp.minimum(be[b], E - 1), 0, h)),
            pl.BlockSpec((1, BH, D), lambda b, h, be: (jnp.minimum(be[b], E - 1), h, 0)),
            pl.BlockSpec((1, 1, D), lambda b, h, be: (jnp.minimum(be[b], E - 1), 0, 0)),
            pl.BlockSpec((1, 1, BT), lambda b, h, be: (b, 0, 0)),
        ],
        out_specs=pl.BlockSpec((BT, D), lambda b, h, be: (b, 0)),
    )
    return pl.pallas_call(
        _grouped_body,
        grid_spec=grid_spec,
        out_shape=jax.ShapeDtypeStruct((B, D), jnp.float32),
        compiler_params=pltpu.CompilerParams(
            dimension_semantics=("arbitrary", "arbitrary")),
    )(block_expert, x_sorted, Wr1, br1.reshape(E, 1, H), Wr2,
      br2.reshape(E, 1, D), gate3)


BTS = 512


def _shared_body(x_ref, w1_ref, b1_ref, w2_ref, b2_ref, out_ref):
    h = pl.program_id(1)

    @pl.when(h == 0)
    def _():
        out_ref[...] = jnp.broadcast_to(b2_ref[0], (BTS, D))

    ht = jnp.dot(x_ref[...], w1_ref[0], preferred_element_type=jnp.float32)
    ht = jnp.maximum(ht + b1_ref[0][None, :], 0.0)
    out_ref[...] += jnp.dot(ht, w2_ref[0], preferred_element_type=jnp.float32)


def _shared_ffn(x, Ws1, bs1, Ws2, bs2):
    return pl.pallas_call(
        _shared_body,
        grid=(T // BTS, NH),
        in_specs=[
            pl.BlockSpec((BTS, D), lambda i, h: (i, 0)),
            pl.BlockSpec((1, D, BH), lambda i, h: (0, 0, h)),
            pl.BlockSpec((1, BH), lambda i, h: (0, h)),
            pl.BlockSpec((1, BH, D), lambda i, h: (0, h, 0)),
            pl.BlockSpec((1, D), lambda i, h: (0, 0)),
        ],
        out_specs=pl.BlockSpec((BTS, D), lambda i, h: (i, 0)),
        out_shape=jax.ShapeDtypeStruct((T, D), jnp.float32),
        compiler_params=pltpu.CompilerParams(
            dimension_semantics=("arbitrary", "arbitrary")),
    )(x, Ws1, bs1, Ws2, bs2)


def _sc_combine(out_sorted, pos0, pos1):
    mesh = plsc.VectorSubcoreMesh(core_axis_name="c", subcore_axis_name="s")
    tpw = T // 32
    CH = 16
    nch = tpw // CH

    @functools.partial(
        pl.kernel, mesh=mesh,
        out_type=jax.ShapeDtypeStruct((T, D), jnp.float32),
        scratch_types=[
            pltpu.VMEM((tpw,), jnp.int32),
            pltpu.VMEM((tpw,), jnp.int32),
            pltpu.VMEM((CH, D), jnp.float32),
            pltpu.VMEM((CH, D), jnp.float32),
            pltpu.VMEM((CH, D), jnp.float32),
            pltpu.VMEM((CH, D), jnp.float32),
            pltpu.SemaphoreType.DMA,
            pltpu.SemaphoreType.DMA,
        ],
        compiler_params=pltpu.CompilerParams(needs_layout_passes=False),
    )
    def k(os_h, p0_h, p1_h, out_h,
          p0_v, p1_v, a0_v, b0_v, a1_v, b1_v, sem0, sem1):
        wid = lax.axis_index("s") * 2 + lax.axis_index("c")
        tokbase = wid * tpw
        pltpu.sync_copy(p0_h.at[pl.ds(tokbase, tpw)], p0_v)
        pltpu.sync_copy(p1_h.at[pl.ds(tokbase, tpw)], p1_v)
        abufs = (a0_v, a1_v)
        bbufs = (b0_v, b1_v)
        sems = (sem0, sem1)

        def fire(c, s):
            ca = pltpu.async_copy(os_h.at[p0_v.at[pl.ds(c * CH, CH)]],
                                  abufs[s], sems[s])
            cb = pltpu.async_copy(os_h.at[p1_v.at[pl.ds(c * CH, CH)]],
                                  bbufs[s], sems[s])
            return ca, cb

        cps = [None, None]
        cps[0] = fire(0, 0)
        for c in range(nch):
            s = c % 2
            if c + 1 < nch:
                cps[1 - s] = fire(c + 1, 1 - s)
            cps[s][0].wait()
            cps[s][1].wait()
            a_v, b_v = abufs[s], bbufs[s]

            def row(i, _):
                def col(j, _):
                    sl = pl.ds(j * 16, 16)
                    a_v[i, sl] = a_v[i, sl] + b_v[i, sl]
                    return 0
                lax.fori_loop(0, D // 16, col, 0)
                return 0
            lax.fori_loop(0, CH, row, 0)
            pltpu.sync_copy(a_v, out_h.at[pl.ds(tokbase + c * CH, CH)])

    return k(out_sorted, pos0, pos1)


def _final_body(x_ref, sh_ref, cb_ref, out_ref):
    out_ref[...] = x_ref[...] + sh_ref[...] + cb_ref[...]


def _final_add(x, shared, comb):
    blk = lambda: pl.BlockSpec((BTS, D), lambda i: (i, 0))
    return pl.pallas_call(
        _final_body,
        grid=(T // BTS,),
        in_specs=[blk(), blk(), blk()],
        out_specs=blk(),
        out_shape=jax.ShapeDtypeStruct((T, D), jnp.float32),
    )(x, shared, comb)


def kernel(x, Wg, bg, Wn, bn, Wr1, br1, Wr2, br2, Ws1, bs1, Ws2, bs2):
    eps = jax.random.normal(jax.random.key(42), (T, E), dtype=jnp.float32)
    i0, i1, r0, r1, g0, g1, cnt = _router(x, Wg, bg, Wn, bn, eps)
    prefix, block_expert = _dispatch_meta(cnt)
    shared = _shared_ffn(x, Ws1, bs1, Ws2, bs2)
    sorted_tok, sorted_gate, pos0, pos1 = _sc_scatter(
        i0, i1, r0, r1, g0, g1, prefix.reshape(NBLK * E))
    x_sorted = _sc_gather_x(x, sorted_tok)
    out_sorted = _grouped_ffn(block_expert, x_sorted, Wr1, br1, Wr2, br2,
                              sorted_gate.reshape(NB, 1, BT))
    comb = _sc_combine(out_sorted, pos0, pos1)
    return _final_add(x, shared, comb)

# --- scband reference (transcript-rebuilt; emitter-appended) ---
"""Pipeline reference for scband-deep-seek-mo-e-44427141710498 (READ-ONLY COPY).

The authoritative reference and input builder live on the scoring server;
editing this copy changes nothing except your own understanding.
"""

import jax, jax.numpy as jnp
import numpy as np

N_EMBD = 1024
N_R = 8
N_S = 1
TOPK = 2
TOKENS = 4096


def setup_inputs(seed: int = 0) -> dict:
    key = jax.random.key(seed)
    ks = jax.random.split(key, 12)
    x = jax.random.normal(ks[0], (TOKENS, N_EMBD), dtype=jnp.float32)
    Wg = jax.random.normal(ks[1], (N_EMBD, N_R), dtype=jnp.float32) * 0.02
    bg = jnp.zeros((N_R,), dtype=jnp.float32)
    Wn = jax.random.normal(ks[2], (N_EMBD, N_R), dtype=jnp.float32) * 0.02
    bn = jnp.zeros((N_R,), dtype=jnp.float32)
    Wr1 = jax.random.normal(ks[3], (N_R, N_EMBD, 4 * N_EMBD), dtype=jnp.float32) * 0.02
    br1 = jnp.zeros((N_R, 4 * N_EMBD), dtype=jnp.float32)
    Wr2 = jax.random.normal(ks[4], (N_R, 4 * N_EMBD, N_EMBD), dtype=jnp.float32) * 0.02
    br2 = jnp.zeros((N_R, N_EMBD), dtype=jnp.float32)
    Ws1 = jax.random.normal(ks[5], (N_S, N_EMBD, 4 * N_EMBD), dtype=jnp.float32) * 0.02
    bs1 = jnp.zeros((N_S, 4 * N_EMBD), dtype=jnp.float32)
    Ws2 = jax.random.normal(ks[6], (N_S, 4 * N_EMBD, N_EMBD), dtype=jnp.float32) * 0.02
    bs2 = jnp.zeros((N_S, N_EMBD), dtype=jnp.float32)
    return {"x": x, "Wg": Wg, "bg": bg, "Wn": Wn, "bn": bn,
            "Wr1": Wr1, "br1": br1, "Wr2": Wr2, "br2": br2,
            "Ws1": Ws1, "bs1": bs1, "Ws2": Ws2, "bs2": bs2}


def reference(x, Wg, bg, Wn, bn, Wr1, br1, Wr2, br2, Ws1, bs1, Ws2, bs2):
    # NoisyTopKRouter
    r_act = x @ Wg + bg                      # [T, E]
    noise_lin = x @ Wn + bn                  # [T, E]
    eps = jax.random.normal(jax.random.key(42), r_act.shape, dtype=r_act.dtype)
    noisy = r_act + eps * jax.nn.softplus(noise_lin)
    topk_vals, idx = jax.lax.top_k(noisy, TOPK)
    T = noisy.shape[0]
    rows = jnp.arange(T)[:, None]
    sparse_logits = jnp.full_like(noisy, -jnp.inf).at[rows, idx].set(topk_vals)
    gate = jax.nn.softmax(sparse_logits, axis=-1)  # zero prob for non-selected experts

    # Routed experts: masked-gather in torch == dense compute weighted by gate
    # (gate is exactly 0 for unselected experts). Dropout(0.5) is identity in eval.
    f_out = jnp.zeros_like(x)
    for i in range(N_R):
        h = jax.nn.relu(x @ Wr1[i] + br1[i])
        out = h @ Wr2[i] + br2[i]
        f_out = f_out + gate[:, i:i + 1] * out
    # Shared experts (always applied, unweighted)
    for s in range(N_S):
        h = jax.nn.relu(x @ Ws1[s] + bs1[s])
        f_out = f_out + (h @ Ws2[s] + bs2[s])
    return x + f_out

if __name__ == "__main__":
    import jax
    _d = setup_inputs()
    print(jax.jit(kernel)(*tuple(_d.values())))

</pallas_src>

<mosaic_0001>
#map = affine_map<(d0, d1) -> (0, 0)>
#map1 = affine_map<(d0, d1) -> (0)>
module attributes {stable_mosaic.version = 14 : i64} {
  func.func @k(%arg0: i32, %arg1: i32, %arg2: memref<12288x1024xf32, #tpu.memory_space<hbm>>, %arg3: memref<4096xi32, #tpu.memory_space<hbm>>, %arg4: memref<4096xi32, #tpu.memory_space<hbm>>, %arg5: memref<4096x1024xf32, #tpu.memory_space<hbm>>, %arg6: memref<128xi32, #tpu.memory_space<vmem>>, %arg7: memref<128xi32, #tpu.memory_space<vmem>>, %arg8: memref<16x1024xf32, #tpu.memory_space<vmem>>, %arg9: memref<16x1024xf32, #tpu.memory_space<vmem>>, %arg10: memref<16x1024xf32, #tpu.memory_space<vmem>>, %arg11: memref<16x1024xf32, #tpu.memory_space<vmem>>, %arg12: memref<!tpu.dma_semaphore, #tpu.memory_space<semaphore_mem>>, %arg13: memref<!tpu.dma_semaphore, #tpu.memory_space<semaphore_mem>>) attributes {dimension_semantics = [#tpu.dimension_semantics<core_parallel>, #tpu.dimension_semantics<subcore_parallel>], iteration_bounds = array<i64: 2, 16>, scalar_prefetch = 0 : i64, scratch_operands = 8 : i64, tpu.core_type = #tpu.core_type<sc_vector_subcore>, window_params = [{transform_indices = #map}, {transform_indices = #map1}, {transform_indices = #map1}, {transform_indices = #map}]} {
    %mul3A = arith.constant 2 : i32
    %mul3A_0 = arith.muli %arg1, %mul3A : i32
    %add3A = arith.addi %mul3A_0, %arg0 : i32
    %mul3A_1 = arith.constant 128 : i32
    %mul3A_2 = arith.muli %add3A, %mul3A_1 : i32
    "tpu.region"() ({
      %run_scoped3A = tpu.sem_alloc : memref<!tpu.dma_semaphore, #tpu.memory_space<semaphore_mem>>
      %dma_start3A_232 = tpu.memref_slice %arg3[%mul3A_2] : memref<4096xi32, #tpu.memory_space<hbm>> -> memref<128xi32, #tpu.memory_space<hbm>>
      %dma_start3A_233 = tpu.memref_slice %arg3[%mul3A_2] : memref<4096xi32, #tpu.memory_space<hbm>> -> memref<128xi32, #tpu.memory_space<hbm>>
      tpu.enqueue_dma source(%dma_start3A_233 : memref<128xi32, #tpu.memory_space<hbm>>) target(%arg6 : memref<128xi32, #tpu.memory_space<vmem>>) target_semaphore(%run_scoped3A : memref<!tpu.dma_semaphore, #tpu.memory_space<semaphore_mem>>)
      %dma_wait3A_234 = tpu.memref_slice %arg3[%mul3A_2] : memref<4096xi32, #tpu.memory_space<hbm>> -> memref<128xi32, #tpu.memory_space<hbm>>
      %dma_wait3A_235 = tpu.memref_slice %arg3[%mul3A_2] : memref<4096xi32, #tpu.memory_space<hbm>> -> memref<128xi32, #tpu.memory_space<hbm>>
      tpu.wait_dma2 semaphore(%run_scoped3A : memref<!tpu.dma_semaphore, #tpu.memory_space<semaphore_mem>>) src(%dma_wait3A_235 : memref<128xi32, #tpu.memory_space<hbm>>) dst(%arg6 : memref<128xi32, #tpu.memory_space<vmem>>)
      tpu.yield
    }) : () -> ()
    "tpu.region"() ({
      %run_scoped3A = tpu.sem_alloc : memref<!tpu.dma_semaphore, #tpu.memory_space<semaphore_mem>>
      %dma_start3A_232 = tpu.memref_slice %arg4[%mul3A_2] : memref<4096xi32, #tpu.memory_space<hbm>> -> memref<128xi32, #tpu.memory_space<hbm>>
      %dma_start3A_233 = tpu.memref_slice %arg4[%mul3A_2] : memref<4096xi32, #tpu.memory_space<hbm>> -> memref<128xi32, #tpu.memory_space<hbm>>
      tpu.enqueue_dma source(%dma_start3A_233 : memref<128xi32, #tpu.memory_space<hbm>>) target(%arg7 : memref<128xi32, #tpu.memory_space<vmem>>) target_semaphore(%run_scoped3A : memref<!tpu.dma_semaphore, #tpu.memory_space<semaphore_mem>>)
      %dma_wait3A_234 = tpu.memref_slice %arg4[%mul3A_2] : memref<4096xi32, #tpu.memory_space<hbm>> -> memref<128xi32, #tpu.memory_space<hbm>>
      %dma_wait3A_235 = tpu.memref_slice %arg4[%mul3A_2] : memref<4096xi32, #tpu.memory_space<hbm>> -> memref<128xi32, #tpu.memory_space<hbm>>
      tpu.wait_dma2 semaphore(%run_scoped3A : memref<!tpu.dma_semaphore, #tpu.memory_space<semaphore_mem>>) src(%dma_wait3A_235 : memref<128xi32, #tpu.memory_space<hbm>>) dst(%arg7 : memref<128xi32, #tpu.memory_space<vmem>>)
      tpu.yield
    }) : () -> ()
    %dma_start3A = arith.constant 0 : i32
    %dma_start3A_3 = tpu.memref_slice %arg6[%dma_start3A] : memref<128xi32, #tpu.memory_space<vmem>> -> memref<16xi32, #tpu.memory_space<vmem>>
    %dma_start3A_4 = arith.constant 0 : i32
    %dma_start3A_5 = arith.constant 0 : i32
    %dma_start3A_6 = tpu.memref_slice %arg2[%dma_start3A_4, %dma_start3A_5] : memref<12288x1024xf32, #tpu.memory_space<hbm>> -> memref<12288x1024xf32, #tpu.memory_space<hbm>>
    tpu.enqueue_indirect_dma source(%dma_start3A_6 : memref<12288x1024xf32, #tpu.memory_space<hbm>>) target(%arg8 : memref<16x1024xf32, #tpu.memory_space<vmem>>) offsets(%dma_start3A_3 : memref<16xi32, #tpu.memory_space<vmem>>) semaphore(%arg12 : memref<!tpu.dma_semaphore, #tpu.memory_space<semaphore_mem>>)
    %dma_start3A_7 = arith.constant 0 : i32
    %dma_start3A_8 = tpu.memref_slice %arg7[%dma_start3A_7] : memref<128xi32, #tpu.memory_space<vmem>> -> memref<16xi32, #tpu.memory_space<vmem>>
    %dma_start3A_9 = arith.constant 0 : i32
    %dma_start3A_10 = arith.constant 0 : i32
    %dma_start3A_11 = tpu.memref_slice %arg2[%dma_start3A_9, %dma_start3A_10] : memref<12288x1024xf32, #tpu.memory_space<hbm>> -> memref<12288x1024xf32, #tpu.memory_space<hbm>>
    tpu.enqueue_indirect_dma source(%dma_start3A_11 : memref<12288x1024xf32, #tpu.memory_space<hbm>>) target(%arg9 : memref<16x1024xf32, #tpu.memory_space<vmem>>) offsets(%dma_start3A_8 : memref<16xi32, #tpu.memory_space<vmem>>) semaphore(%arg12 : memref<!tpu.dma_semaphore, #tpu.memory_space<semaphore_mem>>)
    %dma_start3A_12 = arith.constant 16 : i32
    %dma_start3A_13 = tpu.memref_slice %arg6[%dma_start3A_12] : memref<128xi32, #tpu.memory_space<vmem>> -> memref<16xi32, #tpu.memory_space<vmem>>
    %dma_start3A_14 = arith.constant 0 : i32
    %dma_start3A_15 = arith.constant 0 : i32
    %dma_start3A_16 = tpu.memref_slice %arg2[%dma_start3A_14, %dma_start3A_15] : memref<12288x1024xf32, #tpu.memory_space<hbm>> -> memref<12288x1024xf32, #tpu.memory_space<hbm>>
    tpu.enqueue_indirect_dma source(%dma_start3A_16 : memref<12288x1024xf32, #tpu.memory_space<hbm>>) target(%arg10 : memref<16x1024xf32, #tpu.memory_space<vmem>>) offsets(%dma_start3A_13 : memref<16xi32, #tpu.memory_space<vmem>>) semaphore(%arg13 : memref<!tpu.dma_semaphore, #tpu.memory_space<semaphore_mem>>)
    %dma_start3A_17 = arith.constant 16 : i32
    %dma_start3A_18 = tpu.memref_slice %arg7[%dma_start3A_17] : memref<128xi32, #tpu.memory_space<vmem>> -> memref<16xi32, #tpu.memory_space<vmem>>
    %dma_start3A_19 = arith.constant 0 : i32
    %dma_start3A_20 = arith.constant 0 : i32
    %dma_start3A_21 = tpu.memref_slice %arg2[%dma_start3A_19, %dma_start3A_20] : memref<12288x1024xf32, #tpu.memory_space<hbm>> -> memref<12288x1024xf32, #tpu.memory_space<hbm>>
    tpu.enqueue_indirect_dma source(%dma_start3A_21 : memref<12288x1024xf32, #tpu.memory_space<hbm>>) target(%arg11 : memref<16x1024xf32, #tpu.memory_space<vmem>>) offsets(%dma_start3A_18 : memref<16xi32, #tpu.memory_space<vmem>>) semaphore(%arg13 : memref<!tpu.dma_semaphore, #tpu.memory_space<semaphore_mem>>)
    %dma_wait3A = arith.constant 0 : i32
    %dma_wait3A_22 = tpu.memref_slice %arg6[%dma_wait3A] : memref<128xi32, #tpu.memory_space<vmem>> -> memref<16xi32, #tpu.memory_space<vmem>>
    %dma_wait3A_23 = arith.constant 0 : i32
    %dma_wait3A_24 = arith.constant 0 : i32
    %dma_wait3A_25 = tpu.memref_slice %arg2[%dma_wait3A_23, %dma_wait3A_24] : memref<12288x1024xf32, #tpu.memory_space<hbm>> -> memref<12288x1024xf32, #tpu.memory_space<hbm>>
    tpu.wait_indirect_dma semaphore(%arg12 : memref<!tpu.dma_semaphore, #tpu.memory_space<semaphore_mem>>) src(%dma_wait3A_25 : memref<12288x1024xf32, #tpu.memory_space<hbm>>) dst(%arg8 : memref<16x1024xf32, #tpu.memory_space<vmem>>)
    %dma_wait3A_26 = arith.constant 0 : i32
    %dma_wait3A_27 = tpu.memref_slice %arg7[%dma_wait3A_26] : memref<128xi32, #tpu.memory_space<vmem>> -> memref<16xi32, #tpu.memory_space<vmem>>
    %dma_wait3A_28 = arith.constant 0 : i32
    %dma_wait3A_29 = arith.constant 0 : i32
    %dma_wait3A_30 = tpu.memref_slice %arg2[%dma_wait3A_28, %dma_wait3A_29] : memref<12288x1024xf32, #tpu.memory_space<hbm>> -> memref<12288x1024xf32, #tpu.memory_space<hbm>>
    tpu.wait_indirect_dma semaphore(%arg12 : memref<!tpu.dma_semaphore, #tpu.memory_space<semaphore_mem>>) src(%dma_wait3A_30 : memref<12288x1024xf32, #tpu.memory_space<hbm>>) dst(%arg9 : memref<16x1024xf32, #tpu.memory_space<vmem>>)
    %scan3A = arith.constant 0 : i32
    %scan3A_31 = arith.constant 0 : i32
    %scan3A_32 = arith.constant 16 : i32
    %scan3A_33 = arith.addi %scan3A_31, %scan3A_32 : i32
    %scan3A_34 = arith.constant 1 : i32
    %scan3A_35 = scf.for %scan3A_232 = %scan3A_31 to %scan3A_33 step %scan3A_34 iter_args(%scan3A_233 = %scan3A) -> (i32)  : i32 {
      %scan3A_234 = arith.constant 0 : i32
      %scan3A_235 = arith.constant 0 : i32
      %scan3A_236 = arith.constant 64 : i32
      %scan3A_237 = arith.addi %scan3A_235, %scan3A_236 : i32
      %scan3A_238 = arith.constant 1 : i32
      %scan3A_239 = scf.for %scan3A_242 = %scan3A_235 to %scan3A_237 step %scan3A_238 iter_args(%scan3A_243 = %scan3A_234) -> (i32)  : i32 {
        %mul3A_244 = arith.constant 16 : i32
        %mul3A_245 = arith.muli %scan3A_242, %mul3A_244 : i32
        %get3A = arith.index_cast %scan3A_232 : i32 to index
        %get3A_246 = arith.index_cast %mul3A_245 : i32 to index
        %get3A_247 = tpu.vector_load %arg8[%get3A, %get3A_246] {strides = array<i32>} : memref<16x1024xf32, #tpu.memory_space<vmem>>, vector<16xf32>,
        %get3A_248 = arith.index_cast %scan3A_232 : i32 to index
        %get3A_249 = arith.index_cast %mul3A_245 : i32 to index
        %get3A_250 = tpu.vector_load %arg9[%get3A_248, %get3A_249] {strides = array<i32>} : memref<16x1024xf32, #tpu.memory_space<vmem>>, vector<16xf32>,
        %add3A_251 = arith.addf %get3A_247, %get3A_250 : vector<16xf32>
        %swap3A = arith.index_cast %scan3A_232 : i32 to index
        %swap3A_252 = arith.index_cast %mul3A_245 : i32 to index
        %swap3A_253 = tpu.vector_load %arg8[%swap3A, %swap3A_252] {strides = array<i32>} : memref<16x1024xf32, #tpu.memory_space<vmem>>, vector<16xf32>,
        tpu.vector_store %arg8[%swap3A, %swap3A_252], %add3A_251 {strides = array<i32>} : memref<16x1024xf32, #tpu.memory_space<vmem>>, vector<16xf32>,
        %scan3A_254 = arith.constant 0 : i32
        scf.yield %scan3A_254 : i32
      }
      %scan3A_240 = arith.constant 64 : i32
      %scan3A_241 = arith.constant 0 : i32
      scf.yield %scan3A_241 : i32
    }
    %scan3A_36 = arith.constant 16 : i32
    %add3A_37 = arith.constant 0 : i32
    %add3A_38 = arith.addi %mul3A_2, %add3A_37 : i32
    "tpu.region"() ({
      %run_scoped3A = tpu.sem_alloc : memref<!tpu.dma_semaphore, #tpu.memory_space<semaphore_mem>>
      %dma_start3A_232 = arith.constant 0 : i32
      %dma_start3A_233 = tpu.memref_slice %arg5[%add3A_38, %dma_start3A_232] : memref<4096x1024xf32, #tpu.memory_space<hbm>> -> memref<16x1024xf32, #tpu.memory_space<hbm>>
      %dma_start3A_234 = arith.constant 0 : i32
      %dma_start3A_235 = tpu.memref_slice %arg5[%add3A_38, %dma_start3A_234] : memref<4096x1024xf32, #tpu.memory_space<hbm>> -> memref<16x1024xf32, #tpu.memory_space<hbm>>
      tpu.enqueue_dma source(%arg8 : memref<16x1024xf32, #tpu.memory_space<vmem>>) target(%dma_start3A_235 : memref<16x1024xf32, #tpu.memory_space<hbm>>) target_semaphore(%run_scoped3A : memref<!tpu.dma_semaphore, #tpu.memory_space<semaphore_mem>>)
      %dma_wait3A_236 = arith.constant 0 : i32
      %dma_wait3A_237 = tpu.memref_slice %arg5[%add3A_38, %dma_wait3A_236] : memref<4096x1024xf32, #tpu.memory_space<hbm>> -> memref<16x1024xf32, #tpu.memory_space<hbm>>
      %dma_wait3A_238 = arith.constant 0 : i32
      %dma_wait3A_239 = tpu.memref_slice %arg5[%add3A_38, %dma_wait3A_238] : memref<4096x1024xf32, #tpu.memory_space<hbm>> -> memref<16x1024xf32, #tpu.memory_space<hbm>>
      tpu.wait_dma2 semaphore(%run_scoped3A : memref<!tpu.dma_semaphore, #tpu.memory_space<semaphore_mem>>) src(%arg8 : memref<16x1024xf32, #tpu.memory_space<vmem>>) dst(%dma_wait3A_239 : memref<16x1024xf32, #tpu.memory_space<hbm>>)
      tpu.yield
    }) : () -> ()
    %dma_start3A_39 = arith.constant 32 : i32
    %dma_start3A_40 = tpu.memref_slice %arg6[%dma_start3A_39] : memref<128xi32, #tpu.memory_space<vmem>> -> memref<16xi32, #tpu.memory_space<vmem>>
    %dma_start3A_41 = arith.constant 0 : i32
    %dma_start3A_42 = arith.constant 0 : i32
    %dma_start3A_43 = tpu.memref_slice %arg2[%dma_start3A_41, %dma_start3A_42] : memref<12288x1024xf32, #tpu.memory_space<hbm>> -> memref<12288x1024xf32, #tpu.memory_space<hbm>>
    tpu.enqueue_indirect_dma source(%dma_start3A_43 : memref<12288x1024xf32, #tpu.memory_space<hbm>>) target(%arg8 : memref<16x1024xf32, #tpu.memory_space<vmem>>) offsets(%dma_start3A_40 : memref<16xi32, #tpu.memory_space<vmem>>) semaphore(%arg12 : memref<!tpu.dma_semaphore, #tpu.memory_space<semaphore_mem>>)
    %dma_start3A_44 = arith.constant 32 : i32
    %dma_start3A_45 = tpu.memref_slice %arg7[%dma_start3A_44] : memref<128xi32, #tpu.memory_space<vmem>> -> memref<16xi32, #tpu.memory_space<vmem>>
    %dma_start3A_46 = arith.constant 0 : i32
    %dma_start3A_47 = arith.constant 0 : i32
    %dma_start3A_48 = tpu.memref_slice %arg2[%dma_start3A_46, %dma_start3A_47] : memref<12288x1024xf32, #tpu.memory_space<hbm>> -> memref<12288x1024xf32, #tpu.memory_space<hbm>>
    tpu.enqueue_indirect_dma source(%dma_start3A_48 : memref<12288x1024xf32, #tpu.memory_space<hbm>>) target(%arg9 : memref<16x1024xf32, #tpu.memory_space<vmem>>) offsets(%dma_start3A_45 : memref<16xi32, #tpu.memory_space<vmem>>) semaphore(%arg12 : memref<!tpu.dma_semaphore, #tpu.memory_space<semaphore_mem>>)
    %dma_wait3A_49 = arith.constant 16 : i32
    %dma_wait3A_50 = tpu.memref_slice %arg6[%dma_wait3A_49] : memref<128xi32, #tpu.memory_space<vmem>> -> memref<16xi32, #tpu.memory_space<vmem>>
    %dma_wait3A_51 = arith.constant 0 : i32
    %dma_wait3A_52 = arith.constant 0 : i32
    %dma_wait3A_53 = tpu.memref_slice %arg2[%dma_wait3A_51, %dma_wait3A_52] : memref<12288x1024xf32, #tpu.memory_space<hbm>> -> memref<12288x1024xf32, #tpu.memory_space<hbm>>
    tpu.wait_indirect_dma semaphore(%arg13 : memref<!tpu.dma_semaphore, #tpu.memory_space<semaphore_mem>>) src(%dma_wait3A_53 : memref<12288x1024xf32, #tpu.memory_space<hbm>>) dst(%arg10 : memref<16x1024xf32, #tpu.memory_space<vmem>>)
    %dma_wait3A_54 = arith.constant 16 : i32
    %dma_wait3A_55 = tpu.memref_slice %arg7[%dma_wait3A_54] : memref<128xi32, #tpu.memory_space<vmem>> -> memref<16xi32, #tpu.memory_space<vmem>>
    %dma_wait3A_56 = arith.constant 0 : i32
    %dma_wait3A_57 = arith.constant 0 : i32
    %dma_wait3A_58 = tpu.memref_slice %arg2[%dma_wait3A_56, %dma_wait3A_57] : memref<12288x1024xf32, #tpu.memory_space<hbm>> -> memref<12288x1024xf32, #tpu.memory_space<hbm>>
    tpu.wait_indirect_dma semaphore(%arg13 : memref<!tpu.dma_semaphore, #tpu.memory_space<semaphore_mem>>) src(%dma_wait3A_58 : memref<12288x1024xf32, #tpu.memory_space<hbm>>) dst(%arg11 : memref<16x1024xf32, #tpu.memory_space<vmem>>)
    %scan3A_59 = arith.constant 0 : i32
    %scan3A_60 = arith.constant 0 : i32
    %scan3A_61 = arith.constant 16 : i32
    %scan3A_62 = arith.addi %scan3A_60, %scan3A_61 : i32
    %scan3A_63 = arith.constant 1 : i32
    %scan3A_64 = scf.for %scan3A_232 = %scan3A_60 to %scan3A_62 step %scan3A_63 iter_args(%scan3A_233 = %scan3A_59) -> (i32)  : i32 {
      %scan3A_234 = arith.constant 0 : i32
      %scan3A_235 = arith.constant 0 : i32
      %scan3A_236 = arith.constant 64 : i32
      %scan3A_237 = arith.addi %scan3A_235, %scan3A_236 : i32
      %scan3A_238 = arith.constant 1 : i32
      %scan3A_239 = scf.for %scan3A_242 = %scan3A_235 to %scan3A_237 step %scan3A_238 iter_args(%scan3A_243 = %scan3A_234) -> (i32)  : i32 {
        %mul3A_244 = arith.constant 16 : i32
        %mul3A_245 = arith.muli %scan3A_242, %mul3A_244 : i32
        %get3A = arith.index_cast %scan3A_232 : i32 to index
        %get3A_246 = arith.index_cast %mul3A_245 : i32 to index
        %get3A_247 = tpu.vector_load %arg10[%get3A, %get3A_246] {strides = array<i32>} : memref<16x1024xf32, #tpu.memory_space<vmem>>, vector<16xf32>,
        %get3A_248 = arith.index_cast %scan3A_232 : i32 to index
        %get3A_249 = arith.index_cast %mul3A_245 : i32 to index
        %get3A_250 = tpu.vector_load %arg11[%get3A_248, %get3A_249] {strides = array<i32>} : memref<16x1024xf32, #tpu.memory_space<vmem>>, vector<16xf32>,
        %add3A_251 = arith.addf %get3A_247, %get3A_250 : vector<16xf32>
        %swap3A = arith.index_cast %scan3A_232 : i32 to index
        %swap3A_252 = arith.index_cast %mul3A_245 : i32 to index
        %swap3A_253 = tpu.vector_load %arg10[%swap3A, %swap3A_252] {strides = array<i32>} : memref<16x1024xf32, #tpu.memory_space<vmem>>, vector<16xf32>,
        tpu.vector_store %arg10[%swap3A, %swap3A_252], %add3A_251 {strides = array<i32>} : memref<16x1024xf32, #tpu.memory_space<vmem>>, vector<16xf32>,
        %scan3A_254 = arith.constant 0 : i32
        scf.yield %scan3A_254 : i32
      }
      %scan3A_240 = arith.constant 64 : i32
      %scan3A_241 = arith.constant 0 : i32
      scf.yield %scan3A_241 : i32
    }
    %scan3A_65 = arith.constant 16 : i32
    %add3A_66 = arith.constant 16 : i32
    %add3A_67 = arith.addi %mul3A_2, %add3A_66 : i32
    "tpu.region"() ({
      %run_scoped3A = tpu.sem_alloc : memref<!tpu.dma_semaphore, #tpu.memory_space<semaphore_mem>>
      %dma_start3A_232 = arith.constant 0 : i32
      %dma_start3A_233 = tpu.memref_slice %arg5[%add3A_67, %dma_start3A_232] : memref<4096x1024xf32, #tpu.memory_space<hbm>> -> memref<16x1024xf32, #tpu.memory_space<hbm>>
      %dma_start3A_234 = arith.constant 0 : i32
      %dma_start3A_235 = tpu.memref_slice %arg5[%add3A_67, %dma_start3A_234] : memref<4096x1024xf32, #tpu.memory_space<hbm>> -> memref<16x1024xf32, #tpu.memory_space<hbm>>
      tpu.enqueue_dma source(%arg10 : memref<16x1024xf32, #tpu.memory_space<vmem>>) target(%dma_start3A_235 : memref<16x1024xf32, #tpu.memory_space<hbm>>) target_semaphore(%run_scoped3A : memref<!tpu.dma_semaphore, #tpu.memory_space<semaphore_mem>>)
      %dma_wait3A_236 = arith.constant 0 : i32
      %dma_wait3A_237 = tpu.memref_slice %arg5[%add3A_67, %dma_wait3A_236] : memref<4096x1024xf32, #tpu.memory_space<hbm>> -> memref<16x1024xf32, #tpu.memory_space<hbm>>
      %dma_wait3A_238 = arith.constant 0 : i32
      %dma_wait3A_239 = tpu.memref_slice %arg5[%add3A_67, %dma_wait3A_238] : memref<4096x1024xf32, #tpu.memory_space<hbm>> -> memref<16x1024xf32, #tpu.memory_space<hbm>>
      tpu.wait_dma2 semaphore(%run_scoped3A : memref<!tpu.dma_semaphore, #tpu.memory_space<semaphore_mem>>) src(%arg10 : memref<16x1024xf32, #tpu.memory_space<vmem>>) dst(%dma_wait3A_239 : memref<16x1024xf32, #tpu.memory_space<hbm>>)
      tpu.yield
    }) : () -> ()
    %dma_start3A_68 = arith.constant 48 : i32
    %dma_start3A_69 = tpu.memref_slice %arg6[%dma_start3A_68] : memref<128xi32, #tpu.memory_space<vmem>> -> memref<16xi32, #tpu.memory_space<vmem>>
    %dma_start3A_70 = arith.constant 0 : i32
    %dma_start3A_71 = arith.constant 0 : i32
    %dma_start3A_72 = tpu.memref_slice %arg2[%dma_start3A_70, %dma_start3A_71] : memref<12288x1024xf32, #tpu.memory_space<hbm>> -> memref<12288x1024xf32, #tpu.memory_space<hbm>>
    tpu.enqueue_indirect_dma source(%dma_start3A_72 : memref<12288x1024xf32, #tpu.memory_space<hbm>>) target(%arg10 : memref<16x1024xf32, #tpu.memory_space<vmem>>) offsets(%dma_start3A_69 : memref<16xi32, #tpu.memory_space<vmem>>) semaphore(%arg13 : memref<!tpu.dma_semaphore, #tpu.memory_space<semaphore_mem>>)
    %dma_start3A_73 = arith.constant 48 : i32
    %dma_start3A_74 = tpu.memref_slice %arg7[%dma_start3A_73] : memref<128xi32, #tpu.memory_space<vmem>> -> memref<16xi32, #tpu.memory_space<vmem>>
    %dma_start3A_75 = arith.constant 0 : i32
    %dma_start3A_76 = arith.constant 0 : i32
    %dma_start3A_77 = tpu.memref_slice %arg2[%dma_start3A_75, %dma_start3A_76] : memref<12288x1024xf32, #tpu.memory_space<hbm>> -> memref<12288x1024xf32, #tpu.memory_space<hbm>>
    tpu.enqueue_indirect_dma source(%dma_start3A_77 : memref<12288x1024xf32, #tpu.memory_space<hbm>>) target(%arg11 : memref<16x1024xf32, #tpu.memory_space<vmem>>) offsets(%dma_start3A_74 : memref<16xi32, #tpu.memory_space<vmem>>) semaphore(%arg13 : memref<!tpu.dma_semaphore, #tpu.memory_space<semaphore_mem>>)
    %dma_wait3A_78 = arith.constant 32 : i32
    %dma_wait3A_79 = tpu.memref_slice %arg6[%dma_wait3A_78] : memref<128xi32, #tpu.memory_space<vmem>> -> memref<16xi32, #tpu.memory_space<vmem>>
    %dma_wait3A_80 = arith.constant 0 : i32
    %dma_wait3A_81 = arith.constant 0 : i32
    %dma_wait3A_82 = tpu.memref_slice %arg2[%dma_wait3A_80, %dma_wait3A_81] : memref<12288x1024xf32, #tpu.memory_space<hbm>> -> memref<12288x1024xf32, #tpu.memory_space<hbm>>
    tpu.wait_indirect_dma semaphore(%arg12 : memref<!tpu.dma_semaphore, #tpu.memory_space<semaphore_mem>>) src(%dma_wait3A_82 : memref<12288x1024xf32, #tpu.memory_space<hbm>>) dst(%arg8 : memref<16x1024xf32, #tpu.memory_space<vmem>>)
    %dma_wait3A_83 = arith.constant 32 : i32
    %dma_wait3A_84 = tpu.memref_slice %arg7[%dma_wait3A_83] : memref<128xi32, #tpu.memory_space<vmem>> -> memref<16xi32, #tpu.memory_space<vmem>>
    %dma_wait3A_85 = arith.constant 0 : i32
    %dma_wait3A_86 = arith.constant 0 : i32
    %dma_wait3A_87 = tpu.memref_slice %arg2[%dma_wait3A_85, %dma_wait3A_86] : memref<12288x1024xf32, #tpu.memory_space<hbm>> -> memref<12288x1024xf32, #tpu.memory_space<hbm>>
    tpu.wait_indirect_dma semaphore(%arg12 : memref<!tpu.dma_semaphore, #tpu.memory_space<semaphore_mem>>) src(%dma_wait3A_87 : memref<12288x1024xf32, #tpu.memory_space<hbm>>) dst(%arg9 : memref<16x1024xf32, #tpu.memory_space<vmem>>)
    %scan3A_88 = arith.constant 0 : i32
    %scan3A_89 = arith.constant 0 : i32
    %scan3A_90 = arith.constant 16 : i32
    %scan3A_91 = arith.addi %scan3A_89, %scan3A_90 : i32
    %scan3A_92 = arith.constant 1 : i32
    %scan3A_93 = scf.for %scan3A_232 = %scan3A_89 to %scan3A_91 step %scan3A_92 iter_args(%scan3A_233 = %scan3A_88) -> (i32)  : i32 {
      %scan3A_234 = arith.constant 0 : i32
      %scan3A_235 = arith.constant 0 : i32
      %scan3A_236 = arith.constant 64 : i32
      %scan3A_237 = arith.addi %scan3A_235, %scan3A_236 : i32
      %scan3A_238 = arith.constant 1 : i32
      %scan3A_239 = scf.for %scan3A_242 = %scan3A_235 to %scan3A_237 step %scan3A_238 iter_args(%scan3A_243 = %scan3A_234) -> (i32)  : i32 {
        %mul3A_244 = arith.constant 16 : i32
        %mul3A_245 = arith.muli %scan3A_242, %mul3A_244 : i32
        %get3A = arith.index_cast %scan3A_232 : i32 to index
        %get3A_246 = arith.index_cast %mul3A_245 : i32 to index
        %get3A_247 = tpu.vector_load %arg8[%get3A, %get3A_246] {strides = array<i32>} : memref<16x1024xf32, #tpu.memory_space<vmem>>, vector<16xf32>,
        %get3A_248 = arith.index_cast %scan3A_232 : i32 to index
        %get3A_249 = arith.index_cast %mul3A_245 : i32 to index
        %get3A_250 = tpu.vector_load %arg9[%get3A_248, %get3A_249] {strides = array<i32>} : memref<16x1024xf32, #tpu.memory_space<vmem>>, vector<16xf32>,
        %add3A_251 = arith.addf %get3A_247, %get3A_250 : vector<16xf32>
        %swap3A = arith.index_cast %scan3A_232 : i32 to index
        %swap3A_252 = arith.index_cast %mul3A_245 : i32 to index
        %swap3A_253 = tpu.vector_load %arg8[%swap3A, %swap3A_252] {strides = array<i32>} : memref<16x1024xf32, #tpu.memory_space<vmem>>, vector<16xf32>,
        tpu.vector_store %arg8[%swap3A, %swap3A_252], %add3A_251 {strides = array<i32>} : memref<16x1024xf32, #tpu.memory_space<vmem>>, vector<16xf32>,
        %scan3A_254 = arith.constant 0 : i32
        scf.yield %scan3A_254 : i32
      }
      %scan3A_240 = arith.constant 64 : i32
      %scan3A_241 = arith.constant 0 : i32
      scf.yield %scan3A_241 : i32
    }
    %scan3A_94 = arith.constant 16 : i32
    %add3A_95 = arith.constant 32 : i32
    %add3A_96 = arith.addi %mul3A_2, %add3A_95 : i32
    "tpu.region"() ({
      %run_scoped3A = tpu.sem_alloc : memref<!tpu.dma_semaphore, #tpu.memory_space<semaphore_mem>>
      %dma_start3A_232 = arith.constant 0 : i32
      %dma_start3A_233 = tpu.memref_slice %arg5[%add3A_96, %dma_start3A_232] : memref<4096x1024xf32, #tpu.memory_space<hbm>> -> memref<16x1024xf32, #tpu.memory_space<hbm>>
      %dma_start3A_234 = arith.constant 0 : i32
      %dma_start3A_235 = tpu.memref_slice %arg5[%add3A_96, %dma_start3A_234] : memref<4096x1024xf32, #tpu.memory_space<hbm>> -> memref<16x1024xf32, #tpu.memory_space<hbm>>
      tpu.enqueue_dma source(%arg8 : memref<16x1024xf32, #tpu.memory_space<vmem>>) target(%dma_start3A_235 : memref<16x1024xf32, #tpu.memory_space<hbm>>) target_semaphore(%run_scoped3A : memref<!tpu.dma_semaphore, #tpu.memory_space<semaphore_mem>>)
      %dma_wait3A_236 = arith.constant 0 : i32
      %dma_wait3A_237 = tpu.memref_slice %arg5[%add3A_96, %dma_wait3A_236] : memref<4096x1024xf32, #tpu.memory_space<hbm>> -> memref<16x1024xf32, #tpu.memory_space<hbm>>
      %dma_wait3A_238 = arith.constant 0 : i32
      %dma_wait3A_239 = tpu.memref_slice %arg5[%add3A_96, %dma_wait3A_238] : memref<4096x1024xf32, #tpu.memory_space<hbm>> -> memref<16x1024xf32, #tpu.memory_space<hbm>>
      tpu.wait_dma2 semaphore(%run_scoped3A : memref<!tpu.dma_semaphore, #tpu.memory_space<semaphore_mem>>) src(%arg8 : memref<16x1024xf32, #tpu.memory_space<vmem>>) dst(%dma_wait3A_239 : memref<16x1024xf32, #tpu.memory_space<hbm>>)
      tpu.yield
    }) : () -> ()
    %dma_start3A_97 = arith.constant 64 : i32
    %dma_start3A_98 = tpu.memref_slice %arg6[%dma_start3A_97] : memref<128xi32, #tpu.memory_space<vmem>> -> memref<16xi32, #tpu.memory_space<vmem>>
    %dma_start3A_99 = arith.constant 0 : i32
    %dma_start3A_100 = arith.constant 0 : i32
    %dma_start3A_101 = tpu.memref_slice %arg2[%dma_start3A_99, %dma_start3A_100] : memref<12288x1024xf32, #tpu.memory_space<hbm>> -> memref<12288x1024xf32, #tpu.memory_space<hbm>>
    tpu.enqueue_indirect_dma source(%dma_start3A_101 : memref<12288x1024xf32, #tpu.memory_space<hbm>>) target(%arg8 : memref<16x1024xf32, #tpu.memory_space<vmem>>) offsets(%dma_start3A_98 : memref<16xi32, #tpu.memory_space<vmem>>) semaphore(%arg12 : memref<!tpu.dma_semaphore, #tpu.memory_space<semaphore_mem>>)
    %dma_start3A_102 = arith.constant 64 : i32
    %dma_start3A_103 = tpu.memref_slice %arg7[%dma_start3A_102] : memref<128xi32, #tpu.memory_space<vmem>> -> memref<16xi32, #tpu.memory_space<vmem>>
    %dma_start3A_104 = arith.constant 0 : i32
    %dma_start3A_105 = arith.constant 0 : i32
    %dma_start3A_106 = tpu.memref_slice %arg2[%dma_start3A_104, %dma_start3A_105] : memref<12288x1024xf32, #tpu.memory_space<hbm>> -> memref<12288x1024xf32, #tpu.memory_space<hbm>>
    tpu.enqueue_indirect_dma source(%dma_start3A_106 : memref<12288x1024xf32, #tpu.memory_space<hbm>>) target(%arg9 : memref<16x1024xf32, #tpu.memory_space<vmem>>) offsets(%dma_start3A_103 : memref<16xi32, #tpu.memory_space<vmem>>) semaphore(%arg12 : memref<!tpu.dma_semaphore, #tpu.memory_space<semaphore_mem>>)
    %dma_wait3A_107 = arith.constant 48 : i32
    %dma_wait3A_108 = tpu.memref_slice %arg6[%dma_wait3A_107] : memref<128xi32, #tpu.memory_space<vmem>> -> memref<16xi32, #tpu.memory_space<vmem>>
    %dma_wait3A_109 = arith.constant 0 : i32
    %dma_wait3A_110 = arith.constant 0 : i32
    %dma_wait3A_111 = tpu.memref_slice %arg2[%dma_wait3A_109, %dma_wait3A_110] : memref<12288x1024xf32, #tpu.memory_space<hbm>> -> memref<12288x1024xf32, #tpu.memory_space<hbm>>
    tpu.wait_indirect_dma semaphore(%arg13 : memref<!tpu.dma_semaphore, #tpu.memory_space<semaphore_mem>>) src(%dma_wait3A_111 : memref<12288x1024xf32, #tpu.memory_space<hbm>>) dst(%arg10 : memref<16x1024xf32, #tpu.memory_space<vmem>>)
    %dma_wait3A_112 = arith.constant 48 : i32
    %dma_wait3A_113 = tpu.memref_slice %arg7[%dma_wait3A_112] : memref<128xi32, #tpu.memory_space<vmem>> -> memref<16xi32, #tpu.memory_space<vmem>>
    %dma_wait3A_114 = arith.constant 0 : i32
    %dma_wait3A_115 = arith.constant 0 : i32
    %dma_wait3A_116 = tpu.memref_slice %arg2[%dma_wait3A_114, %dma_wait3A_115] : memref<12288x1024xf32, #tpu.memory_space<hbm>> -> memref<12288x1024xf32, #tpu.memory_space<hbm>>
    tpu.wait_indirect_dma semaphore(%arg13 : memref<!tpu.dma_semaphore, #tpu.memory_space<semaphore_mem>>) src(%dma_wait3A_116 : memref<12288x1024xf32, #tpu.memory_space<hbm>>) dst(%arg11 : memref<16x1024xf32, #tpu.memory_space<vmem>>)
    %scan3A_117 = arith.constant 0 : i32
    %scan3A_118 = arith.constant 0 : i32
    %scan3A_119 = arith.constant 16 : i32
    %scan3A_120 = arith.addi %scan3A_118, %scan3A_119 : i32
    %scan3A_121 = arith.constant 1 : i32
    %scan3A_122 = scf.for %scan3A_232 = %scan3A_118 to %scan3A_120 step %scan3A_121 iter_args(%scan3A_233 = %scan3A_117) -> (i32)  : i32 {
      %scan3A_234 = arith.constant 0 : i32
      %scan3A_235 = arith.constant 0 : i32
      %scan3A_236 = arith.constant 64 : i32
      %scan3A_237 = arith.addi %scan3A_235, %scan3A_236 : i32
      %scan3A_238 = arith.constant 1 : i32
      %scan3A_239 = scf.for %scan3A_242 = %scan3A_235 to %scan3A_237 step %scan3A_238 iter_args(%scan3A_243 = %scan3A_234) -> (i32)  : i32 {
        %mul3A_244 = arith.constant 16 : i32
        %mul3A_245 = arith.muli %scan3A_242, %mul3A_244 : i32
        %get3A = arith.index_cast %scan3A_232 : i32 to index
        %get3A_246 = arith.index_cast %mul3A_245 : i32 to index
        %get3A_247 = tpu.vector_load %arg10[%get3A, %get3A_246] {strides = array<i32>} : memref<16x1024xf32, #tpu.memory_space<vmem>>, vector<16xf32>,
        %get3A_248 = arith.index_cast %scan3A_232 : i32 to index
        %get3A_249 = arith.index_cast %mul3A_245 : i32 to index
        %get3A_250 = tpu.vector_load %arg11[%get3A_248, %get3A_249] {strides = array<i32>} : memref<16x1024xf32, #tpu.memory_space<vmem>>, vector<16xf32>,
        %add3A_251 = arith.addf %get3A_247, %get3A_250 : vector<16xf32>
        %swap3A = arith.index_cast %scan3A_232 : i32 to index
        %swap3A_252 = arith.index_cast %mul3A_245 : i32 to index
        %swap3A_253 = tpu.vector_load %arg10[%swap3A, %swap3A_252] {strides = array<i32>} : memref<16x1024xf32, #tpu.memory_space<vmem>>, vector<16xf32>,
        tpu.vector_store %arg10[%swap3A, %swap3A_252], %add3A_251 {strides = array<i32>} : memref<16x1024xf32, #tpu.memory_space<vmem>>, vector<16xf32>,
        %scan3A_254 = arith.constant 0 : i32
        scf.yield %scan3A_254 : i32
      }
      %scan3A_240 = arith.constant 64 : i32
      %scan3A_241 = arith.constant 0 : i32
      scf.yield %scan3A_241 : i32
    }
    %scan3A_123 = arith.constant 16 : i32
    %add3A_124 = arith.constant 48 : i32
    %add3A_125 = arith.addi %mul3A_2, %add3A_124 : i32
    "tpu.region"() ({
      %run_scoped3A = tpu.sem_alloc : memref<!tpu.dma_semaphore, #tpu.memory_space<semaphore_mem>>
      %dma_start3A_232 = arith.constant 0 : i32
      %dma_start3A_233 = tpu.memref_slice %arg5[%add3A_125, %dma_start3A_232] : memref<4096x1024xf32, #tpu.memory_space<hbm>> -> memref<16x1024xf32, #tpu.memory_space<hbm>>
      %dma_start3A_234 = arith.constant 0 : i32
      %dma_start3A_235 = tpu.memref_slice %arg5[%add3A_125, %dma_start3A_234] : memref<4096x1024xf32, #tpu.memory_space<hbm>> -> memref<16x1024xf32, #tpu.memory_space<hbm>>
      tpu.enqueue_dma source(%arg10 : memref<16x1024xf32, #tpu.memory_space<vmem>>) target(%dma_start3A_235 : memref<16x1024xf32, #tpu.memory_space<hbm>>) target_semaphore(%run_scoped3A : memref<!tpu.dma_semaphore, #tpu.memory_space<semaphore_mem>>)
      %dma_wait3A_236 = arith.constant 0 : i32
      %dma_wait3A_237 = tpu.memref_slice %arg5[%add3A_125, %dma_wait3A_236] : memref<4096x1024xf32, #tpu.memory_space<hbm>> -> memref<16x1024xf32, #tpu.memory_space<hbm>>
      %dma_wait3A_238 = arith.constant 0 : i32
      %dma_wait3A_239 = tpu.memref_slice %arg5[%add3A_125, %dma_wait3A_238] : memref<4096x1024xf32, #tpu.memory_space<hbm>> -> memref<16x1024xf32, #tpu.memory_space<hbm>>
      tpu.wait_dma2 semaphore(%run_scoped3A : memref<!tpu.dma_semaphore, #tpu.memory_space<semaphore_mem>>) src(%arg10 : memref<16x1024xf32, #tpu.memory_space<vmem>>) dst(%dma_wait3A_239 : memref<16x1024xf32, #tpu.memory_space<hbm>>)
      tpu.yield
    }) : () -> ()
    %dma_start3A_126 = arith.constant 80 : i32
    %dma_start3A_127 = tpu.memref_slice %arg6[%dma_start3A_126] : memref<128xi32, #tpu.memory_space<vmem>> -> memref<16xi32, #tpu.memory_space<vmem>>
    %dma_start3A_128 = arith.constant 0 : i32
    %dma_start3A_129 = arith.constant 0 : i32
    %dma_start3A_130 = tpu.memref_slice %arg2[%dma_start3A_128, %dma_start3A_129] : memref<12288x1024xf32, #tpu.memory_space<hbm>> -> memref<12288x1024xf32, #tpu.memory_space<hbm>>
    tpu.enqueue_indirect_dma source(%dma_start3A_130 : memref<12288x1024xf32, #tpu.memory_space<hbm>>) target(%arg10 : memref<16x1024xf32, #tpu.memory_space<vmem>>) offsets(%dma_start3A_127 : memref<16xi32, #tpu.memory_space<vmem>>) semaphore(%arg13 : memref<!tpu.dma_semaphore, #tpu.memory_space<semaphore_mem>>)
    %dma_start3A_131 = arith.constant 80 : i32
    %dma_start3A_132 = tpu.memref_slice %arg7[%dma_start3A_131] : memref<128xi32, #tpu.memory_space<vmem>> -> memref<16xi32, #tpu.memory_space<vmem>>
    %dma_start3A_133 = arith.constant 0 : i32
    %dma_start3A_134 = arith.constant 0 : i32
    %dma_start3A_135 = tpu.memref_slice %arg2[%dma_start3A_133, %dma_start3A_134] : memref<12288x1024xf32, #tpu.memory_space<hbm>> -> memref<12288x1024xf32, #tpu.memory_space<hbm>>
    tpu.enqueue_indirect_dma source(%dma_start3A_135 : memref<12288x1024xf32, #tpu.memory_space<hbm>>) target(%arg11 : memref<16x1024xf32, #tpu.memory_space<vmem>>) offsets(%dma_start3A_132 : memref<16xi32, #tpu.memory_space<vmem>>) semaphore(%arg13 : memref<!tpu.dma_semaphore, #tpu.memory_space<semaphore_mem>>)
    %dma_wait3A_136 = arith.constant 64 : i32
    %dma_wait3A_137 = tpu.memref_slice %arg6[%dma_wait3A_136] : memref<128xi32, #tpu.memory_space<vmem>> -> memref<16xi32, #tpu.memory_space<vmem>>
    %dma_wait3A_138 = arith.constant 0 : i32
    %dma_wait3A_139 = arith.constant 0 : i32
    %dma_wait3A_140 = tpu.memref_slice %arg2[%dma_wait3A_138, %dma_wait3A_139] : memref<12288x1024xf32, #tpu.memory_space<hbm>> -> memref<12288x1024xf32, #tpu.memory_space<hbm>>
    tpu.wait_indirect_dma semaphore(%arg12 : memref<!tpu.dma_semaphore, #tpu.memory_space<semaphore_mem>>) src(%dma_wait3A_140 : memref<12288x1024xf32, #tpu.memory_space<hbm>>) dst(%arg8 : memref<16x1024xf32, #tpu.memory_space<vmem>>)
    %dma_wait3A_141 = arith.constant 64 : i32
    %dma_wait3A_142 = tpu.memref_slice %arg7[%dma_wait3A_141] : memref<128xi32, #tpu.memory_space<vmem>> -> memref<16xi32, #tpu.memory_space<vmem>>
    %dma_wait3A_143 = arith.constant 0 : i32
    %dma_wait3A_144 = arith.constant 0 : i32
    %dma_wait3A_145 = tpu.memref_slice %arg2[%dma_wait3A_143, %dma_wait3A_144] : memref<12288x1024xf32, #tpu.memory_space<hbm>> -> memref<12288x1024xf32, #tpu.memory_space<hbm>>
    tpu.wait_indirect_dma semaphore(%arg12 : memref<!tpu.dma_semaphore, #tpu.memory_space<semaphore_mem>>) src(%dma_wait3A_145 : memref<12288x1024xf32, #tpu.memory_space<hbm>>) dst(%arg9 : memref<16x1024xf32, #tpu.memory_space<vmem>>)
    %scan3A_146 = arith.constant 0 : i32
    %scan3A_147 = arith.constant 0 : i32
    %scan3A_148 = arith.constant 16 : i32
    %scan3A_149 = arith.addi %scan3A_147, %scan3A_148 : i32
    %scan3A_150 = arith.constant 1 : i32
    %scan3A_151 = scf.for %scan3A_232 = %scan3A_147 to %scan3A_149 step %scan3A_150 iter_args(%scan3A_233 = %scan3A_146) -> (i32)  : i32 {
      %scan3A_234 = arith.constant 0 : i32
      %scan3A_235 = arith.constant 0 : i32
      %scan3A_236 = arith.constant 64 : i32
      %scan3A_237 = arith.addi %scan3A_235, %scan3A_236 : i32
      %scan3A_238 = arith.constant 1 : i32
      %scan3A_239 = scf.for %scan3A_242 = %scan3A_235 to %scan3A_237 step %scan3A_238 iter_args(%scan3A_243 = %scan3A_234) -> (i32)  : i32 {
        %mul3A_244 = arith.constant 16 : i32
        %mul3A_245 = arith.muli %scan3A_242, %mul3A_244 : i32
        %get3A = arith.index_cast %scan3A_232 : i32 to index
        %get3A_246 = arith.index_cast %mul3A_245 : i32 to index
        %get3A_247 = tpu.vector_load %arg8[%get3A, %get3A_246] {strides = array<i32>} : memref<16x1024xf32, #tpu.memory_space<vmem>>, vector<16xf32>,
        %get3A_248 = arith.index_cast %scan3A_232 : i32 to index
        %get3A_249 = arith.index_cast %mul3A_245 : i32 to index
        %get3A_250 = tpu.vector_load %arg9[%get3A_248, %get3A_249] {strides = array<i32>} : memref<16x1024xf32, #tpu.memory_space<vmem>>, vector<16xf32>,
        %add3A_251 = arith.addf %get3A_247, %get3A_250 : vector<16xf32>
        %swap3A = arith.index_cast %scan3A_232 : i32 to index
        %swap3A_252 = arith.index_cast %mul3A_245 : i32 to index
        %swap3A_253 = tpu.vector_load %arg8[%swap3A, %swap3A_252] {strides = array<i32>} : memref<16x1024xf32, #tpu.memory_space<vmem>>, vector<16xf32>,
        tpu.vector_store %arg8[%swap3A, %swap3A_252], %add3A_251 {strides = array<i32>} : memref<16x1024xf32, #tpu.memory_space<vmem>>, vector<16xf32>,
        %scan3A_254 = arith.constant 0 : i32
        scf.yield %scan3A_254 : i32
      }
      %scan3A_240 = arith.constant 64 : i32
      %scan3A_241 = arith.constant 0 : i32
      scf.yield %scan3A_241 : i32
    }
    %scan3A_152 = arith.constant 16 : i32
    %add3A_153 = arith.constant 64 : i32
    %add3A_154 = arith.addi %mul3A_2, %add3A_153 : i32
    "tpu.region"() ({
      %run_scoped3A = tpu.sem_alloc : memref<!tpu.dma_semaphore, #tpu.memory_space<semaphore_mem>>
      %dma_start3A_232 = arith.constant 0 : i32
      %dma_start3A_233 = tpu.memref_slice %arg5[%add3A_154, %dma_start3A_232] : memref<4096x1024xf32, #tpu.memory_space<hbm>> -> memref<16x1024xf32, #tpu.memory_space<hbm>>
      %dma_start3A_234 = arith.constant 0 : i32
      %dma_start3A_235 = tpu.memref_slice %arg5[%add3A_154, %dma_start3A_234] : memref<4096x1024xf32, #tpu.memory_space<hbm>> -> memref<16x1024xf32, #tpu.memory_space<hbm>>
      tpu.enqueue_dma source(%arg8 : memref<16x1024xf32, #tpu.memory_space<vmem>>) target(%dma_start3A_235 : memref<16x1024xf32, #tpu.memory_space<hbm>>) target_semaphore(%run_scoped3A : memref<!tpu.dma_semaphore, #tpu.memory_space<semaphore_mem>>)
      %dma_wait3A_236 = arith.constant 0 : i32
      %dma_wait3A_237 = tpu.memref_slice %arg5[%add3A_154, %dma_wait3A_236] : memref<4096x1024xf32, #tpu.memory_space<hbm>> -> memref<16x1024xf32, #tpu.memory_space<hbm>>
      %dma_wait3A_238 = arith.constant 0 : i32
      %dma_wait3A_239 = tpu.memref_slice %arg5[%add3A_154, %dma_wait3A_238] : memref<4096x1024xf32, #tpu.memory_space<hbm>> -> memref<16x1024xf32, #tpu.memory_space<hbm>>
      tpu.wait_dma2 semaphore(%run_scoped3A : memref<!tpu.dma_semaphore, #tpu.memory_space<semaphore_mem>>) src(%arg8 : memref<16x1024xf32, #tpu.memory_space<vmem>>) dst(%dma_wait3A_239 : memref<16x1024xf32, #tpu.memory_space<hbm>>)
      tpu.yield
    }) : () -> ()
    %dma_start3A_155 = arith.constant 96 : i32
    %dma_start3A_156 = tpu.memref_slice %arg6[%dma_start3A_155] : memref<128xi32, #tpu.memory_space<vmem>> -> memref<16xi32, #tpu.memory_space<vmem>>
    %dma_start3A_157 = arith.constant 0 : i32
    %dma_start3A_158 = arith.constant 0 : i32
    %dma_start3A_159 = tpu.memref_slice %arg2[%dma_start3A_157, %dma_start3A_158] : memref<12288x1024xf32, #tpu.memory_space<hbm>> -> memref<12288x1024xf32, #tpu.memory_space<hbm>>
    tpu.enqueue_indirect_dma source(%dma_start3A_159 : memref<12288x1024xf32, #tpu.memory_space<hbm>>) target(%arg8 : memref<16x1024xf32, #tpu.memory_space<vmem>>) offsets(%dma_start3A_156 : memref<16xi32, #tpu.memory_space<vmem>>) semaphore(%arg12 : memref<!tpu.dma_semaphore, #tpu.memory_space<semaphore_mem>>)
    %dma_start3A_160 = arith.constant 96 : i32
    %dma_start3A_161 = tpu.memref_slice %arg7[%dma_start3A_160] : memref<128xi32, #tpu.memory_space<vmem>> -> memref<16xi32, #tpu.memory_space<vmem>>
    %dma_start3A_162 = arith.constant 0 : i32
    %dma_start3A_163 = arith.constant 0 : i32
    %dma_start3A_164 = tpu.memref_slice %arg2[%dma_start3A_162, %dma_start3A_163] : memref<12288x1024xf32, #tpu.memory_space<hbm>> -> memref<12288x1024xf32, #tpu.memory_space<hbm>>
    tpu.enqueue_indirect_dma source(%dma_start3A_164 : memref<12288x1024xf32, #tpu.memory_space<hbm>>) target(%arg9 : memref<16x1024xf32, #tpu.memory_space<vmem>>) offsets(%dma_start3A_161 : memref<16xi32, #tpu.memory_space<vmem>>) semaphore(%arg12 : memref<!tpu.dma_semaphore, #tpu.memory_space<semaphore_mem>>)
    %dma_wait3A_165 = arith.constant 80 : i32
    %dma_wait3A_166 = tpu.memref_slice %arg6[%dma_wait3A_165] : memref<128xi32, #tpu.memory_space<vmem>> -> memref<16xi32, #tpu.memory_space<vmem>>
    %dma_wait3A_167 = arith.constant 0 : i32
    %dma_wait3A_168 = arith.constant 0 : i32
    %dma_wait3A_169 = tpu.memref_slice %arg2[%dma_wait3A_167, %dma_wait3A_168] : memref<12288x1024xf32, #tpu.memory_space<hbm>> -> memref<12288x1024xf32, #tpu.memory_space<hbm>>
    tpu.wait_indirect_dma semaphore(%arg13 : memref<!tpu.dma_semaphore, #tpu.memory_space<semaphore_mem>>) src(%dma_wait3A_169 : memref<12288x1024xf32, #tpu.memory_space<hbm>>) dst(%arg10 : memref<16x1024xf32, #tpu.memory_space<vmem>>)
    %dma_wait3A_170 = arith.constant 80 : i32
    %dma_wait3A_171 = tpu.memref_slice %arg7[%dma_wait3A_170] : memref<128xi32, #tpu.memory_space<vmem>> -> memref<16xi32, #tpu.memory_space<vmem>>
    %dma_wait3A_172 = arith.constant 0 : i32
    %dma_wait3A_173 = arith.constant 0 : i32
    %dma_wait3A_174 = tpu.memref_slice %arg2[%dma_wait3A_172, %dma_wait3A_173] : memref<12288x1024xf32, #tpu.memory_space<hbm>> -> memref<12288x1024xf32, #tpu.memory_space<hbm>>
    tpu.wait_indirect_dma semaphore(%arg13 : memref<!tpu.dma_semaphore, #tpu.memory_space<semaphore_mem>>) src(%dma_wait3A_174 : memref<12288x1024xf32, #tpu.memory_space<hbm>>) dst(%arg11 : memref<16x1024xf32, #tpu.memory_space<vmem>>)
    %scan3A_175 = arith.constant 0 : i32
    %scan3A_176 = arith.constant 0 : i32
    %scan3A_177 = arith.constant 16 : i32
    %scan3A_178 = arith.addi %scan3A_176, %scan3A_177 : i32
    %scan3A_179 = arith.constant 1 : i32
    %scan3A_180 = scf.for %scan3A_232 = %scan3A_176 to %scan3A_178 step %scan3A_179 iter_args(%scan3A_233 = %scan3A_175) -> (i32)  : i32 {
      %scan3A_234 = arith.constant 0 : i32
      %scan3A_235 = arith.constant 0 : i32
      %scan3A_236 = arith.constant 64 : i32
      %scan3A_237 = arith.addi %scan3A_235, %scan3A_236 : i32
      %scan3A_238 = arith.constant 1 : i32
      %scan3A_239 = scf.for %scan3A_242 = %scan3A_235 to %scan3A_237 step %scan3A_238 iter_args(%scan3A_243 = %scan3A_234) -> (i32)  : i32 {
        %mul3A_244 = arith.constant 16 : i32
        %mul3A_245 = arith.muli %scan3A_242, %mul3A_244 : i32
        %get3A = arith.index_cast %scan3A_232 : i32 to index
        %get3A_246 = arith.index_cast %mul3A_245 : i32 to index
        %get3A_247 = tpu.vector_load %arg10[%get3A, %get3A_246] {strides = array<i32>} : memref<16x1024xf32, #tpu.memory_space<vmem>>, vector<16xf32>,
        %get3A_248 = arith.index_cast %scan3A_232 : i32 to index
        %get3A_249 = arith.index_cast %mul3A_245 : i32 to index
        %get3A_250 = tpu.vector_load %arg11[%get3A_248, %get3A_249] {strides = array<i32>} : memref<16x1024xf32, #tpu.memory_space<vmem>>, vector<16xf32>,
        %add3A_251 = arith.addf %get3A_247, %get3A_250 : vector<16xf32>
        %swap3A = arith.index_cast %scan3A_232 : i32 to index
        %swap3A_252 = arith.index_cast %mul3A_245 : i32 to index
        %swap3A_253 = tpu.vector_load %arg10[%swap3A, %swap3A_252] {strides = array<i32>} : memref<16x1024xf32, #tpu.memory_space<vmem>>, vector<16xf32>,
        tpu.vector_store %arg10[%swap3A, %swap3A_252], %add3A_251 {strides = array<i32>} : memref<16x1024xf32, #tpu.memory_space<vmem>>, vector<16xf32>,
        %scan3A_254 = arith.constant 0 : i32
        scf.yield %scan3A_254 : i32
      }
      %scan3A_240 = arith.constant 64 : i32
      %scan3A_241 = arith.constant 0 : i32
      scf.yield %scan3A_241 : i32
    }
    %scan3A_181 = arith.constant 16 : i32
    %add3A_182 = arith.constant 80 : i32
    %add3A_183 = arith.addi %mul3A_2, %add3A_182 : i32
    "tpu.region"() ({
      %run_scoped3A = tpu.sem_alloc : memref<!tpu.dma_semaphore, #tpu.memory_space<semaphore_mem>>
      %dma_start3A_232 = arith.constant 0 : i32
      %dma_start3A_233 = tpu.memref_slice %arg5[%add3A_183, %dma_start3A_232] : memref<4096x1024xf32, #tpu.memory_space<hbm>> -> memref<16x1024xf32, #tpu.memory_space<hbm>>
      %dma_start3A_234 = arith.constant 0 : i32
      %dma_start3A_235 = tpu.memref_slice %arg5[%add3A_183, %dma_start3A_234] : memref<4096x1024xf32, #tpu.memory_space<hbm>> -> memref<16x1024xf32, #tpu.memory_space<hbm>>
      tpu.enqueue_dma source(%arg10 : memref<16x1024xf32, #tpu.memory_space<vmem>>) target(%dma_start3A_235 : memref<16x1024xf32, #tpu.memory_space<hbm>>) target_semaphore(%run_scoped3A : memref<!tpu.dma_semaphore, #tpu.memory_space<semaphore_mem>>)
      %dma_wait3A_236 = arith.constant 0 : i32
      %dma_wait3A_237 = tpu.memref_slice %arg5[%add3A_183, %dma_wait3A_236] : memref<4096x1024xf32, #tpu.memory_space<hbm>> -> memref<16x1024xf32, #tpu.memory_space<hbm>>
      %dma_wait3A_238 = arith.constant 0 : i32
      %dma_wait3A_239 = tpu.memref_slice %arg5[%add3A_183, %dma_wait3A_238] : memref<4096x1024xf32, #tpu.memory_space<hbm>> -> memref<16x1024xf32, #tpu.memory_space<hbm>>
      tpu.wait_dma2 semaphore(%run_scoped3A : memref<!tpu.dma_semaphore, #tpu.memory_space<semaphore_mem>>) src(%arg10 : memref<16x1024xf32, #tpu.memory_space<vmem>>) dst(%dma_wait3A_239 : memref<16x1024xf32, #tpu.memory_space<hbm>>)
      tpu.yield
    }) : () -> ()
    %dma_start3A_184 = arith.constant 112 : i32
    %dma_start3A_185 = tpu.memref_slice %arg6[%dma_start3A_184] : memref<128xi32, #tpu.memory_space<vmem>> -> memref<16xi32, #tpu.memory_space<vmem>>
    %dma_start3A_186 = arith.constant 0 : i32
    %dma_start3A_187 = arith.constant 0 : i32
    %dma_start3A_188 = tpu.memref_slice %arg2[%dma_start3A_186, %dma_start3A_187] : memref<12288x1024xf32, #tpu.memory_space<hbm>> -> memref<12288x1024xf32, #tpu.memory_space<hbm>>
    tpu.enqueue_indirect_dma source(%dma_start3A_188 : memref<12288x1024xf32, #tpu.memory_space<hbm>>) target(%arg10 : memref<16x1024xf32, #tpu.memory_space<vmem>>) offsets(%dma_start3A_185 : memref<16xi32, #tpu.memory_space<vmem>>) semaphore(%arg13 : memref<!tpu.dma_semaphore, #tpu.memory_space<semaphore_mem>>)
    %dma_start3A_189 = arith.constant 112 : i32
    %dma_start3A_190 = tpu.memref_slice %arg7[%dma_start3A_189] : memref<128xi32, #tpu.memory_space<vmem>> -> memref<16xi32, #tpu.memory_space<vmem>>
    %dma_start3A_191 = arith.constant 0 : i32
    %dma_start3A_192 = arith.constant 0 : i32
    %dma_start3A_193 = tpu.memref_slice %arg2[%dma_start3A_191, %dma_start3A_192] : memref<12288x1024xf32, #tpu.memory_space<hbm>> -> memref<12288x1024xf32, #tpu.memory_space<hbm>>
    tpu.enqueue_indirect_dma source(%dma_start3A_193 : memref<12288x1024xf32, #tpu.memory_space<hbm>>) target(%arg11 : memref<16x1024xf32, #tpu.memory_space<vmem>>) offsets(%dma_start3A_190 : memref<16xi32, #tpu.memory_space<vmem>>) semaphore(%arg13 : memref<!tpu.dma_semaphore, #tpu.memory_space<semaphore_mem>>)
    %dma_wait3A_194 = arith.constant 96 : i32
    %dma_wait3A_195 = tpu.memref_slice %arg6[%dma_wait3A_194] : memref<128xi32, #tpu.memory_space<vmem>> -> memref<16xi32, #tpu.memory_space<vmem>>
    %dma_wait3A_196 = arith.constant 0 : i32
    %dma_wait3A_197 = arith.constant 0 : i32
    %dma_wait3A_198 = tpu.memref_slice %arg2[%dma_wait3A_196, %dma_wait3A_197] : memref<12288x1024xf32, #tpu.memory_space<hbm>> -> memref<12288x1024xf32, #tpu.memory_space<hbm>>
    tpu.wait_indirect_dma semaphore(%arg12 : memref<!tpu.dma_semaphore, #tpu.memory_space<semaphore_mem>>) src(%dma_wait3A_198 : memref<12288x1024xf32, #tpu.memory_space<hbm>>) dst(%arg8 : memref<16x1024xf32, #tpu.memory_space<vmem>>)
    %dma_wait3A_199 = arith.constant 96 : i32
    %dma_wait3A_200 = tpu.memref_slice %arg7[%dma_wait3A_199] : memref<128xi32, #tpu.memory_space<vmem>> -> memref<16xi32, #tpu.memory_space<vmem>>
    %dma_wait3A_201 = arith.constant 0 : i32
    %dma_wait3A_202 = arith.constant 0 : i32
    %dma_wait3A_203 = tpu.memref_slice %arg2[%dma_wait3A_201, %dma_wait3A_202] : memref<12288x1024xf32, #tpu.memory_space<hbm>> -> memref<12288x1024xf32, #tpu.memory_space<hbm>>
    tpu.wait_indirect_dma semaphore(%arg12 : memref<!tpu.dma_semaphore, #tpu.memory_space<semaphore_mem>>) src(%dma_wait3A_203 : memref<12288x1024xf32, #tpu.memory_space<hbm>>) dst(%arg9 : memref<16x1024xf32, #tpu.memory_space<vmem>>)
    %scan3A_204 = arith.constant 0 : i32
    %scan3A_205 = arith.constant 0 : i32
    %scan3A_206 = arith.constant 16 : i32
    %scan3A_207 = arith.addi %scan3A_205, %scan3A_206 : i32
    %scan3A_208 = arith.constant 1 : i32
    %scan3A_209 = scf.for %scan3A_232 = %scan3A_205 to %scan3A_207 step %scan3A_208 iter_args(%scan3A_233 = %scan3A_204) -> (i32)  : i32 {
      %scan3A_234 = arith.constant 0 : i32
      %scan3A_235 = arith.constant 0 : i32
      %scan3A_236 = arith.constant 64 : i32
      %scan3A_237 = arith.addi %scan3A_235, %scan3A_236 : i32
      %scan3A_238 = arith.constant 1 : i32
      %scan3A_239 = scf.for %scan3A_242 = %scan3A_235 to %scan3A_237 step %scan3A_238 iter_args(%scan3A_243 = %scan3A_234) -> (i32)  : i32 {
        %mul3A_244 = arith.constant 16 : i32
        %mul3A_245 = arith.muli %scan3A_242, %mul3A_244 : i32
        %get3A = arith.index_cast %scan3A_232 : i32 to index
        %get3A_246 = arith.index_cast %mul3A_245 : i32 to index
        %get3A_247 = tpu.vector_load %arg8[%get3A, %get3A_246] {strides = array<i32>} : memref<16x1024xf32, #tpu.memory_space<vmem>>, vector<16xf32>,
        %get3A_248 = arith.index_cast %scan3A_232 : i32 to index
        %get3A_249 = arith.index_cast %mul3A_245 : i32 to index
        %get3A_250 = tpu.vector_load %arg9[%get3A_248, %get3A_249] {strides = array<i32>} : memref<16x1024xf32, #tpu.memory_space<vmem>>, vector<16xf32>,
        %add3A_251 = arith.addf %get3A_247, %get3A_250 : vector<16xf32>
        %swap3A = arith.index_cast %scan3A_232 : i32 to index
        %swap3A_252 = arith.index_cast %mul3A_245 : i32 to index
        %swap3A_253 = tpu.vector_load %arg8[%swap3A, %swap3A_252] {strides = array<i32>} : memref<16x1024xf32, #tpu.memory_space<vmem>>, vector<16xf32>,
        tpu.vector_store %arg8[%swap3A, %swap3A_252], %add3A_251 {strides = array<i32>} : memref<16x1024xf32, #tpu.memory_space<vmem>>, vector<16xf32>,
        %scan3A_254 = arith.constant 0 : i32
        scf.yield %scan3A_254 : i32
      }
      %scan3A_240 = arith.constant 64 : i32
      %scan3A_241 = arith.constant 0 : i32
      scf.yield %scan3A_241 : i32
    }
    %scan3A_210 = arith.constant 16 : i32
    %add3A_211 = arith.constant 96 : i32
    %add3A_212 = arith.addi %mul3A_2, %add3A_211 : i32
    "tpu.region"() ({
      %run_scoped3A = tpu.sem_alloc : memref<!tpu.dma_semaphore, #tpu.memory_space<semaphore_mem>>
      %dma_start3A_232 = arith.constant 0 : i32
      %dma_start3A_233 = tpu.memref_slice %arg5[%add3A_212, %dma_start3A_232] : memref<4096x1024xf32, #tpu.memory_space<hbm>> -> memref<16x1024xf32, #tpu.memory_space<hbm>>
      %dma_start3A_234 = arith.constant 0 : i32
      %dma_start3A_235 = tpu.memref_slice %arg5[%add3A_212, %dma_start3A_234] : memref<4096x1024xf32, #tpu.memory_space<hbm>> -> memref<16x1024xf32, #tpu.memory_space<hbm>>
      tpu.enqueue_dma source(%arg8 : memref<16x1024xf32, #tpu.memory_space<vmem>>) target(%dma_start3A_235 : memref<16x1024xf32, #tpu.memory_space<hbm>>) target_semaphore(%run_scoped3A : memref<!tpu.dma_semaphore, #tpu.memory_space<semaphore_mem>>)
      %dma_wait3A_236 = arith.constant 0 : i32
      %dma_wait3A_237 = tpu.memref_slice %arg5[%add3A_212, %dma_wait3A_236] : memref<4096x1024xf32, #tpu.memory_space<hbm>> -> memref<16x1024xf32, #tpu.memory_space<hbm>>
      %dma_wait3A_238 = arith.constant 0 : i32
      %dma_wait3A_239 = tpu.memref_slice %arg5[%add3A_212, %dma_wait3A_238] : memref<4096x1024xf32, #tpu.memory_space<hbm>> -> memref<16x1024xf32, #tpu.memory_space<hbm>>
      tpu.wait_dma2 semaphore(%run_scoped3A : memref<!tpu.dma_semaphore, #tpu.memory_space<semaphore_mem>>) src(%arg8 : memref<16x1024xf32, #tpu.memory_space<vmem>>) dst(%dma_wait3A_239 : memref<16x1024xf32, #tpu.memory_space<hbm>>)
      tpu.yield
    }) : () -> ()
    %dma_wait3A_213 = arith.constant 112 : i32
    %dma_wait3A_214 = tpu.memref_slice %arg6[%dma_wait3A_213] : memref<128xi32, #tpu.memory_space<vmem>> -> memref<16xi32, #tpu.memory_space<vmem>>
    %dma_wait3A_215 = arith.constant 0 : i32
    %dma_wait3A_216 = arith.constant 0 : i32
    %dma_wait3A_217 = tpu.memref_slice %arg2[%dma_wait3A_215, %dma_wait3A_216] : memref<12288x1024xf32, #tpu.memory_space<hbm>> -> memref<12288x1024xf32, #tpu.memory_space<hbm>>
    tpu.wait_indirect_dma semaphore(%arg13 : memref<!tpu.dma_semaphore, #tpu.memory_space<semaphore_mem>>) src(%dma_wait3A_217 : memref<12288x1024xf32, #tpu.memory_space<hbm>>) dst(%arg10 : memref<16x1024xf32, #tpu.memory_space<vmem>>)
    %dma_wait3A_218 = arith.constant 112 : i32
    %dma_wait3A_219 = tpu.memref_slice %arg7[%dma_wait3A_218] : memref<128xi32, #tpu.memory_space<vmem>> -> memref<16xi32, #tpu.memory_space<vmem>>
    %dma_wait3A_220 = arith.constant 0 : i32
    %dma_wait3A_221 = arith.constant 0 : i32
    %dma_wait3A_222 = tpu.memref_slice %arg2[%dma_wait3A_220, %dma_wait3A_221] : memref<12288x1024xf32, #tpu.memory_space<hbm>> -> memref<12288x1024xf32, #tpu.memory_space<hbm>>
    tpu.wait_indirect_dma semaphore(%arg13 : memref<!tpu.dma_semaphore, #tpu.memory_space<semaphore_mem>>) src(%dma_wait3A_222 : memref<12288x1024xf32, #tpu.memory_space<hbm>>) dst(%arg11 : memref<16x1024xf32, #tpu.memory_space<vmem>>)
    %scan3A_223 = arith.constant 0 : i32
    %scan3A_224 = arith.constant 0 : i32
    %scan3A_225 = arith.constant 16 : i32
    %scan3A_226 = arith.addi %scan3A_224, %scan3A_225 : i32
    %scan3A_227 = arith.constant 1 : i32
    %scan3A_228 = scf.for %scan3A_232 = %scan3A_224 to %scan3A_226 step %scan3A_227 iter_args(%scan3A_233 = %scan3A_223) -> (i32)  : i32 {
      %scan3A_234 = arith.constant 0 : i32
      %scan3A_235 = arith.constant 0 : i32
      %scan3A_236 = arith.constant 64 : i32
      %scan3A_237 = arith.addi %scan3A_235, %scan3A_236 : i32
      %scan3A_238 = arith.constant 1 : i32
      %scan3A_239 = scf.for %scan3A_242 = %scan3A_235 to %scan3A_237 step %scan3A_238 iter_args(%scan3A_243 = %scan3A_234) -> (i32)  : i32 {
        %mul3A_244 = arith.constant 16 : i32
        %mul3A_245 = arith.muli %scan3A_242, %mul3A_244 : i32
        %get3A = arith.index_cast %scan3A_232 : i32 to index
        %get3A_246 = arith.index_cast %mul3A_245 : i32 to index
        %get3A_247 = tpu.vector_load %arg10[%get3A, %get3A_246] {strides = array<i32>} : memref<16x1024xf32, #tpu.memory_space<vmem>>, vector<16xf32>,
        %get3A_248 = arith.index_cast %scan3A_232 : i32 to index
        %get3A_249 = arith.index_cast %mul3A_245 : i32 to index
        %get3A_250 = tpu.vector_load %arg11[%get3A_248, %get3A_249] {strides = array<i32>} : memref<16x1024xf32, #tpu.memory_space<vmem>>, vector<16xf32>,
        %add3A_251 = arith.addf %get3A_247, %get3A_250 : vector<16xf32>
        %swap3A = arith.index_cast %scan3A_232 : i32 to index
        %swap3A_252 = arith.index_cast %mul3A_245 : i32 to index
        %swap3A_253 = tpu.vector_load %arg10[%swap3A, %swap3A_252] {strides = array<i32>} : memref<16x1024xf32, #tpu.memory_space<vmem>>, vector<16xf32>,
        tpu.vector_store %arg10[%swap3A, %swap3A_252], %add3A_251 {strides = array<i32>} : memref<16x1024xf32, #tpu.memory_space<vmem>>, vector<16xf32>,
        %scan3A_254 = arith.constant 0 : i32
        scf.yield %scan3A_254 : i32
      }
      %scan3A_240 = arith.constant 64 : i32
      %scan3A_241 = arith.constant 0 : i32
      scf.yield %scan3A_241 : i32
    }
    %scan3A_229 = arith.constant 16 : i32
    %add3A_230 = arith.constant 112 : i32
    %add3A_231 = arith.addi %mul3A_2, %add3A_230 : i32
    "tpu.region"() ({
      %run_scoped3A = tpu.sem_alloc : memref<!tpu.dma_semaphore, #tpu.memory_space<semaphore_mem>>
      %dma_start3A_232 = arith.constant 0 : i32
      %dma_start3A_233 = tpu.memref_slice %arg5[%add3A_231, %dma_start3A_232] : memref<4096x1024xf32, #tpu.memory_space<hbm>> -> memref<16x1024xf32, #tpu.memory_space<hbm>>
      %dma_start3A_234 = arith.constant 0 : i32
      %dma_start3A_235 = tpu.memref_slice %arg5[%add3A_231, %dma_start3A_234] : memref<4096x1024xf32, #tpu.memory_space<hbm>> -> memref<16x1024xf32, #tpu.memory_space<hbm>>
      tpu.enqueue_dma source(%arg10 : memref<16x1024xf32, #tpu.memory_space<vmem>>) target(%dma_start3A_235 : memref<16x1024xf32, #tpu.memory_space<hbm>>) target_semaphore(%run_scoped3A : memref<!tpu.dma_semaphore, #tpu.memory_space<semaphore_mem>>)
      %dma_wait3A_236 = arith.constant 0 : i32
      %dma_wait3A_237 = tpu.memref_slice %arg5[%add3A_231, %dma_wait3A_236] : memref<4096x1024xf32, #tpu.memory_space<hbm>> -> memref<16x1024xf32, #tpu.memory_space<hbm>>
      %dma_wait3A_238 = arith.constant 0 : i32
      %dma_wait3A_239 = tpu.memref_slice %arg5[%add3A_231, %dma_wait3A_238] : memref<4096x1024xf32, #tpu.memory_space<hbm>> -> memref<16x1024xf32, #tpu.memory_space<hbm>>
      tpu.wait_dma2 semaphore(%run_scoped3A : memref<!tpu.dma_semaphore, #tpu.memory_space<semaphore_mem>>) src(%arg10 : memref<16x1024xf32, #tpu.memory_space<vmem>>) dst(%dma_wait3A_239 : memref<16x1024xf32, #tpu.memory_space<hbm>>)
      tpu.yield
    }) : () -> ()
    return
  }
}

#map = affine_map<(d0, d1) -> (0, 0)>
#map1 = affine_map<(d0, d1) -> (0)>
module attributes {stable_mosaic.version = 14 : i64} {
  func.func @k(%arg0: i32, %arg1: i32, %arg2: memref<4096x1024xf32, #tpu.memory_space<hbm>>, %arg3: memref<12288xi32, #tpu.memory_space<hbm>>, %arg4: memref<12288x1024xf32, #tpu.memory_space<hbm>>, %arg5: memref<384xi32, #tpu.memory_space<vmem>>, %arg6: memref<48x1024xf32, #tpu.memory_space<vmem>>, %arg7: memref<48x1024xf32, #tpu.memory_space<vmem>>, %arg8: memref<!tpu.dma_semaphore, #tpu.memory_space<semaphore_mem>>, %arg9: memref<!tpu.dma_semaphore, #tpu.memory_space<semaphore_mem>>) attributes {dimension_semantics = [#tpu.dimension_semantics<core_parallel>, #tpu.dimension_semantics<subcore_parallel>], iteration_bounds = array<i64: 2, 16>, scalar_prefetch = 0 : i64, scratch_operands = 5 : i64, tpu.core_type = #tpu.core_type<sc_vector_subcore>, window_params = [{transform_indices = #map}, {transform_indices = #map1}, {transform_indices = #map}]} {
    %mul3A = arith.constant 2 : i32
    %mul3A_0 = arith.muli %arg1, %mul3A : i32
    %add3A = arith.addi %mul3A_0, %arg0 : i32
    %mul3A_1 = arith.constant 384 : i32
    %mul3A_2 = arith.muli %add3A, %mul3A_1 : i32
    "tpu.region"() ({
      %run_scoped3A = tpu.sem_alloc : memref<!tpu.dma_semaphore, #tpu.memory_space<semaphore_mem>>
      %dma_start3A_97 = tpu.memref_slice %arg3[%mul3A_2] : memref<12288xi32, #tpu.memory_space<hbm>> -> memref<384xi32, #tpu.memory_space<hbm>>
      %dma_start3A_98 = tpu.memref_slice %arg3[%mul3A_2] : memref<12288xi32, #tpu.memory_space<hbm>> -> memref<384xi32, #tpu.memory_space<hbm>>
      tpu.enqueue_dma source(%dma_start3A_98 : memref<384xi32, #tpu.memory_space<hbm>>) target(%arg5 : memref<384xi32, #tpu.memory_space<vmem>>) target_semaphore(%run_scoped3A : memref<!tpu.dma_semaphore, #tpu.memory_space<semaphore_mem>>)
      %dma_wait3A_99 = tpu.memref_slice %arg3[%mul3A_2] : memref<12288xi32, #tpu.memory_space<hbm>> -> memref<384xi32, #tpu.memory_space<hbm>>
      %dma_wait3A_100 = tpu.memref_slice %arg3[%mul3A_2] : memref<12288xi32, #tpu.memory_space<hbm>> -> memref<384xi32, #tpu.memory_space<hbm>>
      tpu.wait_dma2 semaphore(%run_scoped3A : memref<!tpu.dma_semaphore, #tpu.memory_space<semaphore_mem>>) src(%dma_wait3A_100 : memref<384xi32, #tpu.memory_space<hbm>>) dst(%arg5 : memref<384xi32, #tpu.memory_space<vmem>>)
      tpu.yield
    }) : () -> ()
    %dma_start3A = arith.constant 0 : i32
    %dma_start3A_3 = tpu.memref_slice %arg5[%dma_start3A] : memref<384xi32, #tpu.memory_space<vmem>> -> memref<48xi32, #tpu.memory_space<vmem>>
    %dma_start3A_4 = arith.constant 0 : i32
    %dma_start3A_5 = arith.constant 0 : i32
    %dma_start3A_6 = tpu.memref_slice %arg2[%dma_start3A_4, %dma_start3A_5] : memref<4096x1024xf32, #tpu.memory_space<hbm>> -> memref<4096x1024xf32, #tpu.memory_space<hbm>>
    tpu.enqueue_indirect_dma source(%dma_start3A_6 : memref<4096x1024xf32, #tpu.memory_space<hbm>>) target(%arg6 : memref<48x1024xf32, #tpu.memory_space<vmem>>) offsets(%dma_start3A_3 : memref<48xi32, #tpu.memory_space<vmem>>) semaphore(%arg8 : memref<!tpu.dma_semaphore, #tpu.memory_space<semaphore_mem>>)
    %dma_start3A_7 = arith.constant 48 : i32
    %dma_start3A_8 = tpu.memref_slice %arg5[%dma_start3A_7] : memref<384xi32, #tpu.memory_space<vmem>> -> memref<48xi32, #tpu.memory_space<vmem>>
    %dma_start3A_9 = arith.constant 0 : i32
    %dma_start3A_10 = arith.constant 0 : i32
    %dma_start3A_11 = tpu.memref_slice %arg2[%dma_start3A_9, %dma_start3A_10] : memref<4096x1024xf32, #tpu.memory_space<hbm>> -> memref<4096x1024xf32, #tpu.memory_space<hbm>>
    tpu.enqueue_indirect_dma source(%dma_start3A_11 : memref<4096x1024xf32, #tpu.memory_space<hbm>>) target(%arg7 : memref<48x1024xf32, #tpu.memory_space<vmem>>) offsets(%dma_start3A_8 : memref<48xi32, #tpu.memory_space<vmem>>) semaphore(%arg9 : memref<!tpu.dma_semaphore, #tpu.memory_space<semaphore_mem>>)
    %dma_wait3A = arith.constant 0 : i32
    %dma_wait3A_12 = tpu.memref_slice %arg5[%dma_wait3A] : memref<384xi32, #tpu.memory_space<vmem>> -> memref<48xi32, #tpu.memory_space<vmem>>
    %dma_wait3A_13 = arith.constant 0 : i32
    %dma_wait3A_14 = arith.constant 0 : i32
    %dma_wait3A_15 = tpu.memref_slice %arg2[%dma_wait3A_13, %dma_wait3A_14] : memref<4096x1024xf32, #tpu.memory_space<hbm>> -> memref<4096x1024xf32, #tpu.memory_space<hbm>>
    tpu.wait_indirect_dma semaphore(%arg8 : memref<!tpu.dma_semaphore, #tpu.memory_space<semaphore_mem>>) src(%dma_wait3A_15 : memref<4096x1024xf32, #tpu.memory_space<hbm>>) dst(%arg6 : memref<48x1024xf32, #tpu.memory_space<vmem>>)
    %add3A_16 = arith.constant 0 : i32
    %add3A_17 = arith.addi %mul3A_2, %add3A_16 : i32
    "tpu.region"() ({
      %run_scoped3A = tpu.sem_alloc : memref<!tpu.dma_semaphore, #tpu.memory_space<semaphore_mem>>
      %dma_start3A_97 = arith.constant 0 : i32
      %dma_start3A_98 = tpu.memref_slice %arg4[%add3A_17, %dma_start3A_97] : memref<12288x1024xf32, #tpu.memory_space<hbm>> -> memref<48x1024xf32, #tpu.memory_space<hbm>>
      %dma_start3A_99 = arith.constant 0 : i32
      %dma_start3A_100 = tpu.memref_slice %arg4[%add3A_17, %dma_start3A_99] : memref<12288x1024xf32, #tpu.memory_space<hbm>> -> memref<48x1024xf32, #tpu.memory_space<hbm>>
      tpu.enqueue_dma source(%arg6 : memref<48x1024xf32, #tpu.memory_space<vmem>>) target(%dma_start3A_100 : memref<48x1024xf32, #tpu.memory_space<hbm>>) target_semaphore(%run_scoped3A : memref<!tpu.dma_semaphore, #tpu.memory_space<semaphore_mem>>)
      %dma_wait3A_101 = arith.constant 0 : i32
      %dma_wait3A_102 = tpu.memref_slice %arg4[%add3A_17, %dma_wait3A_101] : memref<12288x1024xf32, #tpu.memory_space<hbm>> -> memref<48x1024xf32, #tpu.memory_space<hbm>>
      %dma_wait3A_103 = arith.constant 0 : i32
      %dma_wait3A_104 = tpu.memref_slice %arg4[%add3A_17, %dma_wait3A_103] : memref<12288x1024xf32, #tpu.memory_space<hbm>> -> memref<48x1024xf32, #tpu.memory_space<hbm>>
      tpu.wait_dma2 semaphore(%run_scoped3A : memref<!tpu.dma_semaphore, #tpu.memory_space<semaphore_mem>>) src(%arg6 : memref<48x1024xf32, #tpu.memory_space<vmem>>) dst(%dma_wait3A_104 : memref<48x1024xf32, #tpu.memory_space<hbm>>)
      tpu.yield
    }) : () -> ()
    %dma_start3A_18 = arith.constant 96 : i32
    %dma_start3A_19 = tpu.memref_slice %arg5[%dma_start3A_18] : memref<384xi32, #tpu.memory_space<vmem>> -> memref<48xi32, #tpu.memory_space<vmem>>
    %dma_start3A_20 = arith.constant 0 : i32
    %dma_start3A_21 = arith.constant 0 : i32
    %dma_start3A_22 = tpu.memref_slice %arg2[%dma_start3A_20, %dma_start3A_21] : memref<4096x1024xf32, #tpu.memory_space<hbm>> -> memref<4096x1024xf32, #tpu.memory_space<hbm>>
    tpu.enqueue_indirect_dma source(%dma_start3A_22 : memref<4096x1024xf32, #tpu.memory_space<hbm>>) target(%arg6 : memref<48x1024xf32, #tpu.memory_space<vmem>>) offsets(%dma_start3A_19 : memref<48xi32, #tpu.memory_space<vmem>>) semaphore(%arg8 : memref<!tpu.dma_semaphore, #tpu.memory_space<semaphore_mem>>)
    %dma_wait3A_23 = arith.constant 48 : i32
    %dma_wait3A_24 = tpu.memref_slice %arg5[%dma_wait3A_23] : memref<384xi32, #tpu.memory_space<vmem>> -> memref<48xi32, #tpu.memory_space<vmem>>
    %dma_wait3A_25 = arith.constant 0 : i32
    %dma_wait3A_26 = arith.constant 0 : i32
    %dma_wait3A_27 = tpu.memref_slice %arg2[%dma_wait3A_25, %dma_wait3A_26] : memref<4096x1024xf32, #tpu.memory_space<hbm>> -> memref<4096x1024xf32, #tpu.memory_space<hbm>>
    tpu.wait_indirect_dma semaphore(%arg9 : memref<!tpu.dma_semaphore, #tpu.memory_space<semaphore_mem>>) src(%dma_wait3A_27 : memref<4096x1024xf32, #tpu.memory_space<hbm>>) dst(%arg7 : memref<48x1024xf32, #tpu.memory_space<vmem>>)
    %add3A_28 = arith.constant 48 : i32
    %add3A_29 = arith.addi %mul3A_2, %add3A_28 : i32
    "tpu.region"() ({
      %run_scoped3A = tpu.sem_alloc : memref<!tpu.dma_semaphore, #tpu.memory_space<semaphore_mem>>
      %dma_start3A_97 = arith.constant 0 : i32
      %dma_start3A_98 = tpu.memref_slice %arg4[%add3A_29, %dma_start3A_97] : memref<12288x1024xf32, #tpu.memory_space<hbm>> -> memref<48x1024xf32, #tpu.memory_space<hbm>>
      %dma_start3A_99 = arith.constant 0 : i32
      %dma_start3A_100 = tpu.memref_slice %arg4[%add3A_29, %dma_start3A_99] : memref<12288x1024xf32, #tpu.memory_space<hbm>> -> memref<48x1024xf32, #tpu.memory_space<hbm>>
      tpu.enqueue_dma source(%arg7 : memref<48x1024xf32, #tpu.memory_space<vmem>>) target(%dma_start3A_100 : memref<48x1024xf32, #tpu.memory_space<hbm>>) target_semaphore(%run_scoped3A : memref<!tpu.dma_semaphore, #tpu.memory_space<semaphore_mem>>)
      %dma_wait3A_101 = arith.constant 0 : i32
      %dma_wait3A_102 = tpu.memref_slice %arg4[%add3A_29, %dma_wait3A_101] : memref<12288x1024xf32, #tpu.memory_space<hbm>> -> memref<48x1024xf32, #tpu.memory_space<hbm>>
      %dma_wait3A_103 = arith.constant 0 : i32
      %dma_wait3A_104 = tpu.memref_slice %arg4[%add3A_29, %dma_wait3A_103] : memref<12288x1024xf32, #tpu.memory_space<hbm>> -> memref<48x1024xf32, #tpu.memory_space<hbm>>
      tpu.wait_dma2 semaphore(%run_scoped3A : memref<!tpu.dma_semaphore, #tpu.memory_space<semaphore_mem>>) src(%arg7 : memref<48x1024xf32, #tpu.memory_space<vmem>>) dst(%dma_wait3A_104 : memref<48x1024xf32, #tpu.memory_space<hbm>>)
      tpu.yield
    }) : () -> ()
    %dma_start3A_30 = arith.constant 144 : i32
    %dma_start3A_31 = tpu.memref_slice %arg5[%dma_start3A_30] : memref<384xi32, #tpu.memory_space<vmem>> -> memref<48xi32, #tpu.memory_space<vmem>>
    %dma_start3A_32 = arith.constant 0 : i32
    %dma_start3A_33 = arith.constant 0 : i32
    %dma_start3A_34 = tpu.memref_slice %arg2[%dma_start3A_32, %dma_start3A_33] : memref<4096x1024xf32, #tpu.memory_space<hbm>> -> memref<4096x1024xf32, #tpu.memory_space<hbm>>
    tpu.enqueue_indirect_dma source(%dma_start3A_34 : memref<4096x1024xf32, #tpu.memory_space<hbm>>) target(%arg7 : memref<48x1024xf32, #tpu.memory_space<vmem>>) offsets(%dma_start3A_31 : memref<48xi32, #tpu.memory_space<vmem>>) semaphore(%arg9 : memref<!tpu.dma_semaphore, #tpu.memory_space<semaphore_mem>>)
    %dma_wait3A_35 = arith.constant 96 : i32
    %dma_wait3A_36 = tpu.memref_slice %arg5[%dma_wait3A_35] : memref<384xi32, #tpu.memory_space<vmem>> -> memref<48xi32, #tpu.memory_space<vmem>>
    %dma_wait3A_37 = arith.constant 0 : i32
    %dma_wait3A_38 = arith.constant 0 : i32
    %dma_wait3A_39 = tpu.memref_slice %arg2[%dma_wait3A_37, %dma_wait3A_38] : memref<4096x1024xf32, #tpu.memory_space<hbm>> -> memref<4096x1024xf32, #tpu.memory_space<hbm>>
    tpu.wait_indirect_dma semaphore(%arg8 : memref<!tpu.dma_semaphore, #tpu.memory_space<semaphore_mem>>) src(%dma_wait3A_39 : memref<4096x1024xf32, #tpu.memory_space<hbm>>) dst(%arg6 : memref<48x1024xf32, #tpu.memory_space<vmem>>)
    %add3A_40 = arith.constant 96 : i32
    %add3A_41 = arith.addi %mul3A_2, %add3A_40 : i32
    "tpu.region"() ({
      %run_scoped3A = tpu.sem_alloc : memref<!tpu.dma_semaphore, #tpu.memory_space<semaphore_mem>>
      %dma_start3A_97 = arith.constant 0 : i32
      %dma_start3A_98 = tpu.memref_slice %arg4[%add3A_41, %dma_start3A_97] : memref<12288x1024xf32, #tpu.memory_space<hbm>> -> memref<48x1024xf32, #tpu.memory_space<hbm>>
      %dma_start3A_99 = arith.constant 0 : i32
      %dma_start3A_100 = tpu.memref_slice %arg4[%add3A_41, %dma_start3A_99] : memref<12288x1024xf32, #tpu.memory_space<hbm>> -> memref<48x1024xf32, #tpu.memory_space<hbm>>
      tpu.enqueue_dma source(%arg6 : memref<48x1024xf32, #tpu.memory_space<vmem>>) target(%dma_start3A_100 : memref<48x1024xf32, #tpu.memory_space<hbm>>) target_semaphore(%run_scoped3A : memref<!tpu.dma_semaphore, #tpu.memory_space<semaphore_mem>>)
      %dma_wait3A_101 = arith.constant 0 : i32
      %dma_wait3A_102 = tpu.memref_slice %arg4[%add3A_41, %dma_wait3A_101] : memref<12288x1024xf32, #tpu.memory_space<hbm>> -> memref<48x1024xf32, #tpu.memory_space<hbm>>
      %dma_wait3A_103 = arith.constant 0 : i32
      %dma_wait3A_104 = tpu.memref_slice %arg4[%add3A_41, %dma_wait3A_103] : memref<12288x1024xf32, #tpu.memory_space<hbm>> -> memref<48x1024xf32, #tpu.memory_space<hbm>>
      tpu.wait_dma2 semaphore(%run_scoped3A : memref<!tpu.dma_semaphore, #tpu.memory_space<semaphore_mem>>) src(%arg6 : memref<48x1024xf32, #tpu.memory_space<vmem>>) dst(%dma_wait3A_104 : memref<48x1024xf32, #tpu.memory_space<hbm>>)
      tpu.yield
    }) : () -> ()
    %dma_start3A_42 = arith.constant 192 : i32
    %dma_start3A_43 = tpu.memref_slice %arg5[%dma_start3A_42] : memref<384xi32, #tpu.memory_space<vmem>> -> memref<48xi32, #tpu.memory_space<vmem>>
    %dma_start3A_44 = arith.constant 0 : i32
    %dma_start3A_45 = arith.constant 0 : i32
    %dma_start3A_46 = tpu.memref_slice %arg2[%dma_start3A_44, %dma_start3A_45] : memref<4096x1024xf32, #tpu.memory_space<hbm>> -> memref<4096x1024xf32, #tpu.memory_space<hbm>>
    tpu.enqueue_indirect_dma source(%dma_start3A_46 : memref<4096x1024xf32, #tpu.memory_space<hbm>>) target(%arg6 : memref<48x1024xf32, #tpu.memory_space<vmem>>) offsets(%dma_start3A_43 : memref<48xi32, #tpu.memory_space<vmem>>) semaphore(%arg8 : memref<!tpu.dma_semaphore, #tpu.memory_space<semaphore_mem>>)
    %dma_wait3A_47 = arith.constant 144 : i32
    %dma_wait3A_48 = tpu.memref_slice %arg5[%dma_wait3A_47] : memref<384xi32, #tpu.memory_space<vmem>> -> memref<48xi32, #tpu.memory_space<vmem>>
    %dma_wait3A_49 = arith.constant 0 : i32
    %dma_wait3A_50 = arith.constant 0 : i32
    %dma_wait3A_51 = tpu.memref_slice %arg2[%dma_wait3A_49, %dma_wait3A_50] : memref<4096x1024xf32, #tpu.memory_space<hbm>> -> memref<4096x1024xf32, #tpu.memory_space<hbm>>
    tpu.wait_indirect_dma semaphore(%arg9 : memref<!tpu.dma_semaphore, #tpu.memory_space<semaphore_mem>>) src(%dma_wait3A_51 : memref<4096x1024xf32, #tpu.memory_space<hbm>>) dst(%arg7 : memref<48x1024xf32, #tpu.memory_space<vmem>>)
    %add3A_52 = arith.constant 144 : i32
    %add3A_53 = arith.addi %mul3A_2, %add3A_52 : i32
    "tpu.region"() ({
      %run_scoped3A = tpu.sem_alloc : memref<!tpu.dma_semaphore, #tpu.memory_space<semaphore_mem>>
      %dma_start3A_97 = arith.constant 0 : i32
      %dma_start3A_98 = tpu.memref_slice %arg4[%add3A_53, %dma_start3A_97] : memref<12288x1024xf32, #tpu.memory_space<hbm>> -> memref<48x1024xf32, #tpu.memory_space<hbm>>
      %dma_start3A_99 = arith.constant 0 : i32
      %dma_start3A_100 = tpu.memref_slice %arg4[%add3A_53, %dma_start3A_99] : memref<12288x1024xf32, #tpu.memory_space<hbm>> -> memref<48x1024xf32, #tpu.memory_space<hbm>>
      tpu.enqueue_dma source(%arg7 : memref<48x1024xf32, #tpu.memory_space<vmem>>) target(%dma_start3A_100 : memref<48x1024xf32, #tpu.memory_space<hbm>>) target_semaphore(%run_scoped3A : memref<!tpu.dma_semaphore, #tpu.memory_space<semaphore_mem>>)
      %dma_wait3A_101 = arith.constant 0 : i32
      %dma_wait3A_102 = tpu.memref_slice %arg4[%add3A_53, %dma_wait3A_101] : memref<12288x1024xf32, #tpu.memory_space<hbm>> -> memref<48x1024xf32, #tpu.memory_space<hbm>>
      %dma_wait3A_103 = arith.constant 0 : i32
      %dma_wait3A_104 = tpu.memref_slice %arg4[%add3A_53, %dma_wait3A_103] : memref<12288x1024xf32, #tpu.memory_space<hbm>> -> memref<48x1024xf32, #tpu.memory_space<hbm>>
      tpu.wait_dma2 semaphore(%run_scoped3A : memref<!tpu.dma_semaphore, #tpu.memory_space<semaphore_mem>>) src(%arg7 : memref<48x1024xf32, #tpu.memory_space<vmem>>) dst(%dma_wait3A_104 : memref<48x1024xf32, #tpu.memory_space<hbm>>)
      tpu.yield
    }) : () -> ()
    %dma_start3A_54 = arith.constant 240 : i32
    %dma_start3A_55 = tpu.memref_slice %arg5[%dma_start3A_54] : memref<384xi32, #tpu.memory_space<vmem>> -> memref<48xi32, #tpu.memory_space<vmem>>
    %dma_start3A_56 = arith.constant 0 : i32
    %dma_start3A_57 = arith.constant 0 : i32
    %dma_start3A_58 = tpu.memref_slice %arg2[%dma_start3A_56, %dma_start3A_57] : memref<4096x1024xf32, #tpu.memory_space<hbm>> -> memref<4096x1024xf32, #tpu.memory_space<hbm>>
    tpu.enqueue_indirect_dma source(%dma_start3A_58 : memref<4096x1024xf32, #tpu.memory_space<hbm>>) target(%arg7 : memref<48x1024xf32, #tpu.memory_space<vmem>>) offsets(%dma_start3A_55 : memref<48xi32, #tpu.memory_space<vmem>>) semaphore(%arg9 : memref<!tpu.dma_semaphore, #tpu.memory_space<semaphore_mem>>)
    %dma_wait3A_59 = arith.constant 192 : i32
    %dma_wait3A_60 = tpu.memref_slice %arg5[%dma_wait3A_59] : memref<384xi32, #tpu.memory_space<vmem>> -> memref<48xi32, #tpu.memory_space<vmem>>
    %dma_wait3A_61 = arith.constant 0 : i32
    %dma_wait3A_62 = arith.constant 0 : i32
    %dma_wait3A_63 = tpu.memref_slice %arg2[%dma_wait3A_61, %dma_wait3A_62] : memref<4096x1024xf32, #tpu.memory_space<hbm>> -> memref<4096x1024xf32, #tpu.memory_space<hbm>>
    tpu.wait_indirect_dma semaphore(%arg8 : memref<!tpu.dma_semaphore, #tpu.memory_space<semaphore_mem>>) src(%dma_wait3A_63 : memref<4096x1024xf32, #tpu.memory_space<hbm>>) dst(%arg6 : memref<48x1024xf32, #tpu.memory_space<vmem>>)
    %add3A_64 = arith.constant 192 : i32
    %add3A_65 = arith.addi %mul3A_2, %add3A_64 : i32
    "tpu.region"() ({
      %run_scoped3A = tpu.sem_alloc : memref<!tpu.dma_semaphore, #tpu.memory_space<semaphore_mem>>
      %dma_start3A_97 = arith.constant 0 : i32
      %dma_start3A_98 = tpu.memref_slice %arg4[%add3A_65, %dma_start3A_97] : memref<12288x1024xf32, #tpu.memory_space<hbm>> -> memref<48x1024xf32, #tpu.memory_space<hbm>>
      %dma_start3A_99 = arith.constant 0 : i32
      %dma_start3A_100 = tpu.memref_slice %arg4[%add3A_65, %dma_start3A_99] : memref<12288x1024xf32, #tpu.memory_space<hbm>> -> memref<48x1024xf32, #tpu.memory_space<hbm>>
      tpu.enqueue_dma source(%arg6 : memref<48x1024xf32, #tpu.memory_space<vmem>>) target(%dma_start3A_100 : memref<48x1024xf32, #tpu.memory_space<hbm>>) target_semaphore(%run_scoped3A : memref<!tpu.dma_semaphore, #tpu.memory_space<semaphore_mem>>)
      %dma_wait3A_101 = arith.constant 0 : i32
      %dma_wait3A_102 = tpu.memref_slice %arg4[%add3A_65, %dma_wait3A_101] : memref<12288x1024xf32, #tpu.memory_space<hbm>> -> memref<48x1024xf32, #tpu.memory_space<hbm>>
      %dma_wait3A_103 = arith.constant 0 : i32
      %dma_wait3A_104 = tpu.memref_slice %arg4[%add3A_65, %dma_wait3A_103] : memref<12288x1024xf32, #tpu.memory_space<hbm>> -> memref<48x1024xf32, #tpu.memory_space<hbm>>
      tpu.wait_dma2 semaphore(%run_scoped3A : memref<!tpu.dma_semaphore, #tpu.memory_space<semaphore_mem>>) src(%arg6 : memref<48x1024xf32, #tpu.memory_space<vmem>>) dst(%dma_wait3A_104 : memref<48x1024xf32, #tpu.memory_space<hbm>>)
      tpu.yield
    }) : () -> ()
    %dma_start3A_66 = arith.constant 288 : i32
    %dma_start3A_67 = tpu.memref_slice %arg5[%dma_start3A_66] : memref<384xi32, #tpu.memory_space<vmem>> -> memref<48xi32, #tpu.memory_space<vmem>>
    %dma_start3A_68 = arith.constant 0 : i32
    %dma_start3A_69 = arith.constant 0 : i32
    %dma_start3A_70 = tpu.memref_slice %arg2[%dma_start3A_68, %dma_start3A_69] : memref<4096x1024xf32, #tpu.memory_space<hbm>> -> memref<4096x1024xf32, #tpu.memory_space<hbm>>
    tpu.enqueue_indirect_dma source(%dma_start3A_70 : memref<4096x1024xf32, #tpu.memory_space<hbm>>) target(%arg6 : memref<48x1024xf32, #tpu.memory_space<vmem>>) offsets(%dma_start3A_67 : memref<48xi32, #tpu.memory_space<vmem>>) semaphore(%arg8 : memref<!tpu.dma_semaphore, #tpu.memory_space<semaphore_mem>>)
    %dma_wait3A_71 = arith.constant 240 : i32
    %dma_wait3A_72 = tpu.memref_slice %arg5[%dma_wait3A_71] : memref<384xi32, #tpu.memory_space<vmem>> -> memref<48xi32, #tpu.memory_space<vmem>>
    %dma_wait3A_73 = arith.constant 0 : i32
    %dma_wait3A_74 = arith.constant 0 : i32
    %dma_wait3A_75 = tpu.memref_slice %arg2[%dma_wait3A_73, %dma_wait3A_74] : memref<4096x1024xf32, #tpu.memory_space<hbm>> -> memref<4096x1024xf32, #tpu.memory_space<hbm>>
    tpu.wait_indirect_dma semaphore(%arg9 : memref<!tpu.dma_semaphore, #tpu.memory_space<semaphore_mem>>) src(%dma_wait3A_75 : memref<4096x1024xf32, #tpu.memory_space<hbm>>) dst(%arg7 : memref<48x1024xf32, #tpu.memory_space<vmem>>)
    %add3A_76 = arith.constant 240 : i32
    %add3A_77 = arith.addi %mul3A_2, %add3A_76 : i32
    "tpu.region"() ({
      %run_scoped3A = tpu.sem_alloc : memref<!tpu.dma_semaphore, #tpu.memory_space<semaphore_mem>>
      %dma_start3A_97 = arith.constant 0 : i32
      %dma_start3A_98 = tpu.memref_slice %arg4[%add3A_77, %dma_start3A_97] : memref<12288x1024xf32, #tpu.memory_space<hbm>> -> memref<48x1024xf32, #tpu.memory_space<hbm>>
      %dma_start3A_99 = arith.constant 0 : i32
      %dma_start3A_100 = tpu.memref_slice %arg4[%add3A_77, %dma_start3A_99] : memref<12288x1024xf32, #tpu.memory_space<hbm>> -> memref<48x1024xf32, #tpu.memory_space<hbm>>
      tpu.enqueue_dma source(%arg7 : memref<48x1024xf32, #tpu.memory_space<vmem>>) target(%dma_start3A_100 : memref<48x1024xf32, #tpu.memory_space<hbm>>) target_semaphore(%run_scoped3A : memref<!tpu.dma_semaphore, #tpu.memory_space<semaphore_mem>>)
      %dma_wait3A_101 = arith.constant 0 : i32
      %dma_wait3A_102 = tpu.memref_slice %arg4[%add3A_77, %dma_wait3A_101] : memref<12288x1024xf32, #tpu.memory_space<hbm>> -> memref<48x1024xf32, #tpu.memory_space<hbm>>
      %dma_wait3A_103 = arith.constant 0 : i32
      %dma_wait3A_104 = tpu.memref_slice %arg4[%add3A_77, %dma_wait3A_103] : memref<12288x1024xf32, #tpu.memory_space<hbm>> -> memref<48x1024xf32, #tpu.memory_space<hbm>>
      tpu.wait_dma2 semaphore(%run_scoped3A : memref<!tpu.dma_semaphore, #tpu.memory_space<semaphore_mem>>) src(%arg7 : memref<48x1024xf32, #tpu.memory_space<vmem>>) dst(%dma_wait3A_104 : memref<48x1024xf32, #tpu.memory_space<hbm>>)
      tpu.yield
    }) : () -> ()
    %dma_start3A_78 = arith.constant 336 : i32
    %dma_start3A_79 = tpu.memref_slice %arg5[%dma_start3A_78] : memref<384xi32, #tpu.memory_space<vmem>> -> memref<48xi32, #tpu.memory_space<vmem>>
    %dma_start3A_80 = arith.constant 0 : i32
    %dma_start3A_81 = arith.constant 0 : i32
    %dma_start3A_82 = tpu.memref_slice %arg2[%dma_start3A_80, %dma_start3A_81] : memref<4096x1024xf32, #tpu.memory_space<hbm>> -> memref<4096x1024xf32, #tpu.memory_space<hbm>>
    tpu.enqueue_indirect_dma source(%dma_start3A_82 : memref<4096x1024xf32, #tpu.memory_space<hbm>>) target(%arg7 : memref<48x1024xf32, #tpu.memory_space<vmem>>) offsets(%dma_start3A_79 : memref<48xi32, #tpu.memory_space<vmem>>) semaphore(%arg9 : memref<!tpu.dma_semaphore, #tpu.memory_space<semaphore_mem>>)
    %dma_wait3A_83 = arith.constant 288 : i32
    %dma_wait3A_84 = tpu.memref_slice %arg5[%dma_wait3A_83] : memref<384xi32, #tpu.memory_space<vmem>> -> memref<48xi32, #tpu.memory_space<vmem>>
    %dma_wait3A_85 = arith.constant 0 : i32
    %dma_wait3A_86 = arith.constant 0 : i32
    %dma_wait3A_87 = tpu.memref_slice %arg2[%dma_wait3A_85, %dma_wait3A_86] : memref<4096x1024xf32, #tpu.memory_space<hbm>> -> memref<4096x1024xf32, #tpu.memory_space<hbm>>
    tpu.wait_indirect_dma semaphore(%arg8 : memref<!tpu.dma_semaphore, #tpu.memory_space<semaphore_mem>>) src(%dma_wait3A_87 : memref<4096x1024xf32, #tpu.memory_space<hbm>>) dst(%arg6 : memref<48x1024xf32, #tpu.memory_space<vmem>>)
    %add3A_88 = arith.constant 288 : i32
    %add3A_89 = arith.addi %mul3A_2, %add3A_88 : i32
    "tpu.region"() ({
      %run_scoped3A = tpu.sem_alloc : memref<!tpu.dma_semaphore, #tpu.memory_space<semaphore_mem>>
      %dma_start3A_97 = arith.constant 0 : i32
      %dma_start3A_98 = tpu.memref_slice %arg4[%add3A_89, %dma_start3A_97] : memref<12288x1024xf32, #tpu.memory_space<hbm>> -> memref<48x1024xf32, #tpu.memory_space<hbm>>
      %dma_start3A_99 = arith.constant 0 : i32
      %dma_start3A_100 = tpu.memref_slice %arg4[%add3A_89, %dma_start3A_99] : memref<12288x1024xf32, #tpu.memory_space<hbm>> -> memref<48x1024xf32, #tpu.memory_space<hbm>>
      tpu.enqueue_dma source(%arg6 : memref<48x1024xf32, #tpu.memory_space<vmem>>) target(%dma_start3A_100 : memref<48x1024xf32, #tpu.memory_space<hbm>>) target_semaphore(%run_scoped3A : memref<!tpu.dma_semaphore, #tpu.memory_space<semaphore_mem>>)
      %dma_wait3A_101 = arith.constant 0 : i32
      %dma_wait3A_102 = tpu.memref_slice %arg4[%add3A_89, %dma_wait3A_101] : memref<12288x1024xf32, #tpu.memory_space<hbm>> -> memref<48x1024xf32, #tpu.memory_space<hbm>>
      %dma_wait3A_103 = arith.constant 0 : i32
      %dma_wait3A_104 = tpu.memref_slice %arg4[%add3A_89, %dma_wait3A_103] : memref<12288x1024xf32, #tpu.memory_space<hbm>> -> memref<48x1024xf32, #tpu.memory_space<hbm>>
      tpu.wait_dma2 semaphore(%run_scoped3A : memref<!tpu.dma_semaphore, #tpu.memory_space<semaphore_mem>>) src(%arg6 : memref<48x1024xf32, #tpu.memory_space<vmem>>) dst(%dma_wait3A_104 : memref<48x1024xf32, #tpu.memory_space<hbm>>)
      tpu.yield
    }) : () -> ()
    %dma_wait3A_90 = arith.constant 336 : i32
    %dma_wait3A_91 = tpu.memref_slice %arg5[%dma_wait3A_90] : memref<384xi32, #tpu.memory_space<vmem>> -> memref<48xi32, #tpu.memory_space<vmem>>
    %dma_wait3A_92 = arith.constant 0 : i32
    %dma_wait3A_93 = arith.constant 0 : i32
    %dma_wait3A_94 = tpu.memref_slice %arg2[%dma_wait3A_92, %dma_wait3A_93] : memref<4096x1024xf32, #tpu.memory_space<hbm>> -> memref<4096x1024xf32, #tpu.memory_space<hbm>>
    tpu.wait_indirect_dma semaphore(%arg9 : memref<!tpu.dma_semaphore, #tpu.memory_space<semaphore_mem>>) src(%dma_wait3A_94 : memref<4096x1024xf32, #tpu.memory_space<hbm>>) dst(%arg7 : memref<48x1024xf32, #tpu.memory_space<vmem>>)
    %add3A_95 = arith.constant 336 : i32
    %add3A_96 = arith.addi %mul3A_2, %add3A_95 : i32
    "tpu.region"() ({
      %run_scoped3A = tpu.sem_alloc : memref<!tpu.dma_semaphore, #tpu.memory_space<semaphore_mem>>
      %dma_start3A_97 = arith.constant 0 : i32
      %dma_start3A_98 = tpu.memref_slice %arg4[%add3A_96, %dma_start3A_97] : memref<12288x1024xf32, #tpu.memory_space<hbm>> -> memref<48x1024xf32, #tpu.memory_space<hbm>>
      %dma_start3A_99 = arith.constant 0 : i32
      %dma_start3A_100 = tpu.memref_slice %arg4[%add3A_96, %dma_start3A_99] : memref<12288x1024xf32, #tpu.memory_space<hbm>> -> memref<48x1024xf32, #tpu.memory_space<hbm>>
      tpu.enqueue_dma source(%arg7 : memref<48x1024xf32, #tpu.memory_space<vmem>>) target(%dma_start3A_100 : memref<48x1024xf32, #tpu.memory_space<hbm>>) target_semaphore(%run_scoped3A : memref<!tpu.dma_semaphore, #tpu.memory_space<semaphore_mem>>)
      %dma_wait3A_101 = arith.constant 0 : i32
      %dma_wait3A_102 = tpu.memref_slice %arg4[%add3A_96, %dma_wait3A_101] : memref<12288x1024xf32, #tpu.memory_space<hbm>> -> memref<48x1024xf32, #tpu.memory_space<hbm>>
      %dma_wait3A_103 = arith.constant 0 : i32
      %dma_wait3A_104 = tpu.memref_slice %arg4[%add3A_96, %dma_wait3A_103] : memref<12288x1024xf32, #tpu.memory_space<hbm>> -> memref<48x1024xf32, #tpu.memory_space<hbm>>
      tpu.wait_dma2 semaphore(%run_scoped3A : memref<!tpu.dma_semaphore, #tpu.memory_space<semaphore_mem>>) src(%arg7 : memref<48x1024xf32, #tpu.memory_space<vmem>>) dst(%dma_wait3A_104 : memref<48x1024xf32, #tpu.memory_space<hbm>>)
      tpu.yield
    }) : () -> ()
    return
  }
}

#map = affine_map<(d0, d1) -> (0)>
module attributes {stable_mosaic.version = 14 : i64} {
  func.func @k(%arg0: i32, %arg1: i32, %arg2: memref<4096xi32, #tpu.memory_space<hbm>>, %arg3: memref<4096xi32, #tpu.memory_space<hbm>>, %arg4: memref<4096xi32, #tpu.memory_space<hbm>>, %arg5: memref<4096xi32, #tpu.memory_space<hbm>>, %arg6: memref<4096xf32, #tpu.memory_space<hbm>>, %arg7: memref<4096xf32, #tpu.memory_space<hbm>>, %arg8: memref<64xi32, #tpu.memory_space<hbm>>, %arg9: memref<12288xi32, #tpu.memory_space<hbm>>, %arg10: memref<12288xf32, #tpu.memory_space<hbm>>, %arg11: memref<4096xi32, #tpu.memory_space<hbm>>, %arg12: memref<4096xi32, #tpu.memory_space<hbm>>, %arg13: memref<12288xi32, #tpu.memory_space<vmem>>, %arg14: memref<12288xf32, #tpu.memory_space<vmem>>, %arg15: memref<4096xi32, #tpu.memory_space<vmem>>, %arg16: memref<4096xi32, #tpu.memory_space<vmem>>, %arg17: memref<4096xi32, #tpu.memory_space<vmem>>, %arg18: memref<4096xi32, #tpu.memory_space<vmem>>, %arg19: memref<4096xi32, #tpu.memory_space<vmem>>, %arg20: memref<4096xi32, #tpu.memory_space<vmem>>, %arg21: memref<4096xf32, #tpu.memory_space<vmem>>, %arg22: memref<4096xf32, #tpu.memory_space<vmem>>, %arg23: memref<64xi32, #tpu.memory_space<vmem>>) attributes {dimension_semantics = [#tpu.dimension_semantics<core_parallel>, #tpu.dimension_semantics<subcore_parallel>], iteration_bounds = array<i64: 2, 16>, scalar_prefetch = 0 : i64, scratch_operands = 11 : i64, tpu.core_type = #tpu.core_type<sc_vector_subcore>, window_params = [{transform_indices = #map}, {transform_indices = #map}, {transform_indices = #map}, {transform_indices = #map}, {transform_indices = #map}, {transform_indices = #map}, {transform_indices = #map}, {transform_indices = #map}, {transform_indices = #map}, {transform_indices = #map}, {transform_indices = #map}]} {
    %mul3A = arith.constant 2 : i32
    %mul3A_0 = arith.muli %arg1, %mul3A : i32
    %add3A = arith.addi %mul3A_0, %arg0 : i32
    %eq3A = arith.constant 0 : i32
    %eq3A_1 = arith.cmpi eq, %add3A, %eq3A : i32
    %convert_element_type3A = arith.extui %eq3A_1 : i1 to i32
    %cond3A = arith.constant 0 : i32
    %cond3A_2 = arith.cmpi ne, %convert_element_type3A, %cond3A : i32
    scf.if %cond3A_2 {
      "tpu.region"() ({
        %run_scoped3A = tpu.sem_alloc : memref<!tpu.dma_semaphore, #tpu.memory_space<semaphore_mem>>
        tpu.enqueue_dma source(%arg2 : memref<4096xi32, #tpu.memory_space<hbm>>) target(%arg17 : memref<4096xi32, #tpu.memory_space<vmem>>) target_semaphore(%run_scoped3A : memref<!tpu.dma_semaphore, #tpu.memory_space<semaphore_mem>>)
        tpu.wait_dma2 semaphore(%run_scoped3A : memref<!tpu.dma_semaphore, #tpu.memory_space<semaphore_mem>>) src(%arg2 : memref<4096xi32, #tpu.memory_space<hbm>>) dst(%arg17 : memref<4096xi32, #tpu.memory_space<vmem>>)
        tpu.yield
      }) : () -> ()
      "tpu.region"() ({
        %run_scoped3A = tpu.sem_alloc : memref<!tpu.dma_semaphore, #tpu.memory_space<semaphore_mem>>
        tpu.enqueue_dma source(%arg3 : memref<4096xi32, #tpu.memory_space<hbm>>) target(%arg18 : memref<4096xi32, #tpu.memory_space<vmem>>) target_semaphore(%run_scoped3A : memref<!tpu.dma_semaphore, #tpu.memory_space<semaphore_mem>>)
        tpu.wait_dma2 semaphore(%run_scoped3A : memref<!tpu.dma_semaphore, #tpu.memory_space<semaphore_mem>>) src(%arg3 : memref<4096xi32, #tpu.memory_space<hbm>>) dst(%arg18 : memref<4096xi32, #tpu.memory_space<vmem>>)
        tpu.yield
      }) : () -> ()
      "tpu.region"() ({
        %run_scoped3A = tpu.sem_alloc : memref<!tpu.dma_semaphore, #tpu.memory_space<semaphore_mem>>
        tpu.enqueue_dma source(%arg4 : memref<4096xi32, #tpu.memory_space<hbm>>) target(%arg19 : memref<4096xi32, #tpu.memory_space<vmem>>) target_semaphore(%run_scoped3A : memref<!tpu.dma_semaphore, #tpu.memory_space<semaphore_mem>>)
        tpu.wait_dma2 semaphore(%run_scoped3A : memref<!tpu.dma_semaphore, #tpu.memory_space<semaphore_mem>>) src(%arg4 : memref<4096xi32, #tpu.memory_space<hbm>>) dst(%arg19 : memref<4096xi32, #tpu.memory_space<vmem>>)
        tpu.yield
      }) : () -> ()
      "tpu.region"() ({
        %run_scoped3A = tpu.sem_alloc : memref<!tpu.dma_semaphore, #tpu.memory_space<semaphore_mem>>
        tpu.enqueue_dma source(%arg5 : memref<4096xi32, #tpu.memory_space<hbm>>) target(%arg20 : memref<4096xi32, #tpu.memory_space<vmem>>) target_semaphore(%run_scoped3A : memref<!tpu.dma_semaphore, #tpu.memory_space<semaphore_mem>>)
        tpu.wait_dma2 semaphore(%run_scoped3A : memref<!tpu.dma_semaphore, #tpu.memory_space<semaphore_mem>>) src(%arg5 : memref<4096xi32, #tpu.memory_space<hbm>>) dst(%arg20 : memref<4096xi32, #tpu.memory_space<vmem>>)
        tpu.yield
      }) : () -> ()
      "tpu.region"() ({
        %run_scoped3A = tpu.sem_alloc : memref<!tpu.dma_semaphore, #tpu.memory_space<semaphore_mem>>
        tpu.enqueue_dma source(%arg6 : memref<4096xf32, #tpu.memory_space<hbm>>) target(%arg21 : memref<4096xf32, #tpu.memory_space<vmem>>) target_semaphore(%run_scoped3A : memref<!tpu.dma_semaphore, #tpu.memory_space<semaphore_mem>>)
        tpu.wait_dma2 semaphore(%run_scoped3A : memref<!tpu.dma_semaphore, #tpu.memory_space<semaphore_mem>>) src(%arg6 : memref<4096xf32, #tpu.memory_space<hbm>>) dst(%arg21 : memref<4096xf32, #tpu.memory_space<vmem>>)
        tpu.yield
      }) : () -> ()
      "tpu.region"() ({
        %run_scoped3A = tpu.sem_alloc : memref<!tpu.dma_semaphore, #tpu.memory_space<semaphore_mem>>
        tpu.enqueue_dma source(%arg7 : memref<4096xf32, #tpu.memory_space<hbm>>) target(%arg22 : memref<4096xf32, #tpu.memory_space<vmem>>) target_semaphore(%run_scoped3A : memref<!tpu.dma_semaphore, #tpu.memory_space<semaphore_mem>>)
        tpu.wait_dma2 semaphore(%run_scoped3A : memref<!tpu.dma_semaphore, #tpu.memory_space<semaphore_mem>>) src(%arg7 : memref<4096xf32, #tpu.memory_space<hbm>>) dst(%arg22 : memref<4096xf32, #tpu.memory_space<vmem>>)
        tpu.yield
      }) : () -> ()
      "tpu.region"() ({
        %run_scoped3A = tpu.sem_alloc : memref<!tpu.dma_semaphore, #tpu.memory_space<semaphore_mem>>
        tpu.enqueue_dma source(%arg8 : memref<64xi32, #tpu.memory_space<hbm>>) target(%arg23 : memref<64xi32, #tpu.memory_space<vmem>>) target_semaphore(%run_scoped3A : memref<!tpu.dma_semaphore, #tpu.memory_space<semaphore_mem>>)
        tpu.wait_dma2 semaphore(%run_scoped3A : memref<!tpu.dma_semaphore, #tpu.memory_space<semaphore_mem>>) src(%arg8 : memref<64xi32, #tpu.memory_space<hbm>>) dst(%arg23 : memref<64xi32, #tpu.memory_space<vmem>>)
        tpu.yield
      }) : () -> ()
      %broadcast_in_dim3A = arith.constant 0 : i32
      %broadcast_in_dim3A_3 = vector.broadcast %broadcast_in_dim3A : i32 to vector<16xi32>
      %broadcast_in_dim3A_4 = arith.constant 0.000000e+00 : f32
      %broadcast_in_dim3A_5 = vector.broadcast %broadcast_in_dim3A_4 : f32 to vector<16xf32>
      %scan3A = arith.constant 0 : i32
      %scan3A_6 = arith.constant 0 : i32
      %scan3A_7 = arith.constant 768 : i32
      %scan3A_8 = arith.addi %scan3A_6, %scan3A_7 : i32
      %scan3A_9 = arith.constant 1 : i32
      %scan3A_10 = scf.for %scan3A_19 = %scan3A_6 to %scan3A_8 step %scan3A_9 iter_args(%scan3A_20 = %scan3A) -> (i32)  : i32 {
        %mul3A_21 = arith.constant 16 : i32
        %mul3A_22 = arith.muli %scan3A_19, %mul3A_21 : i32
        %swap3A = arith.index_cast %mul3A_22 : i32 to index
        %swap3A_23 = tpu.vector_load %arg13[%swap3A] {strides = array<i32>} : memref<12288xi32, #tpu.memory_space<vmem>>, vector<16xi32>,
        tpu.vector_store %arg13[%swap3A], %broadcast_in_dim3A_3 {strides = array<i32>} : memref<12288xi32, #tpu.memory_space<vmem>>, vector<16xi32>,
        %mul3A_24 = arith.constant 16 : i32
        %mul3A_25 = arith.muli %scan3A_19, %mul3A_24 : i32
        %swap3A_26 = arith.index_cast %mul3A_25 : i32 to index
        %swap3A_27 = tpu.vector_load %arg14[%swap3A_26] {strides = array<i32>} : memref<12288xf32, #tpu.memory_space<vmem>>, vector<16xf32>,
        tpu.vector_store %arg14[%swap3A_26], %broadcast_in_dim3A_5 {strides = array<i32>} : memref<12288xf32, #tpu.memory_space<vmem>>, vector<16xf32>,
        %scan3A_28 = arith.constant 0 : i32
        scf.yield %scan3A_28 : i32
      }
      %scan3A_11 = arith.constant 768 : i32
      %iota3A = tpu.iota {dimensions = array<i32: 0>} : vector<16xi32>
      %scan3A_12 = arith.constant 0 : i32
      %scan3A_13 = arith.constant 0 : i32
      %scan3A_14 = arith.constant 256 : i32
      %scan3A_15 = arith.addi %scan3A_13, %scan3A_14 : i32
      %scan3A_16 = arith.constant 1 : i32
      %scan3A_17 = scf.for %scan3A_19 = %scan3A_13 to %scan3A_15 step %scan3A_16 iter_args(%scan3A_20 = %scan3A_12) -> (i32)  : i32 {
        %mul3A_21 = arith.constant 16 : i32
        %mul3A_22 = arith.muli %scan3A_19, %mul3A_21 : i32
        %jit3A = arith.constant 32 : i32
        %div3A = arith.divsi %scan3A_19, %jit3A : i32
        %sign3A = arith.constant 0 : i32
        %sign3A_23 = arith.cmpi sgt, %scan3A_19, %sign3A : i32
        %sign3A_24 = arith.extui %sign3A_23 : i1 to i32
        %sign3A_25 = arith.constant 0 : i32
        %sign3A_26 = arith.cmpi slt, %scan3A_19, %sign3A_25 : i32
        %sign3A_27 = arith.extui %sign3A_26 : i1 to i32
        %sign3A_28 = arith.subi %sign3A_24, %sign3A_27 : i32
        %sign3A_29 = arith.constant 0 : i32
        %sign3A_30 = arith.cmpi sgt, %jit3A, %sign3A_29 : i32
        %sign3A_31 = arith.extui %sign3A_30 : i1 to i32
        %sign3A_32 = arith.constant 0 : i32
        %sign3A_33 = arith.cmpi slt, %jit3A, %sign3A_32 : i32
        %sign3A_34 = arith.extui %sign3A_33 : i1 to i32
        %sign3A_35 = arith.subi %sign3A_31, %sign3A_34 : i32
        %ne3A = arith.cmpi ne, %sign3A_28, %sign3A_35 : i32
        %rem3A = arith.remsi %scan3A_19, %jit3A : i32
        %ne3A_36 = arith.constant 0 : i32
        %ne3A_37 = arith.cmpi ne, %rem3A, %ne3A_36 : i32
        %and3A = arith.andi %ne3A, %ne3A_37 : i1
        %sub3A = arith.constant 1 : i32
        %sub3A_38 = arith.subi %div3A, %sub3A : i32
        %select_n3A = arith.select %and3A, %sub3A_38, %div3A : i32
        %add3A_39 = vector.broadcast %mul3A_22 : i32 to vector<16xi32>
        %add3A_40 = arith.addi %add3A_39, %iota3A : vector<16xi32>
        %get3A = arith.index_cast %mul3A_22 : i32 to index
        %get3A_41 = tpu.vector_load %arg17[%get3A] {strides = array<i32>} : memref<4096xi32, #tpu.memory_space<vmem>>, vector<16xi32>,
        %get3A_42 = arith.index_cast %mul3A_22 : i32 to index
        %get3A_43 = tpu.vector_load %arg18[%get3A_42] {strides = array<i32>} : memref<4096xi32, #tpu.memory_space<vmem>>, vector<16xi32>,
        %mul3A_44 = arith.constant 8 : i32
        %mul3A_45 = arith.muli %select_n3A, %mul3A_44 : i32
        %add3A_46 = vector.broadcast %mul3A_45 : i32 to vector<16xi32>
        %add3A_47 = arith.addi %add3A_46, %get3A_41 : vector<16xi32>
        %gather3A = tpu.vector_load_idx %arg23[%add3A_47] : memref<64xi32, #tpu.memory_space<vmem>>[vector<16xi32>], vector<16xi32>,
        %get3A_48 = arith.index_cast %mul3A_22 : i32 to index
        %get3A_49 = tpu.vector_load %arg19[%get3A_48] {strides = array<i32>} : memref<4096xi32, #tpu.memory_space<vmem>>, vector<16xi32>,
        %add3A_50 = arith.addi %gather3A, %get3A_49 : vector<16xi32>
        %mul3A_51 = arith.constant 8 : i32
        %mul3A_52 = arith.muli %select_n3A, %mul3A_51 : i32
        %add3A_53 = vector.broadcast %mul3A_52 : i32 to vector<16xi32>
        %add3A_54 = arith.addi %add3A_53, %get3A_43 : vector<16xi32>
        %gather3A_55 = tpu.vector_load_idx %arg23[%add3A_54] : memref<64xi32, #tpu.memory_space<vmem>>[vector<16xi32>], vector<16xi32>,
        %get3A_56 = arith.index_cast %mul3A_22 : i32 to index
        %get3A_57 = tpu.vector_load %arg20[%get3A_56] {strides = array<i32>} : memref<4096xi32, #tpu.memory_space<vmem>>, vector<16xi32>,
        %add3A_58 = arith.addi %gather3A_55, %get3A_57 : vector<16xi32>
        %swap3A = arith.index_cast %mul3A_22 : i32 to index
        %swap3A_59 = tpu.vector_load %arg15[%swap3A] {strides = array<i32>} : memref<4096xi32, #tpu.memory_space<vmem>>, vector<16xi32>,
        tpu.vector_store %arg15[%swap3A], %add3A_50 {strides = array<i32>} : memref<4096xi32, #tpu.memory_space<vmem>>, vector<16xi32>,
        %swap3A_60 = arith.index_cast %mul3A_22 : i32 to index
        %swap3A_61 = tpu.vector_load %arg16[%swap3A_60] {strides = array<i32>} : memref<4096xi32, #tpu.memory_space<vmem>>, vector<16xi32>,
        tpu.vector_store %arg16[%swap3A_60], %add3A_58 {strides = array<i32>} : memref<4096xi32, #tpu.memory_space<vmem>>, vector<16xi32>,
        tpu.vector_store_idx %arg13[%add3A_50], %add3A_40 : memref<12288xi32, #tpu.memory_space<vmem>>[vector<16xi32>], vector<16xi32>,
        tpu.vector_store_idx %arg13[%add3A_58], %add3A_40 : memref<12288xi32, #tpu.memory_space<vmem>>[vector<16xi32>], vector<16xi32>,
        %get3A_62 = arith.index_cast %mul3A_22 : i32 to index
        %get3A_63 = tpu.vector_load %arg21[%get3A_62] {strides = array<i32>} : memref<4096xf32, #tpu.memory_space<vmem>>, vector<16xf32>,
        tpu.vector_store_idx %arg14[%add3A_50], %get3A_63 : memref<12288xf32, #tpu.memory_space<vmem>>[vector<16xi32>], vector<16xf32>,
        %get3A_64 = arith.index_cast %mul3A_22 : i32 to index
        %get3A_65 = tpu.vector_load %arg22[%get3A_64] {strides = array<i32>} : memref<4096xf32, #tpu.memory_space<vmem>>, vector<16xf32>,
        tpu.vector_store_idx %arg14[%add3A_58], %get3A_65 : memref<12288xf32, #tpu.memory_space<vmem>>[vector<16xi32>], vector<16xf32>,
        %scan3A_66 = arith.constant 0 : i32
        scf.yield %scan3A_66 : i32
      }
      %scan3A_18 = arith.constant 256 : i32
      "tpu.region"() ({
        %run_scoped3A = tpu.sem_alloc : memref<!tpu.dma_semaphore, #tpu.memory_space<semaphore_mem>>
        tpu.enqueue_dma source(%arg13 : memref<12288xi32, #tpu.memory_space<vmem>>) target(%arg9 : memref<12288xi32, #tpu.memory_space<hbm>>) target_semaphore(%run_scoped3A : memref<!tpu.dma_semaphore, #tpu.memory_space<semaphore_mem>>)
        tpu.wait_dma2 semaphore(%run_scoped3A : memref<!tpu.dma_semaphore, #tpu.memory_space<semaphore_mem>>) src(%arg13 : memref<12288xi32, #tpu.memory_space<vmem>>) dst(%arg9 : memref<12288xi32, #tpu.memory_space<hbm>>)
        tpu.yield
      }) : () -> ()
      "tpu.region"() ({
        %run_scoped3A = tpu.sem_alloc : memref<!tpu.dma_semaphore, #tpu.memory_space<semaphore_mem>>
        tpu.enqueue_dma source(%arg14 : memref<12288xf32, #tpu.memory_space<vmem>>) target(%arg10 : memref<12288xf32, #tpu.memory_space<hbm>>) target_semaphore(%run_scoped3A : memref<!tpu.dma_semaphore, #tpu.memory_space<semaphore_mem>>)
        tpu.wait_dma2 semaphore(%run_scoped3A : memref<!tpu.dma_semaphore, #tpu.memory_space<semaphore_mem>>) src(%arg14 : memref<12288xf32, #tpu.memory_space<vmem>>) dst(%arg10 : memref<12288xf32, #tpu.memory_space<hbm>>)
        tpu.yield
      }) : () -> ()
      "tpu.region"() ({
        %run_scoped3A = tpu.sem_alloc : memref<!tpu.dma_semaphore, #tpu.memory_space<semaphore_mem>>
        tpu.enqueue_dma source(%arg15 : memref<4096xi32, #tpu.memory_space<vmem>>) target(%arg11 : memref<4096xi32, #tpu.memory_space<hbm>>) target_semaphore(%run_scoped3A : memref<!tpu.dma_semaphore, #tpu.memory_space<semaphore_mem>>)
        tpu.wait_dma2 semaphore(%run_scoped3A : memref<!tpu.dma_semaphore, #tpu.memory_space<semaphore_mem>>) src(%arg15 : memref<4096xi32, #tpu.memory_space<vmem>>) dst(%arg11 : memref<4096xi32, #tpu.memory_space<hbm>>)
        tpu.yield
      }) : () -> ()
      "tpu.region"() ({
        %run_scoped3A = tpu.sem_alloc : memref<!tpu.dma_semaphore, #tpu.memory_space<semaphore_mem>>
        tpu.enqueue_dma source(%arg16 : memref<4096xi32, #tpu.memory_space<vmem>>) target(%arg12 : memref<4096xi32, #tpu.memory_space<hbm>>) target_semaphore(%run_scoped3A : memref<!tpu.dma_semaphore, #tpu.memory_space<semaphore_mem>>)
        tpu.wait_dma2 semaphore(%run_scoped3A : memref<!tpu.dma_semaphore, #tpu.memory_space<semaphore_mem>>) src(%arg16 : memref<4096xi32, #tpu.memory_space<vmem>>) dst(%arg12 : memref<4096xi32, #tpu.memory_space<hbm>>)
        tpu.yield
      }) : () -> ()
    } else {
    }
    return
  }
}

module attributes {stable_mosaic.version = 14 : i64} {
  func.func @_router_body(%arg0: i32, %arg1: memref<512x1024xf32, #tpu.memory_space<vmem>>, %arg2: memref<1024x8xf32, #tpu.memory_space<vmem>>, %arg3: memref<8xf32, #tpu.memory_space<vmem>>, %arg4: memref<1024x8xf32, #tpu.memory_space<vmem>>, %arg5: memref<8xf32, #tpu.memory_space<vmem>>, %arg6: memref<512x8xf32, #tpu.memory_space<vmem>>, %arg7: memref<512xi32, #tpu.memory_space<vmem>>, %arg8: memref<512xi32, #tpu.memory_space<vmem>>, %arg9: memref<512xi32, #tpu.memory_space<vmem>>, %arg10: memref<512xi32, #tpu.memory_space<vmem>>, %arg11: memref<512xf32, #tpu.memory_space<vmem>>, %arg12: memref<512xf32, #tpu.memory_space<vmem>>, %arg13: memref<1x1x8xf32, #tpu.memory_space<vmem>>) attributes {dimension_semantics = [#tpu.dimension_semantics<arbitrary>], iteration_bounds = array<i64: 8>, scalar_prefetch = 0 : i64, scratch_operands = 0 : i64, tpu.core_type = #tpu.core_type<tc>, window_params = [{transform_indices = @transform_0, window_bounds = array<i64: 512, 1024>}, {pipeline_mode = #tpu.pipeline_mode<synchronous>, transform_indices = @transform_1, window_bounds = array<i64: 1024, 8>}, {pipeline_mode = #tpu.pipeline_mode<synchronous>, transform_indices = @transform_2, window_bounds = array<i64: 8>}, {pipeline_mode = #tpu.pipeline_mode<synchronous>, transform_indices = @transform_3, window_bounds = array<i64: 1024, 8>}, {pipeline_mode = #tpu.pipeline_mode<synchronous>, transform_indices = @transform_4, window_bounds = array<i64: 8>}, {transform_indices = @transform_5, window_bounds = array<i64: 512, 8>}, {transform_indices = @transform_6, window_bounds = array<i64: 512>}, {transform_indices = @transform_7, window_bounds = array<i64: 512>}, {transform_indices = @transform_8, window_bounds = array<i64: 512>}, {transform_indices = @transform_9, window_bounds = array<i64: 512>}, {transform_indices = @transform_10, window_bounds = array<i64: 512>}, {transform_indices = @transform_11, window_bounds = array<i64: 512>}, {transform_indices = @transform_12, window_bounds = array<i64: 1, 1, 8>}]} {
    %get3A = arith.constant 0 : index
    %get3A_0 = arith.constant 0 : index
    %get3A_1 = vector.load %arg1[%get3A, %get3A_0] : memref<512x1024xf32, #tpu.memory_space<vmem>>, vector<512x1024xf32>
    %get3A_2 = arith.constant 0 : index
    %get3A_3 = arith.constant 0 : index
    %get3A_4 = vector.load %arg2[%get3A_2, %get3A_3] : memref<1024x8xf32, #tpu.memory_space<vmem>>, vector<1024x8xf32>
    %dot_general3A = arith.constant dense<0.000000e+00> : vector<512x8xf32>
    %dot_general3A_5 = tpu.matmul %get3A_1, %get3A_4, %dot_general3A {dimension_numbers = #tpu.dot_dimension_numbers<[1], [0], [0], [1], [0, 0, 1, 1], [], []>, transpose_lhs_hint = false} : vector<512x1024xf32>, vector<1024x8xf32>, vector<512x8xf32> -> vector<512x8xf32>
    %get3A_6 = arith.constant 0 : index
    %get3A_7 = vector.load %arg3[%get3A_6] : memref<8xf32, #tpu.memory_space<vmem>>, vector<8xf32>
    %broadcast_in_dim3A = vector.shape_cast %get3A_7 : vector<8xf32> to vector<1x8xf32>
    %add3A = vector.broadcast %broadcast_in_dim3A : vector<1x8xf32> to vector<512x8xf32>
    %add3A_8 = arith.addf %dot_general3A_5, %add3A : vector<512x8xf32>
    %get3A_9 = arith.constant 0 : index
    %get3A_10 = arith.constant 0 : index
    %get3A_11 = vector.load %arg4[%get3A_9, %get3A_10] : memref<1024x8xf32, #tpu.memory_space<vmem>>, vector<1024x8xf32>
    %dot_general3A_12 = arith.constant dense<0.000000e+00> : vector<512x8xf32>
    %dot_general3A_13 = tpu.matmul %get3A_1, %get3A_11, %dot_general3A_12 {dimension_numbers = #tpu.dot_dimension_numbers<[1], [0], [0], [1], [0, 0, 1, 1], [], []>, transpose_lhs_hint = false} : vector<512x1024xf32>, vector<1024x8xf32>, vector<512x8xf32> -> vector<512x8xf32>
    %get3A_14 = arith.constant 0 : index
    %get3A_15 = vector.load %arg5[%get3A_14] : memref<8xf32, #tpu.memory_space<vmem>>, vector<8xf32>
    %broadcast_in_dim3A_16 = vector.shape_cast %get3A_15 : vector<8xf32> to vector<1x8xf32>
    %add3A_17 = vector.broadcast %broadcast_in_dim3A_16 : vector<1x8xf32> to vector<512x8xf32>
    %add3A_18 = arith.addf %dot_general3A_13, %add3A_17 : vector<512x8xf32>
    %custom_jvp_call3A = arith.constant 0.000000e+00 : f32
    %max3A = vector.broadcast %custom_jvp_call3A : f32 to vector<512x8xf32>
    %max3A_19 = arith.maximumf %add3A_18, %max3A : vector<512x8xf32>
    %sub3A = vector.broadcast %custom_jvp_call3A : f32 to vector<512x8xf32>
    %sub3A_20 = arith.subf %add3A_18, %sub3A : vector<512x8xf32>
    %ne3A = arith.cmpf one, %sub3A_20, %sub3A_20 : vector<512x8xf32>
    %add3A_21 = vector.broadcast %custom_jvp_call3A : f32 to vector<512x8xf32>
    %add3A_22 = arith.addf %add3A_18, %add3A_21 : vector<512x8xf32>
    %abs3A = math.absf %sub3A_20 : vector<512x8xf32>
    %neg3A = arith.constant 0.000000e+00 : f32
    %neg3A_23 = vector.broadcast %neg3A : f32 to vector<512x8xf32>
    %neg3A_24 = arith.subf %neg3A_23, %abs3A : vector<512x8xf32>
    %exp3A = math.exp %neg3A_24 : vector<512x8xf32>
    %log1p3A = math.log1p %exp3A : vector<512x8xf32>
    %add3A_25 = arith.addf %max3A_19, %log1p3A : vector<512x8xf32>
    %select_n3A = arith.select %ne3A, %add3A_22, %add3A_25 : vector<512x8xi1>, vector<512x8xf32>
    %get3A_26 = arith.constant 0 : index
    %get3A_27 = arith.constant 0 : index
    %get3A_28 = vector.load %arg6[%get3A_26, %get3A_27] : memref<512x8xf32, #tpu.memory_space<vmem>>, vector<512x8xf32>
    %mul3A = arith.mulf %get3A_28, %select_n3A : vector<512x8xf32>
    %add3A_29 = arith.addf %add3A_8, %mul3A : vector<512x8xf32>
    %iota3A = tpu.iota {dimensions = array<i32: 1>} : vector<512x8xi32>
    %reduce_max3A = arith.constant dense<0xFF800000> : vector<512xf32>
    %reduce_max3A_30 = vector.multi_reduction <maximumf>, %add3A_29, %reduce_max3A [1] : vector<512x8xf32> to vector<512xf32>
    %broadcast_in_dim3A_31 = vector.shape_cast %reduce_max3A_30 : vector<512xf32> to vector<512x1xf32>
    %eq3A = vector.broadcast %broadcast_in_dim3A_31 : vector<512x1xf32> to vector<512x8xf32>
    %eq3A_32 = arith.cmpf oeq, %add3A_29, %eq3A : vector<512x8xf32>
    %jit3A = arith.constant 8 : i32
    %broadcast_in_dim3A_33 = vector.broadcast %jit3A : i32 to vector<512x8xi32>
    %select_n3A_34 = arith.select %eq3A_32, %iota3A, %broadcast_in_dim3A_33 : vector<512x8xi1>, vector<512x8xi32>
    %reduce_min3A = arith.constant dense<2147483647> : vector<512xi32>
    %reduce_min3A_35 = vector.multi_reduction <minsi>, %select_n3A_34, %reduce_min3A [1] : vector<512x8xi32> to vector<512xi32>
    %broadcast_in_dim3A_36 = vector.shape_cast %reduce_min3A_35 : vector<512xi32> to vector<512x1xi32>
    %eq3A_37 = vector.broadcast %broadcast_in_dim3A_36 : vector<512x1xi32> to vector<512x8xi32>
    %eq3A_38 = arith.cmpi eq, %iota3A, %eq3A_37 : vector<512x8xi32>
    %jit3A_39 = arith.constant -1.000000e+30 : f32
    %broadcast_in_dim3A_40 = vector.broadcast %jit3A_39 : f32 to vector<512x8xf32>
    %select_n3A_41 = arith.select %eq3A_38, %broadcast_in_dim3A_40, %add3A_29 : vector<512x8xi1>, vector<512x8xf32>
    %reduce_max3A_42 = arith.constant dense<0xFF800000> : vector<512xf32>
    %reduce_max3A_43 = vector.multi_reduction <maximumf>, %select_n3A_41, %reduce_max3A_42 [1] : vector<512x8xf32> to vector<512xf32>
    %broadcast_in_dim3A_44 = vector.shape_cast %reduce_max3A_43 : vector<512xf32> to vector<512x1xf32>
    %eq3A_45 = vector.broadcast %broadcast_in_dim3A_44 : vector<512x1xf32> to vector<512x8xf32>
    %eq3A_46 = arith.cmpf oeq, %select_n3A_41, %eq3A_45 : vector<512x8xf32>
    %jit3A_47 = arith.constant 8 : i32
    %broadcast_in_dim3A_48 = vector.broadcast %jit3A_47 : i32 to vector<512x8xi32>
    %select_n3A_49 = arith.select %eq3A_46, %iota3A, %broadcast_in_dim3A_48 : vector<512x8xi1>, vector<512x8xi32>
    %reduce_min3A_50 = arith.constant dense<2147483647> : vector<512xi32>
    %reduce_min3A_51 = vector.multi_reduction <minsi>, %select_n3A_49, %reduce_min3A_50 [1] : vector<512x8xi32> to vector<512xi32>
    %squeeze3A = vector.shape_cast %broadcast_in_dim3A_44 : vector<512x1xf32> to vector<512xf32>
    %squeeze3A_52 = vector.shape_cast %broadcast_in_dim3A_31 : vector<512x1xf32> to vector<512xf32>
    %sub3A_53 = arith.subf %squeeze3A, %squeeze3A_52 : vector<512xf32>
    %exp3A_54 = math.exp %sub3A_53 : vector<512xf32>
    %add3A_55 = arith.constant 1.000000e+00 : f32
    %add3A_56 = vector.broadcast %add3A_55 : f32 to vector<512xf32>
    %add3A_57 = arith.addf %add3A_56, %exp3A_54 : vector<512xf32>
    %div3A = arith.constant 1.000000e+00 : f32
    %div3A_58 = vector.broadcast %div3A : f32 to vector<512xf32>
    %div3A_59 = arith.divf %div3A_58, %add3A_57 : vector<512xf32>
    %add3A_60 = arith.constant 1.000000e+00 : f32
    %add3A_61 = vector.broadcast %add3A_60 : f32 to vector<512xf32>
    %add3A_62 = arith.addf %add3A_61, %exp3A_54 : vector<512xf32>
    %div3A_63 = arith.divf %exp3A_54, %add3A_62 : vector<512xf32>
    %broadcast_in_dim3A_64 = vector.shape_cast %reduce_min3A_35 : vector<512xi32> to vector<512x1xi32>
    %eq3A_65 = vector.broadcast %broadcast_in_dim3A_64 : vector<512x1xi32> to vector<512x8xi32>
    %eq3A_66 = arith.cmpi eq, %iota3A, %eq3A_65 : vector<512x8xi32>
    %convert_element_type3A = arith.extui %eq3A_66 : vector<512x8xi1> to vector<512x8xi32>
    %convert_element_type3A_67 = arith.sitofp %convert_element_type3A : vector<512x8xi32> to vector<512x8xf32>
    %broadcast_in_dim3A_68 = vector.shape_cast %reduce_min3A_51 : vector<512xi32> to vector<512x1xi32>
    %eq3A_69 = vector.broadcast %broadcast_in_dim3A_68 : vector<512x1xi32> to vector<512x8xi32>
    %eq3A_70 = arith.cmpi eq, %iota3A, %eq3A_69 : vector<512x8xi32>
    %convert_element_type3A_71 = arith.extui %eq3A_70 : vector<512x8xi1> to vector<512x8xi32>
    %convert_element_type3A_72 = arith.sitofp %convert_element_type3A_71 : vector<512x8xi32> to vector<512x8xf32>
    %add3A_73 = arith.addf %convert_element_type3A_67, %convert_element_type3A_72 : vector<512x8xf32>
    %iota3A_74 = tpu.iota {dimensions = array<i32: 0>} : vector<512x512xi32>
    %iota3A_75 = tpu.iota {dimensions = array<i32: 1>} : vector<512x512xi32>
    %lt3A = arith.cmpi slt, %iota3A_75, %iota3A_74 : vector<512x512xi32>
    %convert_element_type3A_76 = arith.extui %lt3A : vector<512x512xi1> to vector<512x512xi32>
    %convert_element_type3A_77 = arith.sitofp %convert_element_type3A_76 : vector<512x512xi32> to vector<512x512xf32>
    %dot_general3A_78 = arith.constant dense<0.000000e+00> : vector<512x8xf32>
    %dot_general3A_79 = tpu.matmul %convert_element_type3A_77, %add3A_73, %dot_general3A_78 {dimension_numbers = #tpu.dot_dimension_numbers<[1], [0], [0], [1], [0, 0, 1, 1], [], []>, transpose_lhs_hint = false} : vector<512x512xf32>, vector<512x8xf32>, vector<512x8xf32> -> vector<512x8xf32>
    %mul3A_80 = arith.mulf %dot_general3A_79, %convert_element_type3A_67 : vector<512x8xf32>
    %reduce_sum3A = arith.constant dense<0.000000e+00> : vector<512xf32>
    %reduce_sum3A_81 = vector.multi_reduction <add>, %mul3A_80, %reduce_sum3A [1] : vector<512x8xf32> to vector<512xf32>
    %mul3A_82 = arith.mulf %dot_general3A_79, %convert_element_type3A_72 : vector<512x8xf32>
    %reduce_sum3A_83 = arith.constant dense<0.000000e+00> : vector<512xf32>
    %reduce_sum3A_84 = vector.multi_reduction <add>, %mul3A_82, %reduce_sum3A_83 [1] : vector<512x8xf32> to vector<512xf32>
    %swap3A = arith.constant 0 : index
    %swap3A_85 = vector.load %arg7[%swap3A] : memref<512xi32, #tpu.memory_space<vmem>>, vector<512xi32>
    tpu.vector_store %arg7[%swap3A], %reduce_min3A_35 {strides = array<i32>} : memref<512xi32, #tpu.memory_space<vmem>>, vector<512xi32>,
    %swap3A_86 = arith.constant 0 : index
    %swap3A_87 = vector.load %arg8[%swap3A_86] : memref<512xi32, #tpu.memory_space<vmem>>, vector<512xi32>
    tpu.vector_store %arg8[%swap3A_86], %reduce_min3A_51 {strides = array<i32>} : memref<512xi32, #tpu.memory_space<vmem>>, vector<512xi32>,
    %convert_element_type3A_88 = arith.fptosi %reduce_sum3A_81 : vector<512xf32> to vector<512xi32>
    %swap3A_89 = arith.constant 0 : index
    %swap3A_90 = vector.load %arg9[%swap3A_89] : memref<512xi32, #tpu.memory_space<vmem>>, vector<512xi32>
    tpu.vector_store %arg9[%swap3A_89], %convert_element_type3A_88 {strides = array<i32>} : memref<512xi32, #tpu.memory_space<vmem>>, vector<512xi32>,
    %convert_element_type3A_91 = arith.fptosi %reduce_sum3A_84 : vector<512xf32> to vector<512xi32>
    %swap3A_92 = arith.constant 0 : index
    %swap3A_93 = vector.load %arg10[%swap3A_92] : memref<512xi32, #tpu.memory_space<vmem>>, vector<512xi32>
    tpu.vector_store %arg10[%swap3A_92], %convert_element_type3A_91 {strides = array<i32>} : memref<512xi32, #tpu.memory_space<vmem>>, vector<512xi32>,
    %swap3A_94 = arith.constant 0 : index
    %swap3A_95 = vector.load %arg11[%swap3A_94] : memref<512xf32, #tpu.memory_space<vmem>>, vector<512xf32>
    tpu.vector_store %arg11[%swap3A_94], %div3A_59 {strides = array<i32>} : memref<512xf32, #tpu.memory_space<vmem>>, vector<512xf32>,
    %swap3A_96 = arith.constant 0 : index
    %swap3A_97 = vector.load %arg12[%swap3A_96] : memref<512xf32, #tpu.memory_space<vmem>>, vector<512xf32>
    tpu.vector_store %arg12[%swap3A_96], %div3A_63 {strides = array<i32>} : memref<512xf32, #tpu.memory_space<vmem>>, vector<512xf32>,
    %reduce_sum3A_98 = arith.constant dense<0.000000e+00> : vector<8xf32>
    %reduce_sum3A_99 = vector.multi_reduction <add>, %add3A_73, %reduce_sum3A_98 [0] : vector<512x8xf32> to vector<8xf32>
    %reshape3A = vector.shape_cast %reduce_sum3A_99 : vector<8xf32> to vector<1x1x8xf32>
    %swap3A_100 = arith.constant 0 : index
    %swap3A_101 = arith.constant 0 : index
    %swap3A_102 = arith.constant 0 : index
    %swap3A_103 = vector.load %arg13[%swap3A_100, %swap3A_101, %swap3A_102] : memref<1x1x8xf32, #tpu.memory_space<vmem>>, vector<1x1x8xf32>
    tpu.vector_store %arg13[%swap3A_100, %swap3A_101, %swap3A_102], %reshape3A {strides = array<i32>} : memref<1x1x8xf32, #tpu.memory_space<vmem>>, vector<1x1x8xf32>,
    return
  }
  func.func @transform_0(%arg0: i32) -> (i32, i32) {
    %c0_i32 = arith.constant 0 : i32
    %c0_i32_0 = arith.constant 0 : i32
    return %arg0, %c0_i32 : i32, i32
  }
  func.func @transform_1(%arg0: i32) -> (i32, i32) {
    %c0_i32 = arith.constant 0 : i32
    %c0_i32_0 = arith.constant 0 : i32
    %c0_i32_1 = arith.constant 0 : i32
    return %c0_i32, %c0_i32_0 : i32, i32
  }
  func.func @transform_2(%arg0: i32) -> i32 {
    %c0_i32 = arith.constant 0 : i32
    %c0_i32_0 = arith.constant 0 : i32
    return %c0_i32 : i32
  }
  func.func @transform_3(%arg0: i32) -> (i32, i32) {
    %c0_i32 = arith.constant 0 : i32
    %c0_i32_0 = arith.constant 0 : i32
    %c0_i32_1 = arith.constant 0 : i32
    return %c0_i32, %c0_i32_0 : i32, i32
  }
  func.func @transform_4(%arg0: i32) -> i32 {
    %c0_i32 = arith.constant 0 : i32
    %c0_i32_0 = arith.constant 0 : i32
    return %c0_i32 : i32
  }
  func.func @transform_5(%arg0: i32) -> (i32, i32) {
    %c0_i32 = arith.constant 0 : i32
    %c0_i32_0 = arith.constant 0 : i32
    return %arg0, %c0_i32 : i32, i32
  }
  func.func @transform_6(%arg0: i32) -> i32 {
    %c0_i32 = arith.constant 0 : i32
    return %arg0 : i32
  }
  func.func @transform_7(%arg0: i32) -> i32 {
    %c0_i32 = arith.constant 0 : i32
    return %arg0 : i32
  }
  func.func @transform_8(%arg0: i32) -> i32 {
    %c0_i32 = arith.constant 0 : i32
    return %arg0 : i32
  }
  func.func @transform_9(%arg0: i32) -> i32 {
    %c0_i32 = arith.constant 0 : i32
    return %arg0 : i32
  }
  func.func @transform_10(%arg0: i32) -> i32 {
    %c0_i32 = arith.constant 0 : i32
    return %arg0 : i32
  }
  func.func @transform_11(%arg0: i32) -> i32 {
    %c0_i32 = arith.constant 0 : i32
    return %arg0 : i32
  }
  func.func @transform_12(%arg0: i32) -> (i32, i32, i32) {
    %c0_i32 = arith.constant 0 : i32
    %c0_i32_0 = arith.constant 0 : i32
    %c0_i32_1 = arith.constant 0 : i32
    return %arg0, %c0_i32, %c0_i32_0 : i32, i32, i32
  }
}

module attributes {stable_mosaic.version = 14 : i64} {
  func.func @_meta_body(%arg0: i32, %arg1: memref<8x1x8xf32, #tpu.memory_space<vmem>>, %arg2: memref<8x8xi32, #tpu.memory_space<vmem>>, %arg3: memref<24xi32, #tpu.memory_space<vmem>>) attributes {dimension_semantics = [#tpu.dimension_semantics<arbitrary>], iteration_bounds = array<i64: 1>, scalar_prefetch = 0 : i64, scratch_operands = 0 : i64, tpu.core_type = #tpu.core_type<tc>, window_params = [{pipeline_mode = #tpu.pipeline_mode<synchronous>, transform_indices = @transform_0, window_bounds = array<i64: 8, 1, 8>}, {pipeline_mode = #tpu.pipeline_mode<synchronous>, transform_indices = @transform_1, window_bounds = array<i64: 8, 8>}, {pipeline_mode = #tpu.pipeline_mode<synchronous>, transform_indices = @transform_2, window_bounds = array<i64: 24>}]} {
    %get3A = arith.constant 0 : index
    %get3A_0 = arith.constant 0 : index
    %get3A_1 = arith.constant 0 : index
    %get3A_2 = vector.load %arg1[%get3A, %get3A_0, %get3A_1] : memref<8x1x8xf32, #tpu.memory_space<vmem>>, vector<8x1x8xf32>
    %reshape3A = vector.shape_cast %get3A_2 : vector<8x1x8xf32> to vector<8x8xf32>
    %broadcast_in_dim3A = arith.constant 1.000000e+00 : f32
    %broadcast_in_dim3A_3 = vector.broadcast %broadcast_in_dim3A : f32 to vector<1x8xf32>
    %dot_general3A = arith.constant dense<0.000000e+00> : vector<1x8xf32>
    %dot_general3A_4 = tpu.matmul %broadcast_in_dim3A_3, %reshape3A, %dot_general3A {dimension_numbers = #tpu.dot_dimension_numbers<[1], [0], [0], [1], [0, 0, 1, 1], [], []>, transpose_lhs_hint = false} : vector<1x8xf32>, vector<8x8xf32>, vector<1x8xf32> -> vector<1x8xf32>
    %add3A = arith.constant 5.110000e+02 : f32
    %add3A_5 = vector.broadcast %add3A : f32 to vector<1x8xf32>
    %add3A_6 = arith.addf %dot_general3A_4, %add3A_5 : vector<1x8xf32>
    %mul3A = arith.constant 0.001953125 : f32
    %mul3A_7 = vector.broadcast %mul3A : f32 to vector<1x8xf32>
    %mul3A_8 = arith.mulf %add3A_6, %mul3A_7 : vector<1x8xf32>
    %floor3A = math.floor %mul3A_8 : vector<1x8xf32>
    %iota3A = tpu.iota {dimensions = array<i32: 0>} : vector<8x8xi32>
    %iota3A_9 = tpu.iota {dimensions = array<i32: 1>} : vector<8x8xi32>
    %le3A = arith.cmpi sle, %iota3A, %iota3A_9 : vector<8x8xi32>
    %convert_element_type3A = arith.extui %le3A : vector<8x8xi1> to vector<8x8xi32>
    %convert_element_type3A_10 = arith.sitofp %convert_element_type3A : vector<8x8xi32> to vector<8x8xf32>
    %dot_general3A_11 = arith.constant dense<0.000000e+00> : vector<1x8xf32>
    %dot_general3A_12 = tpu.matmul %floor3A, %convert_element_type3A_10, %dot_general3A_11 {dimension_numbers = #tpu.dot_dimension_numbers<[1], [0], [0], [1], [0, 0, 1, 1], [], []>, transpose_lhs_hint = false} : vector<1x8xf32>, vector<8x8xf32>, vector<1x8xf32> -> vector<1x8xf32>
    %sub3A = arith.subf %dot_general3A_12, %floor3A : vector<1x8xf32>
    %mul3A_13 = arith.constant 5.120000e+02 : f32
    %mul3A_14 = vector.broadcast %mul3A_13 : f32 to vector<1x8xf32>
    %mul3A_15 = arith.mulf %sub3A, %mul3A_14 : vector<1x8xf32>
    %iota3A_16 = tpu.iota {dimensions = array<i32: 0>} : vector<8x8xi32>
    %iota3A_17 = tpu.iota {dimensions = array<i32: 1>} : vector<8x8xi32>
    %lt3A = arith.cmpi slt, %iota3A_17, %iota3A_16 : vector<8x8xi32>
    %convert_element_type3A_18 = arith.extui %lt3A : vector<8x8xi1> to vector<8x8xi32>
    %convert_element_type3A_19 = arith.sitofp %convert_element_type3A_18 : vector<8x8xi32> to vector<8x8xf32>
    %dot_general3A_20 = arith.constant dense<0.000000e+00> : vector<8x8xf32>
    %dot_general3A_21 = tpu.matmul %convert_element_type3A_19, %reshape3A, %dot_general3A_20 {dimension_numbers = #tpu.dot_dimension_numbers<[1], [0], [0], [1], [0, 0, 1, 1], [], []>, transpose_lhs_hint = false} : vector<8x8xf32>, vector<8x8xf32>, vector<8x8xf32> -> vector<8x8xf32>
    %add3A_22 = vector.broadcast %mul3A_15 : vector<1x8xf32> to vector<8x8xf32>
    %add3A_23 = arith.addf %add3A_22, %dot_general3A_21 : vector<8x8xf32>
    %convert_element_type3A_24 = arith.fptosi %add3A_23 : vector<8x8xf32> to vector<8x8xi32>
    %swap3A = arith.constant 0 : index
    %swap3A_25 = arith.constant 0 : index
    %swap3A_26 = vector.load %arg2[%swap3A, %swap3A_25] : memref<8x8xi32, #tpu.memory_space<vmem>>, vector<8x8xi32>
    tpu.vector_store %arg2[%swap3A, %swap3A_25], %convert_element_type3A_24 {strides = array<i32>} : memref<8x8xi32, #tpu.memory_space<vmem>>, vector<8x8xi32>,
    %iota3A_27 = tpu.iota {dimensions = array<i32: 0>} : vector<24x8xi32>
    %convert_element_type3A_28 = arith.sitofp %iota3A_27 : vector<24x8xi32> to vector<24x8xf32>
    %le3A_29 = vector.broadcast %dot_general3A_12 : vector<1x8xf32> to vector<24x8xf32>
    %le3A_30 = arith.cmpf ole, %le3A_29, %convert_element_type3A_28 : vector<24x8xf32>
    %convert_element_type3A_31 = arith.extui %le3A_30 : vector<24x8xi1> to vector<24x8xi32>
    %reduce_sum3A = arith.constant dense<0> : vector<24xi32>
    %reduce_sum3A_32 = vector.multi_reduction <add>, %convert_element_type3A_31, %reduce_sum3A [1] : vector<24x8xi32> to vector<24xi32>
    %swap3A_33 = arith.constant 0 : index
    %swap3A_34 = vector.load %arg3[%swap3A_33] : memref<24xi32, #tpu.memory_space<vmem>>, vector<24xi32>
    tpu.vector_store %arg3[%swap3A_33], %reduce_sum3A_32 {strides = array<i32>} : memref<24xi32, #tpu.memory_space<vmem>>, vector<24xi32>,
    return
  }
  func.func @transform_0(%arg0: i32) -> (i32, i32, i32) {
    %c0_i32 = arith.constant 0 : i32
    %c0_i32_0 = arith.constant 0 : i32
    %c0_i32_1 = arith.constant 0 : i32
    %c0_i32_2 = arith.constant 0 : i32
    return %c0_i32, %c0_i32_0, %c0_i32_1 : i32, i32, i32
  }
  func.func @transform_1(%arg0: i32) -> (i32, i32) {
    %c0_i32 = arith.constant 0 : i32
    %c0_i32_0 = arith.constant 0 : i32
    %c0_i32_1 = arith.constant 0 : i32
    return %c0_i32, %c0_i32_0 : i32, i32
  }
  func.func @transform_2(%arg0: i32) -> i32 {
    %c0_i32 = arith.constant 0 : i32
    %c0_i32_0 = arith.constant 0 : i32
    return %c0_i32 : i32
  }
}

module attributes {stable_mosaic.version = 14 : i64} {
  func.func @_shared_body(%arg0: i32, %arg1: i32, %arg2: memref<512x1024xf32, #tpu.memory_space<vmem>>, %arg3: memref<1x1024x512xf32, #tpu.memory_space<vmem>>, %arg4: memref<1x512xf32, #tpu.memory_space<vmem>>, %arg5: memref<1x512x1024xf32, #tpu.memory_space<vmem>>, %arg6: memref<1x1024xf32, #tpu.memory_space<vmem>>, %arg7: memref<512x1024xf32, #tpu.memory_space<vmem>>) attributes {dimension_semantics = [#tpu.dimension_semantics<arbitrary>, #tpu.dimension_semantics<arbitrary>], iteration_bounds = array<i64: 8, 8>, scalar_prefetch = 0 : i64, scratch_operands = 0 : i64, tpu.core_type = #tpu.core_type<tc>, window_params = [{transform_indices = @transform_0, window_bounds = array<i64: 512, 1024>}, {transform_indices = @transform_1, window_bounds = array<i64: 1, 1024, 512>}, {transform_indices = @transform_2, window_bounds = array<i64: 1, 512>}, {transform_indices = @transform_3, window_bounds = array<i64: 1, 512, 1024>}, {pipeline_mode = #tpu.pipeline_mode<synchronous>, transform_indices = @transform_4, window_bounds = array<i64: 1, 1024>}, {transform_indices = @transform_5, window_bounds = array<i64: 512, 1024>}]} {
    %eq3A = arith.constant 0 : i32
    %eq3A_0 = arith.cmpi eq, %arg1, %eq3A : i32
    %convert_element_type3A = arith.extui %eq3A_0 : i1 to i32
    %cond3A = arith.constant 0 : i32
    %cond3A_1 = arith.cmpi ne, %convert_element_type3A, %cond3A : i32
    scf.if %cond3A_1 {
      %get3A_30 = arith.constant 0 : index
      %get3A_31 = arith.constant 0 : index
      %get3A_32 = vector.load %arg6[%get3A_30, %get3A_31] : memref<1x1024xf32, #tpu.memory_space<vmem>>, vector<1x1024xf32>
      %get3A_33 = vector.shape_cast %get3A_32 : vector<1x1024xf32> to vector<1024xf32>
      %broadcast_in_dim3A_34 = vector.shape_cast %get3A_33 : vector<1024xf32> to vector<1x1024xf32>
      %broadcast_in_dim3A_35 = vector.broadcast %broadcast_in_dim3A_34 : vector<1x1024xf32> to vector<512x1024xf32>
      %swap3A_36 = arith.constant 0 : index
      %swap3A_37 = arith.constant 0 : index
      %swap3A_38 = vector.load %arg7[%swap3A_36, %swap3A_37] : memref<512x1024xf32, #tpu.memory_space<vmem>>, vector<512x1024xf32>
      tpu.vector_store %arg7[%swap3A_36, %swap3A_37], %broadcast_in_dim3A_35 {strides = array<i32>} : memref<512x1024xf32, #tpu.memory_space<vmem>>, vector<512x1024xf32>,
    } else {
    }
    %get3A = arith.constant 0 : index
    %get3A_2 = arith.constant 0 : index
    %get3A_3 = vector.load %arg2[%get3A, %get3A_2] : memref<512x1024xf32, #tpu.memory_space<vmem>>, vector<512x1024xf32>
    %get3A_4 = arith.constant 0 : index
    %get3A_5 = arith.constant 0 : index
    %get3A_6 = arith.constant 0 : index
    %get3A_7 = vector.load %arg3[%get3A_4, %get3A_5, %get3A_6] : memref<1x1024x512xf32, #tpu.memory_space<vmem>>, vector<1x1024x512xf32>
    %get3A_8 = vector.shape_cast %get3A_7 : vector<1x1024x512xf32> to vector<1024x512xf32>
    %dot_general3A = arith.constant dense<0.000000e+00> : vector<512x512xf32>
    %dot_general3A_9 = tpu.matmul %get3A_3, %get3A_8, %dot_general3A {dimension_numbers = #tpu.dot_dimension_numbers<[1], [0], [0], [1], [0, 0, 1, 1], [], []>, transpose_lhs_hint = false} : vector<512x1024xf32>, vector<1024x512xf32>, vector<512x512xf32> -> vector<512x512xf32>
    %get3A_10 = arith.constant 0 : index
    %get3A_11 = arith.constant 0 : index
    %get3A_12 = vector.load %arg4[%get3A_10, %get3A_11] : memref<1x512xf32, #tpu.memory_space<vmem>>, vector<1x512xf32>
    %get3A_13 = vector.shape_cast %get3A_12 : vector<1x512xf32> to vector<512xf32>
    %broadcast_in_dim3A = vector.shape_cast %get3A_13 : vector<512xf32> to vector<1x512xf32>
    %add3A = vector.broadcast %broadcast_in_dim3A : vector<1x512xf32> to vector<512x512xf32>
    %add3A_14 = arith.addf %dot_general3A_9, %add3A : vector<512x512xf32>
    %max3A = arith.constant 0.000000e+00 : f32
    %max3A_15 = vector.broadcast %max3A : f32 to vector<512x512xf32>
    %max3A_16 = arith.maximumf %add3A_14, %max3A_15 : vector<512x512xf32>
    %get3A_17 = arith.constant 0 : index
    %get3A_18 = arith.constant 0 : index
    %get3A_19 = vector.load %arg7[%get3A_17, %get3A_18] : memref<512x1024xf32, #tpu.memory_space<vmem>>, vector<512x1024xf32>
    %get3A_20 = arith.constant 0 : index
    %get3A_21 = arith.constant 0 : index
    %get3A_22 = arith.constant 0 : index
    %get3A_23 = vector.load %arg5[%get3A_20, %get3A_21, %get3A_22] : memref<1x512x1024xf32, #tpu.memory_space<vmem>>, vector<1x512x1024xf32>
    %get3A_24 = vector.shape_cast %get3A_23 : vector<1x512x1024xf32> to vector<512x1024xf32>
    %dot_general3A_25 = arith.constant dense<0.000000e+00> : vector<512x1024xf32>
    %dot_general3A_26 = tpu.matmul %max3A_16, %get3A_24, %dot_general3A_25 {dimension_numbers = #tpu.dot_dimension_numbers<[1], [0], [0], [1], [0, 0, 1, 1], [], []>, transpose_lhs_hint = false} : vector<512x512xf32>, vector<512x1024xf32>, vector<512x1024xf32> -> vector<512x1024xf32>
    %add3A_27 = arith.addf %get3A_19, %dot_general3A_26 : vector<512x1024xf32>
    %swap3A = arith.constant 0 : index
    %swap3A_28 = arith.constant 0 : index
    %swap3A_29 = vector.load %arg7[%swap3A, %swap3A_28] : memref<512x1024xf32, #tpu.memory_space<vmem>>, vector<512x1024xf32>
    tpu.vector_store %arg7[%swap3A, %swap3A_28], %add3A_27 {strides = array<i32>} : memref<512x1024xf32, #tpu.memory_space<vmem>>, vector<512x1024xf32>,
    return
  }
  func.func @transform_0(%arg0: i32, %arg1: i32) -> (i32, i32) {
    %c0_i32 = arith.constant 0 : i32
    %c0_i32_0 = arith.constant 0 : i32
    return %arg0, %c0_i32 : i32, i32
  }
  func.func @transform_1(%arg0: i32, %arg1: i32) -> (i32, i32, i32) {
    %c0_i32 = arith.constant 0 : i32
    %c0_i32_0 = arith.constant 0 : i32
    %c0_i32_1 = arith.constant 0 : i32
    return %c0_i32, %c0_i32_0, %arg1 : i32, i32, i32
  }
  func.func @transform_2(%arg0: i32, %arg1: i32) -> (i32, i32) {
    %c0_i32 = arith.constant 0 : i32
    %c0_i32_0 = arith.constant 0 : i32
    return %c0_i32, %arg1 : i32, i32
  }
  func.func @transform_3(%arg0: i32, %arg1: i32) -> (i32, i32, i32) {
    %c0_i32 = arith.constant 0 : i32
    %c0_i32_0 = arith.constant 0 : i32
    %c0_i32_1 = arith.constant 0 : i32
    return %c0_i32, %arg1, %c0_i32_0 : i32, i32, i32
  }
  func.func @transform_4(%arg0: i32, %arg1: i32) -> (i32, i32) {
    %c0_i32 = arith.constant 0 : i32
    %c0_i32_0 = arith.constant 0 : i32
    %c0_i32_1 = arith.constant 0 : i32
    return %c0_i32, %c0_i32_0 : i32, i32
  }
  func.func @transform_5(%arg0: i32, %arg1: i32) -> (i32, i32) {
    %c0_i32 = arith.constant 0 : i32
    %c0_i32_0 = arith.constant 0 : i32
    return %arg0, %c0_i32 : i32, i32
  }
}

module attributes {stable_mosaic.version = 14 : i64} {
  func.func @_grouped_body(%arg0: i32, %arg1: i32, %arg2: memref<24xi32, #tpu.memory_space<smem>>, %arg3: memref<512x1024xf32, #tpu.memory_space<vmem>>, %arg4: memref<1x1024x512xf32, #tpu.memory_space<vmem>>, %arg5: memref<1x1x512xf32, #tpu.memory_space<vmem>>, %arg6: memref<1x512x1024xf32, #tpu.memory_space<vmem>>, %arg7: memref<1x1x1024xf32, #tpu.memory_space<vmem>>, %arg8: memref<1x1x512xf32, #tpu.memory_space<vmem>>, %arg9: memref<512x1024xf32, #tpu.memory_space<vmem>>) attributes {dimension_semantics = [#tpu.dimension_semantics<arbitrary>, #tpu.dimension_semantics<arbitrary>], iteration_bounds = array<i64: 24, 8>, scalar_prefetch = 1 : i64, scratch_operands = 0 : i64, tpu.core_type = #tpu.core_type<tc>, window_params = [{transform_indices = @transform_0, window_bounds = array<i64: 512, 1024>}, {transform_indices = @transform_1, window_bounds = array<i64: 1, 1024, 512>}, {transform_indices = @transform_2, window_bounds = array<i64: 1, 1, 512>}, {transform_indices = @transform_3, window_bounds = array<i64: 1, 512, 1024>}, {transform_indices = @transform_4, window_bounds = array<i64: 1, 1, 1024>}, {transform_indices = @transform_5, window_bounds = array<i64: 1, 1, 512>}, {transform_indices = @transform_6, window_bounds = array<i64: 512, 1024>}]} {
    %eq3A = arith.constant 0 : i32
    %eq3A_0 = arith.cmpi eq, %arg1, %eq3A : i32
    %convert_element_type3A = arith.extui %eq3A_0 : i1 to i32
    %cond3A = arith.constant 0 : i32
    %cond3A_1 = arith.cmpi ne, %convert_element_type3A, %cond3A : i32
    scf.if %cond3A_1 {
      %get3A_12 = arith.constant 0 : index
      %get3A_13 = arith.constant 0 : index
      %get3A_14 = arith.constant 0 : index
      %get3A_15 = vector.load %arg7[%get3A_12, %get3A_13, %get3A_14] : memref<1x1x1024xf32, #tpu.memory_space<vmem>>, vector<1x1x1024xf32>
      %get3A_16 = vector.shape_cast %get3A_15 : vector<1x1x1024xf32> to vector<1024xf32>
      %broadcast_in_dim3A = vector.shape_cast %get3A_16 : vector<1024xf32> to vector<1x1024xf32>
      %broadcast_in_dim3A_17 = vector.broadcast %broadcast_in_dim3A : vector<1x1024xf32> to vector<512x1024xf32>
      %swap3A = arith.constant 0 : index
      %swap3A_18 = arith.constant 0 : index
      %swap3A_19 = vector.load %arg9[%swap3A, %swap3A_18] : memref<512x1024xf32, #tpu.memory_space<vmem>>, vector<512x1024xf32>
      tpu.vector_store %arg9[%swap3A, %swap3A_18], %broadcast_in_dim3A_17 {strides = array<i32>} : memref<512x1024xf32, #tpu.memory_space<vmem>>, vector<512x1024xf32>,
    } else {
    }
    %get3A = arith.index_cast %arg0 : i32 to index
    %get3A_2 = memref.load %arg2[%get3A] : memref<24xi32, #tpu.memory_space<smem>>
    %lt3A = arith.constant 8 : i32
    %lt3A_3 = arith.cmpi slt, %get3A_2, %lt3A : i32
    %convert_element_type3A_4 = arith.extui %lt3A_3 : i1 to i32
    %cond3A_5 = arith.constant 0 : i32
    %cond3A_6 = arith.cmpi ne, %convert_element_type3A_4, %cond3A_5 : i32
    scf.if %cond3A_6 {
      %get3A_12 = arith.constant 0 : index
      %get3A_13 = arith.constant 0 : index
      %get3A_14 = vector.load %arg3[%get3A_12, %get3A_13] : memref<512x1024xf32, #tpu.memory_space<vmem>>, vector<512x1024xf32>
      %get3A_15 = arith.constant 0 : index
      %get3A_16 = arith.constant 0 : index
      %get3A_17 = arith.constant 0 : index
      %get3A_18 = vector.load %arg4[%get3A_15, %get3A_16, %get3A_17] : memref<1x1024x512xf32, #tpu.memory_space<vmem>>, vector<1x1024x512xf32>
      %get3A_19 = vector.shape_cast %get3A_18 : vector<1x1024x512xf32> to vector<1024x512xf32>
      %dot_general3A = arith.constant dense<0.000000e+00> : vector<512x512xf32>
      %dot_general3A_20 = tpu.matmul %get3A_14, %get3A_19, %dot_general3A {dimension_numbers = #tpu.dot_dimension_numbers<[1], [0], [0], [1], [0, 0, 1, 1], [], []>, transpose_lhs_hint = false} : vector<512x1024xf32>, vector<1024x512xf32>, vector<512x512xf32> -> vector<512x512xf32>
      %get3A_21 = arith.constant 0 : index
      %get3A_22 = arith.constant 0 : index
      %get3A_23 = arith.constant 0 : index
      %get3A_24 = vector.load %arg5[%get3A_21, %get3A_22, %get3A_23] : memref<1x1x512xf32, #tpu.memory_space<vmem>>, vector<1x1x512xf32>
      %get3A_25 = vector.shape_cast %get3A_24 : vector<1x1x512xf32> to vector<512xf32>
      %broadcast_in_dim3A = vector.shape_cast %get3A_25 : vector<512xf32> to vector<1x512xf32>
      %add3A = vector.broadcast %broadcast_in_dim3A : vector<1x512xf32> to vector<512x512xf32>
      %add3A_26 = arith.addf %dot_general3A_20, %add3A : vector<512x512xf32>
      %max3A = arith.constant 0.000000e+00 : f32
      %max3A_27 = vector.broadcast %max3A : f32 to vector<512x512xf32>
      %max3A_28 = arith.maximumf %add3A_26, %max3A_27 : vector<512x512xf32>
      %get3A_29 = arith.constant 0 : index
      %get3A_30 = arith.constant 0 : index
      %get3A_31 = vector.load %arg9[%get3A_29, %get3A_30] : memref<512x1024xf32, #tpu.memory_space<vmem>>, vector<512x1024xf32>
      %get3A_32 = arith.constant 0 : index
      %get3A_33 = arith.constant 0 : index
      %get3A_34 = arith.constant 0 : index
      %get3A_35 = vector.load %arg6[%get3A_32, %get3A_33, %get3A_34] : memref<1x512x1024xf32, #tpu.memory_space<vmem>>, vector<1x512x1024xf32>
      %get3A_36 = vector.shape_cast %get3A_35 : vector<1x512x1024xf32> to vector<512x1024xf32>
      %dot_general3A_37 = arith.constant dense<0.000000e+00> : vector<512x1024xf32>
      %dot_general3A_38 = tpu.matmul %max3A_28, %get3A_36, %dot_general3A_37 {dimension_numbers = #tpu.dot_dimension_numbers<[1], [0], [0], [1], [0, 0, 1, 1], [], []>, transpose_lhs_hint = false} : vector<512x512xf32>, vector<512x1024xf32>, vector<512x1024xf32> -> vector<512x1024xf32>
      %add3A_39 = arith.addf %get3A_31, %dot_general3A_38 : vector<512x1024xf32>
      %swap3A = arith.constant 0 : index
      %swap3A_40 = arith.constant 0 : index
      %swap3A_41 = vector.load %arg9[%swap3A, %swap3A_40] : memref<512x1024xf32, #tpu.memory_space<vmem>>, vector<512x1024xf32>
      tpu.vector_store %arg9[%swap3A, %swap3A_40], %add3A_39 {strides = array<i32>} : memref<512x1024xf32, #tpu.memory_space<vmem>>, vector<512x1024xf32>,
    } else {
    }
    %eq3A_7 = arith.constant 7 : i32
    %eq3A_8 = arith.cmpi eq, %arg1, %eq3A_7 : i32
    %convert_element_type3A_9 = arith.extui %eq3A_8 : i1 to i32
    %cond3A_10 = arith.constant 0 : i32
    %cond3A_11 = arith.cmpi ne, %convert_element_type3A_9, %cond3A_10 : i32
    scf.if %cond3A_11 {
      %get3A_12 = arith.constant 0 : index
      %get3A_13 = arith.constant 0 : index
      %get3A_14 = vector.load %arg9[%get3A_12, %get3A_13] : memref<512x1024xf32, #tpu.memory_space<vmem>>, vector<512x1024xf32>
      %get3A_15 = arith.constant 0 : index
      %get3A_16 = arith.constant 0 : index
      %get3A_17 = arith.constant 0 : index
      %get3A_18 = vector.load %arg8[%get3A_15, %get3A_16, %get3A_17] : memref<1x1x512xf32, #tpu.memory_space<vmem>>, vector<1x1x512xf32>
      %get3A_19 = vector.shape_cast %get3A_18 : vector<1x1x512xf32> to vector<512xf32>
      %broadcast_in_dim3A = vector.shape_cast %get3A_19 : vector<512xf32> to vector<512x1xf32>
      %mul3A = vector.broadcast %broadcast_in_dim3A : vector<512x1xf32> to vector<512x1024xf32>
      %mul3A_20 = arith.mulf %get3A_14, %mul3A : vector<512x1024xf32>
      %swap3A = arith.constant 0 : index
      %swap3A_21 = arith.constant 0 : index
      %swap3A_22 = vector.load %arg9[%swap3A, %swap3A_21] : memref<512x1024xf32, #tpu.memory_space<vmem>>, vector<512x1024xf32>
      tpu.vector_store %arg9[%swap3A, %swap3A_21], %mul3A_20 {strides = array<i32>} : memref<512x1024xf32, #tpu.memory_space<vmem>>, vector<512x1024xf32>,
    } else {
    }
    return
  }
  func.func @transform_0(%arg0: i32, %arg1: i32, %arg2: memref<24xi32, #tpu.memory_space<smem>>) -> (i32, i32) {
    %c0_i32 = arith.constant 0 : i32
    %c0_i32_0 = arith.constant 0 : i32
    return %arg0, %c0_i32 : i32, i32
  }
  func.func @transform_1(%arg0: i32, %arg1: i32, %arg2: memref<24xi32, #tpu.memory_space<smem>>) -> (i32, i32, i32) {
    %get3A = arith.index_cast %arg0 : i32 to index
    %get3A_0 = memref.load %arg2[%get3A] : memref<24xi32, #tpu.memory_space<smem>>
    %min3A = arith.constant 7 : i32
    %min3A_1 = arith.minsi %get3A_0, %min3A : i32
    %c0_i32 = arith.constant 0 : i32
    %c0_i32_2 = arith.constant 0 : i32
    return %min3A_1, %c0_i32, %arg1 : i32, i32, i32
  }
  func.func @transform_2(%arg0: i32, %arg1: i32, %arg2: memref<24xi32, #tpu.memory_space<smem>>) -> (i32, i32, i32) {
    %get3A = arith.index_cast %arg0 : i32 to index
    %get3A_0 = memref.load %arg2[%get3A] : memref<24xi32, #tpu.memory_space<smem>>
    %min3A = arith.constant 7 : i32
    %min3A_1 = arith.minsi %get3A_0, %min3A : i32
    %c0_i32 = arith.constant 0 : i32
    %c0_i32_2 = arith.constant 0 : i32
    return %min3A_1, %c0_i32, %arg1 : i32, i32, i32
  }
  func.func @transform_3(%arg0: i32, %arg1: i32, %arg2: memref<24xi32, #tpu.memory_space<smem>>) -> (i32, i32, i32) {
    %get3A = arith.index_cast %arg0 : i32 to index
    %get3A_0 = memref.load %arg2[%get3A] : memref<24xi32, #tpu.memory_space<smem>>
    %min3A = arith.constant 7 : i32
    %min3A_1 = arith.minsi %get3A_0, %min3A : i32
    %c0_i32 = arith.constant 0 : i32
    %c0_i32_2 = arith.constant 0 : i32
    return %min3A_1, %arg1, %c0_i32 : i32, i32, i32
  }
  func.func @transform_4(%arg0: i32, %arg1: i32, %arg2: memref<24xi32, #tpu.memory_space<smem>>) -> (i32, i32, i32) {
    %get3A = arith.index_cast %arg0 : i32 to index
    %get3A_0 = memref.load %arg2[%get3A] : memref<24xi32, #tpu.memory_space<smem>>
    %min3A = arith.constant 7 : i32
    %min3A_1 = arith.minsi %get3A_0, %min3A : i32
    %c0_i32 = arith.constant 0 : i32
    %c0_i32_2 = arith.constant 0 : i32
    %c0_i32_3 = arith.constant 0 : i32
    return %min3A_1, %c0_i32, %c0_i32_2 : i32, i32, i32
  }
  func.func @transform_5(%arg0: i32, %arg1: i32, %arg2: memref<24xi32, #tpu.memory_space<smem>>) -> (i32, i32, i32) {
    %c0_i32 = arith.constant 0 : i32
    %c0_i32_0 = arith.constant 0 : i32
    %c0_i32_1 = arith.constant 0 : i32
    return %arg0, %c0_i32, %c0_i32_0 : i32, i32, i32
  }
  func.func @transform_6(%arg0: i32, %arg1: i32, %arg2: memref<24xi32, #tpu.memory_space<smem>>) -> (i32, i32) {
    %c0_i32 = arith.constant 0 : i32
    %c0_i32_0 = arith.constant 0 : i32
    return %arg0, %c0_i32 : i32, i32
  }
}

module attributes {stable_mosaic.version = 14 : i64} {
  func.func @_final_body(%arg0: i32, %arg1: memref<512x1024xf32, #tpu.memory_space<vmem>>, %arg2: memref<512x1024xf32, #tpu.memory_space<vmem>>, %arg3: memref<512x1024xf32, #tpu.memory_space<vmem>>, %arg4: memref<512x1024xf32, #tpu.memory_space<vmem>>) attributes {dimension_semantics = [#tpu.dimension_semantics<arbitrary>], iteration_bounds = array<i64: 8>, scalar_prefetch = 0 : i64, scratch_operands = 0 : i64, tpu.core_type = #tpu.core_type<tc>, window_params = [{transform_indices = @transform_0, window_bounds = array<i64: 512, 1024>}, {transform_indices = @transform_1, window_bounds = array<i64: 512, 1024>}, {transform_indices = @transform_2, window_bounds = array<i64: 512, 1024>}, {transform_indices = @transform_3, window_bounds = array<i64: 512, 1024>}]} {
    %get3A = arith.constant 0 : index
    %get3A_0 = arith.constant 0 : index
    %get3A_1 = vector.load %arg1[%get3A, %get3A_0] : memref<512x1024xf32, #tpu.memory_space<vmem>>, vector<512x1024xf32>
    %get3A_2 = arith.constant 0 : index
    %get3A_3 = arith.constant 0 : index
    %get3A_4 = vector.load %arg2[%get3A_2, %get3A_3] : memref<512x1024xf32, #tpu.memory_space<vmem>>, vector<512x1024xf32>
    %add3A = arith.addf %get3A_1, %get3A_4 : vector<512x1024xf32>
    %get3A_5 = arith.constant 0 : index
    %get3A_6 = arith.constant 0 : index
    %get3A_7 = vector.load %arg3[%get3A_5, %get3A_6] : memref<512x1024xf32, #tpu.memory_space<vmem>>, vector<512x1024xf32>
    %add3A_8 = arith.addf %add3A, %get3A_7 : vector<512x1024xf32>
    %swap3A = arith.constant 0 : index
    %swap3A_9 = arith.constant 0 : index
    %swap3A_10 = vector.load %arg4[%swap3A, %swap3A_9] : memref<512x1024xf32, #tpu.memory_space<vmem>>, vector<512x1024xf32>
    tpu.vector_store %arg4[%swap3A, %swap3A_9], %add3A_8 {strides = array<i32>} : memref<512x1024xf32, #tpu.memory_space<vmem>>, vector<512x1024xf32>,
    return
  }
  func.func @transform_0(%arg0: i32) -> (i32, i32) {
    %c0_i32 = arith.constant 0 : i32
    %c0_i32_0 = arith.constant 0 : i32
    return %arg0, %c0_i32 : i32, i32
  }
  func.func @transform_1(%arg0: i32) -> (i32, i32) {
    %c0_i32 = arith.constant 0 : i32
    %c0_i32_0 = arith.constant 0 : i32
    return %arg0, %c0_i32 : i32, i32
  }
  func.func @transform_2(%arg0: i32) -> (i32, i32) {
    %c0_i32 = arith.constant 0 : i32
    %c0_i32_0 = arith.constant 0 : i32
    return %arg0, %c0_i32 : i32, i32
  }
  func.func @transform_3(%arg0: i32) -> (i32, i32) {
    %c0_i32 = arith.constant 0 : i32
    %c0_i32_0 = arith.constant 0 : i32
    return %arg0, %c0_i32 : i32, i32
  }
}

</mosaic_0001>

<sc_bundles>
// kernel: kernel.10.cloned.1.call-start
scs
__scs_entry_jumppad:
0x0: {  	(pc) =	sbr.rel $0x88, $3  }
0x1: {  	(tag) =	ssettag $0x0;
	lr =	simm.s32 $0x1  }
0x2: {  	[smem:$0x3F94] =	sst lr;
	_ =	strace $0xD0000000  }
0x3: {  	_ = 	snop  }
0x4: {  	_ = 	snop  }
0x5: {  	_ = 	snop  }
0x6: {  	_ = 	snop  }
0x7: {  	_ = 	snop  }
__scs_overlays_trampoline_lowered:
0x8: {  	[smem:$0x3FA3] =	sst s0  }
0x9: {  	[smem:$0x3FA4] =	sst s1  }
0xa: {  	[smem:$0x3FA5] =	sst s2  }
0xb: {  	[smem:$0x3FA6] =	sst s3  }
0xc: {  	[smem:$0x3FA7] =	sst s4  }
0xd: {  	[smem:$0x3FA8] =	sst s5  }
0xe: {  	[smem:$0x3FA9] =	sst s6  }
0xf: {  	[smem:$0x3FAA] =	sst s7  }
0x10: {  	[smem:$0x3FAB] =	sst s8  }
0x11: {  	[smem:$0x3FAC] =	sst s9;
	s0 =	simm.s32 @!p0 $0x0  }
0x12: {  	s1 =	sld [smem:$0x3F92];
	s0 =	simm.s32 @p0 $0x1  }
0x13: {  	[smem:$0x3FAD] =	sst s0;
	s0 =	simm.s32 @!p1 $0x0  }
0x14: {  	s2 =	sld [smem:$0x3F91];
	s0 =	simm.s32 @p1 $0x1  }
0x15: {  	[smem:$0x3FAE] =	sst s0;
	s0 =	simm.s32 @!p2 $0x0  }
0x16: {  	s3 =	sld [smem:$0x3FDB];
	s0 =	simm.s32 @p2 $0x1  }
0x17: {  	s4 =	simm.s32 $0x1BF5;
	[smem:$0x3FB0] =	sst s0  }
0x18: {  	s0 =	sld [smem:$0x3F93];
	_ =	swait.ge [sflag:s4], $0x0  }
0x19: {  	s7 =	sld [smem:$0x3F94]  }
0x1a: {  	s8 =	sadd.s32 $0xFFFFE003, lr  }
0x1b: {  	s9 =	sadd.s32 $0xFFFFFEF7, lr;
	s5 =	simm.s32 $0xFFFFFFFF;
	p2 =	slt.u32 s8, $0xFFFFF086  }
0x1c: {  	p1 =	slt.u32 s9, $0xF7A;
	s5 =	simm.s32 @!p2 $0x0  }
0x1d: {  	s5 =	simm.s32 @p1 $0x1;
	p0 =	seq.s32 s7, s2  }
0x1e: {  	s7 =	smul.u32 @!p0 $0xF7A, s2;
	p2 =	seq.s32 @!p0 s5, $0x0  }
0x1f: {  	s9 =	smul.u32 $0xF7A, s1;
	s8 =	simm.s32 @!p0 $0x1BF5;
	p2 =	por !p2, p0  }
0x20: {  	[sflag:s8] =	ssyncset.s32 @!p0 $0xFFFFF086;
	s6 =	sadd.s32 @!p0 s3, s7;
	s7 =	simm.s32 @!p0 $0x108  }
0x21: {  	s3 =	sadd.s32 s3, s9;
	s6 =	sadd.s32 @!p0 $0x88, s6;
	s7 =	simm.s32 @p2 $0x1082  }
0x22: {  	[simem:s7], [sflag:s8] =	dma.local @!p0 [hbm:s6], $0xF7A  }
0x23: {  	s9 =	sor.u32 $0xD0000000, s2;
	s6 =	simm.s32 $0x108;
	_ =	swait.ge @!p0 [sflag:s8], $0x0  }
0x24: {  	s3 =	sadd.s32 $0x88, s3;
	s6 =	simm.s32 @!p1 $0x1082;
	[sflag:s4] =	ssyncset.s32 $0xFFFFF086  }
0x25: {  	[simem:s6], [sflag:s4] =	dma.local [hbm:s3], $0xF7A  }
0x26: {  	[smem:$0x3F94] =	sst s1;
	(tag) =	ssettag s2;
	_ =	strace s9  }
0x27: {  	s1 =	sld [smem:$0x3FA4]  }
0x28: {  	s2 =	sld [smem:$0x3FA5]  }
0x29: {  	s4 =	sld [smem:$0x3FA7]  }
0x2a: {  	p0 =	seq.s32 s5, $0x0;
	s5 =	sld [smem:$0x3FA8]  }
0x2b: {  	s6 =	sld [smem:$0x3FA9]  }
0x2c: {  	s7 =	sld [smem:$0x3FAA]  }
0x2d: {  	s3 =	simm.s32 $0x108;
	s8 =	sld [smem:$0x3FAB]  }
0x2e: {  	s3 =	simm.s32 @!p0 $0x1082;
	s9 =	sld [smem:$0x3FAC]  }
0x2f: {  	lr =	sadd.s32 s0, s3;
	s0 =	sld [smem:$0x3FA3]  }
0x30: {  	s3 =	sld [smem:$0x3FA6]  }
0x31: {  	[smem:$0x3FAF] =	sst s10  }
0x32: {  	s10 =	sld [smem:$0x3FAD];
	_ =	sdelay $0x3  }
0x33: {  	p0 =	seq.s32 s10, $0x1;
	s10 =	sld [smem:$0x3FAF];
	_ =	sdelay $0x3  }
0x34: {  	[smem:$0x3FAF] =	sst s10  }
0x35: {  	s10 =	sld [smem:$0x3FAE];
	_ =	sdelay $0x3  }
0x36: {  	p1 =	seq.s32 s10, $0x1;
	s10 =	sld [smem:$0x3FAF];
	_ =	sdelay $0x3  }
0x37: {  	[smem:$0x3FAF] =	sst s10  }
0x38: {  	s10 =	sld [smem:$0x3FB0]  }
0x39: {  	_ = 	snop;
	(pc) =	sbr.ind lr, $3  }
0x3a: {  	_ = 	snop  }
0x3b: {  	_ = 	snop  }
0x3c: {  	p2 =	seq.s32 s10, $0x1;
	s10 =	sld [smem:$0x3FAF]  }
0x3d: {  	_ =	shalt  }
0x3e: {  	_ =	shalt  }
0x3f: {  	_ =	shalt  }
0x40: {  	_ =	shalt  }
0x41: {  	_ =	shalt  }
0x42: {  	_ =	shalt  }
0x43: {  	_ =	shalt  }
0x44: {  	_ =	shalt  }
0x45: {  	_ =	shalt  }
0x46: {  	_ =	shalt  }
0x47: {  	_ =	shalt  }
0x48: {  	_ =	shalt  }
0x49: {  	_ =	shalt  }
0x4a: {  	_ =	shalt  }
0x4b: {  	_ =	shalt  }
0x4c: {  	_ =	shalt  }
0x4d: {  	_ =	shalt  }
0x4e: {  	_ =	shalt  }
0x4f: {  	_ =	shalt  }
0x50: {  	_ =	shalt  }
0x51: {  	_ =	shalt  }
0x52: {  	_ =	shalt  }
0x53: {  	_ =	shalt  }
0x54: {  	_ =	shalt  }
0x55: {  	_ =	shalt  }
0x56: {  	_ =	shalt  }
0x57: {  	_ =	shalt  }
0x58: {  	_ =	shalt  }
0x59: {  	_ =	shalt  }
0x5a: {  	_ =	shalt  }
0x5b: {  	_ =	shalt  }
0x5c: {  	_ =	shalt  }
0x5d: {  	_ =	shalt  }
0x5e: {  	_ =	shalt  }
0x5f: {  	_ =	shalt  }
0x60: {  	_ =	shalt  }
0x61: {  	_ =	shalt  }
0x62: {  	_ =	shalt  }
0x63: {  	_ =	shalt  }
0x64: {  	_ =	shalt  }
0x65: {  	_ =	shalt  }
0x66: {  	_ =	shalt  }
0x67: {  	_ =	shalt  }
0x68: {  	_ =	shalt  }
0x69: {  	_ =	shalt  }
0x6a: {  	_ =	shalt  }
0x6b: {  	_ =	shalt  }
0x6c: {  	_ =	shalt  }
0x6d: {  	_ =	shalt  }
0x6e: {  	_ =	shalt  }
0x6f: {  	_ =	shalt  }
0x70: {  	_ =	shalt  }
0x71: {  	_ =	shalt  }
0x72: {  	_ =	shalt  }
0x73: {  	_ =	shalt  }
0x74: {  	_ =	shalt  }
0x75: {  	_ =	shalt  }
0x76: {  	_ =	shalt  }
0x77: {  	_ =	shalt  }
0x78: {  	_ =	shalt  }
0x79: {  	_ =	shalt  }
0x7a: {  	_ =	shalt  }
0x7b: {  	_ =	shalt  }
0x7c: {  	_ =	shalt  }
0x7d: {  	_ =	shalt  }
0x7e: {  	_ =	shalt  }
0x7f: {  	_ =	shalt  }
0x80: {  	_ =	shalt  }
0x81: {  	_ =	shalt  }
0x82: {  	_ =	shalt  }
0x83: {  	_ =	shalt  }
0x84: {  	_ =	shalt  }
0x85: {  	_ =	shalt  }
0x86: {  	_ =	shalt  }
0x87: {  	_ =	shalt  }
.Lfunc_end0:
.L_simem_size_0:
called_computation_lowered:
.L_overlay_start_0:
0x88: {  	s2 =	sld [smem:$0x3FD9]  }
0x89: {  	s3 =	sld [smem:$0x3FFE];
	_ =	sdelay $0x1  }
0x8a: {  	s1 =	srdreg.scid  }
0x8b: {  	s0 =	sand.u32 $0x1, s1  }
0x8c: {  	s17 =	sshll.u32 s0, $0xA;
	s2 =	sadd.s32 s3, s2  }
0x8d: {  	s2 =	sadd.s32 s2, s17  }
0x8e: {  	[smem:$0x3FBB] =	sst s2  }
0x8f: {  	_ = 	snop  }
0x90: {  	s2 =	sld [smem:$0x3FD0];
	(tm) =	ssettm $0x1  }
0x91: {  	s18 =	sld [smem:$0x3FFB];
	_ =	sdelay $0x3  }
0x92: {  	_ =	strace s18  }
0x93: {  	s3 =	sld [smem:$0x3FFC];
	_ =	sdelay $0x3  }
0x94: {  	_ =	strace s3  }
0x95: {  	s3 =	sld [smem:$0x3FFD];
	_ =	sdelay $0x3  }
0x96: {  	_ =	strace s3  }
0x97: {  	_ =	strace $0x8FFFFFFF  }
0x98: {  	s19 =	sld [smem:$0x3FDB];
	_ =	sdelay $0x1  }
0x99: {  	s4 =	simm.s32 $_scs_section_size  }
0x9a: {  	s5 =	simm.s32 $_size__tile_overlayer_lowered;
	s6 =	simm.s32 $_tile_overlayer_lowered  }
0x9b: {  	s22 =	simm.s32 $0x1BFF;
	s21 =	sshll.u32 s6, $0x1;
	s3 =	sadd.s32 s4, s19  }
0x9c: {  	s7 =	simm.s32 $0x0;
	s20 =	sshll.u32 s5, $0x1;
	s5 =	sadd.s32 s21, s3  }
0x9d: {  	[timem:s7], [sflag:s22] =	dma.local [hbm:s5], s20  }
0x9e: {  	_ =	swait.ge [sflag:s22], s20  }
0x9f: {  	s4 =	ssub.s32 $0x0, s20;
	[sflag:s22] =	ssyncset.done $0x0  }
0xa0: {  	[sflag:s22] =	ssyncadd.s32 s4;
	_ =	sdelay $0x1  }
0xa1: {  	s23 =	simm.s32 $0x1B8B  }
0xa2: {  	_ =	swait.ge [sflag:s23], $0x1  }
0xa3: {  	[sflag:s23] =	ssyncset.done $0x0  }
0xa4: {  	s25 =	simm.s32 $0x1B8E;
	s24 =	sld [smem:$0x3FFE];
	[sflag:s23] =	ssyncadd.s32 $0xFFFFFFFF  }
0xa5: {  	s26 =	simm.s32 $execute0_lowered;
	[smem:$0x3FD2] =	sst s25  }
0xa6: {  	s5 =	sshll.u32 s26, $0x1;
	_ =	strace $0x80000046;
	[dreg:$0x1] =	wrdreg $0xFFFFFFFF  }
0xa7: {  	s28 =	simm.s32 $_size_execute0_lowered;
	s3 =	sadd.s32 s3, s5;
	[dreg:$0x0] =	wrdreg $0x0  }
0xa8: {  	s5 =	sshll.u32 s28, $0x1;
	[dreg:$0x2] =	wrdreg s3  }
0xa9: {  	[dreg:$0x3] =	wrdreg s5  }
0xaa: {  	[dreg:$0x4] =	wrdreg $0xC0  }
0xab: {  	_ =	task [dreg:s7], $0x5FFFF  }
0xac: {  	[dreg:$0x1] =	wrdreg $0xFFFFFFFF  }
0xad: {  	[dreg:$0x0] =	wrdreg $0x60  }
0xae: {  	[dreg:$0x2] =	wrdreg s24  }
0xaf: {  	[dreg:$0x3] =	wrdreg s2  }
0xb0: {  	[dreg:$0x4] =	wrdreg $0x9  }
0xb1: {  	_ =	task.clear_ibuf [dreg:s7], $0x5FFFF;
	_ =	strace $0x90000046  }
0xb2: {  	s29 =	simm.s32 $0x9;
	_ =	strace $0x80000048  }
0xb3: {  	_ =	swait.ge [sflag:s29], $0x1  }
0xb4: {  	[sflag:s29] =	ssyncadd.s32 $0xFFFFFFFF  }
0xb5: {  	_ =	strace $0x90000048  }
0xb6: {  	_ =	sfence  }
0xb7: {  	s30 =	sld [smem:$0x0];
	_ =	sdelay $0x2  }
0xb8: {  	s31 =	sshll.u32 s1, $0xD;
	s1 =	sshrl.u32 s1, $0x2  }
0xb9: {  	s3 =	sand.u32 $0x4000, s31;
	s1 =	sadd.s32 s1, s30  }
0xba: {  	s0 =	sor.u32 s3, s0;
	s1 =	sshll.u32 s1, $0x11  }
0xbb: {  	s0 =	sor.u32 s1, s0  }
0xbc: {  	s0 =	sadd.s32 $0x8F2B, s0  }
0xbd: {  	[sflag:s0] =	ssyncadd.remote.s32 $0x1  }
0xbe: {  	_ =	sfence.sel $0xFFFF  }
0xbf: {  	[dreg:$0x0] =	wrdreg $0xFFFFFFFF;
	(pc) =	sbr.abs _section_cstart, $3  }
0xc0: {  	[dreg:$0x1] =	wrdreg $0xFFFFFFFF  }
0xc1: {  	_ =	task.clear_ibuf [dreg:s7], $0x2FFFF;
	_ =	strace $0x9FFFFFFF  }
0xc2: {  	(tm) =	ssettm $0x7FFFFFFF  }
0xc3: {  	_ =	shalt  }
tec
execute0_lowered:
.L_overlay_start_1:
0x0: {  	(tag) =	ssettag $0x1  }
0x1: {  	s0 =	srdreg.scid  }
0x2: {  	s31 =	stileid.u32;
	s8 =	sand.u32 $0x1, s0  }
0x3: {  	s3 =	sshll.u32 s31, $0x1;
	s4 =	ssub.s32 $0x0, s8  }
0x4: {  	p0 =	sne.s32 s3, s4  }
.Ltmp0:
0x5: {  	_ = 	snop;
	(pc) =	sbr.rel @p0 .LBB2_7-.Ltmp0, $3  }
0x6: {  	_ =	sdelay $0x1  }
0x7: {  	s12 =	rddreg [dreg:$0x0]  }
0x8: {  	s2 =	rddreg [dreg:$0x1];
	_ =	strace $0x80000047  }
0x9: {  	s3 =	sadd.s32 $0x3600, s12;
	s4 =	sadd.s32 $0x4000, s12;
	s5 =	sadd.s32 $0x3800, s12  }
0xa: {  	s6 =	sadd.s32 $0x3A00, s12;
	s7 =	sadd.s32 $0x3C00, s12;
	s13 =	ssub.s32 $0x2, s8  }
0xb: {  	s8 =	sadd.s32 $0x3E00, s12;
	s9 =	sadd.s32 $0x4200, s12;
	s10 =	sadd.s32 $0x4400, s12  }
0xc: {  	s11 =	sadd.s32 $0x4A00, s12;
	s12 =	sadd.s32 $0x4C00, s12;
	s15 =	simm.s32 $0x8000  }
0xd: {  	s16 =	simm.s32 $0x1;
	s17 =	simm.s32 $0x9000;
	s18 =	simm.s32 $0xA000  }
0xe: {  	s19 =	simm.s32 $0xB000;
	s20 =	simm.s32 $0xC000;
	s21 =	simm.s32 $0xD000  }
0xf: {  	s22 =	simm.s32 $0xE000;
	s23 =	simm.s32 $0x3000;
	s14 =	sshrl.u32 s13, $0x1  }
0x10: {  	s24 =	simm.s32 $0x6000;
	s25 =	simm.s32 $0x7000;
	s13 =	ssub.s32 s13, s14  }
0x11: {  	v0 =	vimm.s32 $0x0;
	v1 =	vimm.f32 $0.0e+00;
	v2 =	vlaneseq.u32;
	s26 =	simm.s32 $0x0;
	s14 =	simm.s32 $0x0;
	s13 =	smax.u32 s13, $0x1  }
.LBB2_2:
0x12: {  	[tilespmem:s15], [sflag:$0x1] =	stream.linear.gather [hbm4b:s3+s14], $0x1000, $0x38;
	[tilespmem:$0xE080] =	vst v63  }
0x13: {  	_ =	swait.ge [sflag:s16], $0x1000  }
0x14: {  	[sflag:s16] =	ssyncset.done $0x0  }
0x15: {  	[sflag:s16] =	ssyncadd.s32 $0xFFFFF000  }
0x16: {  	[tilespmem:s17], [sflag:$0x1] =	stream.linear.gather [hbm4b:s4+s14], $0x1000, $0x38;
	[tilespmem:$0xE080] =	vst v63  }
0x17: {  	_ =	swait.ge [sflag:s16], $0x1000  }
0x18: {  	[sflag:s16] =	ssyncset.done $0x0  }
0x19: {  	[sflag:s16] =	ssyncadd.s32 $0xFFFFF000  }
0x1a: {  	[tilespmem:s18], [sflag:$0x1] =	stream.linear.gather [hbm4b:s5+s14], $0x1000, $0x38;
	[tilespmem:$0xE080] =	vst v63  }
0x1b: {  	_ =	swait.ge [sflag:s16], $0x1000  }
0x1c: {  	[sflag:s16] =	ssyncset.done $0x0  }
0x1d: {  	[sflag:s16] =	ssyncadd.s32 $0xFFFFF000  }
0x1e: {  	[tilespmem:s19], [sflag:$0x1] =	stream.linear.gather [hbm4b:s6+s14], $0x1000, $0x38;
	[tilespmem:$0xE080] =	vst v63  }
0x1f: {  	_ =	swait.ge [sflag:s16], $0x1000  }
0x20: {  	[sflag:s16] =	ssyncset.done $0x0  }
0x21: {  	[sflag:s16] =	ssyncadd.s32 $0xFFFFF000  }
0x22: {  	[tilespmem:s20], [sflag:$0x1] =	stream.linear.gather [hbm4b:s7+s14], $0x1000, $0x38;
	[tilespmem:$0xE080] =	vst v63  }
0x23: {  	_ =	swait.ge [sflag:s16], $0x1000  }
0x24: {  	[sflag:s16] =	ssyncset.done $0x0  }
0x25: {  	[sflag:s16] =	ssyncadd.s32 $0xFFFFF000  }
0x26: {  	[tilespmem:s21], [sflag:$0x1] =	stream.linear.gather [hbm4b:s8+s14], $0x1000, $0x38;
	[tilespmem:$0xE080] =	vst v63  }
0x27: {  	_ =	swait.ge [sflag:s16], $0x1000  }
0x28: {  	[sflag:s16] =	ssyncset.done $0x0  }
0x29: {  	[sflag:s16] =	ssyncadd.s32 $0xFFFFF000  }
0x2a: {  	[tilespmem:s22], [sflag:$0x1] =	stream.linear.gather [hbm4b:s9+s14], $0x80, $0x38;
	[tilespmem:$0xE080] =	vst v63  }
0x2b: {  	_ =	swait.ge [sflag:s16], $0x80  }
0x2c: {  	[sflag:s16] =	ssyncset.done $0x0  }
0x2d: {  	s28 =	simm.s32 $0x0;
	[sflag:s16] =	ssyncadd.s32 $0xFFFFFF80  }
.LBB2_3:
0x2e: {  	p0 =	sne.s32 s28, $0xBFC0  }
.Ltmp1:
0x2f: {  	_ = 	snop;
	(pc) =	sbr.rel @p0 .LBB2_3-.Ltmp1, $4  }
0x30: {  	_ = 	snop  }
0x31: {  	s29 =	sshra.s32 s28, $0x2  }
0x32: {  	[tilespmem:s29+$0x0] =	vst v0  }
0x33: {  	s28 =	sadd.s32 $0x40, s28;
	[tilespmem:s29+$0x3000] =	vst v1  }
0x34: {  	s28 =	simm.s32 $0x0  }
0x35: {  	v3 =	vld [tilespmem:s28+$0x8000]  }
0x36: {  	v4 =	vld [tilespmem:s28+$0x9000];
	_ =	sdelay $0x1  }
0x37: {  	s29 =	simm.s32 $0x0  }
0x38: {  	s29 =	sand.u32 $0x38, s29  }
0x39: {  	v3 =	vadd.s32 s29, v3  }
0x3a: {  	v4 =	vadd.s32 s29, v4;
	_ =	sdelay $0x1  }
0x3b: {  	v5 =	vld [tilespmem:s28+$0xA000]  }
0x3c: {  	v6 =	vld [tilespmem:s28+$0xB000]  }
0x3d: {  	v3 =	vld.idx.msk [tilespmem:v3+s22+$0x0], $0xffff  }
0x3e: {  	v4 =	vld.idx.msk [tilespmem:v4+s22+$0x0], $0xffff;
	_ =	sdelay $0x3  }
0x3f: {  	v5 =	vadd.s32 v3, v5  }
0x40: {  	v3 =	vadd.s32 v4, v6;
	_ =	sdelay $0x1  }
0x41: {  	s29 =	simm.s32 $0x0;
	[tilespmem:s28+$0x6000] =	vst v5  }
0x42: {  	v4 =	vor.u32 s29, v2;
	[tilespmem:s28+$0x7000] =	vst v3  }
0x43: {  	[tilespmem:v5+s14+$0x0] =	vst.idx.msk $0xffff, v4  }
0x44: {  	[tilespmem:v3+s14+$0x0] =	vst.idx.msk $0xffff, v4  }
0x45: {  	v4 =	vld [tilespmem:s28+$0xC000];
	_ =	sdelay $0x4  }
0x46: {  	[tilespmem:v5+s23+$0x0] =	vst.idx.msk $0xffff, v4  }
0x47: {  	v4 =	vld [tilespmem:s28+$0xD000];
	_ =	sdelay $0x2  }
0x48: {  	s30 =	simm.s32 $0x40;
	s31 =	simm.s32 $0x80;
	s28 =	simm.s32 $0x10  }
.LBB2_5:
0x49: {  	s1 =	sshra.s32 s30, $0x2  }
0x4a: {  	[tilespmem:v3+s23+$0x0] =	vst.idx.msk $0xffff, v4;
	s29 =	sadd.s32 $0x1, s29;
	s30 =	smov.u32 s31;
	s0 =	sadd.s32 $0x40, s31  }
0x4b: {  	p0 =	sne.s32 s31, $0x3FC0;
	v3 =	vld [tilespmem:s1+$0x8000]  }
0x4c: {  	v4 =	vld [tilespmem:s1+$0x9000];
	_ =	sdelay $0x1  }
0x4d: {  	s31 =	sshrl.u32 s29, $0x2  }
0x4e: {  	s31 =	sand.u32 $0x38, s31  }
0x4f: {  	v3 =	vadd.s32 s31, v3  }
0x50: {  	v4 =	vadd.s32 s31, v4;
	_ =	sdelay $0x2  }
0x51: {  	v5 =	vld [tilespmem:s1+$0xA000]  }
0x52: {  	v3 =	vld.idx.msk [tilespmem:v3+s22+$0x0], $0xffff  }
0x53: {  	v4 =	vld.idx.msk [tilespmem:v4+s22+$0x0], $0xffff  }
0x54: {  	v6 =	vld [tilespmem:s1+$0xB000];
	_ =	sdelay $0x3  }
0x55: {  	v5 =	vadd.s32 v3, v5  }
0x56: {  	v3 =	vadd.s32 v4, v6;
	_ =	sdelay $0x1  }
0x57: {  	[tilespmem:s1+$0x6000] =	vst v5  }
0x58: {  	v4 =	vor.u32 s28, v2;
	[tilespmem:s1+$0x7000] =	vst v3  }
0x59: {  	[tilespmem:v5+s14+$0x0] =	vst.idx.msk $0xffff, v4  }
0x5a: {  	[tilespmem:v3+s14+$0x0] =	vst.idx.msk $0xffff, v4  }
0x5b: {  	v4 =	vld [tilespmem:s1+$0xC000];
	_ =	sdelay $0x4  }
0x5c: {  	[tilespmem:v5+s23+$0x0] =	vst.idx.msk $0xffff, v4  }
.Ltmp2:
0x5d: {  	v4 =	vld [tilespmem:s1+$0xD000];
	(pc) =	sbr.rel @p0 .LBB2_5-.Ltmp2, $2  }
0x5e: {  	_ =	sdelay $0x2  }
0x5f: {  	s31 =	smov.u32 s0;
	s28 =	sadd.s32 $0x10, s28  }
0x60: {  	_ =	sdelay $0x3  }
0x61: {  	s0 =	sshra.s32 s30, $0x2;
	[tilespmem:v3+s23+$0x0] =	vst.idx.msk $0xffff, v4  }
0x62: {  	v3 =	vld [tilespmem:s0+$0x8000]  }
0x63: {  	v4 =	vld [tilespmem:s0+$0x9000]  }
0x64: {  	s1 =	sadd.s32 $0x1, s29  }
0x65: {  	s1 =	sshrl.u32 s1, $0x2  }
0x66: {  	s1 =	sand.u32 $0x38, s1  }
0x67: {  	v3 =	vadd.s32 s1, v3  }
0x68: {  	v4 =	vadd.s32 s1, v4;
	_ =	sdelay $0x1  }
0x69: {  	v5 =	vld [tilespmem:s0+$0xA000]  }
0x6a: {  	v6 =	vld [tilespmem:s0+$0xB000]  }
0x6b: {  	v3 =	vld.idx.msk [tilespmem:v3+s22+$0x0], $0xffff  }
0x6c: {  	v4 =	vld.idx.msk [tilespmem:v4+s22+$0x0], $0xffff;
	_ =	sdelay $0x3  }
0x6d: {  	v3 =	vadd.s32 v3, v5  }
0x6e: {  	v4 =	vadd.s32 v4, v6;
	_ =	sdelay $0x1  }
0x6f: {  	[tilespmem:s0+$0x6000] =	vst v3  }
0x70: {  	v63 =	vor.u32 s28, v2;
	[tilespmem:s0+$0x7000] =	vst v4  }
0x71: {  	[tilespmem:v3+s14+$0x0] =	vst.idx.msk $0xffff, v63  }
0x72: {  	[tilespmem:v4+s14+$0x0] =	vst.idx.msk $0xffff, v63  }
0x73: {  	v5 =	vld [tilespmem:s0+$0xC000];
	_ =	sdelay $0x4  }
0x74: {  	[tilespmem:v3+s23+$0x0] =	vst.idx.msk $0xffff, v5  }
0x75: {  	v3 =	vld [tilespmem:s0+$0xD000];
	_ =	sdelay $0x4  }
0x76: {  	[tilespmem:v4+s23+$0x0] =	vst.idx.msk $0xffff, v3  }
0x77: {  	[hbm4b:s2+s14] =	stream.linear.scatter [tilespmem:s14], [sflag:$0x1], $0x3000, $0x38;
	[tilespmem:$0xE080] =	vst v63  }
0x78: {  	_ =	swait.ge [sflag:s16], $0x3000  }
0x79: {  	[sflag:s16] =	ssyncset.done $0x0  }
0x7a: {  	[sflag:s16] =	ssyncadd.s32 $0xFFFFD000  }
0x7b: {  	[hbm4b:s10+s14] =	stream.linear.scatter [tilespmem:s23], [sflag:$0x1], $0x3000, $0x38;
	[tilespmem:$0xE080] =	vst v63  }
0x7c: {  	_ =	swait.ge [sflag:s16], $0x3000  }
0x7d: {  	[sflag:s16] =	ssyncset.done $0x0  }
0x7e: {  	[sflag:s16] =	ssyncadd.s32 $0xFFFFD000  }
0x7f: {  	[hbm4b:s11+s14] =	stream.linear.scatter [tilespmem:s24], [sflag:$0x1], $0x1000, $0x38;
	[tilespmem:$0xE080] =	vst v63  }
0x80: {  	s26 =	sadd.s32 $0x1, s26;
	_ =	swait.ge [sflag:s16], $0x1000  }
0x81: {  	p0 =	sne.s32 s26, s13;
	[sflag:s16] =	ssyncset.done $0x0  }
.Ltmp3:
0x82: {  	[sflag:s16] =	ssyncadd.s32 $0xFFFFF000;
	(pc) =	sbr.rel @p0 .LBB2_2-.Ltmp3, $4  }
0x83: {  	[hbm4b:s12+s14] =	stream.linear.scatter [tilespmem:s25], [sflag:$0x1], $0x1000, $0x38;
	[tilespmem:$0xE080] =	vst v63  }
0x84: {  	_ =	swait.ge [sflag:s16], $0x1000  }
0x85: {  	[sflag:s16] =	ssyncset.done $0x0  }
0x86: {  	[sflag:s16] =	ssyncadd.s32 $0xFFFFF000  }
.LBB2_7:
0x87: {  	_ =	sfence.sel $0x180000  }
0x88: {  	[bflag:$0x0] =	sbarrier.arrive $0xFFFF  }
0x89: {  	_ =	strace $0x90000047  }
0x8a: {  	s0 =	stileid.u32;
	[bflag:$0x2] =	sbarrier.arrive $0xFFFF  }
0x8b: {  	p0 =	sne.s32 s0, $0x0;
	s0 =	rddreg [dreg:$0x2]  }
0x8c: {  	s0 =	sadd.s32 @!p0 $0x100000, s0  }
0x8d: {  	[sflag:s0] =	ssyncadd.tile.s32 @!p0 $0x1;
	_ =	shalt  }
.Lfunc_end2:
_tile_overlayer_lowered:
.L_overlay_start_2:
0x8e: {  	(tag) =	ssettag $0x2  }
0x8f: {  	s0 =	rddreg [dreg:$0x0];
	s2 =	stileid.u32  }
0x90: {  	s1 =	rddreg [dreg:$0x1];
	p0 =	sne.s32 s2, $0x0  }
0x91: {  	s3 =	rddreg [dreg:$0x2];
	[bflag:$0x3] =	sbarrier.arrive $0xFFFF;
	s2 =	simm.s32 @!p0 $0x1C01  }
0x92: {  	[timem:s3], [sflag:s2] =	dma.local @!p0 [hbm:s0], s1  }
0x93: {  	s0 =	simm.s32 @!p0 $0x1  }
0x94: {  	_ =	swait.ge @!p0 [sflag:s0], s1  }
0x95: {  	s1 =	ssub.s32 @!p0 $0x0, s1;
	[sflag:s0] =	ssyncset.done @!p0 $0x0  }
0x96: {  	[sflag:s0] =	ssyncadd.s32 @!p0 s1  }
0x97: {  	[bflag:$0x3] =	sbarrier.arrive $0xFFFF  }
0x98: {  	_ =	shalt  }

// kernel: kernel.13.cloned.1.call-start
scs
__scs_entry_jumppad:
0x0: {  	(pc) =	sbr.rel $0x88, $3  }
0x1: {  	(tag) =	ssettag $0x0;
	lr =	simm.s32 $0x1  }
0x2: {  	[smem:$0x3F94] =	sst lr;
	_ =	strace $0xD0000000  }
0x3: {  	_ = 	snop  }
0x4: {  	_ = 	snop  }
0x5: {  	_ = 	snop  }
0x6: {  	_ = 	snop  }
0x7: {  	_ = 	snop  }
__scs_overlays_trampoline_lowered:
0x8: {  	[smem:$0x3FA3] =	sst s0  }
0x9: {  	[smem:$0x3FA4] =	sst s1  }
0xa: {  	[smem:$0x3FA5] =	sst s2  }
0xb: {  	[smem:$0x3FA6] =	sst s3  }
0xc: {  	[smem:$0x3FA7] =	sst s4  }
0xd: {  	[smem:$0x3FA8] =	sst s5  }
0xe: {  	[smem:$0x3FA9] =	sst s6  }
0xf: {  	[smem:$0x3FAA] =	sst s7  }
0x10: {  	[smem:$0x3FAB] =	sst s8  }
0x11: {  	[smem:$0x3FAC] =	sst s9;
	s0 =	simm.s32 @!p0 $0x0  }
0x12: {  	s1 =	sld [smem:$0x3F92];
	s0 =	simm.s32 @p0 $0x1  }
0x13: {  	[smem:$0x3FAD] =	sst s0;
	s0 =	simm.s32 @!p1 $0x0  }
0x14: {  	s2 =	sld [smem:$0x3F91];
	s0 =	simm.s32 @p1 $0x1  }
0x15: {  	[smem:$0x3FAE] =	sst s0;
	s0 =	simm.s32 @!p2 $0x0  }
0x16: {  	s3 =	sld [smem:$0x3FDB];
	s0 =	simm.s32 @p2 $0x1  }
0x17: {  	s4 =	simm.s32 $0x1BF5;
	[smem:$0x3FB0] =	sst s0  }
0x18: {  	s0 =	sld [smem:$0x3F93];
	_ =	swait.ge [sflag:s4], $0x0  }
0x19: {  	s7 =	sld [smem:$0x3F94]  }
0x1a: {  	s8 =	sadd.s32 $0xFFFFE003, lr  }
0x1b: {  	s9 =	sadd.s32 $0xFFFFFEF7, lr;
	s5 =	simm.s32 $0xFFFFFFFF;
	p2 =	slt.u32 s8, $0xFFFFF086  }
0x1c: {  	p1 =	slt.u32 s9, $0xF7A;
	s5 =	simm.s32 @!p2 $0x0  }
0x1d: {  	s5 =	simm.s32 @p1 $0x1;
	p0 =	seq.s32 s7, s2  }
0x1e: {  	s7 =	smul.u32 @!p0 $0xF7A, s2;
	p2 =	seq.s32 @!p0 s5, $0x0  }
0x1f: {  	s9 =	smul.u32 $0xF7A, s1;
	s8 =	simm.s32 @!p0 $0x1BF5;
	p2 =	por !p2, p0  }
0x20: {  	[sflag:s8] =	ssyncset.s32 @!p0 $0xFFFFF086;
	s6 =	sadd.s32 @!p0 s3, s7;
	s7 =	simm.s32 @!p0 $0x108  }
0x21: {  	s3 =	sadd.s32 s3, s9;
	s6 =	sadd.s32 @!p0 $0x88, s6;
	s7 =	simm.s32 @p2 $0x1082  }
0x22: {  	[simem:s7], [sflag:s8] =	dma.local @!p0 [hbm:s6], $0xF7A  }
0x23: {  	s9 =	sor.u32 $0xD0000000, s2;
	s6 =	simm.s32 $0x108;
	_ =	swait.ge @!p0 [sflag:s8], $0x0  }
0x24: {  	s3 =	sadd.s32 $0x88, s3;
	s6 =	simm.s32 @!p1 $0x1082;
	[sflag:s4] =	ssyncset.s32 $0xFFFFF086  }
0x25: {  	[simem:s6], [sflag:s4] =	dma.local [hbm:s3], $0xF7A  }
0x26: {  	[smem:$0x3F94] =	sst s1;
	(tag) =	ssettag s2;
	_ =	strace s9  }
0x27: {  	s1 =	sld [smem:$0x3FA4]  }
0x28: {  	s2 =	sld [smem:$0x3FA5]  }
0x29: {  	s4 =	sld [smem:$0x3FA7]  }
0x2a: {  	p0 =	seq.s32 s5, $0x0;
	s5 =	sld [smem:$0x3FA8]  }
0x2b: {  	s6 =	sld [smem:$0x3FA9]  }
0x2c: {  	s7 =	sld [smem:$0x3FAA]  }
0x2d: {  	s3 =	simm.s32 $0x108;
	s8 =	sld [smem:$0x3FAB]  }
0x2e: {  	s3 =	simm.s32 @!p0 $0x1082;
	s9 =	sld [smem:$0x3FAC]  }
0x2f: {  	lr =	sadd.s32 s0, s3;
	s0 =	sld [smem:$0x3FA3]  }
0x30: {  	s3 =	sld [smem:$0x3FA6]  }
0x31: {  	[smem:$0x3FAF] =	sst s10  }
0x32: {  	s10 =	sld [smem:$0x3FAD];
	_ =	sdelay $0x3  }
0x33: {  	p0 =	seq.s32 s10, $0x1;
	s10 =	sld [smem:$0x3FAF];
	_ =	sdelay $0x3  }
0x34: {  	[smem:$0x3FAF] =	sst s10  }
0x35: {  	s10 =	sld [smem:$0x3FAE];
	_ =	sdelay $0x3  }
0x36: {  	p1 =	seq.s32 s10, $0x1;
	s10 =	sld [smem:$0x3FAF];
	_ =	sdelay $0x3  }
0x37: {  	[smem:$0x3FAF] =	sst s10  }
0x38: {  	s10 =	sld [smem:$0x3FB0]  }
0x39: {  	_ = 	snop;
	(pc) =	sbr.ind lr, $3  }
0x3a: {  	_ = 	snop  }
0x3b: {  	_ = 	snop  }
0x3c: {  	p2 =	seq.s32 s10, $0x1;
	s10 =	sld [smem:$0x3FAF]  }
0x3d: {  	_ =	shalt  }
0x3e: {  	_ =	shalt  }
0x3f: {  	_ =	shalt  }
0x40: {  	_ =	shalt  }
0x41: {  	_ =	shalt  }
0x42: {  	_ =	shalt  }
0x43: {  	_ =	shalt  }
0x44: {  	_ =	shalt  }
0x45: {  	_ =	shalt  }
0x46: {  	_ =	shalt  }
0x47: {  	_ =	shalt  }
0x48: {  	_ =	shalt  }
0x49: {  	_ =	shalt  }
0x4a: {  	_ =	shalt  }
0x4b: {  	_ =	shalt  }
0x4c: {  	_ =	shalt  }
0x4d: {  	_ =	shalt  }
0x4e: {  	_ =	shalt  }
0x4f: {  	_ =	shalt  }
0x50: {  	_ =	shalt  }
0x51: {  	_ =	shalt  }
0x52: {  	_ =	shalt  }
0x53: {  	_ =	shalt  }
0x54: {  	_ =	shalt  }
0x55: {  	_ =	shalt  }
0x56: {  	_ =	shalt  }
0x57: {  	_ =	shalt  }
0x58: {  	_ =	shalt  }
0x59: {  	_ =	shalt  }
0x5a: {  	_ =	shalt  }
0x5b: {  	_ =	shalt  }
0x5c: {  	_ =	shalt  }
0x5d: {  	_ =	shalt  }
0x5e: {  	_ =	shalt  }
0x5f: {  	_ =	shalt  }
0x60: {  	_ =	shalt  }
0x61: {  	_ =	shalt  }
0x62: {  	_ =	shalt  }
0x63: {  	_ =	shalt  }
0x64: {  	_ =	shalt  }
0x65: {  	_ =	shalt  }
0x66: {  	_ =	shalt  }
0x67: {  	_ =	shalt  }
0x68: {  	_ =	shalt  }
0x69: {  	_ =	shalt  }
0x6a: {  	_ =	shalt  }
0x6b: {  	_ =	shalt  }
0x6c: {  	_ =	shalt  }
0x6d: {  	_ =	shalt  }
0x6e: {  	_ =	shalt  }
0x6f: {  	_ =	shalt  }
0x70: {  	_ =	shalt  }
0x71: {  	_ =	shalt  }
0x72: {  	_ =	shalt  }
0x73: {  	_ =	shalt  }
0x74: {  	_ =	shalt  }
0x75: {  	_ =	shalt  }
0x76: {  	_ =	shalt  }
0x77: {  	_ =	shalt  }
0x78: {  	_ =	shalt  }
0x79: {  	_ =	shalt  }
0x7a: {  	_ =	shalt  }
0x7b: {  	_ =	shalt  }
0x7c: {  	_ =	shalt  }
0x7d: {  	_ =	shalt  }
0x7e: {  	_ =	shalt  }
0x7f: {  	_ =	shalt  }
0x80: {  	_ =	shalt  }
0x81: {  	_ =	shalt  }
0x82: {  	_ =	shalt  }
0x83: {  	_ =	shalt  }
0x84: {  	_ =	shalt  }
0x85: {  	_ =	shalt  }
0x86: {  	_ =	shalt  }
0x87: {  	_ =	shalt  }
.Lfunc_end0:
.L_simem_size_0:
called_computation.1_lowered:
.L_overlay_start_0:
0x88: {  	s2 =	sld [smem:$0x3FD9]  }
0x89: {  	s3 =	sld [smem:$0x3FFE];
	_ =	sdelay $0x1  }
0x8a: {  	s1 =	srdreg.scid  }
0x8b: {  	s0 =	sand.u32 $0x1, s1  }
0x8c: {  	s17 =	sshll.u32 s0, $0xA;
	s2 =	sadd.s32 s3, s2  }
0x8d: {  	s2 =	sadd.s32 s2, s17  }
0x8e: {  	[smem:$0x3FBB] =	sst s2  }
0x8f: {  	_ = 	snop  }
0x90: {  	s2 =	sld [smem:$0x3FC9]  }
0x91: {  	s18 =	sld [smem:$0x3FD0];
	(tm) =	ssettm $0x1  }
0x92: {  	s4 =	sld [smem:$0x3FFB];
	_ =	sdelay $0x3  }
0x93: {  	_ =	strace s4  }
0x94: {  	s4 =	sld [smem:$0x3FFC];
	_ =	sdelay $0x3  }
0x95: {  	_ =	strace s4  }
0x96: {  	s4 =	sld [smem:$0x3FFD];
	_ =	sdelay $0x3  }
0x97: {  	_ =	strace s4  }
0x98: {  	_ =	strace $0x8FFFFFFF  }
0x99: {  	s19 =	sld [smem:$0x3FDB];
	_ =	sdelay $0x1  }
0x9a: {  	s5 =	simm.s32 $_scs_section_size  }
0x9b: {  	s6 =	simm.s32 $_size__tile_overlayer_lowered;
	s7 =	simm.s32 $_tile_overlayer_lowered  }
0x9c: {  	s22 =	simm.s32 $0x1BFF;
	s21 =	sshll.u32 s7, $0x1;
	s4 =	sadd.s32 s5, s19  }
0x9d: {  	s8 =	simm.s32 $0x0;
	s20 =	sshll.u32 s6, $0x1;
	s6 =	sadd.s32 s21, s4  }
0x9e: {  	[timem:s8], [sflag:s22] =	dma.local [hbm:s6], s20  }
0x9f: {  	_ =	swait.ge [sflag:s22], s20  }
0xa0: {  	s5 =	ssub.s32 $0x0, s20;
	[sflag:s22] =	ssyncset.done $0x0  }
0xa1: {  	[sflag:s22] =	ssyncadd.s32 s5;
	_ =	sdelay $0x1  }
0xa2: {  	s23 =	simm.s32 $0x1B8B  }
0xa3: {  	_ =	swait.ge [sflag:s23], $0x1  }
0xa4: {  	[sflag:s23] =	ssyncset.done $0x0  }
0xa5: {  	s25 =	simm.s32 $0x1B8E;
	s24 =	sld [smem:$0x3FFE];
	[sflag:s23] =	ssyncadd.s32 $0xFFFFFFFF  }
0xa6: {  	s26 =	simm.s32 $execute0_lowered;
	[smem:$0x3FD2] =	sst s25  }
0xa7: {  	s6 =	sshll.u32 s26, $0x1;
	_ =	strace $0x80000049;
	[dreg:$0x1] =	wrdreg $0xFFFFFFFF  }
0xa8: {  	s28 =	simm.s32 $_size_execute0_lowered;
	s4 =	sadd.s32 s4, s6;
	[dreg:$0x0] =	wrdreg $0x0  }
0xa9: {  	s6 =	sshll.u32 s28, $0x1;
	[dreg:$0x2] =	wrdreg s4  }
0xaa: {  	[dreg:$0x3] =	wrdreg s6  }
0xab: {  	[dreg:$0x4] =	wrdreg $0xC0  }
0xac: {  	_ =	task [dreg:s8], $0x5FFFF  }
0xad: {  	[dreg:$0x1] =	wrdreg $0xFFFFFFFF  }
0xae: {  	[dreg:$0x0] =	wrdreg $0x60  }
0xaf: {  	[dreg:$0x2] =	wrdreg s2  }
0xb0: {  	[dreg:$0x3] =	wrdreg s18  }
0xb1: {  	[dreg:$0x4] =	wrdreg s24  }
0xb2: {  	[dreg:$0x5] =	wrdreg $0x9  }
0xb3: {  	_ =	task.clear_ibuf [dreg:s8], $0x6FFFF;
	_ =	strace $0x90000049  }
0xb4: {  	s29 =	simm.s32 $0x9;
	_ =	strace $0x8000004B  }
0xb5: {  	_ =	swait.ge [sflag:s29], $0x1  }
0xb6: {  	[sflag:s29] =	ssyncadd.s32 $0xFFFFFFFF  }
0xb7: {  	_ =	strace $0x9000004B  }
0xb8: {  	_ =	sfence  }
0xb9: {  	s30 =	sld [smem:$0x0];
	_ =	sdelay $0x2  }
0xba: {  	s31 =	sshll.u32 s1, $0xD;
	s1 =	sshrl.u32 s1, $0x2  }
0xbb: {  	s3 =	sand.u32 $0x4000, s31;
	s1 =	sadd.s32 s1, s30  }
0xbc: {  	s0 =	sor.u32 s3, s0;
	s1 =	sshll.u32 s1, $0x11  }
0xbd: {  	s0 =	sor.u32 s1, s0  }
0xbe: {  	s0 =	sadd.s32 $0x8F2B, s0  }
0xbf: {  	[sflag:s0] =	ssyncadd.remote.s32 $0x1  }
0xc0: {  	_ =	sfence.sel $0xFFFF  }
0xc1: {  	[dreg:$0x0] =	wrdreg $0xFFFFFFFF;
	(pc) =	sbr.abs _section_cstart, $3  }
0xc2: {  	[dreg:$0x1] =	wrdreg $0xFFFFFFFF  }
0xc3: {  	_ =	task.clear_ibuf [dreg:s8], $0x2FFFF;
	_ =	strace $0x9FFFFFFF  }
0xc4: {  	(tm) =	ssettm $0x7FFFFFFF  }
0xc5: {  	_ =	shalt  }
tec
execute0_lowered:
.L_overlay_start_1:
0x0: {  	(tag) =	ssettag $0x1  }
0x1: {  	s1 =	rddreg [dreg:$0x0]  }
0x2: {  	s0 =	srdreg.scid;
	s4 =	rddreg [dreg:$0x1]  }
0x3: {  	s2 =	stileid.u32;
	s5 =	rddreg [dreg:$0x2]  }
0x4: {  	s3 =	simm.s32 $0x0;
	s0 =	sand.u32 $0x1, s0;
	s2 =	sshll.u32 s2, $0x1  }
0x5: {  	s9 =	simm.s32 $0x3;
	s20 =	simm.s32 $0x180;
	s2 =	sor.u32 s0, s2  }
0x6: {  	s11 =	simm.s32 $0xC180;
	s13 =	simm.s32 $0x1;
	s6 =	smul.u32 $0x30, s2  }
0x7: {  	s14 =	simm.s32 $0x2;
	[smem:$0x7FF] =	sst s3;
	s7 =	smul.u32 $0xC000, s2  }
0x8: {  	s5 =	sadd.s32 $0x4E00, s5;
	s2 =	smul.u32 $0x60000, s2;
	s4 =	sadd.s32 s4, s6  }
0x9: {  	_ =	strace $0x8000004A;
	s23 =	sadd.s32 s5, s7;
	[dreg:$0x4] =	wrdreg s4  }
0xa: {  	s2 =	sshrl.u32 s2, $0x3;
	s24 =	sadd.s32 $0x1800, s23;
	[dreg:$0xc] =	wrdreg s23  }
0xb: {  	s25 =	sadd.s32 $0x3000, s23;
	s2 =	sadd.s32 s5, s2;
	[dreg:$0x5] =	wrdreg s24  }
0xc: {  	s0 =	ssub.s32 $0x2, s0;
	[dreg:$0x6] =	wrdreg s25;
	s26 =	sadd.s32 $0x4800, s2  }
0xd: {  	s28 =	sshrl.u32 s0, $0x1;
	s29 =	sadd.s32 $0x6000, s2;
	[dreg:$0x7] =	wrdreg s26  }
0xe: {  	s0 =	ssub.s32 s0, s28;
	s30 =	sadd.s32 $0x7800, s2;
	[dreg:$0x8] =	wrdreg s29  }
0xf: {  	v2 =	vlaneseq.u32;
	s6 =	sadd.s32 $0x200, s1;
	s31 =	sadd.s32 $0x9000, s2;
	[dreg:$0x9] =	wrdreg s30  }
0x10: {  	vm0 =	vmmov $0xffff;
	v1 =	vshrl.u32 v2, $0x3;
	s7 =	sadd.s32 $0x300, s1;
	s2 =	sadd.s32 $0xA800, s2;
	[dreg:$0xa] =	wrdreg s31  }
0x11: {  	v0 =	vand.u32 $0x7, v2;
	v2 =	vor.u32 $0x8, v2;
	v1 =	vmul.u32 $0x8, v1;
	s8 =	smax.u32 s0, $0x1;
	s5 =	sadd.s32 $0x100, s1;
	[dreg:$0xb] =	wrdreg s2  }
.LBB2_1:
0x12: {  	s15 =	rddreg [dreg:$0x4]  }
0x13: {  	[tilespmem:s3], [sflag:$0x3] =	stream.linear.gather [hbm4b:s15+s3], $0x180, $0x38;
	[tilespmem:$0x18180] =	vst v63  }
0x14: {  	_ =	swait.ge [sflag:s9], $0x180  }
0x15: {  	[sflag:s9] =	ssyncset.done $0x0  }
0x16: {  	[sflag:s9] =	ssyncadd.s32 $0xFFFFFE80  }
0x17: {  	v3 =	vld [tilespmem:$0x0];
	_ =	sdelay $0x4  }
0x18: {  	v4 =	vshll.u32 v3, $0x3  }
0x19: {  	v3 =	vand.u32 $0x7, v3;
	v4 =	vand.u32 $0xFFFFFFC0, v4  }
0x1a: {  	v3 =	vor.u32 v3, v4  }
0x1b: {  	v4 =	vperm.xlane v3, v0;
	_ =	sdelay $0x1  }
0x1c: {  	v4 =	vadd.s32 v1, v4;
	_ =	sdelay $0x4  }
0x1d: {  	[tilespmem:s20], [sflag:$0x1] =	stream.indirect_vreg.gather [hbm4b:s1+s3], $0x80, v4, vm0, $0xb8;
	[tilespmem:$0x18180] =	vst v63  }
0x1e: {  	s0 =	simm.s32 $0x980;
	v3 =	vperm.xlane v3, v2  }
0x1f: {  	[tilespmem:s0], [sflag:$0x1] =	stream.indirect_vreg.gather [hbm4b:s5+s3], $0x80, v4, vm0, $0xb8;
	[tilespmem:$0x18180] =	vst v63  }
0x20: {  	s23 =	simm.s32 $0x1180;
	v3 =	vadd.s32 v1, v3  }
0x21: {  	[tilespmem:s23], [sflag:$0x1] =	stream.indirect_vreg.gather [hbm4b:s6+s3], $0x80, v4, vm0, $0xb8;
	[tilespmem:$0x18180] =	vst v63  }
0x22: {  	s24 =	simm.s32 $0x1980  }
0x23: {  	[tilespmem:s24], [sflag:$0x1] =	stream.indirect_vreg.gather [hbm4b:s7+s3], $0x80, v4, vm0, $0xb8;
	[tilespmem:$0x18180] =	vst v63  }
0x24: {  	s25 =	simm.s32 $0x2180  }
0x25: {  	[tilespmem:s25], [sflag:$0x1] =	stream.indirect_vreg.gather [hbm4b:s1+s3], $0x80, v3, vm0, $0xb8;
	[tilespmem:$0x18180] =	vst v63  }
0x26: {  	s26 =	simm.s32 $0x2980  }
0x27: {  	[tilespmem:s26], [sflag:$0x1] =	stream.indirect_vreg.gather [hbm4b:s5+s3], $0x80, v3, vm0, $0xb8;
	[tilespmem:$0x18180] =	vst v63  }
0x28: {  	s28 =	simm.s32 $0x3180  }
0x29: {  	[tilespmem:s28], [sflag:$0x1] =	stream.indirect_vreg.gather [hbm4b:s6+s3], $0x80, v3, vm0, $0xb8;
	[tilespmem:$0x18180] =	vst v63  }
0x2a: {  	s29 =	simm.s32 $0x3980  }
0x2b: {  	[tilespmem:s29], [sflag:$0x1] =	stream.indirect_vreg.gather [hbm4b:s7+s3], $0x80, v3, vm0, $0xb8;
	[tilespmem:$0x18180] =	vst v63  }
0x2c: {  	v3 =	vld [tilespmem:$0x10];
	_ =	sdelay $0x4  }
0x2d: {  	v41 =	vshll.u32 v3, $0x3  }
0x2e: {  	v3 =	vand.u32 $0x7, v3;
	v4 =	vand.u32 $0xFFFFFFC0, v41  }
0x2f: {  	v3 =	vor.u32 v3, v4  }
0x30: {  	v4 =	vperm.xlane v3, v0;
	_ =	sdelay $0x1  }
0x31: {  	v4 =	vadd.s32 v1, v4;
	_ =	sdelay $0x3  }
0x32: {  	s30 =	simm.s32 $0x4180  }
0x33: {  	[tilespmem:s30], [sflag:$0x1] =	stream.indirect_vreg.gather [hbm4b:s1+s3], $0x80, v4, vm0, $0xb8;
	[tilespmem:$0x18180] =	vst v63  }
0x34: {  	s31 =	simm.s32 $0x4980;
	v3 =	vperm.xlane v3, v2  }
0x35: {  	[tilespmem:s31], [sflag:$0x1] =	stream.indirect_vreg.gather [hbm4b:s5+s3], $0x80, v4, vm0, $0xb8;
	[tilespmem:$0x18180] =	vst v63  }
0x36: {  	s4 =	simm.s32 $0x5180;
	v3 =	vadd.s32 v1, v3  }
0x37: {  	[tilespmem:s4], [sflag:$0x1] =	stream.indirect_vreg.gather [hbm4b:s6+s3], $0x80, v4, vm0, $0xb8;
	[tilespmem:$0x18180] =	vst v63  }
0x38: {  	s10 =	simm.s32 $0x5980  }
0x39: {  	[tilespmem:s10], [sflag:$0x1] =	stream.indirect_vreg.gather [hbm4b:s7+s3], $0x80, v4, vm0, $0xb8;
	[tilespmem:$0x18180] =	vst v63  }
0x3a: {  	s15 =	simm.s32 $0x6180  }
0x3b: {  	[tilespmem:s15], [sflag:$0x1] =	stream.indirect_vreg.gather [hbm4b:s1+s3], $0x80, v3, vm0, $0xb8;
	[tilespmem:$0x18180] =	vst v63  }
0x3c: {  	s18 =	simm.s32 $0x6980  }
0x3d: {  	[tilespmem:s18], [sflag:$0x1] =	stream.indirect_vreg.gather [hbm4b:s5+s3], $0x80, v3, vm0, $0xb8;
	[tilespmem:$0x18180] =	vst v63  }
0x3e: {  	s19 =	simm.s32 $0x7180  }
0x3f: {  	[tilespmem:s19], [sflag:$0x1] =	stream.indirect_vreg.gather [hbm4b:s6+s3], $0x80, v3, vm0, $0xb8;
	[tilespmem:$0x18180] =	vst v63  }
0x40: {  	s21 =	simm.s32 $0x7980  }
0x41: {  	[tilespmem:s21], [sflag:$0x1] =	stream.indirect_vreg.gather [hbm4b:s7+s3], $0x80, v3, vm0, $0xb8;
	[tilespmem:$0x18180] =	vst v63  }
0x42: {  	v3 =	vld [tilespmem:$0x20];
	_ =	sdelay $0x4  }
0x43: {  	v42 =	vshll.u32 v3, $0x3  }
0x44: {  	v3 =	vand.u32 $0x7, v3;
	v4 =	vand.u32 $0xFFFFFFC0, v42  }
0x45: {  	v3 =	vor.u32 v3, v4  }
0x46: {  	v4 =	vperm.xlane v3, v0;
	_ =	sdelay $0x1  }
0x47: {  	v4 =	vadd.s32 v1, v4;
	_ =	sdelay $0x3  }
0x48: {  	s22 =	simm.s32 $0x8180  }
0x49: {  	[tilespmem:s22], [sflag:$0x1] =	stream.indirect_vreg.gather [hbm4b:s1+s3], $0x80, v4, vm0, $0xb8;
	[tilespmem:$0x18180] =	vst v63  }
0x4a: {  	s23 =	simm.s32 $0x8980;
	v3 =	vperm.xlane v3, v2  }
0x4b: {  	[tilespmem:s23], [sflag:$0x1] =	stream.indirect_vreg.gather [hbm4b:s5+s3], $0x80, v4, vm0, $0xb8;
	[tilespmem:$0x18180] =	vst v63  }
0x4c: {  	s24 =	simm.s32 $0x9180;
	v3 =	vadd.s32 v1, v3  }
0x4d: {  	[tilespmem:s24], [sflag:$0x1] =	stream.indirect_vreg.gather [hbm4b:s6+s3], $0x80, v4, vm0, $0xb8;
	[tilespmem:$0x18180] =	vst v63  }
0x4e: {  	s25 =	simm.s32 $0x9980  }
0x4f: {  	[tilespmem:s25], [sflag:$0x1] =	stream.indirect_vreg.gather [hbm4b:s7+s3], $0x80, v4, vm0, $0xb8;
	[tilespmem:$0x18180] =	vst v63  }
0x50: {  	s26 =	simm.s32 $0xA180  }
0x51: {  	[tilespmem:s26], [sflag:$0x1] =	stream.indirect_vreg.gather [hbm4b:s1+s3], $0x80, v3, vm0, $0xb8;
	[tilespmem:$0x18180] =	vst v63  }
0x52: {  	s28 =	simm.s32 $0xA980  }
0x53: {  	[tilespmem:s28], [sflag:$0x1] =	stream.indirect_vreg.gather [hbm4b:s5+s3], $0x80, v3, vm0, $0xb8;
	[tilespmem:$0x18180] =	vst v63  }
0x54: {  	s29 =	simm.s32 $0xB180  }
0x55: {  	[tilespmem:s29], [sflag:$0x1] =	stream.indirect_vreg.gather [hbm4b:s6+s3], $0x80, v3, vm0, $0xb8;
	[tilespmem:$0x18180] =	vst v63  }
0x56: {  	s4 =	simm.s32 $0xB980  }
0x57: {  	[tilespmem:s4], [sflag:$0x1] =	stream.indirect_vreg.gather [hbm4b:s7+s3], $0x80, v3, vm0, $0xb8;
	[tilespmem:$0x18180] =	vst v63  }
0x58: {  	v3 =	vld [tilespmem:$0x30];
	_ =	sdelay $0x4  }
0x59: {  	v43 =	vshll.u32 v3, $0x3  }
0x5a: {  	v3 =	vand.u32 $0x7, v3;
	v4 =	vand.u32 $0xFFFFFFC0, v43  }
0x5b: {  	v3 =	vor.u32 v3, v4  }
0x5c: {  	v4 =	vperm.xlane v3, v0;
	_ =	sdelay $0x1  }
0x5d: {  	v4 =	vadd.s32 v1, v4;
	_ =	sdelay $0x4  }
0x5e: {  	[tilespmem:s11], [sflag:$0x2] =	stream.indirect_vreg.gather [hbm4b:s1+s3], $0x80, v4, vm0, $0xb8;
	[tilespmem:$0x18180] =	vst v63  }
0x5f: {  	s10 =	simm.s32 $0xC980;
	v3 =	vperm.xlane v3, v2  }
0x60: {  	[tilespmem:s10], [sflag:$0x2] =	stream.indirect_vreg.gather [hbm4b:s5+s3], $0x80, v4, vm0, $0xb8;
	[tilespmem:$0x18180] =	vst v63  }
0x61: {  	s18 =	simm.s32 $0xD180;
	v3 =	vadd.s32 v1, v3  }
0x62: {  	[tilespmem:s18], [sflag:$0x2] =	stream.indirect_vreg.gather [hbm4b:s6+s3], $0x80, v4, vm0, $0xb8;
	[tilespmem:$0x18180] =	vst v63  }
0x63: {  	s21 =	simm.s32 $0xD980  }
0x64: {  	[tilespmem:s21], [sflag:$0x2] =	stream.indirect_vreg.gather [hbm4b:s7+s3], $0x80, v4, vm0, $0xb8;
	[tilespmem:$0x18180] =	vst v63  }
0x65: {  	s22 =	simm.s32 $0xE180  }
0x66: {  	[tilespmem:s22], [sflag:$0x2] =	stream.indirect_vreg.gather [hbm4b:s1+s3], $0x80, v3, vm0, $0xb8;
	[tilespmem:$0x18180] =	vst v63  }
0x67: {  	s23 =	simm.s32 $0xE980  }
0x68: {  	[tilespmem:s23], [sflag:$0x2] =	stream.indirect_vreg.gather [hbm4b:s5+s3], $0x80, v3, vm0, $0xb8;
	[tilespmem:$0x18180] =	vst v63  }
0x69: {  	s24 =	simm.s32 $0xF180  }
0x6a: {  	[tilespmem:s24], [sflag:$0x2] =	stream.indirect_vreg.gather [hbm4b:s6+s3], $0x80, v3, vm0, $0xb8;
	[tilespmem:$0x18180] =	vst v63  }
0x6b: {  	s25 =	simm.s32 $0xF980  }
0x6c: {  	[tilespmem:s25], [sflag:$0x2] =	stream.indirect_vreg.gather [hbm4b:s7+s3], $0x80, v3, vm0, $0xb8;
	[tilespmem:$0x18180] =	vst v63  }
0x6d: {  	v3 =	vld [tilespmem:$0x40];
	_ =	sdelay $0x4  }
0x6e: {  	v44 =	vshll.u32 v3, $0x3  }
0x6f: {  	v3 =	vand.u32 $0x7, v3;
	v4 =	vand.u32 $0xFFFFFFC0, v44  }
0x70: {  	v3 =	vor.u32 v3, v4  }
0x71: {  	v4 =	vperm.xlane v3, v0;
	_ =	sdelay $0x1  }
0x72: {  	v4 =	vadd.s32 v1, v4;
	_ =	sdelay $0x3  }
0x73: {  	s26 =	simm.s32 $0x10180  }
0x74: {  	[tilespmem:s26], [sflag:$0x2] =	stream.indirect_vreg.gather [hbm4b:s1+s3], $0x80, v4, vm0, $0xb8;
	[tilespmem:$0x18180] =	vst v63  }
0x75: {  	s28 =	simm.s32 $0x10980;
	v3 =	vperm.xlane v3, v2  }
0x76: {  	[tilespmem:s28], [sflag:$0x2] =	stream.indirect_vreg.gather [hbm4b:s5+s3], $0x80, v4, vm0, $0xb8;
	[tilespmem:$0x18180] =	vst v63  }
0x77: {  	s29 =	simm.s32 $0x11180;
	v3 =	vadd.s32 v1, v3  }
0x78: {  	[tilespmem:s29], [sflag:$0x2] =	stream.indirect_vreg.gather [hbm4b:s6+s3], $0x80, v4, vm0, $0xb8;
	[tilespmem:$0x18180] =	vst v63  }
0x79: {  	s0 =	simm.s32 $0x11980  }
0x7a: {  	[tilespmem:s0], [sflag:$0x2] =	stream.indirect_vreg.gather [hbm4b:s7+s3], $0x80, v4, vm0, $0xb8;
	[tilespmem:$0x18180] =	vst v63  }
0x7b: {  	s4 =	simm.s32 $0x12180  }
0x7c: {  	[tilespmem:s4], [sflag:$0x2] =	stream.indirect_vreg.gather [hbm4b:s1+s3], $0x80, v3, vm0, $0xb8;
	[tilespmem:$0x18180] =	vst v63  }
0x7d: {  	s10 =	simm.s32 $0x12980  }
0x7e: {  	[tilespmem:s10], [sflag:$0x2] =	stream.indirect_vreg.gather [hbm4b:s5+s3], $0x80, v3, vm0, $0xb8;
	[tilespmem:$0x18180] =	vst v63  }
0x7f: {  	s18 =	simm.s32 $0x13180  }
0x80: {  	[tilespmem:s18], [sflag:$0x2] =	stream.indirect_vreg.gather [hbm4b:s6+s3], $0x80, v3, vm0, $0xb8;
	[tilespmem:$0x18180] =	vst v63  }
0x81: {  	s23 =	simm.s32 $0x13980  }
0x82: {  	[tilespmem:s23], [sflag:$0x2] =	stream.indirect_vreg.gather [hbm4b:s7+s3], $0x80, v3, vm0, $0xb8;
	[tilespmem:$0x18180] =	vst v63  }
0x83: {  	v3 =	vld [tilespmem:$0x50];
	_ =	sdelay $0x4  }
0x84: {  	v45 =	vshll.u32 v3, $0x3  }
0x85: {  	v3 =	vand.u32 $0x7, v3;
	v4 =	vand.u32 $0xFFFFFFC0, v45  }
0x86: {  	v3 =	vor.u32 v3, v4  }
0x87: {  	v4 =	vperm.xlane v3, v0;
	_ =	sdelay $0x1  }
0x88: {  	v4 =	vadd.s32 v1, v4;
	_ =	sdelay $0x3  }
0x89: {  	s24 =	simm.s32 $0x14180  }
0x8a: {  	[tilespmem:s24], [sflag:$0x2] =	stream.indirect_vreg.gather [hbm4b:s1+s3], $0x80, v4, vm0, $0xb8;
	[tilespmem:$0x18180] =	vst v63  }
0x8b: {  	s25 =	simm.s32 $0x14980;
	v3 =	vperm.xlane v3, v2  }
0x8c: {  	[tilespmem:s25], [sflag:$0x2] =	stream.indirect_vreg.gather [hbm4b:s5+s3], $0x80, v4, vm0, $0xb8;
	[tilespmem:$0x18180] =	vst v63  }
0x8d: {  	s26 =	simm.s32 $0x15180;
	v3 =	vadd.s32 v1, v3  }
0x8e: {  	[tilespmem:s26], [sflag:$0x2] =	stream.indirect_vreg.gather [hbm4b:s6+s3], $0x80, v4, vm0, $0xb8;
	[tilespmem:$0x18180] =	vst v63  }
0x8f: {  	s28 =	simm.s32 $0x15980  }
0x90: {  	[tilespmem:s28], [sflag:$0x2] =	stream.indirect_vreg.gather [hbm4b:s7+s3], $0x80, v4, vm0, $0xb8;
	[tilespmem:$0x18180] =	vst v63  }
0x91: {  	s29 =	simm.s32 $0x16180  }
0x92: {  	[tilespmem:s29], [sflag:$0x2] =	stream.indirect_vreg.gather [hbm4b:s1+s3], $0x80, v3, vm0, $0xb8;
	[tilespmem:$0x18180] =	vst v63  }
0x93: {  	s0 =	simm.s32 $0x16980  }
0x94: {  	[tilespmem:s0], [sflag:$0x2] =	stream.indirect_vreg.gather [hbm4b:s5+s3], $0x80, v3, vm0, $0xb8;
	[tilespmem:$0x18180] =	vst v63  }
0x95: {  	s4 =	simm.s32 $0x17180  }
0x96: {  	[tilespmem:s4], [sflag:$0x2] =	stream.indirect_vreg.gather [hbm4b:s6+s3], $0x80, v3, vm0, $0xb8;
	[tilespmem:$0x18180] =	vst v63  }
0x97: {  	s10 =	simm.s32 $0x17980  }
0x98: {  	[tilespmem:s10], [sflag:$0x2] =	stream.indirect_vreg.gather [hbm4b:s7+s3], $0x80, v3, vm0, $0xb8;
	[tilespmem:$0x18180] =	vst v63  }
0x99: {  	_ =	swait.ge [sflag:s13], $0xC000  }
0x9a: {  	[sflag:s13] =	ssyncset.done $0x0  }
0x9b: {  	s18 =	rddreg [dreg:$0xc];
	[sflag:s13] =	ssyncadd.s32 $0xFFFF4000  }
0x9c: {  	[hbm4b:s18+s3] =	stream.linear.scatter [tilespmem:s20], [sflag:$0x3], $0xC000, $0x38;
	[tilespmem:$0x18180] =	vst v63  }
0x9d: {  	_ =	swait.ge [sflag:s9], $0xC000  }
0x9e: {  	[sflag:s9] =	ssyncset.done $0x0  }
0x9f: {  	[sflag:s9] =	ssyncadd.s32 $0xFFFF4000  }
0xa0: {  	v3 =	vld [tilespmem:$0x60];
	_ =	sdelay $0x4  }
0xa1: {  	v46 =	vshll.u32 v3, $0x3  }
0xa2: {  	v3 =	vand.u32 $0x7, v3;
	v4 =	vand.u32 $0xFFFFFFC0, v46  }
0xa3: {  	v3 =	vor.u32 v3, v4  }
0xa4: {  	v4 =	vperm.xlane v3, v0;
	_ =	sdelay $0x1  }
0xa5: {  	v4 =	vadd.s32 v1, v4;
	_ =	sdelay $0x4  }
0xa6: {  	[tilespmem:s20], [sflag:$0x1] =	stream.indirect_vreg.gather [hbm4b:s1+s3], $0x80, v4, vm0, $0xb8;
	[tilespmem:$0x18180] =	vst v63  }
0xa7: {  	s2 =	simm.s32 $0x980;
	v3 =	vperm.xlane v3, v2  }
0xa8: {  	[tilespmem:s2], [sflag:$0x1] =	stream.indirect_vreg.gather [hbm4b:s5+s3], $0x80, v4, vm0, $0xb8;
	[tilespmem:$0x18180] =	vst v63  }
0xa9: {  	s0 =	simm.s32 $0x1180;
	v3 =	vadd.s32 v1, v3  }
0xaa: {  	[tilespmem:s0], [sflag:$0x1] =	stream.indirect_vreg.gather [hbm4b:s6+s3], $0x80, v4, vm0, $0xb8;
	[tilespmem:$0x18180] =	vst v63  }
0xab: {  	s2 =	simm.s32 $0x1980  }
0xac: {  	[tilespmem:s2], [sflag:$0x1] =	stream.indirect_vreg.gather [hbm4b:s7+s3], $0x80, v4, vm0, $0xb8;
	[tilespmem:$0x18180] =	vst v63  }
0xad: {  	s4 =	simm.s32 $0x2180  }
0xae: {  	[tilespmem:s4], [sflag:$0x1] =	stream.indirect_vreg.gather [hbm4b:s1+s3], $0x80, v3, vm0, $0xb8;
	[tilespmem:$0x18180] =	vst v63  }
0xaf: {  	s10 =	simm.s32 $0x2980  }
0xb0: {  	[tilespmem:s10], [sflag:$0x1] =	stream.indirect_vreg.gather [hbm4b:s5+s3], $0x80, v3, vm0, $0xb8;
	[tilespmem:$0x18180] =	vst v63  }
0xb1: {  	s23 =	simm.s32 $0x3180  }
0xb2: {  	[tilespmem:s23], [sflag:$0x1] =	stream.indirect_vreg.gather [hbm4b:s6+s3], $0x80, v3, vm0, $0xb8;
	[tilespmem:$0x18180] =	vst v63  }
0xb3: {  	s12 =	simm.s32 $0x3980  }
0xb4: {  	[tilespmem:s12], [sflag:$0x1] =	stream.indirect_vreg.gather [hbm4b:s7+s3], $0x80, v3, vm0, $0xb8;
	[tilespmem:$0x18180] =	vst v63  }
0xb5: {  	v3 =	vld [tilespmem:$0x70];
	_ =	sdelay $0x4  }
0xb6: {  	v47 =	vshll.u32 v3, $0x3  }
0xb7: {  	v3 =	vand.u32 $0x7, v3;
	v4 =	vand.u32 $0xFFFFFFC0, v47  }
0xb8: {  	v3 =	vor.u32 v3, v4  }
0xb9: {  	v4 =	vperm.xlane v3, v0;
	_ =	sdelay $0x1  }
0xba: {  	v4 =	vadd.s32 v1, v4;
	_ =	sdelay $0x3  }
0xbb: {  	s16 =	simm.s32 $0x4180  }
0xbc: {  	[tilespmem:s16], [sflag:$0x1] =	stream.indirect_vreg.gather [hbm4b:s1+s3], $0x80, v4, vm0, $0xb8;
	[tilespmem:$0x18180] =	vst v63  }
0xbd: {  	s17 =	simm.s32 $0x4980;
	v3 =	vperm.xlane v3, v2  }
0xbe: {  	[tilespmem:s17], [sflag:$0x1] =	stream.indirect_vreg.gather [hbm4b:s5+s3], $0x80, v4, vm0, $0xb8;
	[tilespmem:$0x18180] =	vst v63  }
0xbf: {  	s24 =	simm.s32 $0x5180;
	v3 =	vadd.s32 v1, v3  }
0xc0: {  	[tilespmem:s24], [sflag:$0x1] =	stream.indirect_vreg.gather [hbm4b:s6+s3], $0x80, v4, vm0, $0xb8;
	[tilespmem:$0x18180] =	vst v63  }
0xc1: {  	s25 =	simm.s32 $0x5980  }
0xc2: {  	[tilespmem:s25], [sflag:$0x1] =	stream.indirect_vreg.gather [hbm4b:s7+s3], $0x80, v4, vm0, $0xb8;
	[tilespmem:$0x18180] =	vst v63  }
0xc3: {  	s26 =	simm.s32 $0x6180  }
0xc4: {  	[tilespmem:s26], [sflag:$0x1] =	stream.indirect_vreg.gather [hbm4b:s1+s3], $0x80, v3, vm0, $0xb8;
	[tilespmem:$0x18180] =	vst v63  }
0xc5: {  	s28 =	simm.s32 $0x6980  }
0xc6: {  	[tilespmem:s28], [sflag:$0x1] =	stream.indirect_vreg.gather [hbm4b:s5+s3], $0x80, v3, vm0, $0xb8;
	[tilespmem:$0x18180] =	vst v63  }
0xc7: {  	s29 =	simm.s32 $0x7180  }
0xc8: {  	[tilespmem:s29], [sflag:$0x1] =	stream.indirect_vreg.gather [hbm4b:s6+s3], $0x80, v3, vm0, $0xb8;
	[tilespmem:$0x18180] =	vst v63  }
0xc9: {  	s30 =	simm.s32 $0x7980  }
0xca: {  	[tilespmem:s30], [sflag:$0x1] =	stream.indirect_vreg.gather [hbm4b:s7+s3], $0x80, v3, vm0, $0xb8;
	[tilespmem:$0x18180] =	vst v63  }
0xcb: {  	v3 =	vld [tilespmem:$0x80];
	_ =	sdelay $0x4  }
0xcc: {  	v48 =	vshll.u32 v3, $0x3  }
0xcd: {  	v3 =	vand.u32 $0x7, v3;
	v4 =	vand.u32 $0xFFFFFFC0, v48  }
0xce: {  	v3 =	vor.u32 v3, v4  }
0xcf: {  	v4 =	vperm.xlane v3, v0;
	_ =	sdelay $0x1  }
0xd0: {  	v4 =	vadd.s32 v1, v4;
	_ =	sdelay $0x3  }
0xd1: {  	s31 =	simm.s32 $0x8180  }
0xd2: {  	[tilespmem:s31], [sflag:$0x1] =	stream.indirect_vreg.gather [hbm4b:s1+s3], $0x80, v4, vm0, $0xb8;
	[tilespmem:$0x18180] =	vst v63  }
0xd3: {  	s18 =	simm.s32 $0x8980;
	v3 =	vperm.xlane v3, v2  }
0xd4: {  	[tilespmem:s18], [sflag:$0x1] =	stream.indirect_vreg.gather [hbm4b:s5+s3], $0x80, v4, vm0, $0xb8;
	[tilespmem:$0x18180] =	vst v63  }
0xd5: {  	s30 =	simm.s32 $0x9180;
	v3 =	vadd.s32 v1, v3  }
0xd6: {  	[tilespmem:s30], [sflag:$0x1] =	stream.indirect_vreg.gather [hbm4b:s6+s3], $0x80, v4, vm0, $0xb8;
	[tilespmem:$0x18180] =	vst v63  }
0xd7: {  	s31 =	simm.s32 $0x9980  }
0xd8: {  	[tilespmem:s31], [sflag:$0x1] =	stream.indirect_vreg.gather [hbm4b:s7+s3], $0x80, v4, vm0, $0xb8;
	[tilespmem:$0x18180] =	vst v63  }
0xd9: {  	s12 =	simm.s32 $0xA180  }
0xda: {  	[tilespmem:s12], [sflag:$0x1] =	stream.indirect_vreg.gather [hbm4b:s1+s3], $0x80, v3, vm0, $0xb8;
	[tilespmem:$0x18180] =	vst v63  }
0xdb: {  	s16 =	simm.s32 $0xA980  }
0xdc: {  	[tilespmem:s16], [sflag:$0x1] =	stream.indirect_vreg.gather [hbm4b:s5+s3], $0x80, v3, vm0, $0xb8;
	[tilespmem:$0x18180] =	vst v63  }
0xdd: {  	s17 =	simm.s32 $0xB180  }
0xde: {  	[tilespmem:s17], [sflag:$0x1] =	stream.indirect_vreg.gather [hbm4b:s6+s3], $0x80, v3, vm0, $0xb8;
	[tilespmem:$0x18180] =	vst v63  }
0xdf: {  	s19 =	simm.s32 $0xB980  }
0xe0: {  	[tilespmem:s19], [sflag:$0x1] =	stream.indirect_vreg.gather [hbm4b:s7+s3], $0x80, v3, vm0, $0xb8;
	[tilespmem:$0x18180] =	vst v63  }
0xe1: {  	_ =	swait.ge [sflag:s14], $0xC000  }
0xe2: {  	[sflag:s14] =	ssyncset.done $0x0  }
0xe3: {  	s19 =	rddreg [dreg:$0x5];
	[sflag:s14] =	ssyncadd.s32 $0xFFFF4000  }
0xe4: {  	[hbm4b:s19+s3] =	stream.linear.scatter [tilespmem:s11], [sflag:$0x3], $0xC000, $0x38;
	[tilespmem:$0x18180] =	vst v63  }
0xe5: {  	_ =	swait.ge [sflag:s9], $0xC000  }
0xe6: {  	[sflag:s9] =	ssyncset.done $0x0  }
0xe7: {  	[sflag:s9] =	ssyncadd.s32 $0xFFFF4000  }
0xe8: {  	v3 =	vld [tilespmem:$0x90];
	_ =	sdelay $0x4  }
0xe9: {  	v49 =	vshll.u32 v3, $0x3  }
0xea: {  	v3 =	vand.u32 $0x7, v3;
	v4 =	vand.u32 $0xFFFFFFC0, v49  }
0xeb: {  	v3 =	vor.u32 v3, v4  }
0xec: {  	v4 =	vperm.xlane v3, v0;
	_ =	sdelay $0x1  }
0xed: {  	v4 =	vadd.s32 v1, v4;
	_ =	sdelay $0x4  }
0xee: {  	[tilespmem:s11], [sflag:$0x2] =	stream.indirect_vreg.gather [hbm4b:s1+s3], $0x80, v4, vm0, $0xb8;
	[tilespmem:$0x18180] =	vst v63  }
0xef: {  	s19 =	simm.s32 $0xC980;
	v3 =	vperm.xlane v3, v2  }
0xf0: {  	[tilespmem:s19], [sflag:$0x2] =	stream.indirect_vreg.gather [hbm4b:s5+s3], $0x80, v4, vm0, $0xb8;
	[tilespmem:$0x18180] =	vst v63  }
0xf1: {  	v3 =	vadd.s32 v1, v3;
	s19 =	simm.s32 $0xD180  }
0xf2: {  	[tilespmem:s19], [sflag:$0x2] =	stream.indirect_vreg.gather [hbm4b:s6+s3], $0x80, v4, vm0, $0xb8;
	[tilespmem:$0x18180] =	vst v63  }
0xf3: {  	s19 =	simm.s32 $0xD980  }
0xf4: {  	[tilespmem:s19], [sflag:$0x2] =	stream.indirect_vreg.gather [hbm4b:s7+s3], $0x80, v4, vm0, $0xb8;
	[tilespmem:$0x18180] =	vst v63  }
0xf5: {  	s19 =	simm.s32 $0xE180  }
0xf6: {  	[tilespmem:s19], [sflag:$0x2] =	stream.indirect_vreg.gather [hbm4b:s1+s3], $0x80, v3, vm0, $0xb8;
	[tilespmem:$0x18180] =	vst v63  }
0xf7: {  	s19 =	simm.s32 $0xE980  }
0xf8: {  	[tilespmem:s19], [sflag:$0x2] =	stream.indirect_vreg.gather [hbm4b:s5+s3], $0x80, v3, vm0, $0xb8;
	[tilespmem:$0x18180] =	vst v63  }
0xf9: {  	s19 =	simm.s32 $0xF180  }
0xfa: {  	[tilespmem:s19], [sflag:$0x2] =	stream.indirect_vreg.gather [hbm4b:s6+s3], $0x80, v3, vm0, $0xb8;
	[tilespmem:$0x18180] =	vst v63  }
0xfb: {  	s21 =	simm.s32 $0xF980  }
0xfc: {  	[tilespmem:s21], [sflag:$0x2] =	stream.indirect_vreg.gather [hbm4b:s7+s3], $0x80, v3, vm0, $0xb8;
	[tilespmem:$0x18180] =	vst v63  }
0xfd: {  	v3 =	vld [tilespmem:$0xA0];
	_ =	sdelay $0x4  }
0xfe: {  	v50 =	vshll.u32 v3, $0x3  }
0xff: {  	v3 =	vand.u32 $0x7, v3;
	v4 =	vand.u32 $0xFFFFFFC0, v50  }
0x100: {  	v3 =	vor.u32 v3, v4  }
0x101: {  	v4 =	vperm.xlane v3, v0;
	_ =	sdelay $0x1  }
0x102: {  	v4 =	vadd.s32 v1, v4;
	_ =	sdelay $0x3  }
0x103: {  	s22 =	simm.s32 $0x10180  }
0x104: {  	[tilespmem:s22], [sflag:$0x2] =	stream.indirect_vreg.gather [hbm4b:s1+s3], $0x80, v4, vm0, $0xb8;
	[tilespmem:$0x18180] =	vst v63  }
0x105: {  	s19 =	simm.s32 $0x10980;
	v3 =	vperm.xlane v3, v2  }
0x106: {  	[tilespmem:s19], [sflag:$0x2] =	stream.indirect_vreg.gather [hbm4b:s5+s3], $0x80, v4, vm0, $0xb8;
	[tilespmem:$0x18180] =	vst v63  }
0x107: {  	s21 =	simm.s32 $0x11180;
	v3 =	vadd.s32 v1, v3  }
0x108: {  	[tilespmem:s21], [sflag:$0x2] =	stream.indirect_vreg.gather [hbm4b:s6+s3], $0x80, v4, vm0, $0xb8;
	[tilespmem:$0x18180] =	vst v63  }
0x109: {  	s22 =	simm.s32 $0x11980  }
0x10a: {  	[tilespmem:s22], [sflag:$0x2] =	stream.indirect_vreg.gather [hbm4b:s7+s3], $0x80, v4, vm0, $0xb8;
	[tilespmem:$0x18180] =	vst v63  }
0x10b: {  	s19 =	simm.s32 $0x12180  }
0x10c: {  	[tilespmem:s19], [sflag:$0x2] =	stream.indirect_vreg.gather [hbm4b:s1+s3], $0x80, v3, vm0, $0xb8;
	[tilespmem:$0x18180] =	vst v63  }
0x10d: {  	s21 =	simm.s32 $0x12980  }
0x10e: {  	[tilespmem:s21], [sflag:$0x2] =	stream.indirect_vreg.gather [hbm4b:s5+s3], $0x80, v3, vm0, $0xb8;
	[tilespmem:$0x18180] =	vst v63  }
0x10f: {  	s22 =	simm.s32 $0x13180  }
0x110: {  	[tilespmem:s22], [sflag:$0x2] =	stream.indirect_vreg.gather [hbm4b:s6+s3], $0x80, v3, vm0, $0xb8;
	[tilespmem:$0x18180] =	vst v63  }
0x111: {  	s19 =	simm.s32 $0x13980  }
0x112: {  	[tilespmem:s19], [sflag:$0x2] =	stream.indirect_vreg.gather [hbm4b:s7+s3], $0x80, v3, vm0, $0xb8;
	[tilespmem:$0x18180] =	vst v63  }
0x113: {  	v3 =	vld [tilespmem:$0xB0];
	_ =	sdelay $0x4  }
0x114: {  	v51 =	vshll.u32 v3, $0x3  }
0x115: {  	v3 =	vand.u32 $0x7, v3;
	v4 =	vand.u32 $0xFFFFFFC0, v51  }
0x116: {  	v3 =	vor.u32 v3, v4  }
0x117: {  	v4 =	vperm.xlane v3, v0;
	_ =	sdelay $0x1  }
0x118: {  	v4 =	vadd.s32 v1, v4;
	_ =	sdelay $0x3  }
0x119: {  	s21 =	simm.s32 $0x14180  }
0x11a: {  	[tilespmem:s21], [sflag:$0x2] =	stream.indirect_vreg.gather [hbm4b:s1+s3], $0x80, v4, vm0, $0xb8;
	[tilespmem:$0x18180] =	vst v63  }
0x11b: {  	s22 =	simm.s32 $0x14980;
	v3 =	vperm.xlane v3, v2  }
0x11c: {  	[tilespmem:s22], [sflag:$0x2] =	stream.indirect_vreg.gather [hbm4b:s5+s3], $0x80, v4, vm0, $0xb8;
	[tilespmem:$0x18180] =	vst v63  }
0x11d: {  	s19 =	simm.s32 $0x15180;
	v3 =	vadd.s32 v1, v3  }
0x11e: {  	[tilespmem:s19], [sflag:$0x2] =	stream.indirect_vreg.gather [hbm4b:s6+s3], $0x80, v4, vm0, $0xb8;
	[tilespmem:$0x18180] =	vst v63  }
0x11f: {  	s21 =	simm.s32 $0x15980  }
0x120: {  	[tilespmem:s21], [sflag:$0x2] =	stream.indirect_vreg.gather [hbm4b:s7+s3], $0x80, v4, vm0, $0xb8;
	[tilespmem:$0x18180] =	vst v63  }
0x121: {  	s22 =	simm.s32 $0x16180  }
0x122: {  	[tilespmem:s22], [sflag:$0x2] =	stream.indirect_vreg.gather [hbm4b:s1+s3], $0x80, v3, vm0, $0xb8;
	[tilespmem:$0x18180] =	vst v63  }
0x123: {  	s19 =	simm.s32 $0x16980  }
0x124: {  	[tilespmem:s19], [sflag:$0x2] =	stream.indirect_vreg.gather [hbm4b:s5+s3], $0x80, v3, vm0, $0xb8;
	[tilespmem:$0x18180] =	vst v63  }
0x125: {  	s21 =	simm.s32 $0x17180  }
0x126: {  	[tilespmem:s21], [sflag:$0x2] =	stream.indirect_vreg.gather [hbm4b:s6+s3], $0x80, v3, vm0, $0xb8;
	[tilespmem:$0x18180] =	vst v63  }
0x127: {  	s22 =	simm.s32 $0x17980  }
0x128: {  	[tilespmem:s22], [sflag:$0x2] =	stream.indirect_vreg.gather [hbm4b:s7+s3], $0x80, v3, vm0, $0xb8;
	[tilespmem:$0x18180] =	vst v63  }
0x129: {  	_ =	swait.ge [sflag:s13], $0xC000  }
0x12a: {  	[sflag:s13] =	ssyncset.done $0x0  }
0x12b: {  	s19 =	rddreg [dreg:$0x6];
	[sflag:s13] =	ssyncadd.s32 $0xFFFF4000  }
0x12c: {  	[hbm4b:s19+s3] =	stream.linear.scatter [tilespmem:s20], [sflag:$0x3], $0xC000, $0x38;
	[tilespmem:$0x18180] =	vst v63  }
0x12d: {  	_ =	swait.ge [sflag:s9], $0xC000  }
0x12e: {  	[sflag:s9] =	ssyncset.done $0x0  }
0x12f: {  	[sflag:s9] =	ssyncadd.s32 $0xFFFF4000  }
0x130: {  	v3 =	vld [tilespmem:$0xC0];
	_ =	sdelay $0x4  }
0x131: {  	v52 =	vshll.u32 v3, $0x3  }
0x132: {  	v3 =	vand.u32 $0x7, v3;
	v4 =	vand.u32 $0xFFFFFFC0, v52  }
0x133: {  	v3 =	vor.u32 v3, v4  }
0x134: {  	v4 =	vperm.xlane v3, v0;
	_ =	sdelay $0x1  }
0x135: {  	v4 =	vadd.s32 v1, v4;
	_ =	sdelay $0x4  }
0x136: {  	[tilespmem:s20], [sflag:$0x1] =	stream.indirect_vreg.gather [hbm4b:s1+s3], $0x80, v4, vm0, $0xb8;
	[tilespmem:$0x18180] =	vst v63  }
0x137: {  	s21 =	simm.s32 $0x980;
	v3 =	vperm.xlane v3, v2  }
0x138: {  	[tilespmem:s21], [sflag:$0x1] =	stream.indirect_vreg.gather [hbm4b:s5+s3], $0x80, v4, vm0, $0xb8;
	[tilespmem:$0x18180] =	vst v63  }
0x139: {  	v3 =	vadd.s32 v1, v3  }
0x13a: {  	[tilespmem:s0], [sflag:$0x1] =	stream.indirect_vreg.gather [hbm4b:s6+s3], $0x80, v4, vm0, $0xb8;
	[tilespmem:$0x18180] =	vst v63  }
0x13b: {  	_ = 	snop  }
0x13c: {  	[tilespmem:s2], [sflag:$0x1] =	stream.indirect_vreg.gather [hbm4b:s7+s3], $0x80, v4, vm0, $0xb8;
	[tilespmem:$0x18180] =	vst v63  }
0x13d: {  	_ = 	snop  }
0x13e: {  	[tilespmem:s4], [sflag:$0x1] =	stream.indirect_vreg.gather [hbm4b:s1+s3], $0x80, v3, vm0, $0xb8;
	[tilespmem:$0x18180] =	vst v63  }
0x13f: {  	_ = 	snop  }
0x140: {  	[tilespmem:s10], [sflag:$0x1] =	stream.indirect_vreg.gather [hbm4b:s5+s3], $0x80, v3, vm0, $0xb8;
	[tilespmem:$0x18180] =	vst v63  }
0x141: {  	_ = 	snop  }
0x142: {  	[tilespmem:s23], [sflag:$0x1] =	stream.indirect_vreg.gather [hbm4b:s6+s3], $0x80, v3, vm0, $0xb8;
	[tilespmem:$0x18180] =	vst v63  }
0x143: {  	s22 =	simm.s32 $0x3980  }
0x144: {  	[tilespmem:s22], [sflag:$0x1] =	stream.indirect_vreg.gather [hbm4b:s7+s3], $0x80, v3, vm0, $0xb8;
	[tilespmem:$0x18180] =	vst v63  }
0x145: {  	v3 =	vld [tilespmem:$0xD0];
	_ =	sdelay $0x4  }
0x146: {  	v53 =	vshll.u32 v3, $0x3  }
0x147: {  	v3 =	vand.u32 $0x7, v3;
	v4 =	vand.u32 $0xFFFFFFC0, v53  }
0x148: {  	v3 =	vor.u32 v3, v4  }
0x149: {  	v4 =	vperm.xlane v3, v0;
	_ =	sdelay $0x1  }
0x14a: {  	v4 =	vadd.s32 v1, v4;
	_ =	sdelay $0x3  }
0x14b: {  	s23 =	simm.s32 $0x4180  }
0x14c: {  	[tilespmem:s23], [sflag:$0x1] =	stream.indirect_vreg.gather [hbm4b:s1+s3], $0x80, v4, vm0, $0xb8;
	[tilespmem:$0x18180] =	vst v63  }
0x14d: {  	s21 =	simm.s32 $0x4980;
	v3 =	vperm.xlane v3, v2  }
0x14e: {  	[tilespmem:s21], [sflag:$0x1] =	stream.indirect_vreg.gather [hbm4b:s5+s3], $0x80, v4, vm0, $0xb8;
	[tilespmem:$0x18180] =	vst v63  }
0x14f: {  	v3 =	vadd.s32 v1, v3  }
0x150: {  	[tilespmem:s24], [sflag:$0x1] =	stream.indirect_vreg.gather [hbm4b:s6+s3], $0x80, v4, vm0, $0xb8;
	[tilespmem:$0x18180] =	vst v63  }
0x151: {  	_ = 	snop  }
0x152: {  	[tilespmem:s25], [sflag:$0x1] =	stream.indirect_vreg.gather [hbm4b:s7+s3], $0x80, v4, vm0, $0xb8;
	[tilespmem:$0x18180] =	vst v63  }
0x153: {  	_ = 	snop  }
0x154: {  	[tilespmem:s26], [sflag:$0x1] =	stream.indirect_vreg.gather [hbm4b:s1+s3], $0x80, v3, vm0, $0xb8;
	[tilespmem:$0x18180] =	vst v63  }
0x155: {  	_ = 	snop  }
0x156: {  	[tilespmem:s28], [sflag:$0x1] =	stream.indirect_vreg.gather [hbm4b:s5+s3], $0x80, v3, vm0, $0xb8;
	[tilespmem:$0x18180] =	vst v63  }
0x157: {  	_ = 	snop  }
0x158: {  	[tilespmem:s29], [sflag:$0x1] =	stream.indirect_vreg.gather [hbm4b:s6+s3], $0x80, v3, vm0, $0xb8;
	[tilespmem:$0x18180] =	vst v63  }
0x159: {  	s22 =	simm.s32 $0x7980  }
0x15a: {  	[tilespmem:s22], [sflag:$0x1] =	stream.indirect_vreg.gather [hbm4b:s7+s3], $0x80, v3, vm0, $0xb8;
	[tilespmem:$0x18180] =	vst v63  }
0x15b: {  	v3 =	vld [tilespmem:$0xE0];
	_ =	sdelay $0x4  }
0x15c: {  	v54 =	vshll.u32 v3, $0x3  }
0x15d: {  	v3 =	vand.u32 $0x7, v3;
	v4 =	vand.u32 $0xFFFFFFC0, v54  }
0x15e: {  	v3 =	vor.u32 v3, v4  }
0x15f: {  	v4 =	vperm.xlane v3, v0;
	_ =	sdelay $0x1  }
0x160: {  	v4 =	vadd.s32 v1, v4;
	_ =	sdelay $0x3  }
0x161: {  	s29 =	simm.s32 $0x8180  }
0x162: {  	[tilespmem:s29], [sflag:$0x1] =	stream.indirect_vreg.gather [hbm4b:s1+s3], $0x80, v4, vm0, $0xb8;
	[tilespmem:$0x18180] =	vst v63  }
0x163: {  	v3 =	vperm.xlane v3, v2  }
0x164: {  	[tilespmem:s18], [sflag:$0x1] =	stream.indirect_vreg.gather [hbm4b:s5+s3], $0x80, v4, vm0, $0xb8;
	[tilespmem:$0x18180] =	vst v63  }
0x165: {  	v3 =	vadd.s32 v1, v3  }
0x166: {  	[tilespmem:s30], [sflag:$0x1] =	stream.indirect_vreg.gather [hbm4b:s6+s3], $0x80, v4, vm0, $0xb8;
	[tilespmem:$0x18180] =	vst v63  }
0x167: {  	_ = 	snop  }
0x168: {  	[tilespmem:s31], [sflag:$0x1] =	stream.indirect_vreg.gather [hbm4b:s7+s3], $0x80, v4, vm0, $0xb8;
	[tilespmem:$0x18180] =	vst v63  }
0x169: {  	_ = 	snop  }
0x16a: {  	[tilespmem:s12], [sflag:$0x1] =	stream.indirect_vreg.gather [hbm4b:s1+s3], $0x80, v3, vm0, $0xb8;
	[tilespmem:$0x18180] =	vst v63  }
0x16b: {  	_ = 	snop  }
0x16c: {  	[tilespmem:s16], [sflag:$0x1] =	stream.indirect_vreg.gather [hbm4b:s5+s3], $0x80, v3, vm0, $0xb8;
	[tilespmem:$0x18180] =	vst v63  }
0x16d: {  	_ = 	snop  }
0x16e: {  	[tilespmem:s17], [sflag:$0x1] =	stream.indirect_vreg.gather [hbm4b:s6+s3], $0x80, v3, vm0, $0xb8;
	[tilespmem:$0x18180] =	vst v63  }
0x16f: {  	s31 =	simm.s32 $0xB980  }
0x170: {  	[tilespmem:s31], [sflag:$0x1] =	stream.indirect_vreg.gather [hbm4b:s7+s3], $0x80, v3, vm0, $0xb8;
	[tilespmem:$0x18180] =	vst v63  }
0x171: {  	_ =	swait.ge [sflag:s14], $0xC000  }
0x172: {  	[sflag:s14] =	ssyncset.done $0x0  }
0x173: {  	s21 =	rddreg [dreg:$0x7];
	[sflag:s14] =	ssyncadd.s32 $0xFFFF4000  }
0x174: {  	[hbm4b:s21+s3] =	stream.linear.scatter [tilespmem:s11], [sflag:$0x3], $0xC000, $0x38;
	[tilespmem:$0x18180] =	vst v63  }
0x175: {  	_ =	swait.ge [sflag:s9], $0xC000  }
0x176: {  	[sflag:s9] =	ssyncset.done $0x0  }
0x177: {  	[sflag:s9] =	ssyncadd.s32 $0xFFFF4000  }
0x178: {  	v3 =	vld [tilespmem:$0xF0];
	_ =	sdelay $0x4  }
0x179: {  	v55 =	vshll.u32 v3, $0x3  }
0x17a: {  	v3 =	vand.u32 $0x7, v3;
	v4 =	vand.u32 $0xFFFFFFC0, v55  }
0x17b: {  	v3 =	vor.u32 v3, v4  }
0x17c: {  	v4 =	vperm.xlane v3, v0;
	_ =	sdelay $0x1  }
0x17d: {  	v4 =	vadd.s32 v1, v4;
	_ =	sdelay $0x4  }
0x17e: {  	[tilespmem:s11], [sflag:$0x2] =	stream.indirect_vreg.gather [hbm4b:s1+s3], $0x80, v4, vm0, $0xb8;
	[tilespmem:$0x18180] =	vst v63  }
0x17f: {  	s22 =	simm.s32 $0xC980;
	v3 =	vperm.xlane v3, v2  }
0x180: {  	[tilespmem:s22], [sflag:$0x2] =	stream.indirect_vreg.gather [hbm4b:s5+s3], $0x80, v4, vm0, $0xb8;
	[tilespmem:$0x18180] =	vst v63  }
0x181: {  	s31 =	simm.s32 $0xD180;
	v3 =	vadd.s32 v1, v3  }
0x182: {  	[tilespmem:s31], [sflag:$0x2] =	stream.indirect_vreg.gather [hbm4b:s6+s3], $0x80, v4, vm0, $0xb8;
	[tilespmem:$0x18180] =	vst v63  }
0x183: {  	s21 =	simm.s32 $0xD980  }
0x184: {  	[tilespmem:s21], [sflag:$0x2] =	stream.indirect_vreg.gather [hbm4b:s7+s3], $0x80, v4, vm0, $0xb8;
	[tilespmem:$0x18180] =	vst v63  }
0x185: {  	s22 =	simm.s32 $0xE180  }
0x186: {  	[tilespmem:s22], [sflag:$0x2] =	stream.indirect_vreg.gather [hbm4b:s1+s3], $0x80, v3, vm0, $0xb8;
	[tilespmem:$0x18180] =	vst v63  }
0x187: {  	s15 =	simm.s32 $0xE980  }
0x188: {  	[tilespmem:s15], [sflag:$0x2] =	stream.indirect_vreg.gather [hbm4b:s5+s3], $0x80, v3, vm0, $0xb8;
	[tilespmem:$0x18180] =	vst v63  }
0x189: {  	s15 =	simm.s32 $0xF180  }
0x18a: {  	[tilespmem:s15], [sflag:$0x2] =	stream.indirect_vreg.gather [hbm4b:s6+s3], $0x80, v3, vm0, $0xb8;
	[tilespmem:$0x18180] =	vst v63  }
0x18b: {  	s15 =	simm.s32 $0xF980  }
0x18c: {  	[tilespmem:s15], [sflag:$0x2] =	stream.indirect_vreg.gather [hbm4b:s7+s3], $0x80, v3, vm0, $0xb8;
	[tilespmem:$0x18180] =	vst v63  }
0x18d: {  	v3 =	vld [tilespmem:$0x100];
	_ =	sdelay $0x4  }
0x18e: {  	v56 =	vshll.u32 v3, $0x3  }
0x18f: {  	v3 =	vand.u32 $0x7, v3;
	v4 =	vand.u32 $0xFFFFFFC0, v56  }
0x190: {  	v3 =	vor.u32 v3, v4  }
0x191: {  	v4 =	vperm.xlane v3, v0;
	_ =	sdelay $0x1  }
0x192: {  	v4 =	vadd.s32 v1, v4;
	_ =	sdelay $0x3  }
0x193: {  	s15 =	simm.s32 $0x10180  }
0x194: {  	[tilespmem:s15], [sflag:$0x2] =	stream.indirect_vreg.gather [hbm4b:s1+s3], $0x80, v4, vm0, $0xb8;
	[tilespmem:$0x18180] =	vst v63  }
0x195: {  	v3 =	vperm.xlane v3, v2;
	s15 =	simm.s32 $0x10980  }
0x196: {  	[tilespmem:s15], [sflag:$0x2] =	stream.indirect_vreg.gather [hbm4b:s5+s3], $0x80, v4, vm0, $0xb8;
	[tilespmem:$0x18180] =	vst v63  }
0x197: {  	v3 =	vadd.s32 v1, v3;
	s15 =	simm.s32 $0x11180  }
0x198: {  	[tilespmem:s15], [sflag:$0x2] =	stream.indirect_vreg.gather [hbm4b:s6+s3], $0x80, v4, vm0, $0xb8;
	[tilespmem:$0x18180] =	vst v63  }
0x199: {  	s15 =	simm.s32 $0x11980  }
0x19a: {  	[tilespmem:s15], [sflag:$0x2] =	stream.indirect_vreg.gather [hbm4b:s7+s3], $0x80, v4, vm0, $0xb8;
	[tilespmem:$0x18180] =	vst v63  }
0x19b: {  	s15 =	simm.s32 $0x12180  }
0x19c: {  	[tilespmem:s15], [sflag:$0x2] =	stream.indirect_vreg.gather [hbm4b:s1+s3], $0x80, v3, vm0, $0xb8;
	[tilespmem:$0x18180] =	vst v63  }
0x19d: {  	s15 =	simm.s32 $0x12980  }
0x19e: {  	[tilespmem:s15], [sflag:$0x2] =	stream.indirect_vreg.gather [hbm4b:s5+s3], $0x80, v3, vm0, $0xb8;
	[tilespmem:$0x18180] =	vst v63  }
0x19f: {  	s15 =	simm.s32 $0x13180  }
0x1a0: {  	[tilespmem:s15], [sflag:$0x2] =	stream.indirect_vreg.gather [hbm4b:s6+s3], $0x80, v3, vm0, $0xb8;
	[tilespmem:$0x18180] =	vst v63  }
0x1a1: {  	s15 =	simm.s32 $0x13980  }
0x1a2: {  	[tilespmem:s15], [sflag:$0x2] =	stream.indirect_vreg.gather [hbm4b:s7+s3], $0x80, v3, vm0, $0xb8;
	[tilespmem:$0x18180] =	vst v63  }
0x1a3: {  	v3 =	vld [tilespmem:$0x110];
	_ =	sdelay $0x4  }
0x1a4: {  	v57 =	vshll.u32 v3, $0x3  }
0x1a5: {  	v3 =	vand.u32 $0x7, v3;
	v4 =	vand.u32 $0xFFFFFFC0, v57  }
0x1a6: {  	v3 =	vor.u32 v3, v4  }
0x1a7: {  	v4 =	vperm.xlane v3, v0;
	_ =	sdelay $0x1  }
0x1a8: {  	v4 =	vadd.s32 v1, v4;
	_ =	sdelay $0x3  }
0x1a9: {  	s15 =	simm.s32 $0x14180  }
0x1aa: {  	[tilespmem:s15], [sflag:$0x2] =	stream.indirect_vreg.gather [hbm4b:s1+s3], $0x80, v4, vm0, $0xb8;
	[tilespmem:$0x18180] =	vst v63  }
0x1ab: {  	v3 =	vperm.xlane v3, v2;
	s15 =	simm.s32 $0x14980  }
0x1ac: {  	[tilespmem:s15], [sflag:$0x2] =	stream.indirect_vreg.gather [hbm4b:s5+s3], $0x80, v4, vm0, $0xb8;
	[tilespmem:$0x18180] =	vst v63  }
0x1ad: {  	v3 =	vadd.s32 v1, v3;
	s15 =	simm.s32 $0x15180  }
0x1ae: {  	[tilespmem:s15], [sflag:$0x2] =	stream.indirect_vreg.gather [hbm4b:s6+s3], $0x80, v4, vm0, $0xb8;
	[tilespmem:$0x18180] =	vst v63  }
0x1af: {  	s15 =	simm.s32 $0x15980  }
0x1b0: {  	[tilespmem:s15], [sflag:$0x2] =	stream.indirect_vreg.gather [hbm4b:s7+s3], $0x80, v4, vm0, $0xb8;
	[tilespmem:$0x18180] =	vst v63  }
0x1b1: {  	s15 =	simm.s32 $0x16180  }
0x1b2: {  	[tilespmem:s15], [sflag:$0x2] =	stream.indirect_vreg.gather [hbm4b:s1+s3], $0x80, v3, vm0, $0xb8;
	[tilespmem:$0x18180] =	vst v63  }
0x1b3: {  	s15 =	simm.s32 $0x16980  }
0x1b4: {  	[tilespmem:s15], [sflag:$0x2] =	stream.indirect_vreg.gather [hbm4b:s5+s3], $0x80, v3, vm0, $0xb8;
	[tilespmem:$0x18180] =	vst v63  }
0x1b5: {  	s15 =	simm.s32 $0x17180  }
0x1b6: {  	[tilespmem:s15], [sflag:$0x2] =	stream.indirect_vreg.gather [hbm4b:s6+s3], $0x80, v3, vm0, $0xb8;
	[tilespmem:$0x18180] =	vst v63  }
0x1b7: {  	s15 =	simm.s32 $0x17980  }
0x1b8: {  	[tilespmem:s15], [sflag:$0x2] =	stream.indirect_vreg.gather [hbm4b:s7+s3], $0x80, v3, vm0, $0xb8;
	[tilespmem:$0x18180] =	vst v63  }
0x1b9: {  	_ =	swait.ge [sflag:s13], $0xC000  }
0x1ba: {  	[sflag:s13] =	ssyncset.done $0x0  }
0x1bb: {  	s15 =	rddreg [dreg:$0x8];
	[sflag:s13] =	ssyncadd.s32 $0xFFFF4000  }
0x1bc: {  	[hbm4b:s15+s3] =	stream.linear.scatter [tilespmem:s20], [sflag:$0x3], $0xC000, $0x38;
	[tilespmem:$0x18180] =	vst v63  }
0x1bd: {  	_ =	swait.ge [sflag:s9], $0xC000  }
0x1be: {  	[sflag:s9] =	ssyncset.done $0x0  }
0x1bf: {  	[sflag:s9] =	ssyncadd.s32 $0xFFFF4000  }
0x1c0: {  	v3 =	vld [tilespmem:$0x120];
	_ =	sdelay $0x4  }
0x1c1: {  	v58 =	vshll.u32 v3, $0x3  }
0x1c2: {  	v3 =	vand.u32 $0x7, v3;
	v4 =	vand.u32 $0xFFFFFFC0, v58  }
0x1c3: {  	v3 =	vor.u32 v3, v4  }
0x1c4: {  	v4 =	vperm.xlane v3, v0;
	_ =	sdelay $0x1  }
0x1c5: {  	v4 =	vadd.s32 v1, v4;
	_ =	sdelay $0x4  }
0x1c6: {  	[tilespmem:s20], [sflag:$0x1] =	stream.indirect_vreg.gather [hbm4b:s1+s3], $0x80, v4, vm0, $0xb8;
	[tilespmem:$0x18180] =	vst v63  }
0x1c7: {  	s15 =	simm.s32 $0x980;
	v3 =	vperm.xlane v3, v2  }
0x1c8: {  	[tilespmem:s15], [sflag:$0x1] =	stream.indirect_vreg.gather [hbm4b:s5+s3], $0x80, v4, vm0, $0xb8;
	[tilespmem:$0x18180] =	vst v63  }
0x1c9: {  	s0 =	simm.s32 $0x1180;
	v3 =	vadd.s32 v1, v3  }
0x1ca: {  	[tilespmem:s0], [sflag:$0x1] =	stream.indirect_vreg.gather [hbm4b:s6+s3], $0x80, v4, vm0, $0xb8;
	[tilespmem:$0x18180] =	vst v63  }
0x1cb: {  	s2 =	simm.s32 $0x1980  }
0x1cc: {  	[tilespmem:s2], [sflag:$0x1] =	stream.indirect_vreg.gather [hbm4b:s7+s3], $0x80, v4, vm0, $0xb8;
	[tilespmem:$0x18180] =	vst v63  }
0x1cd: {  	s4 =	simm.s32 $0x2180  }
0x1ce: {  	[tilespmem:s4], [sflag:$0x1] =	stream.indirect_vreg.gather [hbm4b:s1+s3], $0x80, v3, vm0, $0xb8;
	[tilespmem:$0x18180] =	vst v63  }
0x1cf: {  	s10 =	simm.s32 $0x2980  }
0x1d0: {  	[tilespmem:s10], [sflag:$0x1] =	stream.indirect_vreg.gather [hbm4b:s5+s3], $0x80, v3, vm0, $0xb8;
	[tilespmem:$0x18180] =	vst v63  }
0x1d1: {  	s19 =	simm.s32 $0x3180  }
0x1d2: {  	[tilespmem:s19], [sflag:$0x1] =	stream.indirect_vreg.gather [hbm4b:s6+s3], $0x80, v3, vm0, $0xb8;
	[tilespmem:$0x18180] =	vst v63  }
0x1d3: {  	s10 =	simm.s32 $0x3980  }
0x1d4: {  	[tilespmem:s10], [sflag:$0x1] =	stream.indirect_vreg.gather [hbm4b:s7+s3], $0x80, v3, vm0, $0xb8;
	[tilespmem:$0x18180] =	vst v63  }
0x1d5: {  	v3 =	vld [tilespmem:$0x130];
	_ =	sdelay $0x4  }
0x1d6: {  	v59 =	vshll.u32 v3, $0x3  }
0x1d7: {  	v3 =	vand.u32 $0x7, v3;
	v4 =	vand.u32 $0xFFFFFFC0, v59  }
0x1d8: {  	v3 =	vor.u32 v3, v4  }
0x1d9: {  	v4 =	vperm.xlane v3, v0;
	_ =	sdelay $0x1  }
0x1da: {  	v4 =	vadd.s32 v1, v4;
	_ =	sdelay $0x3  }
0x1db: {  	s15 =	simm.s32 $0x4180  }
0x1dc: {  	[tilespmem:s15], [sflag:$0x1] =	stream.indirect_vreg.gather [hbm4b:s1+s3], $0x80, v4, vm0, $0xb8;
	[tilespmem:$0x18180] =	vst v63  }
0x1dd: {  	s19 =	simm.s32 $0x4980;
	v3 =	vperm.xlane v3, v2  }
0x1de: {  	[tilespmem:s19], [sflag:$0x1] =	stream.indirect_vreg.gather [hbm4b:s5+s3], $0x80, v4, vm0, $0xb8;
	[tilespmem:$0x18180] =	vst v63  }
0x1df: {  	s23 =	simm.s32 $0x5180;
	v3 =	vadd.s32 v1, v3  }
0x1e0: {  	[tilespmem:s23], [sflag:$0x1] =	stream.indirect_vreg.gather [hbm4b:s6+s3], $0x80, v4, vm0, $0xb8;
	[tilespmem:$0x18180] =	vst v63  }
0x1e1: {  	s24 =	simm.s32 $0x5980  }
0x1e2: {  	[tilespmem:s24], [sflag:$0x1] =	stream.indirect_vreg.gather [hbm4b:s7+s3], $0x80, v4, vm0, $0xb8;
	[tilespmem:$0x18180] =	vst v63  }
0x1e3: {  	s25 =	simm.s32 $0x6180  }
0x1e4: {  	[tilespmem:s25], [sflag:$0x1] =	stream.indirect_vreg.gather [hbm4b:s1+s3], $0x80, v3, vm0, $0xb8;
	[tilespmem:$0x18180] =	vst v63  }
0x1e5: {  	s26 =	simm.s32 $0x6980  }
0x1e6: {  	[tilespmem:s26], [sflag:$0x1] =	stream.indirect_vreg.gather [hbm4b:s5+s3], $0x80, v3, vm0, $0xb8;
	[tilespmem:$0x18180] =	vst v63  }
0x1e7: {  	s28 =	simm.s32 $0x7180  }
0x1e8: {  	[tilespmem:s28], [sflag:$0x1] =	stream.indirect_vreg.gather [hbm4b:s6+s3], $0x80, v3, vm0, $0xb8;
	[tilespmem:$0x18180] =	vst v63  }
0x1e9: {  	s24 =	simm.s32 $0x7980  }
0x1ea: {  	[tilespmem:s24], [sflag:$0x1] =	stream.indirect_vreg.gather [hbm4b:s7+s3], $0x80, v3, vm0, $0xb8;
	[tilespmem:$0x18180] =	vst v63  }
0x1eb: {  	v3 =	vld [tilespmem:$0x140];
	_ =	sdelay $0x4  }
0x1ec: {  	v60 =	vshll.u32 v3, $0x3  }
0x1ed: {  	v3 =	vand.u32 $0x7, v3;
	v4 =	vand.u32 $0xFFFFFFC0, v60  }
0x1ee: {  	v3 =	vor.u32 v3, v4  }
0x1ef: {  	v4 =	vperm.xlane v3, v0;
	_ =	sdelay $0x1  }
0x1f0: {  	v4 =	vadd.s32 v1, v4;
	_ =	sdelay $0x3  }
0x1f1: {  	s25 =	simm.s32 $0x8180  }
0x1f2: {  	[tilespmem:s25], [sflag:$0x1] =	stream.indirect_vreg.gather [hbm4b:s1+s3], $0x80, v4, vm0, $0xb8;
	[tilespmem:$0x18180] =	vst v63  }
0x1f3: {  	s18 =	simm.s32 $0x8980;
	v3 =	vperm.xlane v3, v2  }
0x1f4: {  	[tilespmem:s18], [sflag:$0x1] =	stream.indirect_vreg.gather [hbm4b:s5+s3], $0x80, v4, vm0, $0xb8;
	[tilespmem:$0x18180] =	vst v63  }
0x1f5: {  	s29 =	simm.s32 $0x9180;
	v3 =	vadd.s32 v1, v3  }
0x1f6: {  	[tilespmem:s29], [sflag:$0x1] =	stream.indirect_vreg.gather [hbm4b:s6+s3], $0x80, v4, vm0, $0xb8;
	[tilespmem:$0x18180] =	vst v63  }
0x1f7: {  	s30 =	simm.s32 $0x9980  }
0x1f8: {  	[tilespmem:s30], [sflag:$0x1] =	stream.indirect_vreg.gather [hbm4b:s7+s3], $0x80, v4, vm0, $0xb8;
	[tilespmem:$0x18180] =	vst v63  }
0x1f9: {  	s12 =	simm.s32 $0xA180  }
0x1fa: {  	[tilespmem:s12], [sflag:$0x1] =	stream.indirect_vreg.gather [hbm4b:s1+s3], $0x80, v3, vm0, $0xb8;
	[tilespmem:$0x18180] =	vst v63  }
0x1fb: {  	s16 =	simm.s32 $0xA980  }
0x1fc: {  	[tilespmem:s16], [sflag:$0x1] =	stream.indirect_vreg.gather [hbm4b:s5+s3], $0x80, v3, vm0, $0xb8;
	[tilespmem:$0x18180] =	vst v63  }
0x1fd: {  	s17 =	simm.s32 $0xB180  }
0x1fe: {  	[tilespmem:s17], [sflag:$0x1] =	stream.indirect_vreg.gather [hbm4b:s6+s3], $0x80, v3, vm0, $0xb8;
	[tilespmem:$0x18180] =	vst v63  }
0x1ff: {  	s26 =	simm.s32 $0xB980  }
0x200: {  	[tilespmem:s26], [sflag:$0x1] =	stream.indirect_vreg.gather [hbm4b:s7+s3], $0x80, v3, vm0, $0xb8;
	[tilespmem:$0x18180] =	vst v63  }
0x201: {  	_ =	swait.ge [sflag:s14], $0xC000  }
0x202: {  	[sflag:s14] =	ssyncset.done $0x0  }
0x203: {  	s28 =	rddreg [dreg:$0x9];
	[sflag:s14] =	ssyncadd.s32 $0xFFFF4000  }
0x204: {  	[hbm4b:s28+s3] =	stream.linear.scatter [tilespmem:s11], [sflag:$0x3], $0xC000, $0x38;
	[tilespmem:$0x18180] =	vst v63  }
0x205: {  	_ =	swait.ge [sflag:s9], $0xC000  }
0x206: {  	[sflag:s9] =	ssyncset.done $0x0  }
0x207: {  	[sflag:s9] =	ssyncadd.s32 $0xFFFF4000  }
0x208: {  	v3 =	vld [tilespmem:$0x150];
	_ =	sdelay $0x4  }
0x209: {  	v61 =	vshll.u32 v3, $0x3  }
0x20a: {  	v3 =	vand.u32 $0x7, v3;
	v4 =	vand.u32 $0xFFFFFFC0, v61  }
0x20b: {  	v3 =	vor.u32 v3, v4  }
0x20c: {  	v4 =	vperm.xlane v3, v0;
	_ =	sdelay $0x1  }
0x20d: {  	v4 =	vadd.s32 v1, v4;
	_ =	sdelay $0x4  }
0x20e: {  	[tilespmem:s11], [sflag:$0x2] =	stream.indirect_vreg.gather [hbm4b:s1+s3], $0x80, v4, vm0, $0xb8;
	[tilespmem:$0x18180] =	vst v63  }
0x20f: {  	s29 =	simm.s32 $0xC980;
	v3 =	vperm.xlane v3, v2  }
0x210: {  	[tilespmem:s29], [sflag:$0x2] =	stream.indirect_vreg.gather [hbm4b:s5+s3], $0x80, v4, vm0, $0xb8;
	[tilespmem:$0x18180] =	vst v63  }
0x211: {  	s31 =	simm.s32 $0xD180;
	v3 =	vadd.s32 v1, v3  }
0x212: {  	[tilespmem:s31], [sflag:$0x2] =	stream.indirect_vreg.gather [hbm4b:s6+s3], $0x80, v4, vm0, $0xb8;
	[tilespmem:$0x18180] =	vst v63  }
0x213: {  	s21 =	simm.s32 $0xD980  }
0x214: {  	[tilespmem:s21], [sflag:$0x2] =	stream.indirect_vreg.gather [hbm4b:s7+s3], $0x80, v4, vm0, $0xb8;
	[tilespmem:$0x18180] =	vst v63  }
0x215: {  	s22 =	simm.s32 $0xE180  }
0x216: {  	[tilespmem:s22], [sflag:$0x2] =	stream.indirect_vreg.gather [hbm4b:s1+s3], $0x80, v3, vm0, $0xb8;
	[tilespmem:$0x18180] =	vst v63  }
0x217: {  	s30 =	simm.s32 $0xE980  }
0x218: {  	[tilespmem:s30], [sflag:$0x2] =	stream.indirect_vreg.gather [hbm4b:s5+s3], $0x80, v3, vm0, $0xb8;
	[tilespmem:$0x18180] =	vst v63  }
0x219: {  	s31 =	simm.s32 $0xF180  }
0x21a: {  	[tilespmem:s31], [sflag:$0x2] =	stream.indirect_vreg.gather [hbm4b:s6+s3], $0x80, v3, vm0, $0xb8;
	[tilespmem:$0x18180] =	vst v63  }
0x21b: {  	s2 =	simm.s32 $0xF980  }
0x21c: {  	[tilespmem:s2], [sflag:$0x2] =	stream.indirect_vreg.gather [hbm4b:s7+s3], $0x80, v3, vm0, $0xb8;
	[tilespmem:$0x18180] =	vst v63  }
0x21d: {  	v3 =	vld [tilespmem:$0x160];
	_ =	sdelay $0x4  }
0x21e: {  	v62 =	vshll.u32 v3, $0x3  }
0x21f: {  	v3 =	vand.u32 $0x7, v3;
	v4 =	vand.u32 $0xFFFFFFC0, v62  }
0x220: {  	v3 =	vor.u32 v3, v4  }
0x221: {  	v4 =	vperm.xlane v3, v0;
	_ =	sdelay $0x1  }
0x222: {  	v4 =	vadd.s32 v1, v4;
	_ =	sdelay $0x3  }
0x223: {  	s4 =	simm.s32 $0x10180  }
0x224: {  	[tilespmem:s4], [sflag:$0x2] =	stream.indirect_vreg.gather [hbm4b:s1+s3], $0x80, v4, vm0, $0xb8;
	[tilespmem:$0x18180] =	vst v63  }
0x225: {  	s10 =	simm.s32 $0x10980;
	v3 =	vperm.xlane v3, v2  }
0x226: {  	[tilespmem:s10], [sflag:$0x2] =	stream.indirect_vreg.gather [hbm4b:s5+s3], $0x80, v4, vm0, $0xb8;
	[tilespmem:$0x18180] =	vst v63  }
0x227: {  	s12 =	simm.s32 $0x11180;
	v3 =	vadd.s32 v1, v3  }
0x228: {  	[tilespmem:s12], [sflag:$0x2] =	stream.indirect_vreg.gather [hbm4b:s6+s3], $0x80, v4, vm0, $0xb8;
	[tilespmem:$0x18180] =	vst v63  }
0x229: {  	s15 =	simm.s32 $0x11980  }
0x22a: {  	[tilespmem:s15], [sflag:$0x2] =	stream.indirect_vreg.gather [hbm4b:s7+s3], $0x80, v4, vm0, $0xb8;
	[tilespmem:$0x18180] =	vst v63  }
0x22b: {  	s16 =	simm.s32 $0x12180  }
0x22c: {  	[tilespmem:s16], [sflag:$0x2] =	stream.indirect_vreg.gather [hbm4b:s1+s3], $0x80, v3, vm0, $0xb8;
	[tilespmem:$0x18180] =	vst v63  }
0x22d: {  	s17 =	simm.s32 $0x12980  }
0x22e: {  	[tilespmem:s17], [sflag:$0x2] =	stream.indirect_vreg.gather [hbm4b:s5+s3], $0x80, v3, vm0, $0xb8;
	[tilespmem:$0x18180] =	vst v63  }
0x22f: {  	s18 =	simm.s32 $0x13180  }
0x230: {  	[tilespmem:s18], [sflag:$0x2] =	stream.indirect_vreg.gather [hbm4b:s6+s3], $0x80, v3, vm0, $0xb8;
	[tilespmem:$0x18180] =	vst v63  }
0x231: {  	s19 =	simm.s32 $0x13980  }
0x232: {  	[tilespmem:s19], [sflag:$0x2] =	stream.indirect_vreg.gather [hbm4b:s7+s3], $0x80, v3, vm0, $0xb8;
	[tilespmem:$0x18180] =	vst v63  }
0x233: {  	v3 =	vld [tilespmem:$0x170];
	_ =	sdelay $0x4  }
0x234: {  	v63 =	vshll.u32 v3, $0x3  }
0x235: {  	v3 =	vand.u32 $0x7, v3;
	v4 =	vand.u32 $0xFFFFFFC0, v63  }
0x236: {  	v3 =	vor.u32 v3, v4  }
0x237: {  	v4 =	vperm.xlane v3, v0;
	_ =	sdelay $0x1  }
0x238: {  	v4 =	vadd.s32 v1, v4;
	_ =	sdelay $0x3  }
0x239: {  	s21 =	simm.s32 $0x14180  }
0x23a: {  	[tilespmem:s21], [sflag:$0x2] =	stream.indirect_vreg.gather [hbm4b:s1+s3], $0x80, v4, vm0, $0xb8;
	[tilespmem:$0x18180] =	vst v63  }
0x23b: {  	s22 =	simm.s32 $0x14980;
	v3 =	vperm.xlane v3, v2  }
0x23c: {  	[tilespmem:s22], [sflag:$0x2] =	stream.indirect_vreg.gather [hbm4b:s5+s3], $0x80, v4, vm0, $0xb8;
	[tilespmem:$0x18180] =	vst v63  }
0x23d: {  	s23 =	simm.s32 $0x15180;
	v3 =	vadd.s32 v1, v3  }
0x23e: {  	[tilespmem:s23], [sflag:$0x2] =	stream.indirect_vreg.gather [hbm4b:s6+s3], $0x80, v4, vm0, $0xb8;
	[tilespmem:$0x18180] =	vst v63  }
0x23f: {  	s24 =	simm.s32 $0x15980  }
0x240: {  	[tilespmem:s24], [sflag:$0x2] =	stream.indirect_vreg.gather [hbm4b:s7+s3], $0x80, v4, vm0, $0xb8;
	[tilespmem:$0x18180] =	vst v63  }
0x241: {  	s25 =	simm.s32 $0x16180  }
0x242: {  	[tilespmem:s25], [sflag:$0x2] =	stream.indirect_vreg.gather [hbm4b:s1+s3], $0x80, v3, vm0, $0xb8;
	[tilespmem:$0x18180] =	vst v63  }
0x243: {  	s26 =	simm.s32 $0x16980  }
0x244: {  	[tilespmem:s26], [sflag:$0x2] =	stream.indirect_vreg.gather [hbm4b:s5+s3], $0x80, v3, vm0, $0xb8;
	[tilespmem:$0x18180] =	vst v63  }
0x245: {  	s28 =	simm.s32 $0x17180  }
0x246: {  	[tilespmem:s28], [sflag:$0x2] =	stream.indirect_vreg.gather [hbm4b:s6+s3], $0x80, v3, vm0, $0xb8;
	[tilespmem:$0x18180] =	vst v63  }
0x247: {  	s29 =	simm.s32 $0x17980  }
0x248: {  	[tilespmem:s29], [sflag:$0x2] =	stream.indirect_vreg.gather [hbm4b:s7+s3], $0x80, v3, vm0, $0xb8;
	[tilespmem:$0x18180] =	vst v63  }
0x249: {  	_ =	swait.ge [sflag:s13], $0xC000  }
0x24a: {  	[sflag:s13] =	ssyncset.done $0x0  }
0x24b: {  	s30 =	rddreg [dreg:$0xa];
	[sflag:s13] =	ssyncadd.s32 $0xFFFF4000  }
0x24c: {  	[hbm4b:s30+s3] =	stream.linear.scatter [tilespmem:s20], [sflag:$0x3], $0xC000, $0x38;
	[tilespmem:$0x18180] =	vst v63  }
0x24d: {  	_ =	swait.ge [sflag:s9], $0xC000  }
0x24e: {  	[sflag:s9] =	ssyncset.done $0x0  }
0x24f: {  	[sflag:s9] =	ssyncadd.s32 $0xFFFF4000  }
0x250: {  	_ =	swait.ge [sflag:s14], $0xC000  }
0x251: {  	p0 =	sne.s32 s8, $0x1;
	[sflag:s14] =	ssyncset.done $0x0  }
.Ltmp0:
0x252: {  	s31 =	rddreg [dreg:$0xb];
	[sflag:s14] =	ssyncadd.s32 $0xFFFF4000;
	(pc) =	sbr.rel @p0 .LBB2_1-.Ltmp0, $4  }
0x253: {  	[hbm4b:s31+s3] =	stream.linear.scatter [tilespmem:s11], [sflag:$0x3], $0xC000, $0x38;
	[tilespmem:$0x18180] =	vst v63  }
0x254: {  	_ =	swait.ge [sflag:s9], $0xC000  }
0x255: {  	[sflag:s9] =	ssyncset.done $0x0  }
0x256: {  	s8 =	sadd.s32 $0xFFFFFFFF, s8;
	[sflag:s9] =	ssyncadd.s32 $0xFFFF4000  }
0x257: {  	_ =	sfence.sel $0x180000  }
0x258: {  	[bflag:$0x0] =	sbarrier.arrive $0xFFFF  }
0x259: {  	_ =	strace $0x9000004A  }
0x25a: {  	s0 =	stileid.u32;
	[bflag:$0x2] =	sbarrier.arrive $0xFFFF  }
0x25b: {  	p0 =	sne.s32 s0, $0x0;
	s0 =	rddreg [dreg:$0x3]  }
0x25c: {  	s0 =	sadd.s32 @!p0 $0x100000, s0  }
0x25d: {  	[sflag:s0] =	ssyncadd.tile.s32 @!p0 $0x1;
	_ =	shalt  }
.Lfunc_end2:
_tile_overlayer_lowered:
.L_overlay_start_2:
0x25e: {  	(tag) =	ssettag $0x2  }
0x25f: {  	s0 =	rddreg [dreg:$0x0];
	s2 =	stileid.u32  }
0x260: {  	s1 =	rddreg [dreg:$0x1];
	p0 =	sne.s32 s2, $0x0  }
0x261: {  	s3 =	rddreg [dreg:$0x2];
	[bflag:$0x3] =	sbarrier.arrive $0xFFFF;
	s2 =	simm.s32 @!p0 $0x1C03  }
0x262: {  	[timem:s3], [sflag:s2] =	dma.local @!p0 [hbm:s0], s1  }
0x263: {  	s0 =	simm.s32 @!p0 $0x3  }
0x264: {  	_ =	swait.ge @!p0 [sflag:s0], s1  }
0x265: {  	s1 =	ssub.s32 @!p0 $0x0, s1;
	[sflag:s0] =	ssyncset.done @!p0 $0x0  }
0x266: {  	[sflag:s0] =	ssyncadd.s32 @!p0 s1  }
0x267: {  	[bflag:$0x3] =	sbarrier.arrive $0xFFFF  }
0x268: {  	_ =	shalt  }

// kernel: kernel.16.cloned.1.call-start
scs
__scs_entry_jumppad:
0x0: {  	(pc) =	sbr.rel $0x88, $3  }
0x1: {  	(tag) =	ssettag $0x0;
	lr =	simm.s32 $0x1  }
0x2: {  	[smem:$0x3F94] =	sst lr;
	_ =	strace $0xD0000000  }
0x3: {  	_ = 	snop  }
0x4: {  	_ = 	snop  }
0x5: {  	_ = 	snop  }
0x6: {  	_ = 	snop  }
0x7: {  	_ = 	snop  }
__scs_overlays_trampoline_lowered:
0x8: {  	[smem:$0x3FA3] =	sst s0  }
0x9: {  	[smem:$0x3FA4] =	sst s1  }
0xa: {  	[smem:$0x3FA5] =	sst s2  }
0xb: {  	[smem:$0x3FA6] =	sst s3  }
0xc: {  	[smem:$0x3FA7] =	sst s4  }
0xd: {  	[smem:$0x3FA8] =	sst s5  }
0xe: {  	[smem:$0x3FA9] =	sst s6  }
0xf: {  	[smem:$0x3FAA] =	sst s7  }
0x10: {  	[smem:$0x3FAB] =	sst s8  }
0x11: {  	[smem:$0x3FAC] =	sst s9;
	s0 =	simm.s32 @!p0 $0x0  }
0x12: {  	s1 =	sld [smem:$0x3F92];
	s0 =	simm.s32 @p0 $0x1  }
0x13: {  	[smem:$0x3FAD] =	sst s0;
	s0 =	simm.s32 @!p1 $0x0  }
0x14: {  	s2 =	sld [smem:$0x3F91];
	s0 =	simm.s32 @p1 $0x1  }
0x15: {  	[smem:$0x3FAE] =	sst s0;
	s0 =	simm.s32 @!p2 $0x0  }
0x16: {  	s3 =	sld [smem:$0x3FDB];
	s0 =	simm.s32 @p2 $0x1  }
0x17: {  	s4 =	simm.s32 $0x1BF5;
	[smem:$0x3FB0] =	sst s0  }
0x18: {  	s0 =	sld [smem:$0x3F93];
	_ =	swait.ge [sflag:s4], $0x0  }
0x19: {  	s7 =	sld [smem:$0x3F94]  }
0x1a: {  	s8 =	sadd.s32 $0xFFFFE003, lr  }
0x1b: {  	s9 =	sadd.s32 $0xFFFFFEF7, lr;
	s5 =	simm.s32 $0xFFFFFFFF;
	p2 =	slt.u32 s8, $0xFFFFF086  }
0x1c: {  	p1 =	slt.u32 s9, $0xF7A;
	s5 =	simm.s32 @!p2 $0x0  }
0x1d: {  	s5 =	simm.s32 @p1 $0x1;
	p0 =	seq.s32 s7, s2  }
0x1e: {  	s7 =	smul.u32 @!p0 $0xF7A, s2;
	p2 =	seq.s32 @!p0 s5, $0x0  }
0x1f: {  	s9 =	smul.u32 $0xF7A, s1;
	s8 =	simm.s32 @!p0 $0x1BF5;
	p2 =	por !p2, p0  }
0x20: {  	[sflag:s8] =	ssyncset.s32 @!p0 $0xFFFFF086;
	s6 =	sadd.s32 @!p0 s3, s7;
	s7 =	simm.s32 @!p0 $0x108  }
0x21: {  	s3 =	sadd.s32 s3, s9;
	s6 =	sadd.s32 @!p0 $0x88, s6;
	s7 =	simm.s32 @p2 $0x1082  }
0x22: {  	[simem:s7], [sflag:s8] =	dma.local @!p0 [hbm:s6], $0xF7A  }
0x23: {  	s9 =	sor.u32 $0xD0000000, s2;
	s6 =	simm.s32 $0x108;
	_ =	swait.ge @!p0 [sflag:s8], $0x0  }
0x24: {  	s3 =	sadd.s32 $0x88, s3;
	s6 =	simm.s32 @!p1 $0x1082;
	[sflag:s4] =	ssyncset.s32 $0xFFFFF086  }
0x25: {  	[simem:s6], [sflag:s4] =	dma.local [hbm:s3], $0xF7A  }
0x26: {  	[smem:$0x3F94] =	sst s1;
	(tag) =	ssettag s2;
	_ =	strace s9  }
0x27: {  	s1 =	sld [smem:$0x3FA4]  }
0x28: {  	s2 =	sld [smem:$0x3FA5]  }
0x29: {  	s4 =	sld [smem:$0x3FA7]  }
0x2a: {  	p0 =	seq.s32 s5, $0x0;
	s5 =	sld [smem:$0x3FA8]  }
0x2b: {  	s6 =	sld [smem:$0x3FA9]  }
0x2c: {  	s7 =	sld [smem:$0x3FAA]  }
0x2d: {  	s3 =	simm.s32 $0x108;
	s8 =	sld [smem:$0x3FAB]  }
0x2e: {  	s3 =	simm.s32 @!p0 $0x1082;
	s9 =	sld [smem:$0x3FAC]  }
0x2f: {  	lr =	sadd.s32 s0, s3;
	s0 =	sld [smem:$0x3FA3]  }
0x30: {  	s3 =	sld [smem:$0x3FA6]  }
0x31: {  	[smem:$0x3FAF] =	sst s10  }
0x32: {  	s10 =	sld [smem:$0x3FAD];
	_ =	sdelay $0x3  }
0x33: {  	p0 =	seq.s32 s10, $0x1;
	s10 =	sld [smem:$0x3FAF];
	_ =	sdelay $0x3  }
0x34: {  	[smem:$0x3FAF] =	sst s10  }
0x35: {  	s10 =	sld [smem:$0x3FAE];
	_ =	sdelay $0x3  }
0x36: {  	p1 =	seq.s32 s10, $0x1;
	s10 =	sld [smem:$0x3FAF];
	_ =	sdelay $0x3  }
0x37: {  	[smem:$0x3FAF] =	sst s10  }
0x38: {  	s10 =	sld [smem:$0x3FB0]  }
0x39: {  	_ = 	snop;
	(pc) =	sbr.ind lr, $3  }
0x3a: {  	_ = 	snop  }
0x3b: {  	_ = 	snop  }
0x3c: {  	p2 =	seq.s32 s10, $0x1;
	s10 =	sld [smem:$0x3FAF]  }
0x3d: {  	_ =	shalt  }
0x3e: {  	_ =	shalt  }
0x3f: {  	_ =	shalt  }
0x40: {  	_ =	shalt  }
0x41: {  	_ =	shalt  }
0x42: {  	_ =	shalt  }
0x43: {  	_ =	shalt  }
0x44: {  	_ =	shalt  }
0x45: {  	_ =	shalt  }
0x46: {  	_ =	shalt  }
0x47: {  	_ =	shalt  }
0x48: {  	_ =	shalt  }
0x49: {  	_ =	shalt  }
0x4a: {  	_ =	shalt  }
0x4b: {  	_ =	shalt  }
0x4c: {  	_ =	shalt  }
0x4d: {  	_ =	shalt  }
0x4e: {  	_ =	shalt  }
0x4f: {  	_ =	shalt  }
0x50: {  	_ =	shalt  }
0x51: {  	_ =	shalt  }
0x52: {  	_ =	shalt  }
0x53: {  	_ =	shalt  }
0x54: {  	_ =	shalt  }
0x55: {  	_ =	shalt  }
0x56: {  	_ =	shalt  }
0x57: {  	_ =	shalt  }
0x58: {  	_ =	shalt  }
0x59: {  	_ =	shalt  }
0x5a: {  	_ =	shalt  }
0x5b: {  	_ =	shalt  }
0x5c: {  	_ =	shalt  }
0x5d: {  	_ =	shalt  }
0x5e: {  	_ =	shalt  }
0x5f: {  	_ =	shalt  }
0x60: {  	_ =	shalt  }
0x61: {  	_ =	shalt  }
0x62: {  	_ =	shalt  }
0x63: {  	_ =	shalt  }
0x64: {  	_ =	shalt  }
0x65: {  	_ =	shalt  }
0x66: {  	_ =	shalt  }
0x67: {  	_ =	shalt  }
0x68: {  	_ =	shalt  }
0x69: {  	_ =	shalt  }
0x6a: {  	_ =	shalt  }
0x6b: {  	_ =	shalt  }
0x6c: {  	_ =	shalt  }
0x6d: {  	_ =	shalt  }
0x6e: {  	_ =	shalt  }
0x6f: {  	_ =	shalt  }
0x70: {  	_ =	shalt  }
0x71: {  	_ =	shalt  }
0x72: {  	_ =	shalt  }
0x73: {  	_ =	shalt  }
0x74: {  	_ =	shalt  }
0x75: {  	_ =	shalt  }
0x76: {  	_ =	shalt  }
0x77: {  	_ =	shalt  }
0x78: {  	_ =	shalt  }
0x79: {  	_ =	shalt  }
0x7a: {  	_ =	shalt  }
0x7b: {  	_ =	shalt  }
0x7c: {  	_ =	shalt  }
0x7d: {  	_ =	shalt  }
0x7e: {  	_ =	shalt  }
0x7f: {  	_ =	shalt  }
0x80: {  	_ =	shalt  }
0x81: {  	_ =	shalt  }
0x82: {  	_ =	shalt  }
0x83: {  	_ =	shalt  }
0x84: {  	_ =	shalt  }
0x85: {  	_ =	shalt  }
0x86: {  	_ =	shalt  }
0x87: {  	_ =	shalt  }
.Lfunc_end0:
.L_simem_size_0:
called_computation.2_lowered:
.L_overlay_start_0:
0x88: {  	s2 =	sld [smem:$0x3FD9]  }
0x89: {  	s3 =	sld [smem:$0x3FFE];
	_ =	sdelay $0x1  }
0x8a: {  	s1 =	srdreg.scid  }
0x8b: {  	s0 =	sand.u32 $0x1, s1  }
0x8c: {  	s16 =	sshll.u32 s0, $0xA;
	s2 =	sadd.s32 s3, s2  }
0x8d: {  	s2 =	sadd.s32 s2, s16  }
0x8e: {  	[smem:$0x3FBB] =	sst s2  }
0x8f: {  	_ = 	snop  }
0x90: {  	(tm) =	ssettm $0x1  }
0x91: {  	s17 =	sld [smem:$0x3FFB];
	_ =	sdelay $0x3  }
0x92: {  	_ =	strace s17  }
0x93: {  	s2 =	sld [smem:$0x3FFC];
	_ =	sdelay $0x3  }
0x94: {  	_ =	strace s2  }
0x95: {  	s2 =	sld [smem:$0x3FFD];
	_ =	sdelay $0x3  }
0x96: {  	_ =	strace s2  }
0x97: {  	_ =	strace $0x8FFFFFFF  }
0x98: {  	s18 =	sld [smem:$0x3FDB];
	_ =	sdelay $0x1  }
0x99: {  	s19 =	simm.s32 $_scs_section_size  }
0x9a: {  	s4 =	simm.s32 $_size__tile_overlayer_lowered;
	s5 =	simm.s32 $_tile_overlayer_lowered  }
0x9b: {  	s22 =	simm.s32 $0x1BFF;
	s21 =	sshll.u32 s5, $0x1;
	s2 =	sadd.s32 s19, s18  }
0x9c: {  	s6 =	simm.s32 $0x0;
	s20 =	sshll.u32 s4, $0x1;
	s4 =	sadd.s32 s21, s2  }
0x9d: {  	[timem:s6], [sflag:s22] =	dma.local [hbm:s4], s20  }
0x9e: {  	_ =	swait.ge [sflag:s22], s20  }
0x9f: {  	s3 =	ssub.s32 $0x0, s20;
	[sflag:s22] =	ssyncset.done $0x0  }
0xa0: {  	[sflag:s22] =	ssyncadd.s32 s3;
	_ =	sdelay $0x1  }
0xa1: {  	s23 =	simm.s32 $0x1B8B  }
0xa2: {  	_ =	swait.ge [sflag:s23], $0x1  }
0xa3: {  	[sflag:s23] =	ssyncset.done $0x0  }
0xa4: {  	s25 =	simm.s32 $0x1B8E;
	s24 =	sld [smem:$0x3FFE];
	[sflag:s23] =	ssyncadd.s32 $0xFFFFFFFF  }
0xa5: {  	s26 =	simm.s32 $execute0_lowered;
	[smem:$0x3FD2] =	sst s25  }
0xa6: {  	s4 =	sshll.u32 s26, $0x1;
	_ =	strace $0x8000004C;
	[dreg:$0x1] =	wrdreg $0xFFFFFFFF  }
0xa7: {  	s28 =	simm.s32 $_size_execute0_lowered;
	s2 =	sadd.s32 s2, s4;
	[dreg:$0x0] =	wrdreg $0x0  }
0xa8: {  	s4 =	sshll.u32 s28, $0x1;
	[dreg:$0x2] =	wrdreg s2  }
0xa9: {  	[dreg:$0x3] =	wrdreg s4  }
0xaa: {  	[dreg:$0x4] =	wrdreg $0xC0  }
0xab: {  	_ =	task [dreg:s6], $0x5FFFF  }
0xac: {  	[dreg:$0x1] =	wrdreg $0xFFFFFFFF  }
0xad: {  	[dreg:$0x0] =	wrdreg $0x60  }
0xae: {  	[dreg:$0x2] =	wrdreg s24  }
0xaf: {  	[dreg:$0x3] =	wrdreg $0x9  }
0xb0: {  	_ =	task.clear_ibuf [dreg:s6], $0x4FFFF;
	_ =	strace $0x9000004C  }
0xb1: {  	s29 =	simm.s32 $0x9;
	_ =	strace $0x8000004E  }
0xb2: {  	_ =	swait.ge [sflag:s29], $0x1  }
0xb3: {  	[sflag:s29] =	ssyncadd.s32 $0xFFFFFFFF  }
0xb4: {  	_ =	strace $0x9000004E  }
0xb5: {  	_ =	sfence  }
0xb6: {  	s30 =	sld [smem:$0x0];
	_ =	sdelay $0x2  }
0xb7: {  	s31 =	sshll.u32 s1, $0xD;
	s1 =	sshrl.u32 s1, $0x2  }
0xb8: {  	s3 =	sand.u32 $0x4000, s31;
	s1 =	sadd.s32 s1, s30  }
0xb9: {  	s0 =	sor.u32 s3, s0;
	s1 =	sshll.u32 s1, $0x11  }
0xba: {  	s0 =	sor.u32 s1, s0  }
0xbb: {  	s0 =	sadd.s32 $0x8F2B, s0  }
0xbc: {  	[sflag:s0] =	ssyncadd.remote.s32 $0x1  }
0xbd: {  	_ =	sfence.sel $0xFFFF  }
0xbe: {  	[dreg:$0x0] =	wrdreg $0xFFFFFFFF;
	(pc) =	sbr.abs _section_cstart, $3  }
0xbf: {  	[dreg:$0x1] =	wrdreg $0xFFFFFFFF  }
0xc0: {  	_ =	task.clear_ibuf [dreg:s6], $0x2FFFF;
	_ =	strace $0x9FFFFFFF  }
0xc1: {  	(tm) =	ssettm $0x7FFFFFFF  }
tec
execute0_lowered:
.L_overlay_start_1:
0x0: {  	(tag) =	ssettag $0x1  }
0x1: {  	s0 =	rddreg [dreg:$0x0]  }
0x2: {  	s2 =	simm.s32 $0x0;
	s1 =	srdreg.scid;
	s3 =	stileid.u32  }
0x3: {  	s9 =	simm.s32 $0x8100;
	s13 =	simm.s32 $0xA100;
	s14 =	simm.s32 $0xA900  }
0x4: {  	s15 =	simm.s32 $0xB100;
	s16 =	simm.s32 $0xB900;
	s1 =	sand.u32 $0x1, s1  }
0x5: {  	s4 =	sshll.u32 s3, $0x8;
	s5 =	sshll.u32 s1, $0x7;
	s1 =	ssub.s32 $0x2, s1  }
0x6: {  	s28 =	simm.s32 $0xF900;
	s4 =	sor.u32 s5, s4;
	s6 =	sshrl.u32 s1, $0x1  }
0x7: {  	[smem:$0x7FF] =	sst s2;
	s5 =	sshrl.u32 s4, $0x3;
	s1 =	ssub.s32 s1, s6  }
0x8: {  	_ =	strace $0x8000004D;
	s5 =	sadd.s32 s5, s0;
	s26 =	smax.u32 s1, $0x1  }
0x9: {  	s4 =	sshll.u32 s4, $0x7;
	s17 =	sadd.s32 $0x4A00, s5;
	[dreg:$0xc] =	wrdreg s26  }
0xa: {  	s4 =	sadd.s32 s4, s0;
	s5 =	sadd.s32 $0x4C00, s5;
	[dreg:$0x2] =	wrdreg s17  }
0xb: {  	s29 =	simm.s32 $0x1;
	s18 =	sadd.s32 $0x4E00, s4;
	[dreg:$0x3] =	wrdreg s5  }
0xc: {  	s30 =	simm.s32 $0x2;
	s19 =	sadd.s32 $0x5600, s4;
	[dreg:$0x4] =	wrdreg s18  }
0xd: {  	s31 =	simm.s32 $0x0;
	s20 =	sadd.s32 $0x5E00, s4;
	[dreg:$0x5] =	wrdreg s19  }
0xe: {  	s3 =	sadd.s32 $0x184E00, s0;
	s21 =	sadd.s32 $0x6600, s4;
	[dreg:$0x6] =	wrdreg s20  }
0xf: {  	s7 =	sadd.s32 $0x185000, s0;
	s22 =	sadd.s32 $0x6E00, s4;
	[dreg:$0x7] =	wrdreg s21  }
0x10: {  	s8 =	sadd.s32 $0x185100, s0;
	s23 =	sadd.s32 $0x7600, s4;
	[dreg:$0x8] =	wrdreg s22  }
0x11: {  	s6 =	sadd.s32 $0x184F00, s0;
	s24 =	sadd.s32 $0x7E00, s4;
	[dreg:$0x9] =	wrdreg s23  }
0x12: {  	s25 =	sadd.s32 $0x8600, s4;
	s26 =	simm.s32 $0xF100;
	[dreg:$0xa] =	wrdreg s24  }
0x13: {  	v2 =	vlaneseq.u32;
	[dreg:$0xb] =	wrdreg s25;
	s18 =	simm.s32 $0x3;
	s20 =	simm.s32 $0x100  }
0x14: {  	vm0 =	vmmov $0xffff;
	v1 =	vshrl.u32 v2, $0x3;
	s17 =	simm.s32 $0xC100;
	s21 =	simm.s32 $0xC900;
	s22 =	simm.s32 $0xD100  }
0x15: {  	v0 =	vand.u32 $0x7, v2;
	v2 =	vor.u32 $0x8, v2;
	v1 =	vmul.u32 $0x8, v1;
	s23 =	simm.s32 $0xD900;
	s24 =	simm.s32 $0xE100;
	s25 =	simm.s32 $0xE900  }
.LBB2_1:
0x16: {  	s0 =	rddreg [dreg:$0x2]  }
0x17: {  	[tilespmem:s2], [sflag:$0x3] =	stream.linear.gather [hbm4b:s0+s2], $0x80, $0x38;
	[tilespmem:$0x10100] =	vst v63  }
0x18: {  	_ =	swait.ge [sflag:s18], $0x80  }
0x19: {  	[sflag:s18] =	ssyncset.done $0x0  }
0x1a: {  	s1 =	simm.s32 $0x80;
	s5 =	rddreg [dreg:$0x3];
	[sflag:s18] =	ssyncadd.s32 $0xFFFFFF80  }
0x1b: {  	[tilespmem:s1], [sflag:$0x3] =	stream.linear.gather [hbm4b:s5+s2], $0x80, $0x38;
	[tilespmem:$0x10100] =	vst v63  }
0x1c: {  	_ =	swait.ge [sflag:s18], $0x80  }
0x1d: {  	[sflag:s18] =	ssyncset.done $0x0  }
0x1e: {  	[sflag:s18] =	ssyncadd.s32 $0xFFFFFF80  }
0x1f: {  	v3 =	vld [tilespmem:$0x0];
	_ =	sdelay $0x4  }
0x20: {  	v4 =	vshll.u32 v3, $0x3  }
0x21: {  	v3 =	vand.u32 $0x7, v3;
	v4 =	vand.u32 $0xFFFFFFC0, v4  }
0x22: {  	v3 =	vor.u32 v3, v4  }
0x23: {  	v4 =	vperm.xlane v3, v0;
	_ =	sdelay $0x1  }
0x24: {  	v4 =	vadd.s32 v1, v4;
	_ =	sdelay $0x4  }
0x25: {  	[tilespmem:s20], [sflag:$0x1] =	stream.indirect_vreg.gather [hbm4b:s3+s2], $0x80, v4, vm0, $0xb8;
	[tilespmem:$0x10100] =	vst v63  }
0x26: {  	s10 =	simm.s32 $0x900;
	v3 =	vperm.xlane v3, v2  }
0x27: {  	[tilespmem:s10], [sflag:$0x1] =	stream.indirect_vreg.gather [hbm4b:s6+s2], $0x80, v4, vm0, $0xb8;
	[tilespmem:$0x10100] =	vst v63  }
0x28: {  	s11 =	simm.s32 $0x1100;
	v3 =	vadd.s32 v1, v3  }
0x29: {  	[tilespmem:s11], [sflag:$0x1] =	stream.indirect_vreg.gather [hbm4b:s7+s2], $0x80, v4, vm0, $0xb8;
	[tilespmem:$0x10100] =	vst v63  }
0x2a: {  	s12 =	simm.s32 $0x1900  }
0x2b: {  	[tilespmem:s12], [sflag:$0x1] =	stream.indirect_vreg.gather [hbm4b:s8+s2], $0x80, v4, vm0, $0xb8;
	[tilespmem:$0x10100] =	vst v63  }
0x2c: {  	s19 =	simm.s32 $0x2100  }
0x2d: {  	[tilespmem:s19], [sflag:$0x1] =	stream.indirect_vreg.gather [hbm4b:s3+s2], $0x80, v3, vm0, $0xb8;
	[tilespmem:$0x10100] =	vst v63  }
0x2e: {  	s1 =	simm.s32 $0x2900  }
0x2f: {  	[tilespmem:s1], [sflag:$0x1] =	stream.indirect_vreg.gather [hbm4b:s6+s2], $0x80, v3, vm0, $0xb8;
	[tilespmem:$0x10100] =	vst v63  }
0x30: {  	s4 =	simm.s32 $0x3100  }
0x31: {  	[tilespmem:s4], [sflag:$0x1] =	stream.indirect_vreg.gather [hbm4b:s7+s2], $0x80, v3, vm0, $0xb8;
	[tilespmem:$0x10100] =	vst v63  }
0x32: {  	s5 =	simm.s32 $0x3900  }
0x33: {  	[tilespmem:s5], [sflag:$0x1] =	stream.indirect_vreg.gather [hbm4b:s8+s2], $0x80, v3, vm0, $0xb8;
	[tilespmem:$0x10100] =	vst v63  }
0x34: {  	v3 =	vld [tilespmem:$0x80];
	_ =	sdelay $0x4  }
0x35: {  	v61 =	vshll.u32 v3, $0x3  }
0x36: {  	v3 =	vand.u32 $0x7, v3;
	v4 =	vand.u32 $0xFFFFFFC0, v61  }
0x37: {  	v3 =	vor.u32 v3, v4  }
0x38: {  	v4 =	vperm.xlane v3, v0;
	_ =	sdelay $0x1  }
0x39: {  	v4 =	vadd.s32 v1, v4;
	_ =	sdelay $0x3  }
0x3a: {  	s10 =	simm.s32 $0x4100  }
0x3b: {  	[tilespmem:s10], [sflag:$0x1] =	stream.indirect_vreg.gather [hbm4b:s3+s2], $0x80, v4, vm0, $0xb8;
	[tilespmem:$0x10100] =	vst v63  }
0x3c: {  	s11 =	simm.s32 $0x4900;
	v3 =	vperm.xlane v3, v2  }
0x3d: {  	[tilespmem:s11], [sflag:$0x1] =	stream.indirect_vreg.gather [hbm4b:s6+s2], $0x80, v4, vm0, $0xb8;
	[tilespmem:$0x10100] =	vst v63  }
0x3e: {  	s12 =	simm.s32 $0x5100;
	v3 =	vadd.s32 v1, v3  }
0x3f: {  	[tilespmem:s12], [sflag:$0x1] =	stream.indirect_vreg.gather [hbm4b:s7+s2], $0x80, v4, vm0, $0xb8;
	[tilespmem:$0x10100] =	vst v63  }
0x40: {  	s19 =	simm.s32 $0x5900  }
0x41: {  	[tilespmem:s19], [sflag:$0x1] =	stream.indirect_vreg.gather [hbm4b:s8+s2], $0x80, v4, vm0, $0xb8;
	[tilespmem:$0x10100] =	vst v63  }
0x42: {  	s1 =	simm.s32 $0x6100  }
0x43: {  	[tilespmem:s1], [sflag:$0x1] =	stream.indirect_vreg.gather [hbm4b:s3+s2], $0x80, v3, vm0, $0xb8;
	[tilespmem:$0x10100] =	vst v63  }
0x44: {  	s4 =	simm.s32 $0x6900  }
0x45: {  	[tilespmem:s4], [sflag:$0x1] =	stream.indirect_vreg.gather [hbm4b:s6+s2], $0x80, v3, vm0, $0xb8;
	[tilespmem:$0x10100] =	vst v63  }
0x46: {  	s5 =	simm.s32 $0x7100  }
0x47: {  	[tilespmem:s5], [sflag:$0x1] =	stream.indirect_vreg.gather [hbm4b:s7+s2], $0x80, v3, vm0, $0xb8;
	[tilespmem:$0x10100] =	vst v63  }
0x48: {  	s10 =	simm.s32 $0x7900  }
0x49: {  	[tilespmem:s10], [sflag:$0x1] =	stream.indirect_vreg.gather [hbm4b:s8+s2], $0x80, v3, vm0, $0xb8;
	[tilespmem:$0x10100] =	vst v63  }
0x4a: {  	v3 =	vld [tilespmem:$0x10];
	_ =	sdelay $0x4  }
0x4b: {  	v62 =	vshll.u32 v3, $0x3  }
0x4c: {  	v3 =	vand.u32 $0x7, v3;
	v4 =	vand.u32 $0xFFFFFFC0, v62  }
0x4d: {  	v3 =	vor.u32 v3, v4  }
0x4e: {  	v4 =	vperm.xlane v3, v0;
	_ =	sdelay $0x1  }
0x4f: {  	v4 =	vadd.s32 v1, v4;
	_ =	sdelay $0x4  }
0x50: {  	[tilespmem:s9], [sflag:$0x2] =	stream.indirect_vreg.gather [hbm4b:s3+s2], $0x80, v4, vm0, $0xb8;
	[tilespmem:$0x10100] =	vst v63  }
0x51: {  	s11 =	simm.s32 $0x8900;
	v3 =	vperm.xlane v3, v2  }
0x52: {  	[tilespmem:s11], [sflag:$0x2] =	stream.indirect_vreg.gather [hbm4b:s6+s2], $0x80, v4, vm0, $0xb8;
	[tilespmem:$0x10100] =	vst v63  }
0x53: {  	s12 =	simm.s32 $0x9100;
	v3 =	vadd.s32 v1, v3  }
0x54: {  	[tilespmem:s12], [sflag:$0x2] =	stream.indirect_vreg.gather [hbm4b:s7+s2], $0x80, v4, vm0, $0xb8;
	[tilespmem:$0x10100] =	vst v63  }
0x55: {  	s19 =	simm.s32 $0x9900  }
0x56: {  	[tilespmem:s19], [sflag:$0x2] =	stream.indirect_vreg.gather [hbm4b:s8+s2], $0x80, v4, vm0, $0xb8;
	[tilespmem:$0x10100] =	vst v63  }
0x57: {  	_ = 	snop  }
0x58: {  	[tilespmem:s13], [sflag:$0x2] =	stream.indirect_vreg.gather [hbm4b:s3+s2], $0x80, v3, vm0, $0xb8;
	[tilespmem:$0x10100] =	vst v63  }
0x59: {  	_ = 	snop  }
0x5a: {  	[tilespmem:s14], [sflag:$0x2] =	stream.indirect_vreg.gather [hbm4b:s6+s2], $0x80, v3, vm0, $0xb8;
	[tilespmem:$0x10100] =	vst v63  }
0x5b: {  	_ = 	snop  }
0x5c: {  	[tilespmem:s15], [sflag:$0x2] =	stream.indirect_vreg.gather [hbm4b:s7+s2], $0x80, v3, vm0, $0xb8;
	[tilespmem:$0x10100] =	vst v63  }
0x5d: {  	_ = 	snop  }
0x5e: {  	[tilespmem:s16], [sflag:$0x2] =	stream.indirect_vreg.gather [hbm4b:s8+s2], $0x80, v3, vm0, $0xb8;
	[tilespmem:$0x10100] =	vst v63  }
0x5f: {  	v3 =	vld [tilespmem:$0x90];
	_ =	sdelay $0x4  }
0x60: {  	v63 =	vshll.u32 v3, $0x3  }
0x61: {  	v3 =	vand.u32 $0x7, v3;
	v4 =	vand.u32 $0xFFFFFFC0, v63  }
0x62: {  	v3 =	vor.u32 v3, v4  }
0x63: {  	v4 =	vperm.xlane v3, v0;
	_ =	sdelay $0x1  }
0x64: {  	v4 =	vadd.s32 v1, v4;
	_ =	sdelay $0x4  }
0x65: {  	[tilespmem:s17], [sflag:$0x2] =	stream.indirect_vreg.gather [hbm4b:s3+s2], $0x80, v4, vm0, $0xb8;
	[tilespmem:$0x10100] =	vst v63  }
0x66: {  	v3 =	vperm.xlane v3, v2  }
0x67: {  	[tilespmem:s21], [sflag:$0x2] =	stream.indirect_vreg.gather [hbm4b:s6+s2], $0x80, v4, vm0, $0xb8;
	[tilespmem:$0x10100] =	vst v63  }
0x68: {  	v3 =	vadd.s32 v1, v3  }
0x69: {  	[tilespmem:s22], [sflag:$0x2] =	stream.indirect_vreg.gather [hbm4b:s7+s2], $0x80, v4, vm0, $0xb8;
	[tilespmem:$0x10100] =	vst v63  }
0x6a: {  	_ = 	snop  }
0x6b: {  	[tilespmem:s23], [sflag:$0x2] =	stream.indirect_vreg.gather [hbm4b:s8+s2], $0x80, v4, vm0, $0xb8;
	[tilespmem:$0x10100] =	vst v63  }
0x6c: {  	_ = 	snop  }
0x6d: {  	[tilespmem:s24], [sflag:$0x2] =	stream.indirect_vreg.gather [hbm4b:s3+s2], $0x80, v3, vm0, $0xb8;
	[tilespmem:$0x10100] =	vst v63  }
0x6e: {  	_ = 	snop  }
0x6f: {  	[tilespmem:s25], [sflag:$0x2] =	stream.indirect_vreg.gather [hbm4b:s6+s2], $0x80, v3, vm0, $0xb8;
	[tilespmem:$0x10100] =	vst v63  }
0x70: {  	_ = 	snop  }
0x71: {  	[tilespmem:s26], [sflag:$0x2] =	stream.indirect_vreg.gather [hbm4b:s7+s2], $0x80, v3, vm0, $0xb8;
	[tilespmem:$0x10100] =	vst v63  }
0x72: {  	_ = 	snop  }
0x73: {  	[tilespmem:s28], [sflag:$0x2] =	stream.indirect_vreg.gather [hbm4b:s8+s2], $0x80, v3, vm0, $0xb8;
	[tilespmem:$0x10100] =	vst v63  }
0x74: {  	_ =	swait.ge [sflag:s29], $0x4000  }
0x75: {  	[sflag:s29] =	ssyncset.done $0x0  }
0x76: {  	[sflag:s29] =	ssyncadd.s32 $0xFFFFC000  }
0x77: {  	_ =	swait.ge [sflag:s29], $0x4000  }
0x78: {  	[sflag:s29] =	ssyncset.done $0x0  }
0x79: {  	s0 =	simm.s32 $0x0;
	[sflag:s29] =	ssyncadd.s32 $0xFFFFC000  }
.LBB2_2:
0x7a: {  	s1 =	sshll.u32 s0, $0xA;
	s4 =	sshll.u32 s0, $0x7  }
0x7b: {  	s5 =	simm.s32 $0x0;
	s1 =	sand.u32 $0x2000, s1;
	s4 =	sand.u32 $0x380, s4  }
0x7c: {  	s11 =	sand.u32 $0x1C00, s5;
	s1 =	sor.u32 s1, s4  }
0x7d: {  	s5 =	sand.u32 $0x70, s5;
	s4 =	sor.u32 s11, s1  }
0x7e: {  	s19 =	sor.u32 s5, s4  }
0x7f: {  	v3 =	vld [tilespmem:s19+$0x4100]  }
0x80: {  	v4 =	vld [tilespmem:s19+$0x100];
	_ =	sdelay $0x2  }
0x81: {  	s4 =	simm.s32 $0x80  }
0x82: {  	s12 =	simm.s32 $0x10;
	s11 =	sand.u32 $0x1C00, s4  }
0x83: {  	s10 =	sand.u32 $0x70, s12;
	s5 =	simm.s32 $0x20;
	s11 =	sor.u32 s11, s1;
	v3 =	vadd.f32 v3, v4  }
.LBB2_3:
0x84: {  	p0 =	sne.s32 s5, $0x3F0;
	s10 =	sor.u32 s10, s11  }
0x85: {  	v4 =	vld [tilespmem:s10+$0x4100];
	[tilespmem:s19+$0x100] =	vst v3;
	s19 =	smov.u32 s10  }
0x86: {  	v3 =	vld [tilespmem:s19+$0x100]  }
.Ltmp0:
0x87: {  	(pc) =	sbr.rel @p0 .LBB2_3-.Ltmp0, $4  }
0x88: {  	_ = 	snop  }
0x89: {  	s4 =	sadd.s32 $0x80, s4  }
0x8a: {  	s11 =	sand.u32 $0x1C00, s4  }
0x8b: {  	s10 =	sand.u32 $0x70, s5;
	s5 =	sadd.s32 $0x10, s5;
	s11 =	sor.u32 s11, s1;
	v3 =	vadd.f32 v4, v3  }
0x8c: {  	s1 =	sor.u32 s10, s11  }
0x8d: {  	v4 =	vld [tilespmem:s1+$0x4100];
	[tilespmem:s19+$0x100] =	vst v3  }
0x8e: {  	v3 =	vld [tilespmem:s1+$0x100]  }
0x8f: {  	s0 =	sadd.s32 $0x1, s0  }
0x90: {  	p0 =	sne.s32 s0, $0x10  }
.Ltmp1:
0x91: {  	_ = 	snop;
	(pc) =	sbr.rel @p0 .LBB2_2-.Ltmp1, $3  }
0x92: {  	_ = 	snop  }
0x93: {  	v3 =	vadd.f32 v4, v3;
	_ =	sdelay $0x1  }
0x94: {  	[tilespmem:s1+$0x100] =	vst v3  }
0x95: {  	s0 =	simm.s32 $0x0;
	s1 =	rddreg [dreg:$0x4]  }
0x96: {  	[hbm4b:s1+s0] =	stream.linear.scatter [tilespmem:s20], [sflag:$0x3], $0x4000, $0x38;
	[tilespmem:$0x10100] =	vst v63  }
0x97: {  	_ =	swait.ge [sflag:s18], $0x4000  }
0x98: {  	[sflag:s18] =	ssyncset.done $0x0  }
0x99: {  	[sflag:s18] =	ssyncadd.s32 $0xFFFFC000  }
0x9a: {  	v3 =	vld [tilespmem:$0x20];
	_ =	sdelay $0x4  }
0x9b: {  	v4 =	vshll.u32 v3, $0x3  }
0x9c: {  	v3 =	vand.u32 $0x7, v3;
	v4 =	vand.u32 $0xFFFFFFC0, v4  }
0x9d: {  	v3 =	vor.u32 v3, v4  }
0x9e: {  	v4 =	vperm.xlane v3, v0;
	_ =	sdelay $0x1  }
0x9f: {  	v4 =	vadd.s32 v1, v4;
	_ =	sdelay $0x4  }
0xa0: {  	[tilespmem:s20], [sflag:$0x1] =	stream.indirect_vreg.gather [hbm4b:s3+s0], $0x80, v4, vm0, $0xb8;
	[tilespmem:$0x10100] =	vst v63  }
0xa1: {  	s11 =	simm.s32 $0x900;
	v3 =	vperm.xlane v3, v2  }
0xa2: {  	[tilespmem:s11], [sflag:$0x1] =	stream.indirect_vreg.gather [hbm4b:s6+s0], $0x80, v4, vm0, $0xb8;
	[tilespmem:$0x10100] =	vst v63  }
0xa3: {  	s12 =	simm.s32 $0x1100;
	v3 =	vadd.s32 v1, v3  }
0xa4: {  	[tilespmem:s12], [sflag:$0x1] =	stream.indirect_vreg.gather [hbm4b:s7+s0], $0x80, v4, vm0, $0xb8;
	[tilespmem:$0x10100] =	vst v63  }
0xa5: {  	s19 =	simm.s32 $0x1900  }
0xa6: {  	[tilespmem:s19], [sflag:$0x1] =	stream.indirect_vreg.gather [hbm4b:s8+s0], $0x80, v4, vm0, $0xb8;
	[tilespmem:$0x10100] =	vst v63  }
0xa7: {  	s4 =	simm.s32 $0x2100  }
0xa8: {  	[tilespmem:s4], [sflag:$0x1] =	stream.indirect_vreg.gather [hbm4b:s3+s0], $0x80, v3, vm0, $0xb8;
	[tilespmem:$0x10100] =	vst v63  }
0xa9: {  	s5 =	simm.s32 $0x2900  }
0xaa: {  	[tilespmem:s5], [sflag:$0x1] =	stream.indirect_vreg.gather [hbm4b:s6+s0], $0x80, v3, vm0, $0xb8;
	[tilespmem:$0x10100] =	vst v63  }
0xab: {  	s10 =	simm.s32 $0x3100  }
0xac: {  	[tilespmem:s10], [sflag:$0x1] =	stream.indirect_vreg.gather [hbm4b:s7+s0], $0x80, v3, vm0, $0xb8;
	[tilespmem:$0x10100] =	vst v63  }
0xad: {  	s11 =	simm.s32 $0x3900  }
0xae: {  	[tilespmem:s11], [sflag:$0x1] =	stream.indirect_vreg.gather [hbm4b:s8+s0], $0x80, v3, vm0, $0xb8;
	[tilespmem:$0x10100] =	vst v63  }
0xaf: {  	v3 =	vld [tilespmem:$0xA0];
	_ =	sdelay $0x4  }
0xb0: {  	v63 =	vshll.u32 v3, $0x3  }
0xb1: {  	v3 =	vand.u32 $0x7, v3;
	v4 =	vand.u32 $0xFFFFFFC0, v63  }
0xb2: {  	v3 =	vor.u32 v3, v4  }
0xb3: {  	v4 =	vperm.xlane v3, v0;
	_ =	sdelay $0x1  }
0xb4: {  	v4 =	vadd.s32 v1, v4;
	_ =	sdelay $0x3  }
0xb5: {  	s12 =	simm.s32 $0x4100  }
0xb6: {  	[tilespmem:s12], [sflag:$0x1] =	stream.indirect_vreg.gather [hbm4b:s3+s0], $0x80, v4, vm0, $0xb8;
	[tilespmem:$0x10100] =	vst v63  }
0xb7: {  	s19 =	simm.s32 $0x4900;
	v3 =	vperm.xlane v3, v2  }
0xb8: {  	[tilespmem:s19], [sflag:$0x1] =	stream.indirect_vreg.gather [hbm4b:s6+s0], $0x80, v4, vm0, $0xb8;
	[tilespmem:$0x10100] =	vst v63  }
0xb9: {  	s4 =	simm.s32 $0x5100;
	v3 =	vadd.s32 v1, v3  }
0xba: {  	[tilespmem:s4], [sflag:$0x1] =	stream.indirect_vreg.gather [hbm4b:s7+s0], $0x80, v4, vm0, $0xb8;
	[tilespmem:$0x10100] =	vst v63  }
0xbb: {  	s5 =	simm.s32 $0x5900  }
0xbc: {  	[tilespmem:s5], [sflag:$0x1] =	stream.indirect_vreg.gather [hbm4b:s8+s0], $0x80, v4, vm0, $0xb8;
	[tilespmem:$0x10100] =	vst v63  }
0xbd: {  	s10 =	simm.s32 $0x6100  }
0xbe: {  	[tilespmem:s10], [sflag:$0x1] =	stream.indirect_vreg.gather [hbm4b:s3+s0], $0x80, v3, vm0, $0xb8;
	[tilespmem:$0x10100] =	vst v63  }
0xbf: {  	s11 =	simm.s32 $0x6900  }
0xc0: {  	[tilespmem:s11], [sflag:$0x1] =	stream.indirect_vreg.gather [hbm4b:s6+s0], $0x80, v3, vm0, $0xb8;
	[tilespmem:$0x10100] =	vst v63  }
0xc1: {  	s12 =	simm.s32 $0x7100  }
0xc2: {  	[tilespmem:s12], [sflag:$0x1] =	stream.indirect_vreg.gather [hbm4b:s7+s0], $0x80, v3, vm0, $0xb8;
	[tilespmem:$0x10100] =	vst v63  }
0xc3: {  	s19 =	simm.s32 $0x7900  }
0xc4: {  	[tilespmem:s19], [sflag:$0x1] =	stream.indirect_vreg.gather [hbm4b:s8+s0], $0x80, v3, vm0, $0xb8;
	[tilespmem:$0x10100] =	vst v63  }
0xc5: {  	_ =	swait.ge [sflag:s30], $0x4000  }
0xc6: {  	[sflag:s30] =	ssyncset.done $0x0  }
0xc7: {  	[sflag:s30] =	ssyncadd.s32 $0xFFFFC000  }
0xc8: {  	_ =	swait.ge [sflag:s30], $0x4000  }
0xc9: {  	[sflag:s30] =	ssyncset.done $0x0  }
0xca: {  	s1 =	simm.s32 $0x0;
	[sflag:s30] =	ssyncadd.s32 $0xFFFFC000  }
.LBB2_6:
0xcb: {  	s4 =	sshll.u32 s1, $0xA;
	s5 =	sshll.u32 s1, $0x7  }
0xcc: {  	s4 =	sand.u32 $0x2000, s4;
	s5 =	sand.u32 $0x380, s5  }
0xcd: {  	s11 =	sand.u32 $0x1C00, s0;
	s19 =	sor.u32 s4, s5  }
0xce: {  	s12 =	sand.u32 $0x70, s0;
	s4 =	sor.u32 s11, s19  }
0xcf: {  	s4 =	sor.u32 s12, s4  }
0xd0: {  	v3 =	vld [tilespmem:s4+$0xC100]  }
0xd1: {  	v4 =	vld [tilespmem:s4+$0x8100];
	_ =	sdelay $0x2  }
0xd2: {  	s5 =	simm.s32 $0x80  }
0xd3: {  	s10 =	simm.s32 $0x10;
	s12 =	sand.u32 $0x1C00, s5  }
0xd4: {  	s11 =	sand.u32 $0x70, s10;
	s10 =	simm.s32 $0x20;
	s12 =	sor.u32 s12, s19;
	v3 =	vadd.f32 v3, v4  }
.LBB2_7:
0xd5: {  	p0 =	sne.s32 s10, $0x3F0;
	s11 =	sor.u32 s11, s12  }
0xd6: {  	v4 =	vld [tilespmem:s11+$0xC100];
	[tilespmem:s4+$0x8100] =	vst v3;
	s4 =	smov.u32 s11  }
0xd7: {  	v3 =	vld [tilespmem:s4+$0x8100]  }
.Ltmp2:
0xd8: {  	(pc) =	sbr.rel @p0 .LBB2_7-.Ltmp2, $4  }
0xd9: {  	_ = 	snop  }
0xda: {  	s5 =	sadd.s32 $0x80, s5  }
0xdb: {  	s12 =	sand.u32 $0x1C00, s5  }
0xdc: {  	s11 =	sand.u32 $0x70, s10;
	s10 =	sadd.s32 $0x10, s10;
	s12 =	sor.u32 s12, s19;
	v3 =	vadd.f32 v4, v3  }
0xdd: {  	s5 =	sor.u32 s11, s12  }
0xde: {  	v4 =	vld [tilespmem:s5+$0xC100];
	[tilespmem:s4+$0x8100] =	vst v3  }
0xdf: {  	v3 =	vld [tilespmem:s5+$0x8100]  }
0xe0: {  	s1 =	sadd.s32 $0x1, s1  }
0xe1: {  	p0 =	sne.s32 s1, $0x10  }
.Ltmp3:
0xe2: {  	_ = 	snop;
	(pc) =	sbr.rel @p0 .LBB2_6-.Ltmp3, $3  }
0xe3: {  	_ = 	snop  }
0xe4: {  	v3 =	vadd.f32 v4, v3;
	_ =	sdelay $0x1  }
0xe5: {  	[tilespmem:s5+$0x8100] =	vst v3  }
0xe6: {  	s0 =	simm.s32 $0x0;
	s1 =	rddreg [dreg:$0x5]  }
0xe7: {  	[hbm4b:s1+s0] =	stream.linear.scatter [tilespmem:s9], [sflag:$0x3], $0x4000, $0x38;
	[tilespmem:$0x10100] =	vst v63  }
0xe8: {  	_ =	swait.ge [sflag:s18], $0x4000  }
0xe9: {  	[sflag:s18] =	ssyncset.done $0x0  }
0xea: {  	[sflag:s18] =	ssyncadd.s32 $0xFFFFC000  }
0xeb: {  	v3 =	vld [tilespmem:$0x30];
	_ =	sdelay $0x4  }
0xec: {  	v4 =	vshll.u32 v3, $0x3  }
0xed: {  	v3 =	vand.u32 $0x7, v3;
	v4 =	vand.u32 $0xFFFFFFC0, v4  }
0xee: {  	v3 =	vor.u32 v3, v4  }
0xef: {  	v4 =	vperm.xlane v3, v0;
	_ =	sdelay $0x1  }
0xf0: {  	v4 =	vadd.s32 v1, v4;
	_ =	sdelay $0x4  }
0xf1: {  	[tilespmem:s9], [sflag:$0x2] =	stream.indirect_vreg.gather [hbm4b:s3+s0], $0x80, v4, vm0, $0xb8;
	[tilespmem:$0x10100] =	vst v63  }
0xf2: {  	s11 =	simm.s32 $0x8900;
	v3 =	vperm.xlane v3, v2  }
0xf3: {  	[tilespmem:s11], [sflag:$0x2] =	stream.indirect_vreg.gather [hbm4b:s6+s0], $0x80, v4, vm0, $0xb8;
	[tilespmem:$0x10100] =	vst v63  }
0xf4: {  	s12 =	simm.s32 $0x9100;
	v3 =	vadd.s32 v1, v3  }
0xf5: {  	[tilespmem:s12], [sflag:$0x2] =	stream.indirect_vreg.gather [hbm4b:s7+s0], $0x80, v4, vm0, $0xb8;
	[tilespmem:$0x10100] =	vst v63  }
0xf6: {  	s19 =	simm.s32 $0x9900  }
0xf7: {  	[tilespmem:s19], [sflag:$0x2] =	stream.indirect_vreg.gather [hbm4b:s8+s0], $0x80, v4, vm0, $0xb8;
	[tilespmem:$0x10100] =	vst v63  }
0xf8: {  	_ = 	snop  }
0xf9: {  	[tilespmem:s13], [sflag:$0x2] =	stream.indirect_vreg.gather [hbm4b:s3+s0], $0x80, v3, vm0, $0xb8;
	[tilespmem:$0x10100] =	vst v63  }
0xfa: {  	_ = 	snop  }
0xfb: {  	[tilespmem:s14], [sflag:$0x2] =	stream.indirect_vreg.gather [hbm4b:s6+s0], $0x80, v3, vm0, $0xb8;
	[tilespmem:$0x10100] =	vst v63  }
0xfc: {  	_ = 	snop  }
0xfd: {  	[tilespmem:s15], [sflag:$0x2] =	stream.indirect_vreg.gather [hbm4b:s7+s0], $0x80, v3, vm0, $0xb8;
	[tilespmem:$0x10100] =	vst v63  }
0xfe: {  	_ = 	snop  }
0xff: {  	[tilespmem:s16], [sflag:$0x2] =	stream.indirect_vreg.gather [hbm4b:s8+s0], $0x80, v3, vm0, $0xb8;
	[tilespmem:$0x10100] =	vst v63  }
0x100: {  	v3 =	vld [tilespmem:$0xB0];
	_ =	sdelay $0x4  }
0x101: {  	v63 =	vshll.u32 v3, $0x3  }
0x102: {  	v3 =	vand.u32 $0x7, v3;
	v4 =	vand.u32 $0xFFFFFFC0, v63  }
0x103: {  	v3 =	vor.u32 v3, v4  }
0x104: {  	v4 =	vperm.xlane v3, v0;
	_ =	sdelay $0x1  }
0x105: {  	v4 =	vadd.s32 v1, v4;
	_ =	sdelay $0x4  }
0x106: {  	[tilespmem:s17], [sflag:$0x2] =	stream.indirect_vreg.gather [hbm4b:s3+s0], $0x80, v4, vm0, $0xb8;
	[tilespmem:$0x10100] =	vst v63  }
0x107: {  	v3 =	vperm.xlane v3, v2  }
0x108: {  	[tilespmem:s21], [sflag:$0x2] =	stream.indirect_vreg.gather [hbm4b:s6+s0], $0x80, v4, vm0, $0xb8;
	[tilespmem:$0x10100] =	vst v63  }
0x109: {  	v3 =	vadd.s32 v1, v3  }
0x10a: {  	[tilespmem:s22], [sflag:$0x2] =	stream.indirect_vreg.gather [hbm4b:s7+s0], $0x80, v4, vm0, $0xb8;
	[tilespmem:$0x10100] =	vst v63  }
0x10b: {  	_ = 	snop  }
0x10c: {  	[tilespmem:s23], [sflag:$0x2] =	stream.indirect_vreg.gather [hbm4b:s8+s0], $0x80, v4, vm0, $0xb8;
	[tilespmem:$0x10100] =	vst v63  }
0x10d: {  	_ = 	snop  }
0x10e: {  	[tilespmem:s24], [sflag:$0x2] =	stream.indirect_vreg.gather [hbm4b:s3+s0], $0x80, v3, vm0, $0xb8;
	[tilespmem:$0x10100] =	vst v63  }
0x10f: {  	_ = 	snop  }
0x110: {  	[tilespmem:s25], [sflag:$0x2] =	stream.indirect_vreg.gather [hbm4b:s6+s0], $0x80, v3, vm0, $0xb8;
	[tilespmem:$0x10100] =	vst v63  }
0x111: {  	_ = 	snop  }
0x112: {  	[tilespmem:s26], [sflag:$0x2] =	stream.indirect_vreg.gather [hbm4b:s7+s0], $0x80, v3, vm0, $0xb8;
	[tilespmem:$0x10100] =	vst v63  }
0x113: {  	_ = 	snop  }
0x114: {  	[tilespmem:s28], [sflag:$0x2] =	stream.indirect_vreg.gather [hbm4b:s8+s0], $0x80, v3, vm0, $0xb8;
	[tilespmem:$0x10100] =	vst v63  }
0x115: {  	_ =	swait.ge [sflag:s29], $0x4000  }
0x116: {  	[sflag:s29] =	ssyncset.done $0x0  }
0x117: {  	[sflag:s29] =	ssyncadd.s32 $0xFFFFC000  }
0x118: {  	_ =	swait.ge [sflag:s29], $0x4000  }
0x119: {  	[sflag:s29] =	ssyncset.done $0x0  }
0x11a: {  	s1 =	simm.s32 $0x0;
	[sflag:s29] =	ssyncadd.s32 $0xFFFFC000  }
.LBB2_10:
0x11b: {  	s4 =	sshll.u32 s1, $0xA;
	s5 =	sshll.u32 s1, $0x7  }
0x11c: {  	s4 =	sand.u32 $0x2000, s4;
	s5 =	sand.u32 $0x380, s5  }
0x11d: {  	s11 =	sand.u32 $0x1C00, s0;
	s19 =	sor.u32 s4, s5  }
0x11e: {  	s12 =	sand.u32 $0x70, s0;
	s4 =	sor.u32 s11, s19  }
0x11f: {  	s4 =	sor.u32 s12, s4  }
0x120: {  	v3 =	vld [tilespmem:s4+$0x4100]  }
0x121: {  	v4 =	vld [tilespmem:s4+$0x100];
	_ =	sdelay $0x2  }
0x122: {  	s5 =	simm.s32 $0x80  }
0x123: {  	s10 =	simm.s32 $0x10;
	s12 =	sand.u32 $0x1C00, s5  }
0x124: {  	s11 =	sand.u32 $0x70, s10;
	s10 =	simm.s32 $0x20;
	s12 =	sor.u32 s12, s19;
	v3 =	vadd.f32 v3, v4  }
.LBB2_11:
0x125: {  	p0 =	sne.s32 s10, $0x3F0;
	s11 =	sor.u32 s11, s12  }
0x126: {  	v4 =	vld [tilespmem:s11+$0x4100];
	[tilespmem:s4+$0x100] =	vst v3;
	s4 =	smov.u32 s11  }
0x127: {  	v3 =	vld [tilespmem:s4+$0x100]  }
.Ltmp4:
0x128: {  	(pc) =	sbr.rel @p0 .LBB2_11-.Ltmp4, $4  }
0x129: {  	_ = 	snop  }
0x12a: {  	s5 =	sadd.s32 $0x80, s5  }
0x12b: {  	s12 =	sand.u32 $0x1C00, s5  }
0x12c: {  	s11 =	sand.u32 $0x70, s10;
	s10 =	sadd.s32 $0x10, s10;
	s12 =	sor.u32 s12, s19;
	v3 =	vadd.f32 v4, v3  }
0x12d: {  	s5 =	sor.u32 s11, s12  }
0x12e: {  	v4 =	vld [tilespmem:s5+$0x4100];
	[tilespmem:s4+$0x100] =	vst v3  }
0x12f: {  	v3 =	vld [tilespmem:s5+$0x100]  }
0x130: {  	s1 =	sadd.s32 $0x1, s1  }
0x131: {  	p0 =	sne.s32 s1, $0x10  }
.Ltmp5:
0x132: {  	_ = 	snop;
	(pc) =	sbr.rel @p0 .LBB2_10-.Ltmp5, $3  }
0x133: {  	_ = 	snop  }
0x134: {  	v3 =	vadd.f32 v4, v3;
	_ =	sdelay $0x1  }
0x135: {  	[tilespmem:s5+$0x100] =	vst v3  }
0x136: {  	s0 =	simm.s32 $0x0;
	s1 =	rddreg [dreg:$0x6]  }
0x137: {  	[hbm4b:s1+s0] =	stream.linear.scatter [tilespmem:s20], [sflag:$0x3], $0x4000, $0x38;
	[tilespmem:$0x10100] =	vst v63  }
0x138: {  	_ =	swait.ge [sflag:s18], $0x4000  }
0x139: {  	[sflag:s18] =	ssyncset.done $0x0  }
0x13a: {  	[sflag:s18] =	ssyncadd.s32 $0xFFFFC000  }
0x13b: {  	v3 =	vld [tilespmem:$0x40];
	_ =	sdelay $0x4  }
0x13c: {  	v4 =	vshll.u32 v3, $0x3  }
0x13d: {  	v3 =	vand.u32 $0x7, v3;
	v4 =	vand.u32 $0xFFFFFFC0, v4  }
0x13e: {  	v3 =	vor.u32 v3, v4  }
0x13f: {  	v4 =	vperm.xlane v3, v0;
	_ =	sdelay $0x1  }
0x140: {  	v4 =	vadd.s32 v1, v4;
	_ =	sdelay $0x4  }
0x141: {  	[tilespmem:s20], [sflag:$0x1] =	stream.indirect_vreg.gather [hbm4b:s3+s0], $0x80, v4, vm0, $0xb8;
	[tilespmem:$0x10100] =	vst v63  }
0x142: {  	s11 =	simm.s32 $0x900;
	v3 =	vperm.xlane v3, v2  }
0x143: {  	[tilespmem:s11], [sflag:$0x1] =	stream.indirect_vreg.gather [hbm4b:s6+s0], $0x80, v4, vm0, $0xb8;
	[tilespmem:$0x10100] =	vst v63  }
0x144: {  	s12 =	simm.s32 $0x1100;
	v3 =	vadd.s32 v1, v3  }
0x145: {  	[tilespmem:s12], [sflag:$0x1] =	stream.indirect_vreg.gather [hbm4b:s7+s0], $0x80, v4, vm0, $0xb8;
	[tilespmem:$0x10100] =	vst v63  }
0x146: {  	s19 =	simm.s32 $0x1900  }
0x147: {  	[tilespmem:s19], [sflag:$0x1] =	stream.indirect_vreg.gather [hbm4b:s8+s0], $0x80, v4, vm0, $0xb8;
	[tilespmem:$0x10100] =	vst v63  }
0x148: {  	s4 =	simm.s32 $0x2100  }
0x149: {  	[tilespmem:s4], [sflag:$0x1] =	stream.indirect_vreg.gather [hbm4b:s3+s0], $0x80, v3, vm0, $0xb8;
	[tilespmem:$0x10100] =	vst v63  }
0x14a: {  	s5 =	simm.s32 $0x2900  }
0x14b: {  	[tilespmem:s5], [sflag:$0x1] =	stream.indirect_vreg.gather [hbm4b:s6+s0], $0x80, v3, vm0, $0xb8;
	[tilespmem:$0x10100] =	vst v63  }
0x14c: {  	s10 =	simm.s32 $0x3100  }
0x14d: {  	[tilespmem:s10], [sflag:$0x1] =	stream.indirect_vreg.gather [hbm4b:s7+s0], $0x80, v3, vm0, $0xb8;
	[tilespmem:$0x10100] =	vst v63  }
0x14e: {  	s11 =	simm.s32 $0x3900  }
0x14f: {  	[tilespmem:s11], [sflag:$0x1] =	stream.indirect_vreg.gather [hbm4b:s8+s0], $0x80, v3, vm0, $0xb8;
	[tilespmem:$0x10100] =	vst v63  }
0x150: {  	v3 =	vld [tilespmem:$0xC0];
	_ =	sdelay $0x4  }
0x151: {  	v63 =	vshll.u32 v3, $0x3  }
0x152: {  	v3 =	vand.u32 $0x7, v3;
	v4 =	vand.u32 $0xFFFFFFC0, v63  }
0x153: {  	v3 =	vor.u32 v3, v4  }
0x154: {  	v4 =	vperm.xlane v3, v0;
	_ =	sdelay $0x1  }
0x155: {  	v4 =	vadd.s32 v1, v4;
	_ =	sdelay $0x3  }
0x156: {  	s12 =	simm.s32 $0x4100  }
0x157: {  	[tilespmem:s12], [sflag:$0x1] =	stream.indirect_vreg.gather [hbm4b:s3+s0], $0x80, v4, vm0, $0xb8;
	[tilespmem:$0x10100] =	vst v63  }
0x158: {  	s19 =	simm.s32 $0x4900;
	v3 =	vperm.xlane v3, v2  }
0x159: {  	[tilespmem:s19], [sflag:$0x1] =	stream.indirect_vreg.gather [hbm4b:s6+s0], $0x80, v4, vm0, $0xb8;
	[tilespmem:$0x10100] =	vst v63  }
0x15a: {  	s4 =	simm.s32 $0x5100;
	v3 =	vadd.s32 v1, v3  }
0x15b: {  	[tilespmem:s4], [sflag:$0x1] =	stream.indirect_vreg.gather [hbm4b:s7+s0], $0x80, v4, vm0, $0xb8;
	[tilespmem:$0x10100] =	vst v63  }
0x15c: {  	s5 =	simm.s32 $0x5900  }
0x15d: {  	[tilespmem:s5], [sflag:$0x1] =	stream.indirect_vreg.gather [hbm4b:s8+s0], $0x80, v4, vm0, $0xb8;
	[tilespmem:$0x10100] =	vst v63  }
0x15e: {  	s10 =	simm.s32 $0x6100  }
0x15f: {  	[tilespmem:s10], [sflag:$0x1] =	stream.indirect_vreg.gather [hbm4b:s3+s0], $0x80, v3, vm0, $0xb8;
	[tilespmem:$0x10100] =	vst v63  }
0x160: {  	s11 =	simm.s32 $0x6900  }
0x161: {  	[tilespmem:s11], [sflag:$0x1] =	stream.indirect_vreg.gather [hbm4b:s6+s0], $0x80, v3, vm0, $0xb8;
	[tilespmem:$0x10100] =	vst v63  }
0x162: {  	s12 =	simm.s32 $0x7100  }
0x163: {  	[tilespmem:s12], [sflag:$0x1] =	stream.indirect_vreg.gather [hbm4b:s7+s0], $0x80, v3, vm0, $0xb8;
	[tilespmem:$0x10100] =	vst v63  }
0x164: {  	s19 =	simm.s32 $0x7900  }
0x165: {  	[tilespmem:s19], [sflag:$0x1] =	stream.indirect_vreg.gather [hbm4b:s8+s0], $0x80, v3, vm0, $0xb8;
	[tilespmem:$0x10100] =	vst v63  }
0x166: {  	_ =	swait.ge [sflag:s30], $0x4000  }
0x167: {  	[sflag:s30] =	ssyncset.done $0x0  }
0x168: {  	[sflag:s30] =	ssyncadd.s32 $0xFFFFC000  }
0x169: {  	_ =	swait.ge [sflag:s30], $0x4000  }
0x16a: {  	[sflag:s30] =	ssyncset.done $0x0  }
0x16b: {  	s1 =	simm.s32 $0x0;
	[sflag:s30] =	ssyncadd.s32 $0xFFFFC000  }
.LBB2_14:
0x16c: {  	s4 =	sshll.u32 s1, $0xA;
	s5 =	sshll.u32 s1, $0x7  }
0x16d: {  	s4 =	sand.u32 $0x2000, s4;
	s5 =	sand.u32 $0x380, s5  }
0x16e: {  	s11 =	sand.u32 $0x1C00, s0;
	s19 =	sor.u32 s4, s5  }
0x16f: {  	s12 =	sand.u32 $0x70, s0;
	s4 =	sor.u32 s11, s19  }
0x170: {  	s4 =	sor.u32 s12, s4  }
0x171: {  	v3 =	vld [tilespmem:s4+$0xC100]  }
0x172: {  	v4 =	vld [tilespmem:s4+$0x8100];
	_ =	sdelay $0x2  }
0x173: {  	s5 =	simm.s32 $0x80  }
0x174: {  	s10 =	simm.s32 $0x10;
	s12 =	sand.u32 $0x1C00, s5  }
0x175: {  	s11 =	sand.u32 $0x70, s10;
	s10 =	simm.s32 $0x20;
	s12 =	sor.u32 s12, s19;
	v3 =	vadd.f32 v3, v4  }
.LBB2_15:
0x176: {  	p0 =	sne.s32 s10, $0x3F0;
	s11 =	sor.u32 s11, s12  }
0x177: {  	v4 =	vld [tilespmem:s11+$0xC100];
	[tilespmem:s4+$0x8100] =	vst v3;
	s4 =	smov.u32 s11  }
0x178: {  	v3 =	vld [tilespmem:s4+$0x8100]  }
.Ltmp6:
0x179: {  	(pc) =	sbr.rel @p0 .LBB2_15-.Ltmp6, $4  }
0x17a: {  	_ = 	snop  }
0x17b: {  	s5 =	sadd.s32 $0x80, s5  }
0x17c: {  	s12 =	sand.u32 $0x1C00, s5  }
0x17d: {  	s11 =	sand.u32 $0x70, s10;
	s10 =	sadd.s32 $0x10, s10;
	s12 =	sor.u32 s12, s19;
	v3 =	vadd.f32 v4, v3  }
0x17e: {  	s5 =	sor.u32 s11, s12  }
0x17f: {  	v4 =	vld [tilespmem:s5+$0xC100];
	[tilespmem:s4+$0x8100] =	vst v3  }
0x180: {  	v3 =	vld [tilespmem:s5+$0x8100]  }
0x181: {  	s1 =	sadd.s32 $0x1, s1  }
0x182: {  	p0 =	sne.s32 s1, $0x10  }
.Ltmp7:
0x183: {  	_ = 	snop;
	(pc) =	sbr.rel @p0 .LBB2_14-.Ltmp7, $3  }
0x184: {  	_ = 	snop  }
0x185: {  	v3 =	vadd.f32 v4, v3;
	_ =	sdelay $0x1  }
0x186: {  	[tilespmem:s5+$0x8100] =	vst v3  }
0x187: {  	s0 =	simm.s32 $0x0;
	s1 =	rddreg [dreg:$0x7]  }
0x188: {  	[hbm4b:s1+s0] =	stream.linear.scatter [tilespmem:s9], [sflag:$0x3], $0x4000, $0x38;
	[tilespmem:$0x10100] =	vst v63  }
0x189: {  	_ =	swait.ge [sflag:s18], $0x4000  }
0x18a: {  	[sflag:s18] =	ssyncset.done $0x0  }
0x18b: {  	[sflag:s18] =	ssyncadd.s32 $0xFFFFC000  }
0x18c: {  	v3 =	vld [tilespmem:$0x50];
	_ =	sdelay $0x4  }
0x18d: {  	v4 =	vshll.u32 v3, $0x3  }
0x18e: {  	v3 =	vand.u32 $0x7, v3;
	v4 =	vand.u32 $0xFFFFFFC0, v4  }
0x18f: {  	v3 =	vor.u32 v3, v4  }
0x190: {  	v4 =	vperm.xlane v3, v0;
	_ =	sdelay $0x1  }
0x191: {  	v4 =	vadd.s32 v1, v4;
	_ =	sdelay $0x4  }
0x192: {  	[tilespmem:s9], [sflag:$0x2] =	stream.indirect_vreg.gather [hbm4b:s3+s0], $0x80, v4, vm0, $0xb8;
	[tilespmem:$0x10100] =	vst v63  }
0x193: {  	s11 =	simm.s32 $0x8900;
	v3 =	vperm.xlane v3, v2  }
0x194: {  	[tilespmem:s11], [sflag:$0x2] =	stream.indirect_vreg.gather [hbm4b:s6+s0], $0x80, v4, vm0, $0xb8;
	[tilespmem:$0x10100] =	vst v63  }
0x195: {  	s12 =	simm.s32 $0x9100;
	v3 =	vadd.s32 v1, v3  }
0x196: {  	[tilespmem:s12], [sflag:$0x2] =	stream.indirect_vreg.gather [hbm4b:s7+s0], $0x80, v4, vm0, $0xb8;
	[tilespmem:$0x10100] =	vst v63  }
0x197: {  	s19 =	simm.s32 $0x9900  }
0x198: {  	[tilespmem:s19], [sflag:$0x2] =	stream.indirect_vreg.gather [hbm4b:s8+s0], $0x80, v4, vm0, $0xb8;
	[tilespmem:$0x10100] =	vst v63  }
0x199: {  	_ = 	snop  }
0x19a: {  	[tilespmem:s13], [sflag:$0x2] =	stream.indirect_vreg.gather [hbm4b:s3+s0], $0x80, v3, vm0, $0xb8;
	[tilespmem:$0x10100] =	vst v63  }
0x19b: {  	_ = 	snop  }
0x19c: {  	[tilespmem:s14], [sflag:$0x2] =	stream.indirect_vreg.gather [hbm4b:s6+s0], $0x80, v3, vm0, $0xb8;
	[tilespmem:$0x10100] =	vst v63  }
0x19d: {  	_ = 	snop  }
0x19e: {  	[tilespmem:s15], [sflag:$0x2] =	stream.indirect_vreg.gather [hbm4b:s7+s0], $0x80, v3, vm0, $0xb8;
	[tilespmem:$0x10100] =	vst v63  }
0x19f: {  	_ = 	snop  }
0x1a0: {  	[tilespmem:s16], [sflag:$0x2] =	stream.indirect_vreg.gather [hbm4b:s8+s0], $0x80, v3, vm0, $0xb8;
	[tilespmem:$0x10100] =	vst v63  }
0x1a1: {  	v3 =	vld [tilespmem:$0xD0];
	_ =	sdelay $0x4  }
0x1a2: {  	v63 =	vshll.u32 v3, $0x3  }
0x1a3: {  	v3 =	vand.u32 $0x7, v3;
	v4 =	vand.u32 $0xFFFFFFC0, v63  }
0x1a4: {  	v3 =	vor.u32 v3, v4  }
0x1a5: {  	v4 =	vperm.xlane v3, v0;
	_ =	sdelay $0x1  }
0x1a6: {  	v4 =	vadd.s32 v1, v4;
	_ =	sdelay $0x4  }
0x1a7: {  	[tilespmem:s17], [sflag:$0x2] =	stream.indirect_vreg.gather [hbm4b:s3+s0], $0x80, v4, vm0, $0xb8;
	[tilespmem:$0x10100] =	vst v63  }
0x1a8: {  	v3 =	vperm.xlane v3, v2  }
0x1a9: {  	[tilespmem:s21], [sflag:$0x2] =	stream.indirect_vreg.gather [hbm4b:s6+s0], $0x80, v4, vm0, $0xb8;
	[tilespmem:$0x10100] =	vst v63  }
0x1aa: {  	v3 =	vadd.s32 v1, v3  }
0x1ab: {  	[tilespmem:s22], [sflag:$0x2] =	stream.indirect_vreg.gather [hbm4b:s7+s0], $0x80, v4, vm0, $0xb8;
	[tilespmem:$0x10100] =	vst v63  }
0x1ac: {  	_ = 	snop  }
0x1ad: {  	[tilespmem:s23], [sflag:$0x2] =	stream.indirect_vreg.gather [hbm4b:s8+s0], $0x80, v4, vm0, $0xb8;
	[tilespmem:$0x10100] =	vst v63  }
0x1ae: {  	_ = 	snop  }
0x1af: {  	[tilespmem:s24], [sflag:$0x2] =	stream.indirect_vreg.gather [hbm4b:s3+s0], $0x80, v3, vm0, $0xb8;
	[tilespmem:$0x10100] =	vst v63  }
0x1b0: {  	_ = 	snop  }
0x1b1: {  	[tilespmem:s25], [sflag:$0x2] =	stream.indirect_vreg.gather [hbm4b:s6+s0], $0x80, v3, vm0, $0xb8;
	[tilespmem:$0x10100] =	vst v63  }
0x1b2: {  	_ = 	snop  }
0x1b3: {  	[tilespmem:s26], [sflag:$0x2] =	stream.indirect_vreg.gather [hbm4b:s7+s0], $0x80, v3, vm0, $0xb8;
	[tilespmem:$0x10100] =	vst v63  }
0x1b4: {  	_ = 	snop  }
0x1b5: {  	[tilespmem:s28], [sflag:$0x2] =	stream.indirect_vreg.gather [hbm4b:s8+s0], $0x80, v3, vm0, $0xb8;
	[tilespmem:$0x10100] =	vst v63  }
0x1b6: {  	_ =	swait.ge [sflag:s29], $0x4000  }
0x1b7: {  	[sflag:s29] =	ssyncset.done $0x0  }
0x1b8: {  	[sflag:s29] =	ssyncadd.s32 $0xFFFFC000  }
0x1b9: {  	_ =	swait.ge [sflag:s29], $0x4000  }
0x1ba: {  	[sflag:s29] =	ssyncset.done $0x0  }
0x1bb: {  	s1 =	simm.s32 $0x0;
	[sflag:s29] =	ssyncadd.s32 $0xFFFFC000  }
.LBB2_18:
0x1bc: {  	s4 =	sshll.u32 s1, $0xA;
	s5 =	sshll.u32 s1, $0x7  }
0x1bd: {  	s4 =	sand.u32 $0x2000, s4;
	s5 =	sand.u32 $0x380, s5  }
0x1be: {  	s11 =	sand.u32 $0x1C00, s0;
	s19 =	sor.u32 s4, s5  }
0x1bf: {  	s12 =	sand.u32 $0x70, s0;
	s4 =	sor.u32 s11, s19  }
0x1c0: {  	s4 =	sor.u32 s12, s4  }
0x1c1: {  	v3 =	vld [tilespmem:s4+$0x4100]  }
0x1c2: {  	v4 =	vld [tilespmem:s4+$0x100];
	_ =	sdelay $0x2  }
0x1c3: {  	s5 =	simm.s32 $0x80  }
0x1c4: {  	s10 =	simm.s32 $0x10;
	s12 =	sand.u32 $0x1C00, s5  }
0x1c5: {  	s11 =	sand.u32 $0x70, s10;
	s10 =	simm.s32 $0x20;
	s12 =	sor.u32 s12, s19;
	v3 =	vadd.f32 v3, v4  }
.LBB2_19:
0x1c6: {  	p0 =	sne.s32 s10, $0x3F0;
	s11 =	sor.u32 s11, s12  }
0x1c7: {  	v4 =	vld [tilespmem:s11+$0x4100];
	[tilespmem:s4+$0x100] =	vst v3;
	s4 =	smov.u32 s11  }
0x1c8: {  	v3 =	vld [tilespmem:s4+$0x100]  }
.Ltmp8:
0x1c9: {  	(pc) =	sbr.rel @p0 .LBB2_19-.Ltmp8, $4  }
0x1ca: {  	_ = 	snop  }
0x1cb: {  	s5 =	sadd.s32 $0x80, s5  }
0x1cc: {  	s12 =	sand.u32 $0x1C00, s5  }
0x1cd: {  	s11 =	sand.u32 $0x70, s10;
	s10 =	sadd.s32 $0x10, s10;
	s12 =	sor.u32 s12, s19;
	v3 =	vadd.f32 v4, v3  }
0x1ce: {  	s5 =	sor.u32 s11, s12  }
0x1cf: {  	v4 =	vld [tilespmem:s5+$0x4100];
	[tilespmem:s4+$0x100] =	vst v3  }
0x1d0: {  	v3 =	vld [tilespmem:s5+$0x100]  }
0x1d1: {  	s1 =	sadd.s32 $0x1, s1  }
0x1d2: {  	p0 =	sne.s32 s1, $0x10  }
.Ltmp9:
0x1d3: {  	_ = 	snop;
	(pc) =	sbr.rel @p0 .LBB2_18-.Ltmp9, $3  }
0x1d4: {  	_ = 	snop  }
0x1d5: {  	v3 =	vadd.f32 v4, v3;
	_ =	sdelay $0x1  }
0x1d6: {  	[tilespmem:s5+$0x100] =	vst v3  }
0x1d7: {  	s0 =	simm.s32 $0x0;
	s1 =	rddreg [dreg:$0x8]  }
0x1d8: {  	[hbm4b:s1+s0] =	stream.linear.scatter [tilespmem:s20], [sflag:$0x3], $0x4000, $0x38;
	[tilespmem:$0x10100] =	vst v63  }
0x1d9: {  	_ =	swait.ge [sflag:s18], $0x4000  }
0x1da: {  	[sflag:s18] =	ssyncset.done $0x0  }
0x1db: {  	[sflag:s18] =	ssyncadd.s32 $0xFFFFC000  }
0x1dc: {  	v3 =	vld [tilespmem:$0x60];
	_ =	sdelay $0x4  }
0x1dd: {  	v4 =	vshll.u32 v3, $0x3  }
0x1de: {  	v3 =	vand.u32 $0x7, v3;
	v4 =	vand.u32 $0xFFFFFFC0, v4  }
0x1df: {  	v3 =	vor.u32 v3, v4  }
0x1e0: {  	v4 =	vperm.xlane v3, v0;
	_ =	sdelay $0x1  }
0x1e1: {  	v4 =	vadd.s32 v1, v4;
	_ =	sdelay $0x4  }
0x1e2: {  	[tilespmem:s20], [sflag:$0x1] =	stream.indirect_vreg.gather [hbm4b:s3+s0], $0x80, v4, vm0, $0xb8;
	[tilespmem:$0x10100] =	vst v63  }
0x1e3: {  	s11 =	simm.s32 $0x900;
	v3 =	vperm.xlane v3, v2  }
0x1e4: {  	[tilespmem:s11], [sflag:$0x1] =	stream.indirect_vreg.gather [hbm4b:s6+s0], $0x80, v4, vm0, $0xb8;
	[tilespmem:$0x10100] =	vst v63  }
0x1e5: {  	s12 =	simm.s32 $0x1100;
	v3 =	vadd.s32 v1, v3  }
0x1e6: {  	[tilespmem:s12], [sflag:$0x1] =	stream.indirect_vreg.gather [hbm4b:s7+s0], $0x80, v4, vm0, $0xb8;
	[tilespmem:$0x10100] =	vst v63  }
0x1e7: {  	s19 =	simm.s32 $0x1900  }
0x1e8: {  	[tilespmem:s19], [sflag:$0x1] =	stream.indirect_vreg.gather [hbm4b:s8+s0], $0x80, v4, vm0, $0xb8;
	[tilespmem:$0x10100] =	vst v63  }
0x1e9: {  	s4 =	simm.s32 $0x2100  }
0x1ea: {  	[tilespmem:s4], [sflag:$0x1] =	stream.indirect_vreg.gather [hbm4b:s3+s0], $0x80, v3, vm0, $0xb8;
	[tilespmem:$0x10100] =	vst v63  }
0x1eb: {  	s5 =	simm.s32 $0x2900  }
0x1ec: {  	[tilespmem:s5], [sflag:$0x1] =	stream.indirect_vreg.gather [hbm4b:s6+s0], $0x80, v3, vm0, $0xb8;
	[tilespmem:$0x10100] =	vst v63  }
0x1ed: {  	s10 =	simm.s32 $0x3100  }
0x1ee: {  	[tilespmem:s10], [sflag:$0x1] =	stream.indirect_vreg.gather [hbm4b:s7+s0], $0x80, v3, vm0, $0xb8;
	[tilespmem:$0x10100] =	vst v63  }
0x1ef: {  	s11 =	simm.s32 $0x3900  }
0x1f0: {  	[tilespmem:s11], [sflag:$0x1] =	stream.indirect_vreg.gather [hbm4b:s8+s0], $0x80, v3, vm0, $0xb8;
	[tilespmem:$0x10100] =	vst v63  }
0x1f1: {  	v3 =	vld [tilespmem:$0xE0];
	_ =	sdelay $0x4  }
0x1f2: {  	v63 =	vshll.u32 v3, $0x3  }
0x1f3: {  	v3 =	vand.u32 $0x7, v3;
	v4 =	vand.u32 $0xFFFFFFC0, v63  }
0x1f4: {  	v3 =	vor.u32 v3, v4  }
0x1f5: {  	v4 =	vperm.xlane v3, v0;
	_ =	sdelay $0x1  }
0x1f6: {  	v4 =	vadd.s32 v1, v4;
	_ =	sdelay $0x3  }
0x1f7: {  	s12 =	simm.s32 $0x4100  }
0x1f8: {  	[tilespmem:s12], [sflag:$0x1] =	stream.indirect_vreg.gather [hbm4b:s3+s0], $0x80, v4, vm0, $0xb8;
	[tilespmem:$0x10100] =	vst v63  }
0x1f9: {  	s19 =	simm.s32 $0x4900;
	v3 =	vperm.xlane v3, v2  }
0x1fa: {  	[tilespmem:s19], [sflag:$0x1] =	stream.indirect_vreg.gather [hbm4b:s6+s0], $0x80, v4, vm0, $0xb8;
	[tilespmem:$0x10100] =	vst v63  }
0x1fb: {  	s4 =	simm.s32 $0x5100;
	v3 =	vadd.s32 v1, v3  }
0x1fc: {  	[tilespmem:s4], [sflag:$0x1] =	stream.indirect_vreg.gather [hbm4b:s7+s0], $0x80, v4, vm0, $0xb8;
	[tilespmem:$0x10100] =	vst v63  }
0x1fd: {  	s5 =	simm.s32 $0x5900  }
0x1fe: {  	[tilespmem:s5], [sflag:$0x1] =	stream.indirect_vreg.gather [hbm4b:s8+s0], $0x80, v4, vm0, $0xb8;
	[tilespmem:$0x10100] =	vst v63  }
0x1ff: {  	s10 =	simm.s32 $0x6100  }
0x200: {  	[tilespmem:s10], [sflag:$0x1] =	stream.indirect_vreg.gather [hbm4b:s3+s0], $0x80, v3, vm0, $0xb8;
	[tilespmem:$0x10100] =	vst v63  }
0x201: {  	s11 =	simm.s32 $0x6900  }
0x202: {  	[tilespmem:s11], [sflag:$0x1] =	stream.indirect_vreg.gather [hbm4b:s6+s0], $0x80, v3, vm0, $0xb8;
	[tilespmem:$0x10100] =	vst v63  }
0x203: {  	s12 =	simm.s32 $0x7100  }
0x204: {  	[tilespmem:s12], [sflag:$0x1] =	stream.indirect_vreg.gather [hbm4b:s7+s0], $0x80, v3, vm0, $0xb8;
	[tilespmem:$0x10100] =	vst v63  }
0x205: {  	s19 =	simm.s32 $0x7900  }
0x206: {  	[tilespmem:s19], [sflag:$0x1] =	stream.indirect_vreg.gather [hbm4b:s8+s0], $0x80, v3, vm0, $0xb8;
	[tilespmem:$0x10100] =	vst v63  }
0x207: {  	_ =	swait.ge [sflag:s30], $0x4000  }
0x208: {  	[sflag:s30] =	ssyncset.done $0x0  }
0x209: {  	[sflag:s30] =	ssyncadd.s32 $0xFFFFC000  }
0x20a: {  	_ =	swait.ge [sflag:s30], $0x4000  }
0x20b: {  	[sflag:s30] =	ssyncset.done $0x0  }
0x20c: {  	s1 =	simm.s32 $0x0;
	[sflag:s30] =	ssyncadd.s32 $0xFFFFC000  }
.LBB2_22:
0x20d: {  	s4 =	sshll.u32 s1, $0xA;
	s5 =	sshll.u32 s1, $0x7  }
0x20e: {  	s4 =	sand.u32 $0x2000, s4;
	s5 =	sand.u32 $0x380, s5  }
0x20f: {  	s11 =	sand.u32 $0x1C00, s0;
	s19 =	sor.u32 s4, s5  }
0x210: {  	s12 =	sand.u32 $0x70, s0;
	s4 =	sor.u32 s11, s19  }
0x211: {  	s4 =	sor.u32 s12, s4  }
0x212: {  	v3 =	vld [tilespmem:s4+$0xC100]  }
0x213: {  	v4 =	vld [tilespmem:s4+$0x8100];
	_ =	sdelay $0x2  }
0x214: {  	s5 =	simm.s32 $0x80  }
0x215: {  	s10 =	simm.s32 $0x10;
	s12 =	sand.u32 $0x1C00, s5  }
0x216: {  	s11 =	sand.u32 $0x70, s10;
	s10 =	simm.s32 $0x20;
	s12 =	sor.u32 s12, s19;
	v3 =	vadd.f32 v3, v4  }
.LBB2_23:
0x217: {  	p0 =	sne.s32 s10, $0x3F0;
	s11 =	sor.u32 s11, s12  }
0x218: {  	v4 =	vld [tilespmem:s11+$0xC100];
	[tilespmem:s4+$0x8100] =	vst v3;
	s4 =	smov.u32 s11  }
0x219: {  	v3 =	vld [tilespmem:s4+$0x8100]  }
.Ltmp10:
0x21a: {  	(pc) =	sbr.rel @p0 .LBB2_23-.Ltmp10, $4  }
0x21b: {  	_ = 	snop  }
0x21c: {  	s5 =	sadd.s32 $0x80, s5  }
0x21d: {  	s12 =	sand.u32 $0x1C00, s5  }
0x21e: {  	s11 =	sand.u32 $0x70, s10;
	s10 =	sadd.s32 $0x10, s10;
	s12 =	sor.u32 s12, s19;
	v3 =	vadd.f32 v4, v3  }
0x21f: {  	s5 =	sor.u32 s11, s12  }
0x220: {  	v4 =	vld [tilespmem:s5+$0xC100];
	[tilespmem:s4+$0x8100] =	vst v3  }
0x221: {  	v3 =	vld [tilespmem:s5+$0x8100]  }
0x222: {  	s1 =	sadd.s32 $0x1, s1  }
0x223: {  	p0 =	sne.s32 s1, $0x10  }
.Ltmp11:
0x224: {  	_ = 	snop;
	(pc) =	sbr.rel @p0 .LBB2_22-.Ltmp11, $3  }
0x225: {  	_ = 	snop  }
0x226: {  	v3 =	vadd.f32 v4, v3;
	_ =	sdelay $0x1  }
0x227: {  	[tilespmem:s5+$0x8100] =	vst v3  }
0x228: {  	s0 =	simm.s32 $0x0;
	s1 =	rddreg [dreg:$0x9]  }
0x229: {  	[hbm4b:s1+s0] =	stream.linear.scatter [tilespmem:s9], [sflag:$0x3], $0x4000, $0x38;
	[tilespmem:$0x10100] =	vst v63  }
0x22a: {  	_ =	swait.ge [sflag:s18], $0x4000  }
0x22b: {  	[sflag:s18] =	ssyncset.done $0x0  }
0x22c: {  	[sflag:s18] =	ssyncadd.s32 $0xFFFFC000  }
0x22d: {  	v3 =	vld [tilespmem:$0x70];
	_ =	sdelay $0x4  }
0x22e: {  	v4 =	vshll.u32 v3, $0x3  }
0x22f: {  	v3 =	vand.u32 $0x7, v3;
	v4 =	vand.u32 $0xFFFFFFC0, v4  }
0x230: {  	v3 =	vor.u32 v3, v4  }
0x231: {  	v4 =	vperm.xlane v3, v0;
	_ =	sdelay $0x1  }
0x232: {  	v4 =	vadd.s32 v1, v4;
	_ =	sdelay $0x4  }
0x233: {  	[tilespmem:s9], [sflag:$0x2] =	stream.indirect_vreg.gather [hbm4b:s3+s0], $0x80, v4, vm0, $0xb8;
	[tilespmem:$0x10100] =	vst v63  }
0x234: {  	s11 =	simm.s32 $0x8900;
	v3 =	vperm.xlane v3, v2  }
0x235: {  	[tilespmem:s11], [sflag:$0x2] =	stream.indirect_vreg.gather [hbm4b:s6+s0], $0x80, v4, vm0, $0xb8;
	[tilespmem:$0x10100] =	vst v63  }
0x236: {  	s12 =	simm.s32 $0x9100;
	v3 =	vadd.s32 v1, v3  }
0x237: {  	[tilespmem:s12], [sflag:$0x2] =	stream.indirect_vreg.gather [hbm4b:s7+s0], $0x80, v4, vm0, $0xb8;
	[tilespmem:$0x10100] =	vst v63  }
0x238: {  	s19 =	simm.s32 $0x9900  }
0x239: {  	[tilespmem:s19], [sflag:$0x2] =	stream.indirect_vreg.gather [hbm4b:s8+s0], $0x80, v4, vm0, $0xb8;
	[tilespmem:$0x10100] =	vst v63  }
0x23a: {  	_ = 	snop  }
0x23b: {  	[tilespmem:s13], [sflag:$0x2] =	stream.indirect_vreg.gather [hbm4b:s3+s0], $0x80, v3, vm0, $0xb8;
	[tilespmem:$0x10100] =	vst v63  }
0x23c: {  	_ = 	snop  }
0x23d: {  	[tilespmem:s14], [sflag:$0x2] =	stream.indirect_vreg.gather [hbm4b:s6+s0], $0x80, v3, vm0, $0xb8;
	[tilespmem:$0x10100] =	vst v63  }
0x23e: {  	_ = 	snop  }
0x23f: {  	[tilespmem:s15], [sflag:$0x2] =	stream.indirect_vreg.gather [hbm4b:s7+s0], $0x80, v3, vm0, $0xb8;
	[tilespmem:$0x10100] =	vst v63  }
0x240: {  	_ = 	snop  }
0x241: {  	[tilespmem:s16], [sflag:$0x2] =	stream.indirect_vreg.gather [hbm4b:s8+s0], $0x80, v3, vm0, $0xb8;
	[tilespmem:$0x10100] =	vst v63  }
0x242: {  	v3 =	vld [tilespmem:$0xF0];
	_ =	sdelay $0x4  }
0x243: {  	v63 =	vshll.u32 v3, $0x3  }
0x244: {  	v3 =	vand.u32 $0x7, v3;
	v4 =	vand.u32 $0xFFFFFFC0, v63  }
0x245: {  	v3 =	vor.u32 v3, v4  }
0x246: {  	v4 =	vperm.xlane v3, v0;
	_ =	sdelay $0x1  }
0x247: {  	v4 =	vadd.s32 v1, v4;
	_ =	sdelay $0x4  }
0x248: {  	[tilespmem:s17], [sflag:$0x2] =	stream.indirect_vreg.gather [hbm4b:s3+s0], $0x80, v4, vm0, $0xb8;
	[tilespmem:$0x10100] =	vst v63  }
0x249: {  	v3 =	vperm.xlane v3, v2  }
0x24a: {  	[tilespmem:s21], [sflag:$0x2] =	stream.indirect_vreg.gather [hbm4b:s6+s0], $0x80, v4, vm0, $0xb8;
	[tilespmem:$0x10100] =	vst v63  }
0x24b: {  	v3 =	vadd.s32 v1, v3  }
0x24c: {  	[tilespmem:s22], [sflag:$0x2] =	stream.indirect_vreg.gather [hbm4b:s7+s0], $0x80, v4, vm0, $0xb8;
	[tilespmem:$0x10100] =	vst v63  }
0x24d: {  	_ = 	snop  }
0x24e: {  	[tilespmem:s23], [sflag:$0x2] =	stream.indirect_vreg.gather [hbm4b:s8+s0], $0x80, v4, vm0, $0xb8;
	[tilespmem:$0x10100] =	vst v63  }
0x24f: {  	_ = 	snop  }
0x250: {  	[tilespmem:s24], [sflag:$0x2] =	stream.indirect_vreg.gather [hbm4b:s3+s0], $0x80, v3, vm0, $0xb8;
	[tilespmem:$0x10100] =	vst v63  }
0x251: {  	_ = 	snop  }
0x252: {  	[tilespmem:s25], [sflag:$0x2] =	stream.indirect_vreg.gather [hbm4b:s6+s0], $0x80, v3, vm0, $0xb8;
	[tilespmem:$0x10100] =	vst v63  }
0x253: {  	_ = 	snop  }
0x254: {  	[tilespmem:s26], [sflag:$0x2] =	stream.indirect_vreg.gather [hbm4b:s7+s0], $0x80, v3, vm0, $0xb8;
	[tilespmem:$0x10100] =	vst v63  }
0x255: {  	_ = 	snop  }
0x256: {  	[tilespmem:s28], [sflag:$0x2] =	stream.indirect_vreg.gather [hbm4b:s8+s0], $0x80, v3, vm0, $0xb8;
	[tilespmem:$0x10100] =	vst v63  }
0x257: {  	_ =	swait.ge [sflag:s29], $0x4000  }
0x258: {  	[sflag:s29] =	ssyncset.done $0x0  }
0x259: {  	[sflag:s29] =	ssyncadd.s32 $0xFFFFC000  }
0x25a: {  	_ =	swait.ge [sflag:s29], $0x4000  }
0x25b: {  	[sflag:s29] =	ssyncset.done $0x0  }
0x25c: {  	s1 =	simm.s32 $0x0;
	[sflag:s29] =	ssyncadd.s32 $0xFFFFC000  }
.LBB2_26:
0x25d: {  	s4 =	sshll.u32 s1, $0xA;
	s5 =	sshll.u32 s1, $0x7  }
0x25e: {  	s4 =	sand.u32 $0x2000, s4;
	s5 =	sand.u32 $0x380, s5  }
0x25f: {  	s11 =	sand.u32 $0x1C00, s0;
	s19 =	sor.u32 s4, s5  }
0x260: {  	s12 =	sand.u32 $0x70, s0;
	s4 =	sor.u32 s11, s19  }
0x261: {  	s4 =	sor.u32 s12, s4  }
0x262: {  	v3 =	vld [tilespmem:s4+$0x4100]  }
0x263: {  	v4 =	vld [tilespmem:s4+$0x100];
	_ =	sdelay $0x2  }
0x264: {  	s5 =	simm.s32 $0x80  }
0x265: {  	s10 =	simm.s32 $0x10;
	s12 =	sand.u32 $0x1C00, s5  }
0x266: {  	s11 =	sand.u32 $0x70, s10;
	s10 =	simm.s32 $0x20;
	s12 =	sor.u32 s12, s19;
	v3 =	vadd.f32 v3, v4  }
.LBB2_27:
0x267: {  	p0 =	sne.s32 s10, $0x3F0;
	s11 =	sor.u32 s11, s12  }
0x268: {  	v4 =	vld [tilespmem:s11+$0x4100];
	[tilespmem:s4+$0x100] =	vst v3;
	s4 =	smov.u32 s11  }
0x269: {  	v3 =	vld [tilespmem:s4+$0x100]  }
.Ltmp12:
0x26a: {  	(pc) =	sbr.rel @p0 .LBB2_27-.Ltmp12, $4  }
0x26b: {  	_ = 	snop  }
0x26c: {  	s5 =	sadd.s32 $0x80, s5  }
0x26d: {  	s12 =	sand.u32 $0x1C00, s5  }
0x26e: {  	s11 =	sand.u32 $0x70, s10;
	s10 =	sadd.s32 $0x10, s10;
	s12 =	sor.u32 s12, s19;
	v3 =	vadd.f32 v4, v3  }
0x26f: {  	s5 =	sor.u32 s11, s12  }
0x270: {  	v4 =	vld [tilespmem:s5+$0x4100];
	[tilespmem:s4+$0x100] =	vst v3  }
0x271: {  	v3 =	vld [tilespmem:s5+$0x100]  }
0x272: {  	s1 =	sadd.s32 $0x1, s1  }
0x273: {  	p0 =	sne.s32 s1, $0x10  }
.Ltmp13:
0x274: {  	_ = 	snop;
	(pc) =	sbr.rel @p0 .LBB2_26-.Ltmp13, $3  }
0x275: {  	_ = 	snop  }
0x276: {  	v3 =	vadd.f32 v4, v3;
	_ =	sdelay $0x1  }
0x277: {  	[tilespmem:s5+$0x100] =	vst v3  }
0x278: {  	s0 =	simm.s32 $0x0;
	s1 =	rddreg [dreg:$0xa]  }
0x279: {  	[hbm4b:s1+s0] =	stream.linear.scatter [tilespmem:s20], [sflag:$0x3], $0x4000, $0x38;
	[tilespmem:$0x10100] =	vst v63  }
0x27a: {  	_ =	swait.ge [sflag:s18], $0x4000  }
0x27b: {  	[sflag:s18] =	ssyncset.done $0x0  }
0x27c: {  	[sflag:s18] =	ssyncadd.s32 $0xFFFFC000  }
0x27d: {  	_ =	swait.ge [sflag:s30], $0x4000  }
0x27e: {  	[sflag:s30] =	ssyncset.done $0x0  }
0x27f: {  	[sflag:s30] =	ssyncadd.s32 $0xFFFFC000  }
0x280: {  	_ =	swait.ge [sflag:s30], $0x4000  }
0x281: {  	[sflag:s30] =	ssyncset.done $0x0  }
0x282: {  	s1 =	simm.s32 $0x0;
	[sflag:s30] =	ssyncadd.s32 $0xFFFFC000  }
.LBB2_30:
0x283: {  	s4 =	sshll.u32 s1, $0xA;
	s5 =	sshll.u32 s1, $0x7  }
0x284: {  	s4 =	sand.u32 $0x2000, s4;
	s5 =	sand.u32 $0x380, s5  }
0x285: {  	s11 =	sand.u32 $0x1C00, s0;
	s19 =	sor.u32 s4, s5  }
0x286: {  	s12 =	sand.u32 $0x70, s0;
	s4 =	sor.u32 s11, s19  }
0x287: {  	s4 =	sor.u32 s12, s4  }
0x288: {  	v3 =	vld [tilespmem:s4+$0xC100]  }
0x289: {  	v4 =	vld [tilespmem:s4+$0x8100];
	_ =	sdelay $0x2  }
0x28a: {  	s5 =	simm.s32 $0x80  }
0x28b: {  	s10 =	simm.s32 $0x10;
	s12 =	sand.u32 $0x1C00, s5  }
0x28c: {  	s11 =	sand.u32 $0x70, s10;
	s10 =	simm.s32 $0x20;
	s12 =	sor.u32 s12, s19;
	v3 =	vadd.f32 v3, v4  }
.LBB2_31:
0x28d: {  	p0 =	sne.s32 s10, $0x3F0;
	s11 =	sor.u32 s11, s12  }
0x28e: {  	v4 =	vld [tilespmem:s11+$0xC100];
	[tilespmem:s4+$0x8100] =	vst v3;
	s4 =	smov.u32 s11  }
0x28f: {  	v3 =	vld [tilespmem:s4+$0x8100]  }
.Ltmp14:
0x290: {  	(pc) =	sbr.rel @p0 .LBB2_31-.Ltmp14, $4  }
0x291: {  	_ = 	snop  }
0x292: {  	s5 =	sadd.s32 $0x80, s5  }
0x293: {  	s12 =	sand.u32 $0x1C00, s5  }
0x294: {  	s11 =	sand.u32 $0x70, s10;
	s10 =	sadd.s32 $0x10, s10;
	s12 =	sor.u32 s12, s19;
	v3 =	vadd.f32 v4, v3  }
0x295: {  	s5 =	sor.u32 s11, s12  }
0x296: {  	v4 =	vld [tilespmem:s5+$0xC100];
	[tilespmem:s4+$0x8100] =	vst v3  }
0x297: {  	v3 =	vld [tilespmem:s5+$0x8100]  }
0x298: {  	s1 =	sadd.s32 $0x1, s1  }
0x299: {  	p0 =	sne.s32 s1, $0x10  }
.Ltmp15:
0x29a: {  	_ = 	snop;
	(pc) =	sbr.rel @p0 .LBB2_30-.Ltmp15, $3  }
0x29b: {  	_ = 	snop  }
0x29c: {  	v3 =	vadd.f32 v4, v3;
	_ =	sdelay $0x1  }
0x29d: {  	[tilespmem:s5+$0x8100] =	vst v3  }
0x29e: {  	s0 =	rddreg [dreg:$0xb]  }
0x29f: {  	[hbm4b:s0+s2] =	stream.linear.scatter [tilespmem:s9], [sflag:$0x3], $0x4000, $0x38;
	[tilespmem:$0x10100] =	vst v63  }
0x2a0: {  	_ =	swait.ge [sflag:s18], $0x4000  }
0x2a1: {  	s31 =	sadd.s32 $0x1, s31;
	s19 =	rddreg [dreg:$0xc]  }
0x2a2: {  	p0 =	sne.s32 s31, s19  }
.Ltmp16:
0x2a3: {  	_ = 	snop;
	(pc) =	sbr.rel @p0 .LBB2_1-.Ltmp16, $3  }
0x2a4: {  	_ =	sdelay $0x1  }
0x2a5: {  	[sflag:s18] =	ssyncset.done $0x0  }
0x2a6: {  	[sflag:s18] =	ssyncadd.s32 $0xFFFFC000  }
0x2a7: {  	_ =	sfence.sel $0x180000  }
0x2a8: {  	[bflag:$0x0] =	sbarrier.arrive $0xFFFF  }
0x2a9: {  	_ =	strace $0x9000004D  }
0x2aa: {  	s0 =	stileid.u32;
	[bflag:$0x2] =	sbarrier.arrive $0xFFFF  }
0x2ab: {  	p0 =	sne.s32 s0, $0x0;
	s0 =	rddreg [dreg:$0x1]  }
0x2ac: {  	s0 =	sadd.s32 @!p0 $0x100000, s0  }
0x2ad: {  	[sflag:s0] =	ssyncadd.tile.s32 @!p0 $0x1;
	_ =	shalt  }
.Lfunc_end2:
_tile_overlayer_lowered:
.L_overlay_start_2:
0x2ae: {  	(tag) =	ssettag $0x2  }
0x2af: {  	s0 =	rddreg [dreg:$0x0];
	s2 =	stileid.u32  }
0x2b0: {  	s1 =	rddreg [dreg:$0x1];
	p0 =	sne.s32 s2, $0x0  }
0x2b1: {  	s3 =	rddreg [dreg:$0x2];
	[bflag:$0x3] =	sbarrier.arrive $0xFFFF;
	s2 =	simm.s32 @!p0 $0x1C03  }
0x2b2: {  	[timem:s3], [sflag:s2] =	dma.local @!p0 [hbm:s0], s1  }
0x2b3: {  	s0 =	simm.s32 @!p0 $0x3  }
0x2b4: {  	_ =	swait.ge @!p0 [sflag:s0], s1  }
0x2b5: {  	s1 =	ssub.s32 @!p0 $0x0, s1;
	[sflag:s0] =	ssyncset.done @!p0 $0x0  }
0x2b6: {  	[sflag:s0] =	ssyncadd.s32 @!p0 s1  }
0x2b7: {  	[bflag:$0x3] =	sbarrier.arrive $0xFFFF  }
0x2b8: {  	_ =	shalt  }

</sc_bundles>
